<compile_context>
chip_gen: v7x
topology: tpu7x:2x2x1
jax: 0.10.2.dev20260603
libtpu: 0.0.44.dev20260713+nightly
codegen_flags: <defaults>
</compile_context>

<pallas_src>
import functools

import jax
import jax.numpy as jnp
from jax import lax
from jax.experimental import pallas as pl
from jax.experimental.pallas import tpu as pltpu
from jax.experimental.pallas import tpu_sc as plsc

BATCH = 16384
HIST = 50
EMBED = 32
NUM_CORES = 2
NUM_SUBCORES = 16
NW = NUM_CORES * NUM_SUBCORES
BSTRIPE = BATCH // NW
HALF = BSTRIPE // 2
NGROUP = HALF // 16
TROWS = 250000


def _sc_gather(table2, idx_t):
    mesh = plsc.VectorSubcoreMesh(core_axis_name="c", subcore_axis_name="s")

    @functools.partial(
        pl.kernel,
        out_type=jax.ShapeDtypeStruct((HIST, EMBED, BATCH), jnp.float32),
        mesh=mesh,
        scratch_types=(
            [pltpu.VMEM((HALF,), jnp.int32) for _ in range(2)]
            + [pltpu.VMEM((HALF,), jnp.int32) for _ in range(2)]
            + [pltpu.VMEM((HALF, 128), jnp.float32) for _ in range(2)]
            + [pltpu.VMEM((EMBED, HALF), jnp.float32) for _ in range(2)]
            + [pltpu.SemaphoreType.DMA for _ in range(6)]
        ),
        compiler_params=pltpu.CompilerParams(
            use_tc_tiling_on_sc=True, needs_layout_passes=False,
            disable_bounds_checks=True),
    )
    def k(table_hbm, idx_hbm, out_hbm, *scratch):
        idx_v = scratch[0:2]
        q_v = scratch[2:4]
        rows_v = scratch[4:6]
        oblk_v = scratch[6:8]
        isem = scratch[8:10]
        gsem = scratch[10:12]
        ssem = scratch[12:14]
        wid = lax.axis_index("s") * NUM_CORES + lax.axis_index("c")
        b0 = wid * BSTRIPE

        iota = lax.iota(jnp.int32, 16)

        def idx_copy(h, s):
            return pltpu.make_async_copy(
                idx_hbm.at[h, pl.ds(b0 + s * HALF, HALF)], idx_v[s], isem[s])

        def gather_copy(s):
            return pltpu.make_async_copy(
                table_hbm.at[q_v[s]], rows_v[s], gsem[s])

        def out_copy(h, s):
            return pltpu.make_async_copy(
                oblk_v[s],
                out_hbm.at[h, pl.ds(0, EMBED), pl.ds(b0 + s * HALF, HALF)],
                ssem[s])

        def q_compute(s):
            @pl.loop(0, NGROUP)
            def _(g):
                off = g * 16
                q_v[s][pl.ds(off, 16)] = idx_v[s][pl.ds(off, 16)] >> 2

        def compact(s):
            @plsc.parallel_loop(0, NGROUP)
            def _(g):
                off = g * 16
                idxg = idx_v[s][pl.ds(off, 16)]
                roff = (idxg & 3) << 5
                srow = off + iota
                for c in range(EMBED):
                    oblk_v[s][c, pl.ds(off, 16)] = plsc.load_gather(
                        rows_v[s], [srow, roff + c])

        def stage_front(h, s):
            idx_copy(h, s).wait()
            q_compute(s)

            @pl.when(h > 0)
            def _():
                out_copy(h - 1, s).wait()

            gather_copy(s).start()

        def stage_back(h, s):
            gather_copy(s).wait()
            compact(s)
            out_copy(h, s).start()

            @pl.when(h < HIST - 1)
            def _():
                idx_copy(h + 1, s).start()

        idx_copy(0, 0).start()
        idx_copy(0, 1).start()
        stage_front(0, 0)

        @pl.loop(0, HIST - 1)
        def _(h):
            stage_front(h, 1)
            stage_back(h, 0)
            stage_front(h + 1, 0)
            stage_back(h, 1)

        stage_front(HIST - 1, 1)
        stage_back(HIST - 1, 0)
        stage_back(HIST - 1, 1)

        out_copy(HIST - 1, 0).wait()
        out_copy(HIST - 1, 1).wait()

    return k(table2, idx_t)


@jax.jit
def kernel(inputs, embedding):
    table2 = jnp.reshape(embedding, (TROWS, 128))
    idx_t = inputs.T
    out_p = _sc_gather(table2, idx_t)
    return jnp.transpose(out_p, (2, 0, 1))

# --- scband reference (transcript-rebuilt; emitter-appended) ---
"""Pipeline reference for scband-my-embedding-22488448761914 (READ-ONLY COPY).

The authoritative reference and input builder live on the scoring server;
editing this copy changes nothing except your own understanding.
"""

import jax, jax.numpy as jnp
import numpy as np

VOCAB = 1000000
EMBED_DIM = 32
BATCH = 16384
HIST = 50

def setup_inputs(seed: int = 0) -> dict:
    key = jax.random.key(seed)
    k_idx, k_tab = jax.random.split(key)
    inputs = jax.random.randint(k_idx, (BATCH, HIST), 0, VOCAB, dtype=jnp.int64 if jax.config.jax_enable_x64 else jnp.int32)
    # uniform initializer in keras defaults to U(-0.05, 0.05)
    embedding = jax.random.uniform(k_tab, (VOCAB, EMBED_DIM), dtype=jnp.float32, minval=-0.05, maxval=0.05)
    return {"inputs": inputs, "embedding": embedding}

def reference(inputs, embedding):
    # tf.nn.embedding_lookup(self.embedding, inputs)
    return jnp.take(embedding, inputs, axis=0)

if __name__ == "__main__":
    import jax
    _d = setup_inputs()
    print(jax.jit(kernel)(*tuple(_d.values())))

</pallas_src>

<mosaic_0001>
#map = affine_map<(d0, d1) -> (0, 0)>
#map1 = affine_map<(d0, d1) -> (0, 0, 0)>
module attributes {stable_mosaic.version = 14 : i64} {
  func.func @k(%arg0: i32, %arg1: i32, %arg2: memref<250000x128xf32, #tpu.memory_space<hbm>>, %arg3: memref<50x16384xi32, #tpu.memory_space<hbm>>, %arg4: memref<50x32x16384xf32, #tpu.memory_space<hbm>>, %arg5: memref<256xi32, #tpu.memory_space<vmem>>, %arg6: memref<256xi32, #tpu.memory_space<vmem>>, %arg7: memref<256xi32, #tpu.memory_space<vmem>>, %arg8: memref<256xi32, #tpu.memory_space<vmem>>, %arg9: memref<256x128xf32, #tpu.memory_space<vmem>>, %arg10: memref<256x128xf32, #tpu.memory_space<vmem>>, %arg11: memref<32x256xf32, #tpu.memory_space<vmem>>, %arg12: memref<32x256xf32, #tpu.memory_space<vmem>>, %arg13: memref<!tpu.dma_semaphore, #tpu.memory_space<semaphore_mem>>, %arg14: memref<!tpu.dma_semaphore, #tpu.memory_space<semaphore_mem>>, %arg15: memref<!tpu.dma_semaphore, #tpu.memory_space<semaphore_mem>>, %arg16: memref<!tpu.dma_semaphore, #tpu.memory_space<semaphore_mem>>, %arg17: memref<!tpu.dma_semaphore, #tpu.memory_space<semaphore_mem>>, %arg18: memref<!tpu.dma_semaphore, #tpu.memory_space<semaphore_mem>>) attributes {dimension_semantics = [#tpu.dimension_semantics<core_parallel>, #tpu.dimension_semantics<subcore_parallel>], iteration_bounds = array<i64: 2, 16>, scalar_prefetch = 0 : i64, scratch_operands = 14 : i64, tpu.core_type = #tpu.core_type<sc_vector_subcore>, window_params = [{transform_indices = #map}, {transform_indices = #map}, {transform_indices = #map1}]} {
    %mul3A = arith.constant 2 : i32
    %mul3A_0 = arith.muli %arg1, %mul3A : i32
    %add3A = arith.addi %mul3A_0, %arg0 : i32
    %mul3A_1 = arith.constant 512 : i32
    %mul3A_2 = arith.muli %add3A, %mul3A_1 : i32
    %iota3A = tpu.iota {dimensions = array<i32: 0>} : vector<16xi32>
    %add3A_3 = arith.constant 0 : i32
    %add3A_4 = arith.addi %mul3A_2, %add3A_3 : i32
    %dma_start3A = arith.constant 0 : i32
    %dma_start3A_5 = tpu.memref_slice %arg3[%dma_start3A, %add3A_4] : memref<50x16384xi32, #tpu.memory_space<hbm>> -> memref<1x256xi32, #tpu.memory_space<hbm>>
    %dma_start3A_6 = tpu.memref_squeeze %dma_start3A_5 : memref<1x256xi32, #tpu.memory_space<hbm>> -> memref<256xi32, #tpu.memory_space<hbm>>
    %dma_start3A_7 = tpu.memref_slice %arg3[%dma_start3A, %add3A_4] : memref<50x16384xi32, #tpu.memory_space<hbm>> -> memref<1x256xi32, #tpu.memory_space<hbm>>
    %dma_start3A_8 = tpu.memref_squeeze %dma_start3A_7 : memref<1x256xi32, #tpu.memory_space<hbm>> -> memref<256xi32, #tpu.memory_space<hbm>>
    tpu.enqueue_dma source(%dma_start3A_8 : memref<256xi32, #tpu.memory_space<hbm>>) target(%arg5 : memref<256xi32, #tpu.memory_space<vmem>>) target_semaphore(%arg13 : memref<!tpu.dma_semaphore, #tpu.memory_space<semaphore_mem>>)
    %add3A_9 = arith.constant 256 : i32
    %add3A_10 = arith.addi %mul3A_2, %add3A_9 : i32
    %dma_start3A_11 = arith.constant 0 : i32
    %dma_start3A_12 = tpu.memref_slice %arg3[%dma_start3A_11, %add3A_10] : memref<50x16384xi32, #tpu.memory_space<hbm>> -> memref<1x256xi32, #tpu.memory_space<hbm>>
    %dma_start3A_13 = tpu.memref_squeeze %dma_start3A_12 : memref<1x256xi32, #tpu.memory_space<hbm>> -> memref<256xi32, #tpu.memory_space<hbm>>
    %dma_start3A_14 = tpu.memref_slice %arg3[%dma_start3A_11, %add3A_10] : memref<50x16384xi32, #tpu.memory_space<hbm>> -> memref<1x256xi32, #tpu.memory_space<hbm>>
    %dma_start3A_15 = tpu.memref_squeeze %dma_start3A_14 : memref<1x256xi32, #tpu.memory_space<hbm>> -> memref<256xi32, #tpu.memory_space<hbm>>
    tpu.enqueue_dma source(%dma_start3A_15 : memref<256xi32, #tpu.memory_space<hbm>>) target(%arg6 : memref<256xi32, #tpu.memory_space<vmem>>) target_semaphore(%arg14 : memref<!tpu.dma_semaphore, #tpu.memory_space<semaphore_mem>>)
    %add3A_16 = arith.constant 0 : i32
    %add3A_17 = arith.addi %mul3A_2, %add3A_16 : i32
    %dma_wait3A = arith.constant 0 : i32
    %dma_wait3A_18 = tpu.memref_slice %arg3[%dma_wait3A, %add3A_17] : memref<50x16384xi32, #tpu.memory_space<hbm>> -> memref<1x256xi32, #tpu.memory_space<hbm>>
    %dma_wait3A_19 = tpu.memref_squeeze %dma_wait3A_18 : memref<1x256xi32, #tpu.memory_space<hbm>> -> memref<256xi32, #tpu.memory_space<hbm>>
    %dma_wait3A_20 = tpu.memref_slice %arg3[%dma_wait3A, %add3A_17] : memref<50x16384xi32, #tpu.memory_space<hbm>> -> memref<1x256xi32, #tpu.memory_space<hbm>>
    %dma_wait3A_21 = tpu.memref_squeeze %dma_wait3A_20 : memref<1x256xi32, #tpu.memory_space<hbm>> -> memref<256xi32, #tpu.memory_space<hbm>>
    tpu.wait_dma2 semaphore(%arg13 : memref<!tpu.dma_semaphore, #tpu.memory_space<semaphore_mem>>) src(%dma_wait3A_21 : memref<256xi32, #tpu.memory_space<hbm>>) dst(%arg5 : memref<256xi32, #tpu.memory_space<vmem>>)
    %scan3A = arith.constant 0 : i32
    %scan3A_22 = arith.constant 16 : i32
    %scan3A_23 = arith.addi %scan3A, %scan3A_22 : i32
    %scan3A_24 = arith.constant 1 : i32
    scf.for %scan3A_105 = %scan3A to %scan3A_23 step %scan3A_24  : i32 {
      %mul3A_106 = arith.constant 1 : i32
      %mul3A_107 = arith.muli %scan3A_105, %mul3A_106 : i32
      %add3A_108 = arith.constant 0 : i32
      %add3A_109 = arith.addi %add3A_108, %mul3A_107 : i32
      %mul3A_110 = arith.constant 16 : i32
      %mul3A_111 = arith.muli %add3A_109, %mul3A_110 : i32
      %get3A = arith.index_cast %mul3A_111 : i32 to index
      %get3A_112 = tpu.vector_load %arg5[%get3A] {strides = array<i32>} : memref<256xi32, #tpu.memory_space<vmem>>, vector<16xi32>,
      %shift_right_arithmetic3A = arith.constant 2 : i32
      %shift_right_arithmetic3A_113 = vector.broadcast %shift_right_arithmetic3A : i32 to vector<16xi32>
      %shift_right_arithmetic3A_114 = arith.shrsi %get3A_112, %shift_right_arithmetic3A_113 : vector<16xi32>
      %swap3A = arith.index_cast %mul3A_111 : i32 to index
      %swap3A_115 = tpu.vector_load %arg7[%swap3A] {strides = array<i32>} : memref<256xi32, #tpu.memory_space<vmem>>, vector<16xi32>,
      tpu.vector_store %arg7[%swap3A], %shift_right_arithmetic3A_114 {strides = array<i32>} : memref<256xi32, #tpu.memory_space<vmem>>, vector<16xi32>,
    }
    %scan3A_25 = arith.constant 16 : i32
    %dma_start3A_26 = arith.constant 0 : i32
    %dma_start3A_27 = arith.constant 0 : i32
    %dma_start3A_28 = tpu.memref_slice %arg2[%dma_start3A_26, %dma_start3A_27] : memref<250000x128xf32, #tpu.memory_space<hbm>> -> memref<250000x128xf32, #tpu.memory_space<hbm>>
    tpu.enqueue_indirect_dma source(%dma_start3A_28 : memref<250000x128xf32, #tpu.memory_space<hbm>>) target(%arg9 : memref<256x128xf32, #tpu.memory_space<vmem>>) offsets(%arg7 : memref<256xi32, #tpu.memory_space<vmem>>) semaphore(%arg15 : memref<!tpu.dma_semaphore, #tpu.memory_space<semaphore_mem>>)
    %scan3A_29 = arith.constant 0 : i32
    %scan3A_30 = arith.constant 49 : i32
    %scan3A_31 = arith.addi %scan3A_29, %scan3A_30 : i32
    %scan3A_32 = arith.constant 1 : i32
    scf.for %scan3A_105 = %scan3A_29 to %scan3A_31 step %scan3A_32  : i32 {
      %mul3A_106 = arith.constant 1 : i32
      %mul3A_107 = arith.muli %scan3A_105, %mul3A_106 : i32
      %add3A_108 = arith.constant 0 : i32
      %add3A_109 = arith.addi %add3A_108, %mul3A_107 : i32
      %add3A_110 = arith.constant 256 : i32
      %add3A_111 = arith.addi %mul3A_2, %add3A_110 : i32
      %dma_wait3A_112 = tpu.memref_slice %arg3[%add3A_109, %add3A_111] : memref<50x16384xi32, #tpu.memory_space<hbm>> -> memref<1x256xi32, #tpu.memory_space<hbm>>
      %dma_wait3A_113 = tpu.memref_squeeze %dma_wait3A_112 : memref<1x256xi32, #tpu.memory_space<hbm>> -> memref<256xi32, #tpu.memory_space<hbm>>
      %dma_wait3A_114 = tpu.memref_slice %arg3[%add3A_109, %add3A_111] : memref<50x16384xi32, #tpu.memory_space<hbm>> -> memref<1x256xi32, #tpu.memory_space<hbm>>
      %dma_wait3A_115 = tpu.memref_squeeze %dma_wait3A_114 : memref<1x256xi32, #tpu.memory_space<hbm>> -> memref<256xi32, #tpu.memory_space<hbm>>
      tpu.wait_dma2 semaphore(%arg14 : memref<!tpu.dma_semaphore, #tpu.memory_space<semaphore_mem>>) src(%dma_wait3A_115 : memref<256xi32, #tpu.memory_space<hbm>>) dst(%arg6 : memref<256xi32, #tpu.memory_space<vmem>>)
      %scan3A_116 = arith.constant 0 : i32
      %scan3A_117 = arith.constant 16 : i32
      %scan3A_118 = arith.addi %scan3A_116, %scan3A_117 : i32
      %scan3A_119 = arith.constant 1 : i32
      scf.for %scan3A_184 = %scan3A_116 to %scan3A_118 step %scan3A_119  : i32 {
        %mul3A_185 = arith.constant 1 : i32
        %mul3A_186 = arith.muli %scan3A_184, %mul3A_185 : i32
        %add3A_187 = arith.constant 0 : i32
        %add3A_188 = arith.addi %add3A_187, %mul3A_186 : i32
        %mul3A_189 = arith.constant 16 : i32
        %mul3A_190 = arith.muli %add3A_188, %mul3A_189 : i32
        %get3A = arith.index_cast %mul3A_190 : i32 to index
        %get3A_191 = tpu.vector_load %arg6[%get3A] {strides = array<i32>} : memref<256xi32, #tpu.memory_space<vmem>>, vector<16xi32>,
        %shift_right_arithmetic3A = arith.constant 2 : i32
        %shift_right_arithmetic3A_192 = vector.broadcast %shift_right_arithmetic3A : i32 to vector<16xi32>
        %shift_right_arithmetic3A_193 = arith.shrsi %get3A_191, %shift_right_arithmetic3A_192 : vector<16xi32>
        %swap3A = arith.index_cast %mul3A_190 : i32 to index
        %swap3A_194 = tpu.vector_load %arg8[%swap3A] {strides = array<i32>} : memref<256xi32, #tpu.memory_space<vmem>>, vector<16xi32>,
        tpu.vector_store %arg8[%swap3A], %shift_right_arithmetic3A_193 {strides = array<i32>} : memref<256xi32, #tpu.memory_space<vmem>>, vector<16xi32>,
      }
      %scan3A_120 = arith.constant 16 : i32
      %gt3A = arith.constant 0 : i32
      %gt3A_121 = arith.cmpi sgt, %add3A_109, %gt3A : i32
      %convert_element_type3A = arith.extui %gt3A_121 : i1 to i32
      %cond3A = arith.constant 0 : i32
      %cond3A_122 = arith.cmpi ne, %convert_element_type3A, %cond3A : i32
      scf.if %cond3A_122 {
        %sub3A = arith.constant 1 : i32
        %sub3A_184 = arith.subi %add3A_109, %sub3A : i32
        %add3A_185 = arith.constant 256 : i32
        %add3A_186 = arith.addi %mul3A_2, %add3A_185 : i32
        %dma_wait3A_187 = arith.constant 0 : i32
        %dma_wait3A_188 = tpu.memref_slice %arg4[%sub3A_184, %dma_wait3A_187, %add3A_186] : memref<50x32x16384xf32, #tpu.memory_space<hbm>> -> memref<1x32x256xf32, #tpu.memory_space<hbm>>
        %dma_wait3A_189 = tpu.memref_squeeze %dma_wait3A_188 : memref<1x32x256xf32, #tpu.memory_space<hbm>> -> memref<32x256xf32, #tpu.memory_space<hbm>>
        %dma_wait3A_190 = arith.constant 0 : i32
        %dma_wait3A_191 = tpu.memref_slice %arg4[%sub3A_184, %dma_wait3A_190, %add3A_186] : memref<50x32x16384xf32, #tpu.memory_space<hbm>> -> memref<1x32x256xf32, #tpu.memory_space<hbm>>
        %dma_wait3A_192 = tpu.memref_squeeze %dma_wait3A_191 : memref<1x32x256xf32, #tpu.memory_space<hbm>> -> memref<32x256xf32, #tpu.memory_space<hbm>>
        tpu.wait_dma2 semaphore(%arg18 : memref<!tpu.dma_semaphore, #tpu.memory_space<semaphore_mem>>) src(%arg12 : memref<32x256xf32, #tpu.memory_space<vmem>>) dst(%dma_wait3A_192 : memref<32x256xf32, #tpu.memory_space<hbm>>)
      } else {
      }
      %dma_start3A_123 = arith.constant 0 : i32
      %dma_start3A_124 = arith.constant 0 : i32
      %dma_start3A_125 = tpu.memref_slice %arg2[%dma_start3A_123, %dma_start3A_124] : memref<250000x128xf32, #tpu.memory_space<hbm>> -> memref<250000x128xf32, #tpu.memory_space<hbm>>
      tpu.enqueue_indirect_dma source(%dma_start3A_125 : memref<250000x128xf32, #tpu.memory_space<hbm>>) target(%arg10 : memref<256x128xf32, #tpu.memory_space<vmem>>) offsets(%arg8 : memref<256xi32, #tpu.memory_space<vmem>>) semaphore(%arg16 : memref<!tpu.dma_semaphore, #tpu.memory_space<semaphore_mem>>)
      %dma_wait3A_126 = arith.constant 0 : i32
      %dma_wait3A_127 = arith.constant 0 : i32
      %dma_wait3A_128 = tpu.memref_slice %arg2[%dma_wait3A_126, %dma_wait3A_127] : memref<250000x128xf32, #tpu.memory_space<hbm>> -> memref<250000x128xf32, #tpu.memory_space<hbm>>
      tpu.wait_indirect_dma semaphore(%arg15 : memref<!tpu.dma_semaphore, #tpu.memory_space<semaphore_mem>>) src(%dma_wait3A_128 : memref<250000x128xf32, #tpu.memory_space<hbm>>) dst(%arg9 : memref<256x128xf32, #tpu.memory_space<vmem>>)
      %parallel_loop3A_129 = arith.constant 0 : i32
      %parallel_loop3A_130 = arith.constant 16 : i32
      %parallel_loop3A_131 = arith.constant 1 : i32
      scf.for %parallel_loop3A_184 = %parallel_loop3A_129 to %parallel_loop3A_130 step %parallel_loop3A_131  : i32 {
        %parallel_loop3A_185 = arith.constant 16 : i32
        %parallel_loop3A_186 = arith.muli %parallel_loop3A_184, %parallel_loop3A_185 : i32
        %parallel_loop3A_187 = arith.index_cast %parallel_loop3A_186 : i32 to index
        %parallel_loop3A_188 = tpu.vector_load %arg5[%parallel_loop3A_187] {strides = array<i32>} : memref<256xi32, #tpu.memory_space<vmem>>, vector<16xi32>,
        %parallel_loop3A_189 = arith.constant 3 : i32
        %parallel_loop3A_190 = vector.broadcast %parallel_loop3A_189 : i32 to vector<16xi32>
        %parallel_loop3A_191 = arith.andi %parallel_loop3A_188, %parallel_loop3A_190 : vector<16xi32>
        %parallel_loop3A_192 = arith.constant 5 : i32
        %parallel_loop3A_193 = vector.broadcast %parallel_loop3A_192 : i32 to vector<16xi32>
        %parallel_loop3A_194 = arith.shli %parallel_loop3A_191, %parallel_loop3A_193 : vector<16xi32>
        %parallel_loop3A_195 = vector.broadcast %parallel_loop3A_186 : i32 to vector<16xi32>
        %parallel_loop3A_196 = arith.addi %parallel_loop3A_195, %iota3A : vector<16xi32>
        %parallel_loop3A_197 = arith.constant 0 : i32
        %parallel_loop3A_198 = vector.broadcast %parallel_loop3A_197 : i32 to vector<16xi32>
        %parallel_loop3A_199 = arith.addi %parallel_loop3A_194, %parallel_loop3A_198 : vector<16xi32>
        %parallel_loop3A_200 = tpu.vector_load_idx %arg9[%parallel_loop3A_196, %parallel_loop3A_199] : memref<256x128xf32, #tpu.memory_space<vmem>>[vector<16xi32>, vector<16xi32>], vector<16xf32>,
        %parallel_loop3A_201 = arith.constant 0 : i32
        %parallel_loop3A_202 = arith.index_cast %parallel_loop3A_201 : i32 to index
        %parallel_loop3A_203 = arith.index_cast %parallel_loop3A_186 : i32 to index
        %parallel_loop3A_204 = tpu.vector_load %arg11[%parallel_loop3A_202, %parallel_loop3A_203] {strides = array<i32>} : memref<32x256xf32, #tpu.memory_space<vmem>>, vector<16xf32>,
        tpu.vector_store %arg11[%parallel_loop3A_202, %parallel_loop3A_203], %parallel_loop3A_200 {strides = array<i32>} : memref<32x256xf32, #tpu.memory_space<vmem>>, vector<16xf32>,
        %parallel_loop3A_205 = arith.constant 1 : i32
        %parallel_loop3A_206 = vector.broadcast %parallel_loop3A_205 : i32 to vector<16xi32>
        %parallel_loop3A_207 = arith.addi %parallel_loop3A_194, %parallel_loop3A_206 : vector<16xi32>
        %parallel_loop3A_208 = tpu.vector_load_idx %arg9[%parallel_loop3A_196, %parallel_loop3A_207] : memref<256x128xf32, #tpu.memory_space<vmem>>[vector<16xi32>, vector<16xi32>], vector<16xf32>,
        %parallel_loop3A_209 = arith.constant 1 : i32
        %parallel_loop3A_210 = arith.index_cast %parallel_loop3A_209 : i32 to index
        %parallel_loop3A_211 = arith.index_cast %parallel_loop3A_186 : i32 to index
        %parallel_loop3A_212 = tpu.vector_load %arg11[%parallel_loop3A_210, %parallel_loop3A_211] {strides = array<i32>} : memref<32x256xf32, #tpu.memory_space<vmem>>, vector<16xf32>,
        tpu.vector_store %arg11[%parallel_loop3A_210, %parallel_loop3A_211], %parallel_loop3A_208 {strides = array<i32>} : memref<32x256xf32, #tpu.memory_space<vmem>>, vector<16xf32>,
        %parallel_loop3A_213 = arith.constant 2 : i32
        %parallel_loop3A_214 = vector.broadcast %parallel_loop3A_213 : i32 to vector<16xi32>
        %parallel_loop3A_215 = arith.addi %parallel_loop3A_194, %parallel_loop3A_214 : vector<16xi32>
        %parallel_loop3A_216 = tpu.vector_load_idx %arg9[%parallel_loop3A_196, %parallel_loop3A_215] : memref<256x128xf32, #tpu.memory_space<vmem>>[vector<16xi32>, vector<16xi32>], vector<16xf32>,
        %parallel_loop3A_217 = arith.constant 2 : i32
        %parallel_loop3A_218 = arith.index_cast %parallel_loop3A_217 : i32 to index
        %parallel_loop3A_219 = arith.index_cast %parallel_loop3A_186 : i32 to index
        %parallel_loop3A_220 = tpu.vector_load %arg11[%parallel_loop3A_218, %parallel_loop3A_219] {strides = array<i32>} : memref<32x256xf32, #tpu.memory_space<vmem>>, vector<16xf32>,
        tpu.vector_store %arg11[%parallel_loop3A_218, %parallel_loop3A_219], %parallel_loop3A_216 {strides = array<i32>} : memref<32x256xf32, #tpu.memory_space<vmem>>, vector<16xf32>,
        %parallel_loop3A_221 = arith.constant 3 : i32
        %parallel_loop3A_222 = vector.broadcast %parallel_loop3A_221 : i32 to vector<16xi32>
        %parallel_loop3A_223 = arith.addi %parallel_loop3A_194, %parallel_loop3A_222 : vector<16xi32>
        %parallel_loop3A_224 = tpu.vector_load_idx %arg9[%parallel_loop3A_196, %parallel_loop3A_223] : memref<256x128xf32, #tpu.memory_space<vmem>>[vector<16xi32>, vector<16xi32>], vector<16xf32>,
        %parallel_loop3A_225 = arith.constant 3 : i32
        %parallel_loop3A_226 = arith.index_cast %parallel_loop3A_225 : i32 to index
        %parallel_loop3A_227 = arith.index_cast %parallel_loop3A_186 : i32 to index
        %parallel_loop3A_228 = tpu.vector_load %arg11[%parallel_loop3A_226, %parallel_loop3A_227] {strides = array<i32>} : memref<32x256xf32, #tpu.memory_space<vmem>>, vector<16xf32>,
        tpu.vector_store %arg11[%parallel_loop3A_226, %parallel_loop3A_227], %parallel_loop3A_224 {strides = array<i32>} : memref<32x256xf32, #tpu.memory_space<vmem>>, vector<16xf32>,
        %parallel_loop3A_229 = arith.constant 4 : i32
        %parallel_loop3A_230 = vector.broadcast %parallel_loop3A_229 : i32 to vector<16xi32>
        %parallel_loop3A_231 = arith.addi %parallel_loop3A_194, %parallel_loop3A_230 : vector<16xi32>
        %parallel_loop3A_232 = tpu.vector_load_idx %arg9[%parallel_loop3A_196, %parallel_loop3A_231] : memref<256x128xf32, #tpu.memory_space<vmem>>[vector<16xi32>, vector<16xi32>], vector<16xf32>,
        %parallel_loop3A_233 = arith.constant 4 : i32
        %parallel_loop3A_234 = arith.index_cast %parallel_loop3A_233 : i32 to index
        %parallel_loop3A_235 = arith.index_cast %parallel_loop3A_186 : i32 to index
        %parallel_loop3A_236 = tpu.vector_load %arg11[%parallel_loop3A_234, %parallel_loop3A_235] {strides = array<i32>} : memref<32x256xf32, #tpu.memory_space<vmem>>, vector<16xf32>,
        tpu.vector_store %arg11[%parallel_loop3A_234, %parallel_loop3A_235], %parallel_loop3A_232 {strides = array<i32>} : memref<32x256xf32, #tpu.memory_space<vmem>>, vector<16xf32>,
        %parallel_loop3A_237 = arith.constant 5 : i32
        %parallel_loop3A_238 = vector.broadcast %parallel_loop3A_237 : i32 to vector<16xi32>
        %parallel_loop3A_239 = arith.addi %parallel_loop3A_194, %parallel_loop3A_238 : vector<16xi32>
        %parallel_loop3A_240 = tpu.vector_load_idx %arg9[%parallel_loop3A_196, %parallel_loop3A_239] : memref<256x128xf32, #tpu.memory_space<vmem>>[vector<16xi32>, vector<16xi32>], vector<16xf32>,
        %parallel_loop3A_241 = arith.constant 5 : i32
        %parallel_loop3A_242 = arith.index_cast %parallel_loop3A_241 : i32 to index
        %parallel_loop3A_243 = arith.index_cast %parallel_loop3A_186 : i32 to index
        %parallel_loop3A_244 = tpu.vector_load %arg11[%parallel_loop3A_242, %parallel_loop3A_243] {strides = array<i32>} : memref<32x256xf32, #tpu.memory_space<vmem>>, vector<16xf32>,
        tpu.vector_store %arg11[%parallel_loop3A_242, %parallel_loop3A_243], %parallel_loop3A_240 {strides = array<i32>} : memref<32x256xf32, #tpu.memory_space<vmem>>, vector<16xf32>,
        %parallel_loop3A_245 = arith.constant 6 : i32
        %parallel_loop3A_246 = vector.broadcast %parallel_loop3A_245 : i32 to vector<16xi32>
        %parallel_loop3A_247 = arith.addi %parallel_loop3A_194, %parallel_loop3A_246 : vector<16xi32>
        %parallel_loop3A_248 = tpu.vector_load_idx %arg9[%parallel_loop3A_196, %parallel_loop3A_247] : memref<256x128xf32, #tpu.memory_space<vmem>>[vector<16xi32>, vector<16xi32>], vector<16xf32>,
        %parallel_loop3A_249 = arith.constant 6 : i32
        %parallel_loop3A_250 = arith.index_cast %parallel_loop3A_249 : i32 to index
        %parallel_loop3A_251 = arith.index_cast %parallel_loop3A_186 : i32 to index
        %parallel_loop3A_252 = tpu.vector_load %arg11[%parallel_loop3A_250, %parallel_loop3A_251] {strides = array<i32>} : memref<32x256xf32, #tpu.memory_space<vmem>>, vector<16xf32>,
        tpu.vector_store %arg11[%parallel_loop3A_250, %parallel_loop3A_251], %parallel_loop3A_248 {strides = array<i32>} : memref<32x256xf32, #tpu.memory_space<vmem>>, vector<16xf32>,
        %parallel_loop3A_253 = arith.constant 7 : i32
        %parallel_loop3A_254 = vector.broadcast %parallel_loop3A_253 : i32 to vector<16xi32>
        %parallel_loop3A_255 = arith.addi %parallel_loop3A_194, %parallel_loop3A_254 : vector<16xi32>
        %parallel_loop3A_256 = tpu.vector_load_idx %arg9[%parallel_loop3A_196, %parallel_loop3A_255] : memref<256x128xf32, #tpu.memory_space<vmem>>[vector<16xi32>, vector<16xi32>], vector<16xf32>,
        %parallel_loop3A_257 = arith.constant 7 : i32
        %parallel_loop3A_258 = arith.index_cast %parallel_loop3A_257 : i32 to index
        %parallel_loop3A_259 = arith.index_cast %parallel_loop3A_186 : i32 to index
        %parallel_loop3A_260 = tpu.vector_load %arg11[%parallel_loop3A_258, %parallel_loop3A_259] {strides = array<i32>} : memref<32x256xf32, #tpu.memory_space<vmem>>, vector<16xf32>,
        tpu.vector_store %arg11[%parallel_loop3A_258, %parallel_loop3A_259], %parallel_loop3A_256 {strides = array<i32>} : memref<32x256xf32, #tpu.memory_space<vmem>>, vector<16xf32>,
        %parallel_loop3A_261 = arith.constant 8 : i32
        %parallel_loop3A_262 = vector.broadcast %parallel_loop3A_261 : i32 to vector<16xi32>
        %parallel_loop3A_263 = arith.addi %parallel_loop3A_194, %parallel_loop3A_262 : vector<16xi32>
        %parallel_loop3A_264 = tpu.vector_load_idx %arg9[%parallel_loop3A_196, %parallel_loop3A_263] : memref<256x128xf32, #tpu.memory_space<vmem>>[vector<16xi32>, vector<16xi32>], vector<16xf32>,
        %parallel_loop3A_265 = arith.constant 8 : i32
        %parallel_loop3A_266 = arith.index_cast %parallel_loop3A_265 : i32 to index
        %parallel_loop3A_267 = arith.index_cast %parallel_loop3A_186 : i32 to index
        %parallel_loop3A_268 = tpu.vector_load %arg11[%parallel_loop3A_266, %parallel_loop3A_267] {strides = array<i32>} : memref<32x256xf32, #tpu.memory_space<vmem>>, vector<16xf32>,
        tpu.vector_store %arg11[%parallel_loop3A_266, %parallel_loop3A_267], %parallel_loop3A_264 {strides = array<i32>} : memref<32x256xf32, #tpu.memory_space<vmem>>, vector<16xf32>,
        %parallel_loop3A_269 = arith.constant 9 : i32
        %parallel_loop3A_270 = vector.broadcast %parallel_loop3A_269 : i32 to vector<16xi32>
        %parallel_loop3A_271 = arith.addi %parallel_loop3A_194, %parallel_loop3A_270 : vector<16xi32>
        %parallel_loop3A_272 = tpu.vector_load_idx %arg9[%parallel_loop3A_196, %parallel_loop3A_271] : memref<256x128xf32, #tpu.memory_space<vmem>>[vector<16xi32>, vector<16xi32>], vector<16xf32>,
        %parallel_loop3A_273 = arith.constant 9 : i32
        %parallel_loop3A_274 = arith.index_cast %parallel_loop3A_273 : i32 to index
        %parallel_loop3A_275 = arith.index_cast %parallel_loop3A_186 : i32 to index
        %parallel_loop3A_276 = tpu.vector_load %arg11[%parallel_loop3A_274, %parallel_loop3A_275] {strides = array<i32>} : memref<32x256xf32, #tpu.memory_space<vmem>>, vector<16xf32>,
        tpu.vector_store %arg11[%parallel_loop3A_274, %parallel_loop3A_275], %parallel_loop3A_272 {strides = array<i32>} : memref<32x256xf32, #tpu.memory_space<vmem>>, vector<16xf32>,
        %parallel_loop3A_277 = arith.constant 10 : i32
        %parallel_loop3A_278 = vector.broadcast %parallel_loop3A_277 : i32 to vector<16xi32>
        %parallel_loop3A_279 = arith.addi %parallel_loop3A_194, %parallel_loop3A_278 : vector<16xi32>
        %parallel_loop3A_280 = tpu.vector_load_idx %arg9[%parallel_loop3A_196, %parallel_loop3A_279] : memref<256x128xf32, #tpu.memory_space<vmem>>[vector<16xi32>, vector<16xi32>], vector<16xf32>,
        %parallel_loop3A_281 = arith.constant 10 : i32
        %parallel_loop3A_282 = arith.index_cast %parallel_loop3A_281 : i32 to index
        %parallel_loop3A_283 = arith.index_cast %parallel_loop3A_186 : i32 to index
        %parallel_loop3A_284 = tpu.vector_load %arg11[%parallel_loop3A_282, %parallel_loop3A_283] {strides = array<i32>} : memref<32x256xf32, #tpu.memory_space<vmem>>, vector<16xf32>,
        tpu.vector_store %arg11[%parallel_loop3A_282, %parallel_loop3A_283], %parallel_loop3A_280 {strides = array<i32>} : memref<32x256xf32, #tpu.memory_space<vmem>>, vector<16xf32>,
        %parallel_loop3A_285 = arith.constant 11 : i32
        %parallel_loop3A_286 = vector.broadcast %parallel_loop3A_285 : i32 to vector<16xi32>
        %parallel_loop3A_287 = arith.addi %parallel_loop3A_194, %parallel_loop3A_286 : vector<16xi32>
        %parallel_loop3A_288 = tpu.vector_load_idx %arg9[%parallel_loop3A_196, %parallel_loop3A_287] : memref<256x128xf32, #tpu.memory_space<vmem>>[vector<16xi32>, vector<16xi32>], vector<16xf32>,
        %parallel_loop3A_289 = arith.constant 11 : i32
        %parallel_loop3A_290 = arith.index_cast %parallel_loop3A_289 : i32 to index
        %parallel_loop3A_291 = arith.index_cast %parallel_loop3A_186 : i32 to index
        %parallel_loop3A_292 = tpu.vector_load %arg11[%parallel_loop3A_290, %parallel_loop3A_291] {strides = array<i32>} : memref<32x256xf32, #tpu.memory_space<vmem>>, vector<16xf32>,
        tpu.vector_store %arg11[%parallel_loop3A_290, %parallel_loop3A_291], %parallel_loop3A_288 {strides = array<i32>} : memref<32x256xf32, #tpu.memory_space<vmem>>, vector<16xf32>,
        %parallel_loop3A_293 = arith.constant 12 : i32
        %parallel_loop3A_294 = vector.broadcast %parallel_loop3A_293 : i32 to vector<16xi32>
        %parallel_loop3A_295 = arith.addi %parallel_loop3A_194, %parallel_loop3A_294 : vector<16xi32>
        %parallel_loop3A_296 = tpu.vector_load_idx %arg9[%parallel_loop3A_196, %parallel_loop3A_295] : memref<256x128xf32, #tpu.memory_space<vmem>>[vector<16xi32>, vector<16xi32>], vector<16xf32>,
        %parallel_loop3A_297 = arith.constant 12 : i32
        %parallel_loop3A_298 = arith.index_cast %parallel_loop3A_297 : i32 to index
        %parallel_loop3A_299 = arith.index_cast %parallel_loop3A_186 : i32 to index
        %parallel_loop3A_300 = tpu.vector_load %arg11[%parallel_loop3A_298, %parallel_loop3A_299] {strides = array<i32>} : memref<32x256xf32, #tpu.memory_space<vmem>>, vector<16xf32>,
        tpu.vector_store %arg11[%parallel_loop3A_298, %parallel_loop3A_299], %parallel_loop3A_296 {strides = array<i32>} : memref<32x256xf32, #tpu.memory_space<vmem>>, vector<16xf32>,
        %parallel_loop3A_301 = arith.constant 13 : i32
        %parallel_loop3A_302 = vector.broadcast %parallel_loop3A_301 : i32 to vector<16xi32>
        %parallel_loop3A_303 = arith.addi %parallel_loop3A_194, %parallel_loop3A_302 : vector<16xi32>
        %parallel_loop3A_304 = tpu.vector_load_idx %arg9[%parallel_loop3A_196, %parallel_loop3A_303] : memref<256x128xf32, #tpu.memory_space<vmem>>[vector<16xi32>, vector<16xi32>], vector<16xf32>,
        %parallel_loop3A_305 = arith.constant 13 : i32
        %parallel_loop3A_306 = arith.index_cast %parallel_loop3A_305 : i32 to index
        %parallel_loop3A_307 = arith.index_cast %parallel_loop3A_186 : i32 to index
        %parallel_loop3A_308 = tpu.vector_load %arg11[%parallel_loop3A_306, %parallel_loop3A_307] {strides = array<i32>} : memref<32x256xf32, #tpu.memory_space<vmem>>, vector<16xf32>,
        tpu.vector_store %arg11[%parallel_loop3A_306, %parallel_loop3A_307], %parallel_loop3A_304 {strides = array<i32>} : memref<32x256xf32, #tpu.memory_space<vmem>>, vector<16xf32>,
        %parallel_loop3A_309 = arith.constant 14 : i32
        %parallel_loop3A_310 = vector.broadcast %parallel_loop3A_309 : i32 to vector<16xi32>
        %parallel_loop3A_311 = arith.addi %parallel_loop3A_194, %parallel_loop3A_310 : vector<16xi32>
        %parallel_loop3A_312 = tpu.vector_load_idx %arg9[%parallel_loop3A_196, %parallel_loop3A_311] : memref<256x128xf32, #tpu.memory_space<vmem>>[vector<16xi32>, vector<16xi32>], vector<16xf32>,
        %parallel_loop3A_313 = arith.constant 14 : i32
        %parallel_loop3A_314 = arith.index_cast %parallel_loop3A_313 : i32 to index
        %parallel_loop3A_315 = arith.index_cast %parallel_loop3A_186 : i32 to index
        %parallel_loop3A_316 = tpu.vector_load %arg11[%parallel_loop3A_314, %parallel_loop3A_315] {strides = array<i32>} : memref<32x256xf32, #tpu.memory_space<vmem>>, vector<16xf32>,
        tpu.vector_store %arg11[%parallel_loop3A_314, %parallel_loop3A_315], %parallel_loop3A_312 {strides = array<i32>} : memref<32x256xf32, #tpu.memory_space<vmem>>, vector<16xf32>,
        %parallel_loop3A_317 = arith.constant 15 : i32
        %parallel_loop3A_318 = vector.broadcast %parallel_loop3A_317 : i32 to vector<16xi32>
        %parallel_loop3A_319 = arith.addi %parallel_loop3A_194, %parallel_loop3A_318 : vector<16xi32>
        %parallel_loop3A_320 = tpu.vector_load_idx %arg9[%parallel_loop3A_196, %parallel_loop3A_319] : memref<256x128xf32, #tpu.memory_space<vmem>>[vector<16xi32>, vector<16xi32>], vector<16xf32>,
        %parallel_loop3A_321 = arith.constant 15 : i32
        %parallel_loop3A_322 = arith.index_cast %parallel_loop3A_321 : i32 to index
        %parallel_loop3A_323 = arith.index_cast %parallel_loop3A_186 : i32 to index
        %parallel_loop3A_324 = tpu.vector_load %arg11[%parallel_loop3A_322, %parallel_loop3A_323] {strides = array<i32>} : memref<32x256xf32, #tpu.memory_space<vmem>>, vector<16xf32>,
        tpu.vector_store %arg11[%parallel_loop3A_322, %parallel_loop3A_323], %parallel_loop3A_320 {strides = array<i32>} : memref<32x256xf32, #tpu.memory_space<vmem>>, vector<16xf32>,
        %parallel_loop3A_325 = arith.constant 16 : i32
        %parallel_loop3A_326 = vector.broadcast %parallel_loop3A_325 : i32 to vector<16xi32>
        %parallel_loop3A_327 = arith.addi %parallel_loop3A_194, %parallel_loop3A_326 : vector<16xi32>
        %parallel_loop3A_328 = tpu.vector_load_idx %arg9[%parallel_loop3A_196, %parallel_loop3A_327] : memref<256x128xf32, #tpu.memory_space<vmem>>[vector<16xi32>, vector<16xi32>], vector<16xf32>,
        %parallel_loop3A_329 = arith.constant 16 : i32
        %parallel_loop3A_330 = arith.index_cast %parallel_loop3A_329 : i32 to index
        %parallel_loop3A_331 = arith.index_cast %parallel_loop3A_186 : i32 to index
        %parallel_loop3A_332 = tpu.vector_load %arg11[%parallel_loop3A_330, %parallel_loop3A_331] {strides = array<i32>} : memref<32x256xf32, #tpu.memory_space<vmem>>, vector<16xf32>,
        tpu.vector_store %arg11[%parallel_loop3A_330, %parallel_loop3A_331], %parallel_loop3A_328 {strides = array<i32>} : memref<32x256xf32, #tpu.memory_space<vmem>>, vector<16xf32>,
        %parallel_loop3A_333 = arith.constant 17 : i32
        %parallel_loop3A_334 = vector.broadcast %parallel_loop3A_333 : i32 to vector<16xi32>
        %parallel_loop3A_335 = arith.addi %parallel_loop3A_194, %parallel_loop3A_334 : vector<16xi32>
        %parallel_loop3A_336 = tpu.vector_load_idx %arg9[%parallel_loop3A_196, %parallel_loop3A_335] : memref<256x128xf32, #tpu.memory_space<vmem>>[vector<16xi32>, vector<16xi32>], vector<16xf32>,
        %parallel_loop3A_337 = arith.constant 17 : i32
        %parallel_loop3A_338 = arith.index_cast %parallel_loop3A_337 : i32 to index
        %parallel_loop3A_339 = arith.index_cast %parallel_loop3A_186 : i32 to index
        %parallel_loop3A_340 = tpu.vector_load %arg11[%parallel_loop3A_338, %parallel_loop3A_339] {strides = array<i32>} : memref<32x256xf32, #tpu.memory_space<vmem>>, vector<16xf32>,
        tpu.vector_store %arg11[%parallel_loop3A_338, %parallel_loop3A_339], %parallel_loop3A_336 {strides = array<i32>} : memref<32x256xf32, #tpu.memory_space<vmem>>, vector<16xf32>,
        %parallel_loop3A_341 = arith.constant 18 : i32
        %parallel_loop3A_342 = vector.broadcast %parallel_loop3A_341 : i32 to vector<16xi32>
        %parallel_loop3A_343 = arith.addi %parallel_loop3A_194, %parallel_loop3A_342 : vector<16xi32>
        %parallel_loop3A_344 = tpu.vector_load_idx %arg9[%parallel_loop3A_196, %parallel_loop3A_343] : memref<256x128xf32, #tpu.memory_space<vmem>>[vector<16xi32>, vector<16xi32>], vector<16xf32>,
        %parallel_loop3A_345 = arith.constant 18 : i32
        %parallel_loop3A_346 = arith.index_cast %parallel_loop3A_345 : i32 to index
        %parallel_loop3A_347 = arith.index_cast %parallel_loop3A_186 : i32 to index
        %parallel_loop3A_348 = tpu.vector_load %arg11[%parallel_loop3A_346, %parallel_loop3A_347] {strides = array<i32>} : memref<32x256xf32, #tpu.memory_space<vmem>>, vector<16xf32>,
        tpu.vector_store %arg11[%parallel_loop3A_346, %parallel_loop3A_347], %parallel_loop3A_344 {strides = array<i32>} : memref<32x256xf32, #tpu.memory_space<vmem>>, vector<16xf32>,
        %parallel_loop3A_349 = arith.constant 19 : i32
        %parallel_loop3A_350 = vector.broadcast %parallel_loop3A_349 : i32 to vector<16xi32>
        %parallel_loop3A_351 = arith.addi %parallel_loop3A_194, %parallel_loop3A_350 : vector<16xi32>
        %parallel_loop3A_352 = tpu.vector_load_idx %arg9[%parallel_loop3A_196, %parallel_loop3A_351] : memref<256x128xf32, #tpu.memory_space<vmem>>[vector<16xi32>, vector<16xi32>], vector<16xf32>,
        %parallel_loop3A_353 = arith.constant 19 : i32
        %parallel_loop3A_354 = arith.index_cast %parallel_loop3A_353 : i32 to index
        %parallel_loop3A_355 = arith.index_cast %parallel_loop3A_186 : i32 to index
        %parallel_loop3A_356 = tpu.vector_load %arg11[%parallel_loop3A_354, %parallel_loop3A_355] {strides = array<i32>} : memref<32x256xf32, #tpu.memory_space<vmem>>, vector<16xf32>,
        tpu.vector_store %arg11[%parallel_loop3A_354, %parallel_loop3A_355], %parallel_loop3A_352 {strides = array<i32>} : memref<32x256xf32, #tpu.memory_space<vmem>>, vector<16xf32>,
        %parallel_loop3A_357 = arith.constant 20 : i32
        %parallel_loop3A_358 = vector.broadcast %parallel_loop3A_357 : i32 to vector<16xi32>
        %parallel_loop3A_359 = arith.addi %parallel_loop3A_194, %parallel_loop3A_358 : vector<16xi32>
        %parallel_loop3A_360 = tpu.vector_load_idx %arg9[%parallel_loop3A_196, %parallel_loop3A_359] : memref<256x128xf32, #tpu.memory_space<vmem>>[vector<16xi32>, vector<16xi32>], vector<16xf32>,
        %parallel_loop3A_361 = arith.constant 20 : i32
        %parallel_loop3A_362 = arith.index_cast %parallel_loop3A_361 : i32 to index
        %parallel_loop3A_363 = arith.index_cast %parallel_loop3A_186 : i32 to index
        %parallel_loop3A_364 = tpu.vector_load %arg11[%parallel_loop3A_362, %parallel_loop3A_363] {strides = array<i32>} : memref<32x256xf32, #tpu.memory_space<vmem>>, vector<16xf32>,
        tpu.vector_store %arg11[%parallel_loop3A_362, %parallel_loop3A_363], %parallel_loop3A_360 {strides = array<i32>} : memref<32x256xf32, #tpu.memory_space<vmem>>, vector<16xf32>,
        %parallel_loop3A_365 = arith.constant 21 : i32
        %parallel_loop3A_366 = vector.broadcast %parallel_loop3A_365 : i32 to vector<16xi32>
        %parallel_loop3A_367 = arith.addi %parallel_loop3A_194, %parallel_loop3A_366 : vector<16xi32>
        %parallel_loop3A_368 = tpu.vector_load_idx %arg9[%parallel_loop3A_196, %parallel_loop3A_367] : memref<256x128xf32, #tpu.memory_space<vmem>>[vector<16xi32>, vector<16xi32>], vector<16xf32>,
        %parallel_loop3A_369 = arith.constant 21 : i32
        %parallel_loop3A_370 = arith.index_cast %parallel_loop3A_369 : i32 to index
        %parallel_loop3A_371 = arith.index_cast %parallel_loop3A_186 : i32 to index
        %parallel_loop3A_372 = tpu.vector_load %arg11[%parallel_loop3A_370, %parallel_loop3A_371] {strides = array<i32>} : memref<32x256xf32, #tpu.memory_space<vmem>>, vector<16xf32>,
        tpu.vector_store %arg11[%parallel_loop3A_370, %parallel_loop3A_371], %parallel_loop3A_368 {strides = array<i32>} : memref<32x256xf32, #tpu.memory_space<vmem>>, vector<16xf32>,
        %parallel_loop3A_373 = arith.constant 22 : i32
        %parallel_loop3A_374 = vector.broadcast %parallel_loop3A_373 : i32 to vector<16xi32>
        %parallel_loop3A_375 = arith.addi %parallel_loop3A_194, %parallel_loop3A_374 : vector<16xi32>
        %parallel_loop3A_376 = tpu.vector_load_idx %arg9[%parallel_loop3A_196, %parallel_loop3A_375] : memref<256x128xf32, #tpu.memory_space<vmem>>[vector<16xi32>, vector<16xi32>], vector<16xf32>,
        %parallel_loop3A_377 = arith.constant 22 : i32
        %parallel_loop3A_378 = arith.index_cast %parallel_loop3A_377 : i32 to index
        %parallel_loop3A_379 = arith.index_cast %parallel_loop3A_186 : i32 to index
        %parallel_loop3A_380 = tpu.vector_load %arg11[%parallel_loop3A_378, %parallel_loop3A_379] {strides = array<i32>} : memref<32x256xf32, #tpu.memory_space<vmem>>, vector<16xf32>,
        tpu.vector_store %arg11[%parallel_loop3A_378, %parallel_loop3A_379], %parallel_loop3A_376 {strides = array<i32>} : memref<32x256xf32, #tpu.memory_space<vmem>>, vector<16xf32>,
        %parallel_loop3A_381 = arith.constant 23 : i32
        %parallel_loop3A_382 = vector.broadcast %parallel_loop3A_381 : i32 to vector<16xi32>
        %parallel_loop3A_383 = arith.addi %parallel_loop3A_194, %parallel_loop3A_382 : vector<16xi32>
        %parallel_loop3A_384 = tpu.vector_load_idx %arg9[%parallel_loop3A_196, %parallel_loop3A_383] : memref<256x128xf32, #tpu.memory_space<vmem>>[vector<16xi32>, vector<16xi32>], vector<16xf32>,
        %parallel_loop3A_385 = arith.constant 23 : i32
        %parallel_loop3A_386 = arith.index_cast %parallel_loop3A_385 : i32 to index
        %parallel_loop3A_387 = arith.index_cast %parallel_loop3A_186 : i32 to index
        %parallel_loop3A_388 = tpu.vector_load %arg11[%parallel_loop3A_386, %parallel_loop3A_387] {strides = array<i32>} : memref<32x256xf32, #tpu.memory_space<vmem>>, vector<16xf32>,
        tpu.vector_store %arg11[%parallel_loop3A_386, %parallel_loop3A_387], %parallel_loop3A_384 {strides = array<i32>} : memref<32x256xf32, #tpu.memory_space<vmem>>, vector<16xf32>,
        %parallel_loop3A_389 = arith.constant 24 : i32
        %parallel_loop3A_390 = vector.broadcast %parallel_loop3A_389 : i32 to vector<16xi32>
        %parallel_loop3A_391 = arith.addi %parallel_loop3A_194, %parallel_loop3A_390 : vector<16xi32>
        %parallel_loop3A_392 = tpu.vector_load_idx %arg9[%parallel_loop3A_196, %parallel_loop3A_391] : memref<256x128xf32, #tpu.memory_space<vmem>>[vector<16xi32>, vector<16xi32>], vector<16xf32>,
        %parallel_loop3A_393 = arith.constant 24 : i32
        %parallel_loop3A_394 = arith.index_cast %parallel_loop3A_393 : i32 to index
        %parallel_loop3A_395 = arith.index_cast %parallel_loop3A_186 : i32 to index
        %parallel_loop3A_396 = tpu.vector_load %arg11[%parallel_loop3A_394, %parallel_loop3A_395] {strides = array<i32>} : memref<32x256xf32, #tpu.memory_space<vmem>>, vector<16xf32>,
        tpu.vector_store %arg11[%parallel_loop3A_394, %parallel_loop3A_395], %parallel_loop3A_392 {strides = array<i32>} : memref<32x256xf32, #tpu.memory_space<vmem>>, vector<16xf32>,
        %parallel_loop3A_397 = arith.constant 25 : i32
        %parallel_loop3A_398 = vector.broadcast %parallel_loop3A_397 : i32 to vector<16xi32>
        %parallel_loop3A_399 = arith.addi %parallel_loop3A_194, %parallel_loop3A_398 : vector<16xi32>
        %parallel_loop3A_400 = tpu.vector_load_idx %arg9[%parallel_loop3A_196, %parallel_loop3A_399] : memref<256x128xf32, #tpu.memory_space<vmem>>[vector<16xi32>, vector<16xi32>], vector<16xf32>,
        %parallel_loop3A_401 = arith.constant 25 : i32
        %parallel_loop3A_402 = arith.index_cast %parallel_loop3A_401 : i32 to index
        %parallel_loop3A_403 = arith.index_cast %parallel_loop3A_186 : i32 to index
        %parallel_loop3A_404 = tpu.vector_load %arg11[%parallel_loop3A_402, %parallel_loop3A_403] {strides = array<i32>} : memref<32x256xf32, #tpu.memory_space<vmem>>, vector<16xf32>,
        tpu.vector_store %arg11[%parallel_loop3A_402, %parallel_loop3A_403], %parallel_loop3A_400 {strides = array<i32>} : memref<32x256xf32, #tpu.memory_space<vmem>>, vector<16xf32>,
        %parallel_loop3A_405 = arith.constant 26 : i32
        %parallel_loop3A_406 = vector.broadcast %parallel_loop3A_405 : i32 to vector<16xi32>
        %parallel_loop3A_407 = arith.addi %parallel_loop3A_194, %parallel_loop3A_406 : vector<16xi32>
        %parallel_loop3A_408 = tpu.vector_load_idx %arg9[%parallel_loop3A_196, %parallel_loop3A_407] : memref<256x128xf32, #tpu.memory_space<vmem>>[vector<16xi32>, vector<16xi32>], vector<16xf32>,
        %parallel_loop3A_409 = arith.constant 26 : i32
        %parallel_loop3A_410 = arith.index_cast %parallel_loop3A_409 : i32 to index
        %parallel_loop3A_411 = arith.index_cast %parallel_loop3A_186 : i32 to index
        %parallel_loop3A_412 = tpu.vector_load %arg11[%parallel_loop3A_410, %parallel_loop3A_411] {strides = array<i32>} : memref<32x256xf32, #tpu.memory_space<vmem>>, vector<16xf32>,
        tpu.vector_store %arg11[%parallel_loop3A_410, %parallel_loop3A_411], %parallel_loop3A_408 {strides = array<i32>} : memref<32x256xf32, #tpu.memory_space<vmem>>, vector<16xf32>,
        %parallel_loop3A_413 = arith.constant 27 : i32
        %parallel_loop3A_414 = vector.broadcast %parallel_loop3A_413 : i32 to vector<16xi32>
        %parallel_loop3A_415 = arith.addi %parallel_loop3A_194, %parallel_loop3A_414 : vector<16xi32>
        %parallel_loop3A_416 = tpu.vector_load_idx %arg9[%parallel_loop3A_196, %parallel_loop3A_415] : memref<256x128xf32, #tpu.memory_space<vmem>>[vector<16xi32>, vector<16xi32>], vector<16xf32>,
        %parallel_loop3A_417 = arith.constant 27 : i32
        %parallel_loop3A_418 = arith.index_cast %parallel_loop3A_417 : i32 to index
        %parallel_loop3A_419 = arith.index_cast %parallel_loop3A_186 : i32 to index
        %parallel_loop3A_420 = tpu.vector_load %arg11[%parallel_loop3A_418, %parallel_loop3A_419] {strides = array<i32>} : memref<32x256xf32, #tpu.memory_space<vmem>>, vector<16xf32>,
        tpu.vector_store %arg11[%parallel_loop3A_418, %parallel_loop3A_419], %parallel_loop3A_416 {strides = array<i32>} : memref<32x256xf32, #tpu.memory_space<vmem>>, vector<16xf32>,
        %parallel_loop3A_421 = arith.constant 28 : i32
        %parallel_loop3A_422 = vector.broadcast %parallel_loop3A_421 : i32 to vector<16xi32>
        %parallel_loop3A_423 = arith.addi %parallel_loop3A_194, %parallel_loop3A_422 : vector<16xi32>
        %parallel_loop3A_424 = tpu.vector_load_idx %arg9[%parallel_loop3A_196, %parallel_loop3A_423] : memref<256x128xf32, #tpu.memory_space<vmem>>[vector<16xi32>, vector<16xi32>], vector<16xf32>,
        %parallel_loop3A_425 = arith.constant 28 : i32
        %parallel_loop3A_426 = arith.index_cast %parallel_loop3A_425 : i32 to index
        %parallel_loop3A_427 = arith.index_cast %parallel_loop3A_186 : i32 to index
        %parallel_loop3A_428 = tpu.vector_load %arg11[%parallel_loop3A_426, %parallel_loop3A_427] {strides = array<i32>} : memref<32x256xf32, #tpu.memory_space<vmem>>, vector<16xf32>,
        tpu.vector_store %arg11[%parallel_loop3A_426, %parallel_loop3A_427], %parallel_loop3A_424 {strides = array<i32>} : memref<32x256xf32, #tpu.memory_space<vmem>>, vector<16xf32>,
        %parallel_loop3A_429 = arith.constant 29 : i32
        %parallel_loop3A_430 = vector.broadcast %parallel_loop3A_429 : i32 to vector<16xi32>
        %parallel_loop3A_431 = arith.addi %parallel_loop3A_194, %parallel_loop3A_430 : vector<16xi32>
        %parallel_loop3A_432 = tpu.vector_load_idx %arg9[%parallel_loop3A_196, %parallel_loop3A_431] : memref<256x128xf32, #tpu.memory_space<vmem>>[vector<16xi32>, vector<16xi32>], vector<16xf32>,
        %parallel_loop3A_433 = arith.constant 29 : i32
        %parallel_loop3A_434 = arith.index_cast %parallel_loop3A_433 : i32 to index
        %parallel_loop3A_435 = arith.index_cast %parallel_loop3A_186 : i32 to index
        %parallel_loop3A_436 = tpu.vector_load %arg11[%parallel_loop3A_434, %parallel_loop3A_435] {strides = array<i32>} : memref<32x256xf32, #tpu.memory_space<vmem>>, vector<16xf32>,
        tpu.vector_store %arg11[%parallel_loop3A_434, %parallel_loop3A_435], %parallel_loop3A_432 {strides = array<i32>} : memref<32x256xf32, #tpu.memory_space<vmem>>, vector<16xf32>,
        %parallel_loop3A_437 = arith.constant 30 : i32
        %parallel_loop3A_438 = vector.broadcast %parallel_loop3A_437 : i32 to vector<16xi32>
        %parallel_loop3A_439 = arith.addi %parallel_loop3A_194, %parallel_loop3A_438 : vector<16xi32>
        %parallel_loop3A_440 = tpu.vector_load_idx %arg9[%parallel_loop3A_196, %parallel_loop3A_439] : memref<256x128xf32, #tpu.memory_space<vmem>>[vector<16xi32>, vector<16xi32>], vector<16xf32>,
        %parallel_loop3A_441 = arith.constant 30 : i32
        %parallel_loop3A_442 = arith.index_cast %parallel_loop3A_441 : i32 to index
        %parallel_loop3A_443 = arith.index_cast %parallel_loop3A_186 : i32 to index
        %parallel_loop3A_444 = tpu.vector_load %arg11[%parallel_loop3A_442, %parallel_loop3A_443] {strides = array<i32>} : memref<32x256xf32, #tpu.memory_space<vmem>>, vector<16xf32>,
        tpu.vector_store %arg11[%parallel_loop3A_442, %parallel_loop3A_443], %parallel_loop3A_440 {strides = array<i32>} : memref<32x256xf32, #tpu.memory_space<vmem>>, vector<16xf32>,
        %parallel_loop3A_445 = arith.constant 31 : i32
        %parallel_loop3A_446 = vector.broadcast %parallel_loop3A_445 : i32 to vector<16xi32>
        %parallel_loop3A_447 = arith.addi %parallel_loop3A_194, %parallel_loop3A_446 : vector<16xi32>
        %parallel_loop3A_448 = tpu.vector_load_idx %arg9[%parallel_loop3A_196, %parallel_loop3A_447] : memref<256x128xf32, #tpu.memory_space<vmem>>[vector<16xi32>, vector<16xi32>], vector<16xf32>,
        %parallel_loop3A_449 = arith.constant 31 : i32
        %parallel_loop3A_450 = arith.index_cast %parallel_loop3A_449 : i32 to index
        %parallel_loop3A_451 = arith.index_cast %parallel_loop3A_186 : i32 to index
        %parallel_loop3A_452 = tpu.vector_load %arg11[%parallel_loop3A_450, %parallel_loop3A_451] {strides = array<i32>} : memref<32x256xf32, #tpu.memory_space<vmem>>, vector<16xf32>,
        tpu.vector_store %arg11[%parallel_loop3A_450, %parallel_loop3A_451], %parallel_loop3A_448 {strides = array<i32>} : memref<32x256xf32, #tpu.memory_space<vmem>>, vector<16xf32>,
      } {sc.loop_unroll_factor = 1 : i64, sc.parallel_access}
      %add3A_132 = arith.constant 0 : i32
      %add3A_133 = arith.addi %mul3A_2, %add3A_132 : i32
      %dma_start3A_134 = arith.constant 0 : i32
      %dma_start3A_135 = tpu.memref_slice %arg4[%add3A_109, %dma_start3A_134, %add3A_133] : memref<50x32x16384xf32, #tpu.memory_space<hbm>> -> memref<1x32x256xf32, #tpu.memory_space<hbm>>
      %dma_start3A_136 = tpu.memref_squeeze %dma_start3A_135 : memref<1x32x256xf32, #tpu.memory_space<hbm>> -> memref<32x256xf32, #tpu.memory_space<hbm>>
      %dma_start3A_137 = arith.constant 0 : i32
      %dma_start3A_138 = tpu.memref_slice %arg4[%add3A_109, %dma_start3A_137, %add3A_133] : memref<50x32x16384xf32, #tpu.memory_space<hbm>> -> memref<1x32x256xf32, #tpu.memory_space<hbm>>
      %dma_start3A_139 = tpu.memref_squeeze %dma_start3A_138 : memref<1x32x256xf32, #tpu.memory_space<hbm>> -> memref<32x256xf32, #tpu.memory_space<hbm>>
      tpu.enqueue_dma source(%arg11 : memref<32x256xf32, #tpu.memory_space<vmem>>) target(%dma_start3A_139 : memref<32x256xf32, #tpu.memory_space<hbm>>) target_semaphore(%arg17 : memref<!tpu.dma_semaphore, #tpu.memory_space<semaphore_mem>>)
      %lt3A = arith.constant 49 : i32
      %lt3A_140 = arith.cmpi slt, %add3A_109, %lt3A : i32
      %convert_element_type3A_141 = arith.extui %lt3A_140 : i1 to i32
      %cond3A_142 = arith.constant 0 : i32
      %cond3A_143 = arith.cmpi ne, %convert_element_type3A_141, %cond3A_142 : i32
      scf.if %cond3A_143 {
        %add3A_184 = arith.constant 1 : i32
        %add3A_185 = arith.addi %add3A_109, %add3A_184 : i32
        %add3A_186 = arith.constant 0 : i32
        %add3A_187 = arith.addi %mul3A_2, %add3A_186 : i32
        %dma_start3A_188 = tpu.memref_slice %arg3[%add3A_185, %add3A_187] : memref<50x16384xi32, #tpu.memory_space<hbm>> -> memref<1x256xi32, #tpu.memory_space<hbm>>
        %dma_start3A_189 = tpu.memref_squeeze %dma_start3A_188 : memref<1x256xi32, #tpu.memory_space<hbm>> -> memref<256xi32, #tpu.memory_space<hbm>>
        %dma_start3A_190 = tpu.memref_slice %arg3[%add3A_185, %add3A_187] : memref<50x16384xi32, #tpu.memory_space<hbm>> -> memref<1x256xi32, #tpu.memory_space<hbm>>
        %dma_start3A_191 = tpu.memref_squeeze %dma_start3A_190 : memref<1x256xi32, #tpu.memory_space<hbm>> -> memref<256xi32, #tpu.memory_space<hbm>>
        tpu.enqueue_dma source(%dma_start3A_191 : memref<256xi32, #tpu.memory_space<hbm>>) target(%arg5 : memref<256xi32, #tpu.memory_space<vmem>>) target_semaphore(%arg13 : memref<!tpu.dma_semaphore, #tpu.memory_space<semaphore_mem>>)
      } else {
      }
      %add3A_144 = arith.constant 1 : i32
      %add3A_145 = arith.addi %add3A_109, %add3A_144 : i32
      %add3A_146 = arith.constant 0 : i32
      %add3A_147 = arith.addi %mul3A_2, %add3A_146 : i32
      %dma_wait3A_148 = tpu.memref_slice %arg3[%add3A_145, %add3A_147] : memref<50x16384xi32, #tpu.memory_space<hbm>> -> memref<1x256xi32, #tpu.memory_space<hbm>>
      %dma_wait3A_149 = tpu.memref_squeeze %dma_wait3A_148 : memref<1x256xi32, #tpu.memory_space<hbm>> -> memref<256xi32, #tpu.memory_space<hbm>>
      %dma_wait3A_150 = tpu.memref_slice %arg3[%add3A_145, %add3A_147] : memref<50x16384xi32, #tpu.memory_space<hbm>> -> memref<1x256xi32, #tpu.memory_space<hbm>>
      %dma_wait3A_151 = tpu.memref_squeeze %dma_wait3A_150 : memref<1x256xi32, #tpu.memory_space<hbm>> -> memref<256xi32, #tpu.memory_space<hbm>>
      tpu.wait_dma2 semaphore(%arg13 : memref<!tpu.dma_semaphore, #tpu.memory_space<semaphore_mem>>) src(%dma_wait3A_151 : memref<256xi32, #tpu.memory_space<hbm>>) dst(%arg5 : memref<256xi32, #tpu.memory_space<vmem>>)
      %scan3A_152 = arith.constant 0 : i32
      %scan3A_153 = arith.constant 16 : i32
      %scan3A_154 = arith.addi %scan3A_152, %scan3A_153 : i32
      %scan3A_155 = arith.constant 1 : i32
      scf.for %scan3A_184 = %scan3A_152 to %scan3A_154 step %scan3A_155  : i32 {
        %mul3A_185 = arith.constant 1 : i32
        %mul3A_186 = arith.muli %scan3A_184, %mul3A_185 : i32
        %add3A_187 = arith.constant 0 : i32
        %add3A_188 = arith.addi %add3A_187, %mul3A_186 : i32
        %mul3A_189 = arith.constant 16 : i32
        %mul3A_190 = arith.muli %add3A_188, %mul3A_189 : i32
        %get3A = arith.index_cast %mul3A_190 : i32 to index
        %get3A_191 = tpu.vector_load %arg5[%get3A] {strides = array<i32>} : memref<256xi32, #tpu.memory_space<vmem>>, vector<16xi32>,
        %shift_right_arithmetic3A = arith.constant 2 : i32
        %shift_right_arithmetic3A_192 = vector.broadcast %shift_right_arithmetic3A : i32 to vector<16xi32>
        %shift_right_arithmetic3A_193 = arith.shrsi %get3A_191, %shift_right_arithmetic3A_192 : vector<16xi32>
        %swap3A = arith.index_cast %mul3A_190 : i32 to index
        %swap3A_194 = tpu.vector_load %arg7[%swap3A] {strides = array<i32>} : memref<256xi32, #tpu.memory_space<vmem>>, vector<16xi32>,
        tpu.vector_store %arg7[%swap3A], %shift_right_arithmetic3A_193 {strides = array<i32>} : memref<256xi32, #tpu.memory_space<vmem>>, vector<16xi32>,
      }
      %scan3A_156 = arith.constant 16 : i32
      %gt3A_157 = arith.constant 0 : i32
      %gt3A_158 = arith.cmpi sgt, %add3A_145, %gt3A_157 : i32
      %convert_element_type3A_159 = arith.extui %gt3A_158 : i1 to i32
      %cond3A_160 = arith.constant 0 : i32
      %cond3A_161 = arith.cmpi ne, %convert_element_type3A_159, %cond3A_160 : i32
      scf.if %cond3A_161 {
        %sub3A = arith.constant 1 : i32
        %sub3A_184 = arith.subi %add3A_145, %sub3A : i32
        %add3A_185 = arith.constant 0 : i32
        %add3A_186 = arith.addi %mul3A_2, %add3A_185 : i32
        %dma_wait3A_187 = arith.constant 0 : i32
        %dma_wait3A_188 = tpu.memref_slice %arg4[%sub3A_184, %dma_wait3A_187, %add3A_186] : memref<50x32x16384xf32, #tpu.memory_space<hbm>> -> memref<1x32x256xf32, #tpu.memory_space<hbm>>
        %dma_wait3A_189 = tpu.memref_squeeze %dma_wait3A_188 : memref<1x32x256xf32, #tpu.memory_space<hbm>> -> memref<32x256xf32, #tpu.memory_space<hbm>>
        %dma_wait3A_190 = arith.constant 0 : i32
        %dma_wait3A_191 = tpu.memref_slice %arg4[%sub3A_184, %dma_wait3A_190, %add3A_186] : memref<50x32x16384xf32, #tpu.memory_space<hbm>> -> memref<1x32x256xf32, #tpu.memory_space<hbm>>
        %dma_wait3A_192 = tpu.memref_squeeze %dma_wait3A_191 : memref<1x32x256xf32, #tpu.memory_space<hbm>> -> memref<32x256xf32, #tpu.memory_space<hbm>>
        tpu.wait_dma2 semaphore(%arg17 : memref<!tpu.dma_semaphore, #tpu.memory_space<semaphore_mem>>) src(%arg11 : memref<32x256xf32, #tpu.memory_space<vmem>>) dst(%dma_wait3A_192 : memref<32x256xf32, #tpu.memory_space<hbm>>)
      } else {
      }
      %dma_start3A_162 = arith.constant 0 : i32
      %dma_start3A_163 = arith.constant 0 : i32
      %dma_start3A_164 = tpu.memref_slice %arg2[%dma_start3A_162, %dma_start3A_163] : memref<250000x128xf32, #tpu.memory_space<hbm>> -> memref<250000x128xf32, #tpu.memory_space<hbm>>
      tpu.enqueue_indirect_dma source(%dma_start3A_164 : memref<250000x128xf32, #tpu.memory_space<hbm>>) target(%arg9 : memref<256x128xf32, #tpu.memory_space<vmem>>) offsets(%arg7 : memref<256xi32, #tpu.memory_space<vmem>>) semaphore(%arg15 : memref<!tpu.dma_semaphore, #tpu.memory_space<semaphore_mem>>)
      %dma_wait3A_165 = arith.constant 0 : i32
      %dma_wait3A_166 = arith.constant 0 : i32
      %dma_wait3A_167 = tpu.memref_slice %arg2[%dma_wait3A_165, %dma_wait3A_166] : memref<250000x128xf32, #tpu.memory_space<hbm>> -> memref<250000x128xf32, #tpu.memory_space<hbm>>
      tpu.wait_indirect_dma semaphore(%arg16 : memref<!tpu.dma_semaphore, #tpu.memory_space<semaphore_mem>>) src(%dma_wait3A_167 : memref<250000x128xf32, #tpu.memory_space<hbm>>) dst(%arg10 : memref<256x128xf32, #tpu.memory_space<vmem>>)
      %parallel_loop3A_168 = arith.constant 0 : i32
      %parallel_loop3A_169 = arith.constant 16 : i32
      %parallel_loop3A_170 = arith.constant 1 : i32
      scf.for %parallel_loop3A_184 = %parallel_loop3A_168 to %parallel_loop3A_169 step %parallel_loop3A_170  : i32 {
        %parallel_loop3A_185 = arith.constant 16 : i32
        %parallel_loop3A_186 = arith.muli %parallel_loop3A_184, %parallel_loop3A_185 : i32
        %parallel_loop3A_187 = arith.index_cast %parallel_loop3A_186 : i32 to index
        %parallel_loop3A_188 = tpu.vector_load %arg6[%parallel_loop3A_187] {strides = array<i32>} : memref<256xi32, #tpu.memory_space<vmem>>, vector<16xi32>,
        %parallel_loop3A_189 = arith.constant 3 : i32
        %parallel_loop3A_190 = vector.broadcast %parallel_loop3A_189 : i32 to vector<16xi32>
        %parallel_loop3A_191 = arith.andi %parallel_loop3A_188, %parallel_loop3A_190 : vector<16xi32>
        %parallel_loop3A_192 = arith.constant 5 : i32
        %parallel_loop3A_193 = vector.broadcast %parallel_loop3A_192 : i32 to vector<16xi32>
        %parallel_loop3A_194 = arith.shli %parallel_loop3A_191, %parallel_loop3A_193 : vector<16xi32>
        %parallel_loop3A_195 = vector.broadcast %parallel_loop3A_186 : i32 to vector<16xi32>
        %parallel_loop3A_196 = arith.addi %parallel_loop3A_195, %iota3A : vector<16xi32>
        %parallel_loop3A_197 = arith.constant 0 : i32
        %parallel_loop3A_198 = vector.broadcast %parallel_loop3A_197 : i32 to vector<16xi32>
        %parallel_loop3A_199 = arith.addi %parallel_loop3A_194, %parallel_loop3A_198 : vector<16xi32>
        %parallel_loop3A_200 = tpu.vector_load_idx %arg10[%parallel_loop3A_196, %parallel_loop3A_199] : memref<256x128xf32, #tpu.memory_space<vmem>>[vector<16xi32>, vector<16xi32>], vector<16xf32>,
        %parallel_loop3A_201 = arith.constant 0 : i32
        %parallel_loop3A_202 = arith.index_cast %parallel_loop3A_201 : i32 to index
        %parallel_loop3A_203 = arith.index_cast %parallel_loop3A_186 : i32 to index
        %parallel_loop3A_204 = tpu.vector_load %arg12[%parallel_loop3A_202, %parallel_loop3A_203] {strides = array<i32>} : memref<32x256xf32, #tpu.memory_space<vmem>>, vector<16xf32>,
        tpu.vector_store %arg12[%parallel_loop3A_202, %parallel_loop3A_203], %parallel_loop3A_200 {strides = array<i32>} : memref<32x256xf32, #tpu.memory_space<vmem>>, vector<16xf32>,
        %parallel_loop3A_205 = arith.constant 1 : i32
        %parallel_loop3A_206 = vector.broadcast %parallel_loop3A_205 : i32 to vector<16xi32>
        %parallel_loop3A_207 = arith.addi %parallel_loop3A_194, %parallel_loop3A_206 : vector<16xi32>
        %parallel_loop3A_208 = tpu.vector_load_idx %arg10[%parallel_loop3A_196, %parallel_loop3A_207] : memref<256x128xf32, #tpu.memory_space<vmem>>[vector<16xi32>, vector<16xi32>], vector<16xf32>,
        %parallel_loop3A_209 = arith.constant 1 : i32
        %parallel_loop3A_210 = arith.index_cast %parallel_loop3A_209 : i32 to index
        %parallel_loop3A_211 = arith.index_cast %parallel_loop3A_186 : i32 to index
        %parallel_loop3A_212 = tpu.vector_load %arg12[%parallel_loop3A_210, %parallel_loop3A_211] {strides = array<i32>} : memref<32x256xf32, #tpu.memory_space<vmem>>, vector<16xf32>,
        tpu.vector_store %arg12[%parallel_loop3A_210, %parallel_loop3A_211], %parallel_loop3A_208 {strides = array<i32>} : memref<32x256xf32, #tpu.memory_space<vmem>>, vector<16xf32>,
        %parallel_loop3A_213 = arith.constant 2 : i32
        %parallel_loop3A_214 = vector.broadcast %parallel_loop3A_213 : i32 to vector<16xi32>
        %parallel_loop3A_215 = arith.addi %parallel_loop3A_194, %parallel_loop3A_214 : vector<16xi32>
        %parallel_loop3A_216 = tpu.vector_load_idx %arg10[%parallel_loop3A_196, %parallel_loop3A_215] : memref<256x128xf32, #tpu.memory_space<vmem>>[vector<16xi32>, vector<16xi32>], vector<16xf32>,
        %parallel_loop3A_217 = arith.constant 2 : i32
        %parallel_loop3A_218 = arith.index_cast %parallel_loop3A_217 : i32 to index
        %parallel_loop3A_219 = arith.index_cast %parallel_loop3A_186 : i32 to index
        %parallel_loop3A_220 = tpu.vector_load %arg12[%parallel_loop3A_218, %parallel_loop3A_219] {strides = array<i32>} : memref<32x256xf32, #tpu.memory_space<vmem>>, vector<16xf32>,
        tpu.vector_store %arg12[%parallel_loop3A_218, %parallel_loop3A_219], %parallel_loop3A_216 {strides = array<i32>} : memref<32x256xf32, #tpu.memory_space<vmem>>, vector<16xf32>,
        %parallel_loop3A_221 = arith.constant 3 : i32
        %parallel_loop3A_222 = vector.broadcast %parallel_loop3A_221 : i32 to vector<16xi32>
        %parallel_loop3A_223 = arith.addi %parallel_loop3A_194, %parallel_loop3A_222 : vector<16xi32>
        %parallel_loop3A_224 = tpu.vector_load_idx %arg10[%parallel_loop3A_196, %parallel_loop3A_223] : memref<256x128xf32, #tpu.memory_space<vmem>>[vector<16xi32>, vector<16xi32>], vector<16xf32>,
        %parallel_loop3A_225 = arith.constant 3 : i32
        %parallel_loop3A_226 = arith.index_cast %parallel_loop3A_225 : i32 to index
        %parallel_loop3A_227 = arith.index_cast %parallel_loop3A_186 : i32 to index
        %parallel_loop3A_228 = tpu.vector_load %arg12[%parallel_loop3A_226, %parallel_loop3A_227] {strides = array<i32>} : memref<32x256xf32, #tpu.memory_space<vmem>>, vector<16xf32>,
        tpu.vector_store %arg12[%parallel_loop3A_226, %parallel_loop3A_227], %parallel_loop3A_224 {strides = array<i32>} : memref<32x256xf32, #tpu.memory_space<vmem>>, vector<16xf32>,
        %parallel_loop3A_229 = arith.constant 4 : i32
        %parallel_loop3A_230 = vector.broadcast %parallel_loop3A_229 : i32 to vector<16xi32>
        %parallel_loop3A_231 = arith.addi %parallel_loop3A_194, %parallel_loop3A_230 : vector<16xi32>
        %parallel_loop3A_232 = tpu.vector_load_idx %arg10[%parallel_loop3A_196, %parallel_loop3A_231] : memref<256x128xf32, #tpu.memory_space<vmem>>[vector<16xi32>, vector<16xi32>], vector<16xf32>,
        %parallel_loop3A_233 = arith.constant 4 : i32
        %parallel_loop3A_234 = arith.index_cast %parallel_loop3A_233 : i32 to index
        %parallel_loop3A_235 = arith.index_cast %parallel_loop3A_186 : i32 to index
        %parallel_loop3A_236 = tpu.vector_load %arg12[%parallel_loop3A_234, %parallel_loop3A_235] {strides = array<i32>} : memref<32x256xf32, #tpu.memory_space<vmem>>, vector<16xf32>,
        tpu.vector_store %arg12[%parallel_loop3A_234, %parallel_loop3A_235], %parallel_loop3A_232 {strides = array<i32>} : memref<32x256xf32, #tpu.memory_space<vmem>>, vector<16xf32>,
        %parallel_loop3A_237 = arith.constant 5 : i32
        %parallel_loop3A_238 = vector.broadcast %parallel_loop3A_237 : i32 to vector<16xi32>
        %parallel_loop3A_239 = arith.addi %parallel_loop3A_194, %parallel_loop3A_238 : vector<16xi32>
        %parallel_loop3A_240 = tpu.vector_load_idx %arg10[%parallel_loop3A_196, %parallel_loop3A_239] : memref<256x128xf32, #tpu.memory_space<vmem>>[vector<16xi32>, vector<16xi32>], vector<16xf32>,
        %parallel_loop3A_241 = arith.constant 5 : i32
        %parallel_loop3A_242 = arith.index_cast %parallel_loop3A_241 : i32 to index
        %parallel_loop3A_243 = arith.index_cast %parallel_loop3A_186 : i32 to index
        %parallel_loop3A_244 = tpu.vector_load %arg12[%parallel_loop3A_242, %parallel_loop3A_243] {strides = array<i32>} : memref<32x256xf32, #tpu.memory_space<vmem>>, vector<16xf32>,
        tpu.vector_store %arg12[%parallel_loop3A_242, %parallel_loop3A_243], %parallel_loop3A_240 {strides = array<i32>} : memref<32x256xf32, #tpu.memory_space<vmem>>, vector<16xf32>,
        %parallel_loop3A_245 = arith.constant 6 : i32
        %parallel_loop3A_246 = vector.broadcast %parallel_loop3A_245 : i32 to vector<16xi32>
        %parallel_loop3A_247 = arith.addi %parallel_loop3A_194, %parallel_loop3A_246 : vector<16xi32>
        %parallel_loop3A_248 = tpu.vector_load_idx %arg10[%parallel_loop3A_196, %parallel_loop3A_247] : memref<256x128xf32, #tpu.memory_space<vmem>>[vector<16xi32>, vector<16xi32>], vector<16xf32>,
        %parallel_loop3A_249 = arith.constant 6 : i32
        %parallel_loop3A_250 = arith.index_cast %parallel_loop3A_249 : i32 to index
        %parallel_loop3A_251 = arith.index_cast %parallel_loop3A_186 : i32 to index
        %parallel_loop3A_252 = tpu.vector_load %arg12[%parallel_loop3A_250, %parallel_loop3A_251] {strides = array<i32>} : memref<32x256xf32, #tpu.memory_space<vmem>>, vector<16xf32>,
        tpu.vector_store %arg12[%parallel_loop3A_250, %parallel_loop3A_251], %parallel_loop3A_248 {strides = array<i32>} : memref<32x256xf32, #tpu.memory_space<vmem>>, vector<16xf32>,
        %parallel_loop3A_253 = arith.constant 7 : i32
        %parallel_loop3A_254 = vector.broadcast %parallel_loop3A_253 : i32 to vector<16xi32>
        %parallel_loop3A_255 = arith.addi %parallel_loop3A_194, %parallel_loop3A_254 : vector<16xi32>
        %parallel_loop3A_256 = tpu.vector_load_idx %arg10[%parallel_loop3A_196, %parallel_loop3A_255] : memref<256x128xf32, #tpu.memory_space<vmem>>[vector<16xi32>, vector<16xi32>], vector<16xf32>,
        %parallel_loop3A_257 = arith.constant 7 : i32
        %parallel_loop3A_258 = arith.index_cast %parallel_loop3A_257 : i32 to index
        %parallel_loop3A_259 = arith.index_cast %parallel_loop3A_186 : i32 to index
        %parallel_loop3A_260 = tpu.vector_load %arg12[%parallel_loop3A_258, %parallel_loop3A_259] {strides = array<i32>} : memref<32x256xf32, #tpu.memory_space<vmem>>, vector<16xf32>,
        tpu.vector_store %arg12[%parallel_loop3A_258, %parallel_loop3A_259], %parallel_loop3A_256 {strides = array<i32>} : memref<32x256xf32, #tpu.memory_space<vmem>>, vector<16xf32>,
        %parallel_loop3A_261 = arith.constant 8 : i32
        %parallel_loop3A_262 = vector.broadcast %parallel_loop3A_261 : i32 to vector<16xi32>
        %parallel_loop3A_263 = arith.addi %parallel_loop3A_194, %parallel_loop3A_262 : vector<16xi32>
        %parallel_loop3A_264 = tpu.vector_load_idx %arg10[%parallel_loop3A_196, %parallel_loop3A_263] : memref<256x128xf32, #tpu.memory_space<vmem>>[vector<16xi32>, vector<16xi32>], vector<16xf32>,
        %parallel_loop3A_265 = arith.constant 8 : i32
        %parallel_loop3A_266 = arith.index_cast %parallel_loop3A_265 : i32 to index
        %parallel_loop3A_267 = arith.index_cast %parallel_loop3A_186 : i32 to index
        %parallel_loop3A_268 = tpu.vector_load %arg12[%parallel_loop3A_266, %parallel_loop3A_267] {strides = array<i32>} : memref<32x256xf32, #tpu.memory_space<vmem>>, vector<16xf32>,
        tpu.vector_store %arg12[%parallel_loop3A_266, %parallel_loop3A_267], %parallel_loop3A_264 {strides = array<i32>} : memref<32x256xf32, #tpu.memory_space<vmem>>, vector<16xf32>,
        %parallel_loop3A_269 = arith.constant 9 : i32
        %parallel_loop3A_270 = vector.broadcast %parallel_loop3A_269 : i32 to vector<16xi32>
        %parallel_loop3A_271 = arith.addi %parallel_loop3A_194, %parallel_loop3A_270 : vector<16xi32>
        %parallel_loop3A_272 = tpu.vector_load_idx %arg10[%parallel_loop3A_196, %parallel_loop3A_271] : memref<256x128xf32, #tpu.memory_space<vmem>>[vector<16xi32>, vector<16xi32>], vector<16xf32>,
        %parallel_loop3A_273 = arith.constant 9 : i32
        %parallel_loop3A_274 = arith.index_cast %parallel_loop3A_273 : i32 to index
        %parallel_loop3A_275 = arith.index_cast %parallel_loop3A_186 : i32 to index
        %parallel_loop3A_276 = tpu.vector_load %arg12[%parallel_loop3A_274, %parallel_loop3A_275] {strides = array<i32>} : memref<32x256xf32, #tpu.memory_space<vmem>>, vector<16xf32>,
        tpu.vector_store %arg12[%parallel_loop3A_274, %parallel_loop3A_275], %parallel_loop3A_272 {strides = array<i32>} : memref<32x256xf32, #tpu.memory_space<vmem>>, vector<16xf32>,
        %parallel_loop3A_277 = arith.constant 10 : i32
        %parallel_loop3A_278 = vector.broadcast %parallel_loop3A_277 : i32 to vector<16xi32>
        %parallel_loop3A_279 = arith.addi %parallel_loop3A_194, %parallel_loop3A_278 : vector<16xi32>
        %parallel_loop3A_280 = tpu.vector_load_idx %arg10[%parallel_loop3A_196, %parallel_loop3A_279] : memref<256x128xf32, #tpu.memory_space<vmem>>[vector<16xi32>, vector<16xi32>], vector<16xf32>,
        %parallel_loop3A_281 = arith.constant 10 : i32
        %parallel_loop3A_282 = arith.index_cast %parallel_loop3A_281 : i32 to index
        %parallel_loop3A_283 = arith.index_cast %parallel_loop3A_186 : i32 to index
        %parallel_loop3A_284 = tpu.vector_load %arg12[%parallel_loop3A_282, %parallel_loop3A_283] {strides = array<i32>} : memref<32x256xf32, #tpu.memory_space<vmem>>, vector<16xf32>,
        tpu.vector_store %arg12[%parallel_loop3A_282, %parallel_loop3A_283], %parallel_loop3A_280 {strides = array<i32>} : memref<32x256xf32, #tpu.memory_space<vmem>>, vector<16xf32>,
        %parallel_loop3A_285 = arith.constant 11 : i32
        %parallel_loop3A_286 = vector.broadcast %parallel_loop3A_285 : i32 to vector<16xi32>
        %parallel_loop3A_287 = arith.addi %parallel_loop3A_194, %parallel_loop3A_286 : vector<16xi32>
        %parallel_loop3A_288 = tpu.vector_load_idx %arg10[%parallel_loop3A_196, %parallel_loop3A_287] : memref<256x128xf32, #tpu.memory_space<vmem>>[vector<16xi32>, vector<16xi32>], vector<16xf32>,
        %parallel_loop3A_289 = arith.constant 11 : i32
        %parallel_loop3A_290 = arith.index_cast %parallel_loop3A_289 : i32 to index
        %parallel_loop3A_291 = arith.index_cast %parallel_loop3A_186 : i32 to index
        %parallel_loop3A_292 = tpu.vector_load %arg12[%parallel_loop3A_290, %parallel_loop3A_291] {strides = array<i32>} : memref<32x256xf32, #tpu.memory_space<vmem>>, vector<16xf32>,
        tpu.vector_store %arg12[%parallel_loop3A_290, %parallel_loop3A_291], %parallel_loop3A_288 {strides = array<i32>} : memref<32x256xf32, #tpu.memory_space<vmem>>, vector<16xf32>,
        %parallel_loop3A_293 = arith.constant 12 : i32
        %parallel_loop3A_294 = vector.broadcast %parallel_loop3A_293 : i32 to vector<16xi32>
        %parallel_loop3A_295 = arith.addi %parallel_loop3A_194, %parallel_loop3A_294 : vector<16xi32>
        %parallel_loop3A_296 = tpu.vector_load_idx %arg10[%parallel_loop3A_196, %parallel_loop3A_295] : memref<256x128xf32, #tpu.memory_space<vmem>>[vector<16xi32>, vector<16xi32>], vector<16xf32>,
        %parallel_loop3A_297 = arith.constant 12 : i32
        %parallel_loop3A_298 = arith.index_cast %parallel_loop3A_297 : i32 to index
        %parallel_loop3A_299 = arith.index_cast %parallel_loop3A_186 : i32 to index
        %parallel_loop3A_300 = tpu.vector_load %arg12[%parallel_loop3A_298, %parallel_loop3A_299] {strides = array<i32>} : memref<32x256xf32, #tpu.memory_space<vmem>>, vector<16xf32>,
        tpu.vector_store %arg12[%parallel_loop3A_298, %parallel_loop3A_299], %parallel_loop3A_296 {strides = array<i32>} : memref<32x256xf32, #tpu.memory_space<vmem>>, vector<16xf32>,
        %parallel_loop3A_301 = arith.constant 13 : i32
        %parallel_loop3A_302 = vector.broadcast %parallel_loop3A_301 : i32 to vector<16xi32>
        %parallel_loop3A_303 = arith.addi %parallel_loop3A_194, %parallel_loop3A_302 : vector<16xi32>
        %parallel_loop3A_304 = tpu.vector_load_idx %arg10[%parallel_loop3A_196, %parallel_loop3A_303] : memref<256x128xf32, #tpu.memory_space<vmem>>[vector<16xi32>, vector<16xi32>], vector<16xf32>,
        %parallel_loop3A_305 = arith.constant 13 : i32
        %parallel_loop3A_306 = arith.index_cast %parallel_loop3A_305 : i32 to index
        %parallel_loop3A_307 = arith.index_cast %parallel_loop3A_186 : i32 to index
        %parallel_loop3A_308 = tpu.vector_load %arg12[%parallel_loop3A_306, %parallel_loop3A_307] {strides = array<i32>} : memref<32x256xf32, #tpu.memory_space<vmem>>, vector<16xf32>,
        tpu.vector_store %arg12[%parallel_loop3A_306, %parallel_loop3A_307], %parallel_loop3A_304 {strides = array<i32>} : memref<32x256xf32, #tpu.memory_space<vmem>>, vector<16xf32>,
        %parallel_loop3A_309 = arith.constant 14 : i32
        %parallel_loop3A_310 = vector.broadcast %parallel_loop3A_309 : i32 to vector<16xi32>
        %parallel_loop3A_311 = arith.addi %parallel_loop3A_194, %parallel_loop3A_310 : vector<16xi32>
        %parallel_loop3A_312 = tpu.vector_load_idx %arg10[%parallel_loop3A_196, %parallel_loop3A_311] : memref<256x128xf32, #tpu.memory_space<vmem>>[vector<16xi32>, vector<16xi32>], vector<16xf32>,
        %parallel_loop3A_313 = arith.constant 14 : i32
        %parallel_loop3A_314 = arith.index_cast %parallel_loop3A_313 : i32 to index
        %parallel_loop3A_315 = arith.index_cast %parallel_loop3A_186 : i32 to index
        %parallel_loop3A_316 = tpu.vector_load %arg12[%parallel_loop3A_314, %parallel_loop3A_315] {strides = array<i32>} : memref<32x256xf32, #tpu.memory_space<vmem>>, vector<16xf32>,
        tpu.vector_store %arg12[%parallel_loop3A_314, %parallel_loop3A_315], %parallel_loop3A_312 {strides = array<i32>} : memref<32x256xf32, #tpu.memory_space<vmem>>, vector<16xf32>,
        %parallel_loop3A_317 = arith.constant 15 : i32
        %parallel_loop3A_318 = vector.broadcast %parallel_loop3A_317 : i32 to vector<16xi32>
        %parallel_loop3A_319 = arith.addi %parallel_loop3A_194, %parallel_loop3A_318 : vector<16xi32>
        %parallel_loop3A_320 = tpu.vector_load_idx %arg10[%parallel_loop3A_196, %parallel_loop3A_319] : memref<256x128xf32, #tpu.memory_space<vmem>>[vector<16xi32>, vector<16xi32>], vector<16xf32>,
        %parallel_loop3A_321 = arith.constant 15 : i32
        %parallel_loop3A_322 = arith.index_cast %parallel_loop3A_321 : i32 to index
        %parallel_loop3A_323 = arith.index_cast %parallel_loop3A_186 : i32 to index
        %parallel_loop3A_324 = tpu.vector_load %arg12[%parallel_loop3A_322, %parallel_loop3A_323] {strides = array<i32>} : memref<32x256xf32, #tpu.memory_space<vmem>>, vector<16xf32>,
        tpu.vector_store %arg12[%parallel_loop3A_322, %parallel_loop3A_323], %parallel_loop3A_320 {strides = array<i32>} : memref<32x256xf32, #tpu.memory_space<vmem>>, vector<16xf32>,
        %parallel_loop3A_325 = arith.constant 16 : i32
        %parallel_loop3A_326 = vector.broadcast %parallel_loop3A_325 : i32 to vector<16xi32>
        %parallel_loop3A_327 = arith.addi %parallel_loop3A_194, %parallel_loop3A_326 : vector<16xi32>
        %parallel_loop3A_328 = tpu.vector_load_idx %arg10[%parallel_loop3A_196, %parallel_loop3A_327] : memref<256x128xf32, #tpu.memory_space<vmem>>[vector<16xi32>, vector<16xi32>], vector<16xf32>,
        %parallel_loop3A_329 = arith.constant 16 : i32
        %parallel_loop3A_330 = arith.index_cast %parallel_loop3A_329 : i32 to index
        %parallel_loop3A_331 = arith.index_cast %parallel_loop3A_186 : i32 to index
        %parallel_loop3A_332 = tpu.vector_load %arg12[%parallel_loop3A_330, %parallel_loop3A_331] {strides = array<i32>} : memref<32x256xf32, #tpu.memory_space<vmem>>, vector<16xf32>,
        tpu.vector_store %arg12[%parallel_loop3A_330, %parallel_loop3A_331], %parallel_loop3A_328 {strides = array<i32>} : memref<32x256xf32, #tpu.memory_space<vmem>>, vector<16xf32>,
        %parallel_loop3A_333 = arith.constant 17 : i32
        %parallel_loop3A_334 = vector.broadcast %parallel_loop3A_333 : i32 to vector<16xi32>
        %parallel_loop3A_335 = arith.addi %parallel_loop3A_194, %parallel_loop3A_334 : vector<16xi32>
        %parallel_loop3A_336 = tpu.vector_load_idx %arg10[%parallel_loop3A_196, %parallel_loop3A_335] : memref<256x128xf32, #tpu.memory_space<vmem>>[vector<16xi32>, vector<16xi32>], vector<16xf32>,
        %parallel_loop3A_337 = arith.constant 17 : i32
        %parallel_loop3A_338 = arith.index_cast %parallel_loop3A_337 : i32 to index
        %parallel_loop3A_339 = arith.index_cast %parallel_loop3A_186 : i32 to index
        %parallel_loop3A_340 = tpu.vector_load %arg12[%parallel_loop3A_338, %parallel_loop3A_339] {strides = array<i32>} : memref<32x256xf32, #tpu.memory_space<vmem>>, vector<16xf32>,
        tpu.vector_store %arg12[%parallel_loop3A_338, %parallel_loop3A_339], %parallel_loop3A_336 {strides = array<i32>} : memref<32x256xf32, #tpu.memory_space<vmem>>, vector<16xf32>,
        %parallel_loop3A_341 = arith.constant 18 : i32
        %parallel_loop3A_342 = vector.broadcast %parallel_loop3A_341 : i32 to vector<16xi32>
        %parallel_loop3A_343 = arith.addi %parallel_loop3A_194, %parallel_loop3A_342 : vector<16xi32>
        %parallel_loop3A_344 = tpu.vector_load_idx %arg10[%parallel_loop3A_196, %parallel_loop3A_343] : memref<256x128xf32, #tpu.memory_space<vmem>>[vector<16xi32>, vector<16xi32>], vector<16xf32>,
        %parallel_loop3A_345 = arith.constant 18 : i32
        %parallel_loop3A_346 = arith.index_cast %parallel_loop3A_345 : i32 to index
        %parallel_loop3A_347 = arith.index_cast %parallel_loop3A_186 : i32 to index
        %parallel_loop3A_348 = tpu.vector_load %arg12[%parallel_loop3A_346, %parallel_loop3A_347] {strides = array<i32>} : memref<32x256xf32, #tpu.memory_space<vmem>>, vector<16xf32>,
        tpu.vector_store %arg12[%parallel_loop3A_346, %parallel_loop3A_347], %parallel_loop3A_344 {strides = array<i32>} : memref<32x256xf32, #tpu.memory_space<vmem>>, vector<16xf32>,
        %parallel_loop3A_349 = arith.constant 19 : i32
        %parallel_loop3A_350 = vector.broadcast %parallel_loop3A_349 : i32 to vector<16xi32>
        %parallel_loop3A_351 = arith.addi %parallel_loop3A_194, %parallel_loop3A_350 : vector<16xi32>
        %parallel_loop3A_352 = tpu.vector_load_idx %arg10[%parallel_loop3A_196, %parallel_loop3A_351] : memref<256x128xf32, #tpu.memory_space<vmem>>[vector<16xi32>, vector<16xi32>], vector<16xf32>,
        %parallel_loop3A_353 = arith.constant 19 : i32
        %parallel_loop3A_354 = arith.index_cast %parallel_loop3A_353 : i32 to index
        %parallel_loop3A_355 = arith.index_cast %parallel_loop3A_186 : i32 to index
        %parallel_loop3A_356 = tpu.vector_load %arg12[%parallel_loop3A_354, %parallel_loop3A_355] {strides = array<i32>} : memref<32x256xf32, #tpu.memory_space<vmem>>, vector<16xf32>,
        tpu.vector_store %arg12[%parallel_loop3A_354, %parallel_loop3A_355], %parallel_loop3A_352 {strides = array<i32>} : memref<32x256xf32, #tpu.memory_space<vmem>>, vector<16xf32>,
        %parallel_loop3A_357 = arith.constant 20 : i32
        %parallel_loop3A_358 = vector.broadcast %parallel_loop3A_357 : i32 to vector<16xi32>
        %parallel_loop3A_359 = arith.addi %parallel_loop3A_194, %parallel_loop3A_358 : vector<16xi32>
        %parallel_loop3A_360 = tpu.vector_load_idx %arg10[%parallel_loop3A_196, %parallel_loop3A_359] : memref<256x128xf32, #tpu.memory_space<vmem>>[vector<16xi32>, vector<16xi32>], vector<16xf32>,
        %parallel_loop3A_361 = arith.constant 20 : i32
        %parallel_loop3A_362 = arith.index_cast %parallel_loop3A_361 : i32 to index
        %parallel_loop3A_363 = arith.index_cast %parallel_loop3A_186 : i32 to index
        %parallel_loop3A_364 = tpu.vector_load %arg12[%parallel_loop3A_362, %parallel_loop3A_363] {strides = array<i32>} : memref<32x256xf32, #tpu.memory_space<vmem>>, vector<16xf32>,
        tpu.vector_store %arg12[%parallel_loop3A_362, %parallel_loop3A_363], %parallel_loop3A_360 {strides = array<i32>} : memref<32x256xf32, #tpu.memory_space<vmem>>, vector<16xf32>,
        %parallel_loop3A_365 = arith.constant 21 : i32
        %parallel_loop3A_366 = vector.broadcast %parallel_loop3A_365 : i32 to vector<16xi32>
        %parallel_loop3A_367 = arith.addi %parallel_loop3A_194, %parallel_loop3A_366 : vector<16xi32>
        %parallel_loop3A_368 = tpu.vector_load_idx %arg10[%parallel_loop3A_196, %parallel_loop3A_367] : memref<256x128xf32, #tpu.memory_space<vmem>>[vector<16xi32>, vector<16xi32>], vector<16xf32>,
        %parallel_loop3A_369 = arith.constant 21 : i32
        %parallel_loop3A_370 = arith.index_cast %parallel_loop3A_369 : i32 to index
        %parallel_loop3A_371 = arith.index_cast %parallel_loop3A_186 : i32 to index
        %parallel_loop3A_372 = tpu.vector_load %arg12[%parallel_loop3A_370, %parallel_loop3A_371] {strides = array<i32>} : memref<32x256xf32, #tpu.memory_space<vmem>>, vector<16xf32>,
        tpu.vector_store %arg12[%parallel_loop3A_370, %parallel_loop3A_371], %parallel_loop3A_368 {strides = array<i32>} : memref<32x256xf32, #tpu.memory_space<vmem>>, vector<16xf32>,
        %parallel_loop3A_373 = arith.constant 22 : i32
        %parallel_loop3A_374 = vector.broadcast %parallel_loop3A_373 : i32 to vector<16xi32>
        %parallel_loop3A_375 = arith.addi %parallel_loop3A_194, %parallel_loop3A_374 : vector<16xi32>
        %parallel_loop3A_376 = tpu.vector_load_idx %arg10[%parallel_loop3A_196, %parallel_loop3A_375] : memref<256x128xf32, #tpu.memory_space<vmem>>[vector<16xi32>, vector<16xi32>], vector<16xf32>,
        %parallel_loop3A_377 = arith.constant 22 : i32
        %parallel_loop3A_378 = arith.index_cast %parallel_loop3A_377 : i32 to index
        %parallel_loop3A_379 = arith.index_cast %parallel_loop3A_186 : i32 to index
        %parallel_loop3A_380 = tpu.vector_load %arg12[%parallel_loop3A_378, %parallel_loop3A_379] {strides = array<i32>} : memref<32x256xf32, #tpu.memory_space<vmem>>, vector<16xf32>,
        tpu.vector_store %arg12[%parallel_loop3A_378, %parallel_loop3A_379], %parallel_loop3A_376 {strides = array<i32>} : memref<32x256xf32, #tpu.memory_space<vmem>>, vector<16xf32>,
        %parallel_loop3A_381 = arith.constant 23 : i32
        %parallel_loop3A_382 = vector.broadcast %parallel_loop3A_381 : i32 to vector<16xi32>
        %parallel_loop3A_383 = arith.addi %parallel_loop3A_194, %parallel_loop3A_382 : vector<16xi32>
        %parallel_loop3A_384 = tpu.vector_load_idx %arg10[%parallel_loop3A_196, %parallel_loop3A_383] : memref<256x128xf32, #tpu.memory_space<vmem>>[vector<16xi32>, vector<16xi32>], vector<16xf32>,
        %parallel_loop3A_385 = arith.constant 23 : i32
        %parallel_loop3A_386 = arith.index_cast %parallel_loop3A_385 : i32 to index
        %parallel_loop3A_387 = arith.index_cast %parallel_loop3A_186 : i32 to index
        %parallel_loop3A_388 = tpu.vector_load %arg12[%parallel_loop3A_386, %parallel_loop3A_387] {strides = array<i32>} : memref<32x256xf32, #tpu.memory_space<vmem>>, vector<16xf32>,
        tpu.vector_store %arg12[%parallel_loop3A_386, %parallel_loop3A_387], %parallel_loop3A_384 {strides = array<i32>} : memref<32x256xf32, #tpu.memory_space<vmem>>, vector<16xf32>,
        %parallel_loop3A_389 = arith.constant 24 : i32
        %parallel_loop3A_390 = vector.broadcast %parallel_loop3A_389 : i32 to vector<16xi32>
        %parallel_loop3A_391 = arith.addi %parallel_loop3A_194, %parallel_loop3A_390 : vector<16xi32>
        %parallel_loop3A_392 = tpu.vector_load_idx %arg10[%parallel_loop3A_196, %parallel_loop3A_391] : memref<256x128xf32, #tpu.memory_space<vmem>>[vector<16xi32>, vector<16xi32>], vector<16xf32>,
        %parallel_loop3A_393 = arith.constant 24 : i32
        %parallel_loop3A_394 = arith.index_cast %parallel_loop3A_393 : i32 to index
        %parallel_loop3A_395 = arith.index_cast %parallel_loop3A_186 : i32 to index
        %parallel_loop3A_396 = tpu.vector_load %arg12[%parallel_loop3A_394, %parallel_loop3A_395] {strides = array<i32>} : memref<32x256xf32, #tpu.memory_space<vmem>>, vector<16xf32>,
        tpu.vector_store %arg12[%parallel_loop3A_394, %parallel_loop3A_395], %parallel_loop3A_392 {strides = array<i32>} : memref<32x256xf32, #tpu.memory_space<vmem>>, vector<16xf32>,
        %parallel_loop3A_397 = arith.constant 25 : i32
        %parallel_loop3A_398 = vector.broadcast %parallel_loop3A_397 : i32 to vector<16xi32>
        %parallel_loop3A_399 = arith.addi %parallel_loop3A_194, %parallel_loop3A_398 : vector<16xi32>
        %parallel_loop3A_400 = tpu.vector_load_idx %arg10[%parallel_loop3A_196, %parallel_loop3A_399] : memref<256x128xf32, #tpu.memory_space<vmem>>[vector<16xi32>, vector<16xi32>], vector<16xf32>,
        %parallel_loop3A_401 = arith.constant 25 : i32
        %parallel_loop3A_402 = arith.index_cast %parallel_loop3A_401 : i32 to index
        %parallel_loop3A_403 = arith.index_cast %parallel_loop3A_186 : i32 to index
        %parallel_loop3A_404 = tpu.vector_load %arg12[%parallel_loop3A_402, %parallel_loop3A_403] {strides = array<i32>} : memref<32x256xf32, #tpu.memory_space<vmem>>, vector<16xf32>,
        tpu.vector_store %arg12[%parallel_loop3A_402, %parallel_loop3A_403], %parallel_loop3A_400 {strides = array<i32>} : memref<32x256xf32, #tpu.memory_space<vmem>>, vector<16xf32>,
        %parallel_loop3A_405 = arith.constant 26 : i32
        %parallel_loop3A_406 = vector.broadcast %parallel_loop3A_405 : i32 to vector<16xi32>
        %parallel_loop3A_407 = arith.addi %parallel_loop3A_194, %parallel_loop3A_406 : vector<16xi32>
        %parallel_loop3A_408 = tpu.vector_load_idx %arg10[%parallel_loop3A_196, %parallel_loop3A_407] : memref<256x128xf32, #tpu.memory_space<vmem>>[vector<16xi32>, vector<16xi32>], vector<16xf32>,
        %parallel_loop3A_409 = arith.constant 26 : i32
        %parallel_loop3A_410 = arith.index_cast %parallel_loop3A_409 : i32 to index
        %parallel_loop3A_411 = arith.index_cast %parallel_loop3A_186 : i32 to index
        %parallel_loop3A_412 = tpu.vector_load %arg12[%parallel_loop3A_410, %parallel_loop3A_411] {strides = array<i32>} : memref<32x256xf32, #tpu.memory_space<vmem>>, vector<16xf32>,
        tpu.vector_store %arg12[%parallel_loop3A_410, %parallel_loop3A_411], %parallel_loop3A_408 {strides = array<i32>} : memref<32x256xf32, #tpu.memory_space<vmem>>, vector<16xf32>,
        %parallel_loop3A_413 = arith.constant 27 : i32
        %parallel_loop3A_414 = vector.broadcast %parallel_loop3A_413 : i32 to vector<16xi32>
        %parallel_loop3A_415 = arith.addi %parallel_loop3A_194, %parallel_loop3A_414 : vector<16xi32>
        %parallel_loop3A_416 = tpu.vector_load_idx %arg10[%parallel_loop3A_196, %parallel_loop3A_415] : memref<256x128xf32, #tpu.memory_space<vmem>>[vector<16xi32>, vector<16xi32>], vector<16xf32>,
        %parallel_loop3A_417 = arith.constant 27 : i32
        %parallel_loop3A_418 = arith.index_cast %parallel_loop3A_417 : i32 to index
        %parallel_loop3A_419 = arith.index_cast %parallel_loop3A_186 : i32 to index
        %parallel_loop3A_420 = tpu.vector_load %arg12[%parallel_loop3A_418, %parallel_loop3A_419] {strides = array<i32>} : memref<32x256xf32, #tpu.memory_space<vmem>>, vector<16xf32>,
        tpu.vector_store %arg12[%parallel_loop3A_418, %parallel_loop3A_419], %parallel_loop3A_416 {strides = array<i32>} : memref<32x256xf32, #tpu.memory_space<vmem>>, vector<16xf32>,
        %parallel_loop3A_421 = arith.constant 28 : i32
        %parallel_loop3A_422 = vector.broadcast %parallel_loop3A_421 : i32 to vector<16xi32>
        %parallel_loop3A_423 = arith.addi %parallel_loop3A_194, %parallel_loop3A_422 : vector<16xi32>
        %parallel_loop3A_424 = tpu.vector_load_idx %arg10[%parallel_loop3A_196, %parallel_loop3A_423] : memref<256x128xf32, #tpu.memory_space<vmem>>[vector<16xi32>, vector<16xi32>], vector<16xf32>,
        %parallel_loop3A_425 = arith.constant 28 : i32
        %parallel_loop3A_426 = arith.index_cast %parallel_loop3A_425 : i32 to index
        %parallel_loop3A_427 = arith.index_cast %parallel_loop3A_186 : i32 to index
        %parallel_loop3A_428 = tpu.vector_load %arg12[%parallel_loop3A_426, %parallel_loop3A_427] {strides = array<i32>} : memref<32x256xf32, #tpu.memory_space<vmem>>, vector<16xf32>,
        tpu.vector_store %arg12[%parallel_loop3A_426, %parallel_loop3A_427], %parallel_loop3A_424 {strides = array<i32>} : memref<32x256xf32, #tpu.memory_space<vmem>>, vector<16xf32>,
        %parallel_loop3A_429 = arith.constant 29 : i32
        %parallel_loop3A_430 = vector.broadcast %parallel_loop3A_429 : i32 to vector<16xi32>
        %parallel_loop3A_431 = arith.addi %parallel_loop3A_194, %parallel_loop3A_430 : vector<16xi32>
        %parallel_loop3A_432 = tpu.vector_load_idx %arg10[%parallel_loop3A_196, %parallel_loop3A_431] : memref<256x128xf32, #tpu.memory_space<vmem>>[vector<16xi32>, vector<16xi32>], vector<16xf32>,
        %parallel_loop3A_433 = arith.constant 29 : i32
        %parallel_loop3A_434 = arith.index_cast %parallel_loop3A_433 : i32 to index
        %parallel_loop3A_435 = arith.index_cast %parallel_loop3A_186 : i32 to index
        %parallel_loop3A_436 = tpu.vector_load %arg12[%parallel_loop3A_434, %parallel_loop3A_435] {strides = array<i32>} : memref<32x256xf32, #tpu.memory_space<vmem>>, vector<16xf32>,
        tpu.vector_store %arg12[%parallel_loop3A_434, %parallel_loop3A_435], %parallel_loop3A_432 {strides = array<i32>} : memref<32x256xf32, #tpu.memory_space<vmem>>, vector<16xf32>,
        %parallel_loop3A_437 = arith.constant 30 : i32
        %parallel_loop3A_438 = vector.broadcast %parallel_loop3A_437 : i32 to vector<16xi32>
        %parallel_loop3A_439 = arith.addi %parallel_loop3A_194, %parallel_loop3A_438 : vector<16xi32>
        %parallel_loop3A_440 = tpu.vector_load_idx %arg10[%parallel_loop3A_196, %parallel_loop3A_439] : memref<256x128xf32, #tpu.memory_space<vmem>>[vector<16xi32>, vector<16xi32>], vector<16xf32>,
        %parallel_loop3A_441 = arith.constant 30 : i32
        %parallel_loop3A_442 = arith.index_cast %parallel_loop3A_441 : i32 to index
        %parallel_loop3A_443 = arith.index_cast %parallel_loop3A_186 : i32 to index
        %parallel_loop3A_444 = tpu.vector_load %arg12[%parallel_loop3A_442, %parallel_loop3A_443] {strides = array<i32>} : memref<32x256xf32, #tpu.memory_space<vmem>>, vector<16xf32>,
        tpu.vector_store %arg12[%parallel_loop3A_442, %parallel_loop3A_443], %parallel_loop3A_440 {strides = array<i32>} : memref<32x256xf32, #tpu.memory_space<vmem>>, vector<16xf32>,
        %parallel_loop3A_445 = arith.constant 31 : i32
        %parallel_loop3A_446 = vector.broadcast %parallel_loop3A_445 : i32 to vector<16xi32>
        %parallel_loop3A_447 = arith.addi %parallel_loop3A_194, %parallel_loop3A_446 : vector<16xi32>
        %parallel_loop3A_448 = tpu.vector_load_idx %arg10[%parallel_loop3A_196, %parallel_loop3A_447] : memref<256x128xf32, #tpu.memory_space<vmem>>[vector<16xi32>, vector<16xi32>], vector<16xf32>,
        %parallel_loop3A_449 = arith.constant 31 : i32
        %parallel_loop3A_450 = arith.index_cast %parallel_loop3A_449 : i32 to index
        %parallel_loop3A_451 = arith.index_cast %parallel_loop3A_186 : i32 to index
        %parallel_loop3A_452 = tpu.vector_load %arg12[%parallel_loop3A_450, %parallel_loop3A_451] {strides = array<i32>} : memref<32x256xf32, #tpu.memory_space<vmem>>, vector<16xf32>,
        tpu.vector_store %arg12[%parallel_loop3A_450, %parallel_loop3A_451], %parallel_loop3A_448 {strides = array<i32>} : memref<32x256xf32, #tpu.memory_space<vmem>>, vector<16xf32>,
      } {sc.loop_unroll_factor = 1 : i64, sc.parallel_access}
      %add3A_171 = arith.constant 256 : i32
      %add3A_172 = arith.addi %mul3A_2, %add3A_171 : i32
      %dma_start3A_173 = arith.constant 0 : i32
      %dma_start3A_174 = tpu.memref_slice %arg4[%add3A_109, %dma_start3A_173, %add3A_172] : memref<50x32x16384xf32, #tpu.memory_space<hbm>> -> memref<1x32x256xf32, #tpu.memory_space<hbm>>
      %dma_start3A_175 = tpu.memref_squeeze %dma_start3A_174 : memref<1x32x256xf32, #tpu.memory_space<hbm>> -> memref<32x256xf32, #tpu.memory_space<hbm>>
      %dma_start3A_176 = arith.constant 0 : i32
      %dma_start3A_177 = tpu.memref_slice %arg4[%add3A_109, %dma_start3A_176, %add3A_172] : memref<50x32x16384xf32, #tpu.memory_space<hbm>> -> memref<1x32x256xf32, #tpu.memory_space<hbm>>
      %dma_start3A_178 = tpu.memref_squeeze %dma_start3A_177 : memref<1x32x256xf32, #tpu.memory_space<hbm>> -> memref<32x256xf32, #tpu.memory_space<hbm>>
      tpu.enqueue_dma source(%arg12 : memref<32x256xf32, #tpu.memory_space<vmem>>) target(%dma_start3A_178 : memref<32x256xf32, #tpu.memory_space<hbm>>) target_semaphore(%arg18 : memref<!tpu.dma_semaphore, #tpu.memory_space<semaphore_mem>>)
      %lt3A_179 = arith.constant 49 : i32
      %lt3A_180 = arith.cmpi slt, %add3A_109, %lt3A_179 : i32
      %convert_element_type3A_181 = arith.extui %lt3A_180 : i1 to i32
      %cond3A_182 = arith.constant 0 : i32
      %cond3A_183 = arith.cmpi ne, %convert_element_type3A_181, %cond3A_182 : i32
      scf.if %cond3A_183 {
        %add3A_184 = arith.constant 1 : i32
        %add3A_185 = arith.addi %add3A_109, %add3A_184 : i32
        %add3A_186 = arith.constant 256 : i32
        %add3A_187 = arith.addi %mul3A_2, %add3A_186 : i32
        %dma_start3A_188 = tpu.memref_slice %arg3[%add3A_185, %add3A_187] : memref<50x16384xi32, #tpu.memory_space<hbm>> -> memref<1x256xi32, #tpu.memory_space<hbm>>
        %dma_start3A_189 = tpu.memref_squeeze %dma_start3A_188 : memref<1x256xi32, #tpu.memory_space<hbm>> -> memref<256xi32, #tpu.memory_space<hbm>>
        %dma_start3A_190 = tpu.memref_slice %arg3[%add3A_185, %add3A_187] : memref<50x16384xi32, #tpu.memory_space<hbm>> -> memref<1x256xi32, #tpu.memory_space<hbm>>
        %dma_start3A_191 = tpu.memref_squeeze %dma_start3A_190 : memref<1x256xi32, #tpu.memory_space<hbm>> -> memref<256xi32, #tpu.memory_space<hbm>>
        tpu.enqueue_dma source(%dma_start3A_191 : memref<256xi32, #tpu.memory_space<hbm>>) target(%arg6 : memref<256xi32, #tpu.memory_space<vmem>>) target_semaphore(%arg14 : memref<!tpu.dma_semaphore, #tpu.memory_space<semaphore_mem>>)
      } else {
      }
    }
    %scan3A_33 = arith.constant 49 : i32
    %add3A_34 = arith.constant 256 : i32
    %add3A_35 = arith.addi %mul3A_2, %add3A_34 : i32
    %dma_wait3A_36 = arith.constant 49 : i32
    %dma_wait3A_37 = tpu.memref_slice %arg3[%dma_wait3A_36, %add3A_35] : memref<50x16384xi32, #tpu.memory_space<hbm>> -> memref<1x256xi32, #tpu.memory_space<hbm>>
    %dma_wait3A_38 = tpu.memref_squeeze %dma_wait3A_37 : memref<1x256xi32, #tpu.memory_space<hbm>> -> memref<256xi32, #tpu.memory_space<hbm>>
    %dma_wait3A_39 = tpu.memref_slice %arg3[%dma_wait3A_36, %add3A_35] : memref<50x16384xi32, #tpu.memory_space<hbm>> -> memref<1x256xi32, #tpu.memory_space<hbm>>
    %dma_wait3A_40 = tpu.memref_squeeze %dma_wait3A_39 : memref<1x256xi32, #tpu.memory_space<hbm>> -> memref<256xi32, #tpu.memory_space<hbm>>
    tpu.wait_dma2 semaphore(%arg14 : memref<!tpu.dma_semaphore, #tpu.memory_space<semaphore_mem>>) src(%dma_wait3A_40 : memref<256xi32, #tpu.memory_space<hbm>>) dst(%arg6 : memref<256xi32, #tpu.memory_space<vmem>>)
    %scan3A_41 = arith.constant 0 : i32
    %scan3A_42 = arith.constant 16 : i32
    %scan3A_43 = arith.addi %scan3A_41, %scan3A_42 : i32
    %scan3A_44 = arith.constant 1 : i32
    scf.for %scan3A_105 = %scan3A_41 to %scan3A_43 step %scan3A_44  : i32 {
      %mul3A_106 = arith.constant 1 : i32
      %mul3A_107 = arith.muli %scan3A_105, %mul3A_106 : i32
      %add3A_108 = arith.constant 0 : i32
      %add3A_109 = arith.addi %add3A_108, %mul3A_107 : i32
      %mul3A_110 = arith.constant 16 : i32
      %mul3A_111 = arith.muli %add3A_109, %mul3A_110 : i32
      %get3A = arith.index_cast %mul3A_111 : i32 to index
      %get3A_112 = tpu.vector_load %arg6[%get3A] {strides = array<i32>} : memref<256xi32, #tpu.memory_space<vmem>>, vector<16xi32>,
      %shift_right_arithmetic3A = arith.constant 2 : i32
      %shift_right_arithmetic3A_113 = vector.broadcast %shift_right_arithmetic3A : i32 to vector<16xi32>
      %shift_right_arithmetic3A_114 = arith.shrsi %get3A_112, %shift_right_arithmetic3A_113 : vector<16xi32>
      %swap3A = arith.index_cast %mul3A_111 : i32 to index
      %swap3A_115 = tpu.vector_load %arg8[%swap3A] {strides = array<i32>} : memref<256xi32, #tpu.memory_space<vmem>>, vector<16xi32>,
      tpu.vector_store %arg8[%swap3A], %shift_right_arithmetic3A_114 {strides = array<i32>} : memref<256xi32, #tpu.memory_space<vmem>>, vector<16xi32>,
    }
    %scan3A_45 = arith.constant 16 : i32
    %add3A_46 = arith.constant 256 : i32
    %add3A_47 = arith.addi %mul3A_2, %add3A_46 : i32
    %dma_wait3A_48 = arith.constant 48 : i32
    %dma_wait3A_49 = arith.constant 0 : i32
    %dma_wait3A_50 = tpu.memref_slice %arg4[%dma_wait3A_48, %dma_wait3A_49, %add3A_47] : memref<50x32x16384xf32, #tpu.memory_space<hbm>> -> memref<1x32x256xf32, #tpu.memory_space<hbm>>
    %dma_wait3A_51 = tpu.memref_squeeze %dma_wait3A_50 : memref<1x32x256xf32, #tpu.memory_space<hbm>> -> memref<32x256xf32, #tpu.memory_space<hbm>>
    %dma_wait3A_52 = arith.constant 0 : i32
    %dma_wait3A_53 = tpu.memref_slice %arg4[%dma_wait3A_48, %dma_wait3A_52, %add3A_47] : memref<50x32x16384xf32, #tpu.memory_space<hbm>> -> memref<1x32x256xf32, #tpu.memory_space<hbm>>
    %dma_wait3A_54 = tpu.memref_squeeze %dma_wait3A_53 : memref<1x32x256xf32, #tpu.memory_space<hbm>> -> memref<32x256xf32, #tpu.memory_space<hbm>>
    tpu.wait_dma2 semaphore(%arg18 : memref<!tpu.dma_semaphore, #tpu.memory_space<semaphore_mem>>) src(%arg12 : memref<32x256xf32, #tpu.memory_space<vmem>>) dst(%dma_wait3A_54 : memref<32x256xf32, #tpu.memory_space<hbm>>)
    %dma_start3A_55 = arith.constant 0 : i32
    %dma_start3A_56 = arith.constant 0 : i32
    %dma_start3A_57 = tpu.memref_slice %arg2[%dma_start3A_55, %dma_start3A_56] : memref<250000x128xf32, #tpu.memory_space<hbm>> -> memref<250000x128xf32, #tpu.memory_space<hbm>>
    tpu.enqueue_indirect_dma source(%dma_start3A_57 : memref<250000x128xf32, #tpu.memory_space<hbm>>) target(%arg10 : memref<256x128xf32, #tpu.memory_space<vmem>>) offsets(%arg8 : memref<256xi32, #tpu.memory_space<vmem>>) semaphore(%arg16 : memref<!tpu.dma_semaphore, #tpu.memory_space<semaphore_mem>>)
    %dma_wait3A_58 = arith.constant 0 : i32
    %dma_wait3A_59 = arith.constant 0 : i32
    %dma_wait3A_60 = tpu.memref_slice %arg2[%dma_wait3A_58, %dma_wait3A_59] : memref<250000x128xf32, #tpu.memory_space<hbm>> -> memref<250000x128xf32, #tpu.memory_space<hbm>>
    tpu.wait_indirect_dma semaphore(%arg15 : memref<!tpu.dma_semaphore, #tpu.memory_space<semaphore_mem>>) src(%dma_wait3A_60 : memref<250000x128xf32, #tpu.memory_space<hbm>>) dst(%arg9 : memref<256x128xf32, #tpu.memory_space<vmem>>)
    %parallel_loop3A = arith.constant 0 : i32
    %parallel_loop3A_61 = arith.constant 16 : i32
    %parallel_loop3A_62 = arith.constant 1 : i32
    scf.for %parallel_loop3A_105 = %parallel_loop3A to %parallel_loop3A_61 step %parallel_loop3A_62  : i32 {
      %parallel_loop3A_106 = arith.constant 16 : i32
      %parallel_loop3A_107 = arith.muli %parallel_loop3A_105, %parallel_loop3A_106 : i32
      %parallel_loop3A_108 = arith.index_cast %parallel_loop3A_107 : i32 to index
      %parallel_loop3A_109 = tpu.vector_load %arg5[%parallel_loop3A_108] {strides = array<i32>} : memref<256xi32, #tpu.memory_space<vmem>>, vector<16xi32>,
      %parallel_loop3A_110 = arith.constant 3 : i32
      %parallel_loop3A_111 = vector.broadcast %parallel_loop3A_110 : i32 to vector<16xi32>
      %parallel_loop3A_112 = arith.andi %parallel_loop3A_109, %parallel_loop3A_111 : vector<16xi32>
      %parallel_loop3A_113 = arith.constant 5 : i32
      %parallel_loop3A_114 = vector.broadcast %parallel_loop3A_113 : i32 to vector<16xi32>
      %parallel_loop3A_115 = arith.shli %parallel_loop3A_112, %parallel_loop3A_114 : vector<16xi32>
      %parallel_loop3A_116 = vector.broadcast %parallel_loop3A_107 : i32 to vector<16xi32>
      %parallel_loop3A_117 = arith.addi %parallel_loop3A_116, %iota3A : vector<16xi32>
      %parallel_loop3A_118 = arith.constant 0 : i32
      %parallel_loop3A_119 = vector.broadcast %parallel_loop3A_118 : i32 to vector<16xi32>
      %parallel_loop3A_120 = arith.addi %parallel_loop3A_115, %parallel_loop3A_119 : vector<16xi32>
      %parallel_loop3A_121 = tpu.vector_load_idx %arg9[%parallel_loop3A_117, %parallel_loop3A_120] : memref<256x128xf32, #tpu.memory_space<vmem>>[vector<16xi32>, vector<16xi32>], vector<16xf32>,
      %parallel_loop3A_122 = arith.constant 0 : i32
      %parallel_loop3A_123 = arith.index_cast %parallel_loop3A_122 : i32 to index
      %parallel_loop3A_124 = arith.index_cast %parallel_loop3A_107 : i32 to index
      %parallel_loop3A_125 = tpu.vector_load %arg11[%parallel_loop3A_123, %parallel_loop3A_124] {strides = array<i32>} : memref<32x256xf32, #tpu.memory_space<vmem>>, vector<16xf32>,
      tpu.vector_store %arg11[%parallel_loop3A_123, %parallel_loop3A_124], %parallel_loop3A_121 {strides = array<i32>} : memref<32x256xf32, #tpu.memory_space<vmem>>, vector<16xf32>,
      %parallel_loop3A_126 = arith.constant 1 : i32
      %parallel_loop3A_127 = vector.broadcast %parallel_loop3A_126 : i32 to vector<16xi32>
      %parallel_loop3A_128 = arith.addi %parallel_loop3A_115, %parallel_loop3A_127 : vector<16xi32>
      %parallel_loop3A_129 = tpu.vector_load_idx %arg9[%parallel_loop3A_117, %parallel_loop3A_128] : memref<256x128xf32, #tpu.memory_space<vmem>>[vector<16xi32>, vector<16xi32>], vector<16xf32>,
      %parallel_loop3A_130 = arith.constant 1 : i32
      %parallel_loop3A_131 = arith.index_cast %parallel_loop3A_130 : i32 to index
      %parallel_loop3A_132 = arith.index_cast %parallel_loop3A_107 : i32 to index
      %parallel_loop3A_133 = tpu.vector_load %arg11[%parallel_loop3A_131, %parallel_loop3A_132] {strides = array<i32>} : memref<32x256xf32, #tpu.memory_space<vmem>>, vector<16xf32>,
      tpu.vector_store %arg11[%parallel_loop3A_131, %parallel_loop3A_132], %parallel_loop3A_129 {strides = array<i32>} : memref<32x256xf32, #tpu.memory_space<vmem>>, vector<16xf32>,
      %parallel_loop3A_134 = arith.constant 2 : i32
      %parallel_loop3A_135 = vector.broadcast %parallel_loop3A_134 : i32 to vector<16xi32>
      %parallel_loop3A_136 = arith.addi %parallel_loop3A_115, %parallel_loop3A_135 : vector<16xi32>
      %parallel_loop3A_137 = tpu.vector_load_idx %arg9[%parallel_loop3A_117, %parallel_loop3A_136] : memref<256x128xf32, #tpu.memory_space<vmem>>[vector<16xi32>, vector<16xi32>], vector<16xf32>,
      %parallel_loop3A_138 = arith.constant 2 : i32
      %parallel_loop3A_139 = arith.index_cast %parallel_loop3A_138 : i32 to index
      %parallel_loop3A_140 = arith.index_cast %parallel_loop3A_107 : i32 to index
      %parallel_loop3A_141 = tpu.vector_load %arg11[%parallel_loop3A_139, %parallel_loop3A_140] {strides = array<i32>} : memref<32x256xf32, #tpu.memory_space<vmem>>, vector<16xf32>,
      tpu.vector_store %arg11[%parallel_loop3A_139, %parallel_loop3A_140], %parallel_loop3A_137 {strides = array<i32>} : memref<32x256xf32, #tpu.memory_space<vmem>>, vector<16xf32>,
      %parallel_loop3A_142 = arith.constant 3 : i32
      %parallel_loop3A_143 = vector.broadcast %parallel_loop3A_142 : i32 to vector<16xi32>
      %parallel_loop3A_144 = arith.addi %parallel_loop3A_115, %parallel_loop3A_143 : vector<16xi32>
      %parallel_loop3A_145 = tpu.vector_load_idx %arg9[%parallel_loop3A_117, %parallel_loop3A_144] : memref<256x128xf32, #tpu.memory_space<vmem>>[vector<16xi32>, vector<16xi32>], vector<16xf32>,
      %parallel_loop3A_146 = arith.constant 3 : i32
      %parallel_loop3A_147 = arith.index_cast %parallel_loop3A_146 : i32 to index
      %parallel_loop3A_148 = arith.index_cast %parallel_loop3A_107 : i32 to index
      %parallel_loop3A_149 = tpu.vector_load %arg11[%parallel_loop3A_147, %parallel_loop3A_148] {strides = array<i32>} : memref<32x256xf32, #tpu.memory_space<vmem>>, vector<16xf32>,
      tpu.vector_store %arg11[%parallel_loop3A_147, %parallel_loop3A_148], %parallel_loop3A_145 {strides = array<i32>} : memref<32x256xf32, #tpu.memory_space<vmem>>, vector<16xf32>,
      %parallel_loop3A_150 = arith.constant 4 : i32
      %parallel_loop3A_151 = vector.broadcast %parallel_loop3A_150 : i32 to vector<16xi32>
      %parallel_loop3A_152 = arith.addi %parallel_loop3A_115, %parallel_loop3A_151 : vector<16xi32>
      %parallel_loop3A_153 = tpu.vector_load_idx %arg9[%parallel_loop3A_117, %parallel_loop3A_152] : memref<256x128xf32, #tpu.memory_space<vmem>>[vector<16xi32>, vector<16xi32>], vector<16xf32>,
      %parallel_loop3A_154 = arith.constant 4 : i32
      %parallel_loop3A_155 = arith.index_cast %parallel_loop3A_154 : i32 to index
      %parallel_loop3A_156 = arith.index_cast %parallel_loop3A_107 : i32 to index
      %parallel_loop3A_157 = tpu.vector_load %arg11[%parallel_loop3A_155, %parallel_loop3A_156] {strides = array<i32>} : memref<32x256xf32, #tpu.memory_space<vmem>>, vector<16xf32>,
      tpu.vector_store %arg11[%parallel_loop3A_155, %parallel_loop3A_156], %parallel_loop3A_153 {strides = array<i32>} : memref<32x256xf32, #tpu.memory_space<vmem>>, vector<16xf32>,
      %parallel_loop3A_158 = arith.constant 5 : i32
      %parallel_loop3A_159 = vector.broadcast %parallel_loop3A_158 : i32 to vector<16xi32>
      %parallel_loop3A_160 = arith.addi %parallel_loop3A_115, %parallel_loop3A_159 : vector<16xi32>
      %parallel_loop3A_161 = tpu.vector_load_idx %arg9[%parallel_loop3A_117, %parallel_loop3A_160] : memref<256x128xf32, #tpu.memory_space<vmem>>[vector<16xi32>, vector<16xi32>], vector<16xf32>,
      %parallel_loop3A_162 = arith.constant 5 : i32
      %parallel_loop3A_163 = arith.index_cast %parallel_loop3A_162 : i32 to index
      %parallel_loop3A_164 = arith.index_cast %parallel_loop3A_107 : i32 to index
      %parallel_loop3A_165 = tpu.vector_load %arg11[%parallel_loop3A_163, %parallel_loop3A_164] {strides = array<i32>} : memref<32x256xf32, #tpu.memory_space<vmem>>, vector<16xf32>,
      tpu.vector_store %arg11[%parallel_loop3A_163, %parallel_loop3A_164], %parallel_loop3A_161 {strides = array<i32>} : memref<32x256xf32, #tpu.memory_space<vmem>>, vector<16xf32>,
      %parallel_loop3A_166 = arith.constant 6 : i32
      %parallel_loop3A_167 = vector.broadcast %parallel_loop3A_166 : i32 to vector<16xi32>
      %parallel_loop3A_168 = arith.addi %parallel_loop3A_115, %parallel_loop3A_167 : vector<16xi32>
      %parallel_loop3A_169 = tpu.vector_load_idx %arg9[%parallel_loop3A_117, %parallel_loop3A_168] : memref<256x128xf32, #tpu.memory_space<vmem>>[vector<16xi32>, vector<16xi32>], vector<16xf32>,
      %parallel_loop3A_170 = arith.constant 6 : i32
      %parallel_loop3A_171 = arith.index_cast %parallel_loop3A_170 : i32 to index
      %parallel_loop3A_172 = arith.index_cast %parallel_loop3A_107 : i32 to index
      %parallel_loop3A_173 = tpu.vector_load %arg11[%parallel_loop3A_171, %parallel_loop3A_172] {strides = array<i32>} : memref<32x256xf32, #tpu.memory_space<vmem>>, vector<16xf32>,
      tpu.vector_store %arg11[%parallel_loop3A_171, %parallel_loop3A_172], %parallel_loop3A_169 {strides = array<i32>} : memref<32x256xf32, #tpu.memory_space<vmem>>, vector<16xf32>,
      %parallel_loop3A_174 = arith.constant 7 : i32
      %parallel_loop3A_175 = vector.broadcast %parallel_loop3A_174 : i32 to vector<16xi32>
      %parallel_loop3A_176 = arith.addi %parallel_loop3A_115, %parallel_loop3A_175 : vector<16xi32>
      %parallel_loop3A_177 = tpu.vector_load_idx %arg9[%parallel_loop3A_117, %parallel_loop3A_176] : memref<256x128xf32, #tpu.memory_space<vmem>>[vector<16xi32>, vector<16xi32>], vector<16xf32>,
      %parallel_loop3A_178 = arith.constant 7 : i32
      %parallel_loop3A_179 = arith.index_cast %parallel_loop3A_178 : i32 to index
      %parallel_loop3A_180 = arith.index_cast %parallel_loop3A_107 : i32 to index
      %parallel_loop3A_181 = tpu.vector_load %arg11[%parallel_loop3A_179, %parallel_loop3A_180] {strides = array<i32>} : memref<32x256xf32, #tpu.memory_space<vmem>>, vector<16xf32>,
      tpu.vector_store %arg11[%parallel_loop3A_179, %parallel_loop3A_180], %parallel_loop3A_177 {strides = array<i32>} : memref<32x256xf32, #tpu.memory_space<vmem>>, vector<16xf32>,
      %parallel_loop3A_182 = arith.constant 8 : i32
      %parallel_loop3A_183 = vector.broadcast %parallel_loop3A_182 : i32 to vector<16xi32>
      %parallel_loop3A_184 = arith.addi %parallel_loop3A_115, %parallel_loop3A_183 : vector<16xi32>
      %parallel_loop3A_185 = tpu.vector_load_idx %arg9[%parallel_loop3A_117, %parallel_loop3A_184] : memref<256x128xf32, #tpu.memory_space<vmem>>[vector<16xi32>, vector<16xi32>], vector<16xf32>,
      %parallel_loop3A_186 = arith.constant 8 : i32
      %parallel_loop3A_187 = arith.index_cast %parallel_loop3A_186 : i32 to index
      %parallel_loop3A_188 = arith.index_cast %parallel_loop3A_107 : i32 to index
      %parallel_loop3A_189 = tpu.vector_load %arg11[%parallel_loop3A_187, %parallel_loop3A_188] {strides = array<i32>} : memref<32x256xf32, #tpu.memory_space<vmem>>, vector<16xf32>,
      tpu.vector_store %arg11[%parallel_loop3A_187, %parallel_loop3A_188], %parallel_loop3A_185 {strides = array<i32>} : memref<32x256xf32, #tpu.memory_space<vmem>>, vector<16xf32>,
      %parallel_loop3A_190 = arith.constant 9 : i32
      %parallel_loop3A_191 = vector.broadcast %parallel_loop3A_190 : i32 to vector<16xi32>
      %parallel_loop3A_192 = arith.addi %parallel_loop3A_115, %parallel_loop3A_191 : vector<16xi32>
      %parallel_loop3A_193 = tpu.vector_load_idx %arg9[%parallel_loop3A_117, %parallel_loop3A_192] : memref<256x128xf32, #tpu.memory_space<vmem>>[vector<16xi32>, vector<16xi32>], vector<16xf32>,
      %parallel_loop3A_194 = arith.constant 9 : i32
      %parallel_loop3A_195 = arith.index_cast %parallel_loop3A_194 : i32 to index
      %parallel_loop3A_196 = arith.index_cast %parallel_loop3A_107 : i32 to index
      %parallel_loop3A_197 = tpu.vector_load %arg11[%parallel_loop3A_195, %parallel_loop3A_196] {strides = array<i32>} : memref<32x256xf32, #tpu.memory_space<vmem>>, vector<16xf32>,
      tpu.vector_store %arg11[%parallel_loop3A_195, %parallel_loop3A_196], %parallel_loop3A_193 {strides = array<i32>} : memref<32x256xf32, #tpu.memory_space<vmem>>, vector<16xf32>,
      %parallel_loop3A_198 = arith.constant 10 : i32
      %parallel_loop3A_199 = vector.broadcast %parallel_loop3A_198 : i32 to vector<16xi32>
      %parallel_loop3A_200 = arith.addi %parallel_loop3A_115, %parallel_loop3A_199 : vector<16xi32>
      %parallel_loop3A_201 = tpu.vector_load_idx %arg9[%parallel_loop3A_117, %parallel_loop3A_200] : memref<256x128xf32, #tpu.memory_space<vmem>>[vector<16xi32>, vector<16xi32>], vector<16xf32>,
      %parallel_loop3A_202 = arith.constant 10 : i32
      %parallel_loop3A_203 = arith.index_cast %parallel_loop3A_202 : i32 to index
      %parallel_loop3A_204 = arith.index_cast %parallel_loop3A_107 : i32 to index
      %parallel_loop3A_205 = tpu.vector_load %arg11[%parallel_loop3A_203, %parallel_loop3A_204] {strides = array<i32>} : memref<32x256xf32, #tpu.memory_space<vmem>>, vector<16xf32>,
      tpu.vector_store %arg11[%parallel_loop3A_203, %parallel_loop3A_204], %parallel_loop3A_201 {strides = array<i32>} : memref<32x256xf32, #tpu.memory_space<vmem>>, vector<16xf32>,
      %parallel_loop3A_206 = arith.constant 11 : i32
      %parallel_loop3A_207 = vector.broadcast %parallel_loop3A_206 : i32 to vector<16xi32>
      %parallel_loop3A_208 = arith.addi %parallel_loop3A_115, %parallel_loop3A_207 : vector<16xi32>
      %parallel_loop3A_209 = tpu.vector_load_idx %arg9[%parallel_loop3A_117, %parallel_loop3A_208] : memref<256x128xf32, #tpu.memory_space<vmem>>[vector<16xi32>, vector<16xi32>], vector<16xf32>,
      %parallel_loop3A_210 = arith.constant 11 : i32
      %parallel_loop3A_211 = arith.index_cast %parallel_loop3A_210 : i32 to index
      %parallel_loop3A_212 = arith.index_cast %parallel_loop3A_107 : i32 to index
      %parallel_loop3A_213 = tpu.vector_load %arg11[%parallel_loop3A_211, %parallel_loop3A_212] {strides = array<i32>} : memref<32x256xf32, #tpu.memory_space<vmem>>, vector<16xf32>,
      tpu.vector_store %arg11[%parallel_loop3A_211, %parallel_loop3A_212], %parallel_loop3A_209 {strides = array<i32>} : memref<32x256xf32, #tpu.memory_space<vmem>>, vector<16xf32>,
      %parallel_loop3A_214 = arith.constant 12 : i32
      %parallel_loop3A_215 = vector.broadcast %parallel_loop3A_214 : i32 to vector<16xi32>
      %parallel_loop3A_216 = arith.addi %parallel_loop3A_115, %parallel_loop3A_215 : vector<16xi32>
      %parallel_loop3A_217 = tpu.vector_load_idx %arg9[%parallel_loop3A_117, %parallel_loop3A_216] : memref<256x128xf32, #tpu.memory_space<vmem>>[vector<16xi32>, vector<16xi32>], vector<16xf32>,
      %parallel_loop3A_218 = arith.constant 12 : i32
      %parallel_loop3A_219 = arith.index_cast %parallel_loop3A_218 : i32 to index
      %parallel_loop3A_220 = arith.index_cast %parallel_loop3A_107 : i32 to index
      %parallel_loop3A_221 = tpu.vector_load %arg11[%parallel_loop3A_219, %parallel_loop3A_220] {strides = array<i32>} : memref<32x256xf32, #tpu.memory_space<vmem>>, vector<16xf32>,
      tpu.vector_store %arg11[%parallel_loop3A_219, %parallel_loop3A_220], %parallel_loop3A_217 {strides = array<i32>} : memref<32x256xf32, #tpu.memory_space<vmem>>, vector<16xf32>,
      %parallel_loop3A_222 = arith.constant 13 : i32
      %parallel_loop3A_223 = vector.broadcast %parallel_loop3A_222 : i32 to vector<16xi32>
      %parallel_loop3A_224 = arith.addi %parallel_loop3A_115, %parallel_loop3A_223 : vector<16xi32>
      %parallel_loop3A_225 = tpu.vector_load_idx %arg9[%parallel_loop3A_117, %parallel_loop3A_224] : memref<256x128xf32, #tpu.memory_space<vmem>>[vector<16xi32>, vector<16xi32>], vector<16xf32>,
      %parallel_loop3A_226 = arith.constant 13 : i32
      %parallel_loop3A_227 = arith.index_cast %parallel_loop3A_226 : i32 to index
      %parallel_loop3A_228 = arith.index_cast %parallel_loop3A_107 : i32 to index
      %parallel_loop3A_229 = tpu.vector_load %arg11[%parallel_loop3A_227, %parallel_loop3A_228] {strides = array<i32>} : memref<32x256xf32, #tpu.memory_space<vmem>>, vector<16xf32>,
      tpu.vector_store %arg11[%parallel_loop3A_227, %parallel_loop3A_228], %parallel_loop3A_225 {strides = array<i32>} : memref<32x256xf32, #tpu.memory_space<vmem>>, vector<16xf32>,
      %parallel_loop3A_230 = arith.constant 14 : i32
      %parallel_loop3A_231 = vector.broadcast %parallel_loop3A_230 : i32 to vector<16xi32>
      %parallel_loop3A_232 = arith.addi %parallel_loop3A_115, %parallel_loop3A_231 : vector<16xi32>
      %parallel_loop3A_233 = tpu.vector_load_idx %arg9[%parallel_loop3A_117, %parallel_loop3A_232] : memref<256x128xf32, #tpu.memory_space<vmem>>[vector<16xi32>, vector<16xi32>], vector<16xf32>,
      %parallel_loop3A_234 = arith.constant 14 : i32
      %parallel_loop3A_235 = arith.index_cast %parallel_loop3A_234 : i32 to index
      %parallel_loop3A_236 = arith.index_cast %parallel_loop3A_107 : i32 to index
      %parallel_loop3A_237 = tpu.vector_load %arg11[%parallel_loop3A_235, %parallel_loop3A_236] {strides = array<i32>} : memref<32x256xf32, #tpu.memory_space<vmem>>, vector<16xf32>,
      tpu.vector_store %arg11[%parallel_loop3A_235, %parallel_loop3A_236], %parallel_loop3A_233 {strides = array<i32>} : memref<32x256xf32, #tpu.memory_space<vmem>>, vector<16xf32>,
      %parallel_loop3A_238 = arith.constant 15 : i32
      %parallel_loop3A_239 = vector.broadcast %parallel_loop3A_238 : i32 to vector<16xi32>
      %parallel_loop3A_240 = arith.addi %parallel_loop3A_115, %parallel_loop3A_239 : vector<16xi32>
      %parallel_loop3A_241 = tpu.vector_load_idx %arg9[%parallel_loop3A_117, %parallel_loop3A_240] : memref<256x128xf32, #tpu.memory_space<vmem>>[vector<16xi32>, vector<16xi32>], vector<16xf32>,
      %parallel_loop3A_242 = arith.constant 15 : i32
      %parallel_loop3A_243 = arith.index_cast %parallel_loop3A_242 : i32 to index
      %parallel_loop3A_244 = arith.index_cast %parallel_loop3A_107 : i32 to index
      %parallel_loop3A_245 = tpu.vector_load %arg11[%parallel_loop3A_243, %parallel_loop3A_244] {strides = array<i32>} : memref<32x256xf32, #tpu.memory_space<vmem>>, vector<16xf32>,
      tpu.vector_store %arg11[%parallel_loop3A_243, %parallel_loop3A_244], %parallel_loop3A_241 {strides = array<i32>} : memref<32x256xf32, #tpu.memory_space<vmem>>, vector<16xf32>,
      %parallel_loop3A_246 = arith.constant 16 : i32
      %parallel_loop3A_247 = vector.broadcast %parallel_loop3A_246 : i32 to vector<16xi32>
      %parallel_loop3A_248 = arith.addi %parallel_loop3A_115, %parallel_loop3A_247 : vector<16xi32>
      %parallel_loop3A_249 = tpu.vector_load_idx %arg9[%parallel_loop3A_117, %parallel_loop3A_248] : memref<256x128xf32, #tpu.memory_space<vmem>>[vector<16xi32>, vector<16xi32>], vector<16xf32>,
      %parallel_loop3A_250 = arith.constant 16 : i32
      %parallel_loop3A_251 = arith.index_cast %parallel_loop3A_250 : i32 to index
      %parallel_loop3A_252 = arith.index_cast %parallel_loop3A_107 : i32 to index
      %parallel_loop3A_253 = tpu.vector_load %arg11[%parallel_loop3A_251, %parallel_loop3A_252] {strides = array<i32>} : memref<32x256xf32, #tpu.memory_space<vmem>>, vector<16xf32>,
      tpu.vector_store %arg11[%parallel_loop3A_251, %parallel_loop3A_252], %parallel_loop3A_249 {strides = array<i32>} : memref<32x256xf32, #tpu.memory_space<vmem>>, vector<16xf32>,
      %parallel_loop3A_254 = arith.constant 17 : i32
      %parallel_loop3A_255 = vector.broadcast %parallel_loop3A_254 : i32 to vector<16xi32>
      %parallel_loop3A_256 = arith.addi %parallel_loop3A_115, %parallel_loop3A_255 : vector<16xi32>
      %parallel_loop3A_257 = tpu.vector_load_idx %arg9[%parallel_loop3A_117, %parallel_loop3A_256] : memref<256x128xf32, #tpu.memory_space<vmem>>[vector<16xi32>, vector<16xi32>], vector<16xf32>,
      %parallel_loop3A_258 = arith.constant 17 : i32
      %parallel_loop3A_259 = arith.index_cast %parallel_loop3A_258 : i32 to index
      %parallel_loop3A_260 = arith.index_cast %parallel_loop3A_107 : i32 to index
      %parallel_loop3A_261 = tpu.vector_load %arg11[%parallel_loop3A_259, %parallel_loop3A_260] {strides = array<i32>} : memref<32x256xf32, #tpu.memory_space<vmem>>, vector<16xf32>,
      tpu.vector_store %arg11[%parallel_loop3A_259, %parallel_loop3A_260], %parallel_loop3A_257 {strides = array<i32>} : memref<32x256xf32, #tpu.memory_space<vmem>>, vector<16xf32>,
      %parallel_loop3A_262 = arith.constant 18 : i32
      %parallel_loop3A_263 = vector.broadcast %parallel_loop3A_262 : i32 to vector<16xi32>
      %parallel_loop3A_264 = arith.addi %parallel_loop3A_115, %parallel_loop3A_263 : vector<16xi32>
      %parallel_loop3A_265 = tpu.vector_load_idx %arg9[%parallel_loop3A_117, %parallel_loop3A_264] : memref<256x128xf32, #tpu.memory_space<vmem>>[vector<16xi32>, vector<16xi32>], vector<16xf32>,
      %parallel_loop3A_266 = arith.constant 18 : i32
      %parallel_loop3A_267 = arith.index_cast %parallel_loop3A_266 : i32 to index
      %parallel_loop3A_268 = arith.index_cast %parallel_loop3A_107 : i32 to index
      %parallel_loop3A_269 = tpu.vector_load %arg11[%parallel_loop3A_267, %parallel_loop3A_268] {strides = array<i32>} : memref<32x256xf32, #tpu.memory_space<vmem>>, vector<16xf32>,
      tpu.vector_store %arg11[%parallel_loop3A_267, %parallel_loop3A_268], %parallel_loop3A_265 {strides = array<i32>} : memref<32x256xf32, #tpu.memory_space<vmem>>, vector<16xf32>,
      %parallel_loop3A_270 = arith.constant 19 : i32
      %parallel_loop3A_271 = vector.broadcast %parallel_loop3A_270 : i32 to vector<16xi32>
      %parallel_loop3A_272 = arith.addi %parallel_loop3A_115, %parallel_loop3A_271 : vector<16xi32>
      %parallel_loop3A_273 = tpu.vector_load_idx %arg9[%parallel_loop3A_117, %parallel_loop3A_272] : memref<256x128xf32, #tpu.memory_space<vmem>>[vector<16xi32>, vector<16xi32>], vector<16xf32>,
      %parallel_loop3A_274 = arith.constant 19 : i32
      %parallel_loop3A_275 = arith.index_cast %parallel_loop3A_274 : i32 to index
      %parallel_loop3A_276 = arith.index_cast %parallel_loop3A_107 : i32 to index
      %parallel_loop3A_277 = tpu.vector_load %arg11[%parallel_loop3A_275, %parallel_loop3A_276] {strides = array<i32>} : memref<32x256xf32, #tpu.memory_space<vmem>>, vector<16xf32>,
      tpu.vector_store %arg11[%parallel_loop3A_275, %parallel_loop3A_276], %parallel_loop3A_273 {strides = array<i32>} : memref<32x256xf32, #tpu.memory_space<vmem>>, vector<16xf32>,
      %parallel_loop3A_278 = arith.constant 20 : i32
      %parallel_loop3A_279 = vector.broadcast %parallel_loop3A_278 : i32 to vector<16xi32>
      %parallel_loop3A_280 = arith.addi %parallel_loop3A_115, %parallel_loop3A_279 : vector<16xi32>
      %parallel_loop3A_281 = tpu.vector_load_idx %arg9[%parallel_loop3A_117, %parallel_loop3A_280] : memref<256x128xf32, #tpu.memory_space<vmem>>[vector<16xi32>, vector<16xi32>], vector<16xf32>,
      %parallel_loop3A_282 = arith.constant 20 : i32
      %parallel_loop3A_283 = arith.index_cast %parallel_loop3A_282 : i32 to index
      %parallel_loop3A_284 = arith.index_cast %parallel_loop3A_107 : i32 to index
      %parallel_loop3A_285 = tpu.vector_load %arg11[%parallel_loop3A_283, %parallel_loop3A_284] {strides = array<i32>} : memref<32x256xf32, #tpu.memory_space<vmem>>, vector<16xf32>,
      tpu.vector_store %arg11[%parallel_loop3A_283, %parallel_loop3A_284], %parallel_loop3A_281 {strides = array<i32>} : memref<32x256xf32, #tpu.memory_space<vmem>>, vector<16xf32>,
      %parallel_loop3A_286 = arith.constant 21 : i32
      %parallel_loop3A_287 = vector.broadcast %parallel_loop3A_286 : i32 to vector<16xi32>
      %parallel_loop3A_288 = arith.addi %parallel_loop3A_115, %parallel_loop3A_287 : vector<16xi32>
      %parallel_loop3A_289 = tpu.vector_load_idx %arg9[%parallel_loop3A_117, %parallel_loop3A_288] : memref<256x128xf32, #tpu.memory_space<vmem>>[vector<16xi32>, vector<16xi32>], vector<16xf32>,
      %parallel_loop3A_290 = arith.constant 21 : i32
      %parallel_loop3A_291 = arith.index_cast %parallel_loop3A_290 : i32 to index
      %parallel_loop3A_292 = arith.index_cast %parallel_loop3A_107 : i32 to index
      %parallel_loop3A_293 = tpu.vector_load %arg11[%parallel_loop3A_291, %parallel_loop3A_292] {strides = array<i32>} : memref<32x256xf32, #tpu.memory_space<vmem>>, vector<16xf32>,
      tpu.vector_store %arg11[%parallel_loop3A_291, %parallel_loop3A_292], %parallel_loop3A_289 {strides = array<i32>} : memref<32x256xf32, #tpu.memory_space<vmem>>, vector<16xf32>,
      %parallel_loop3A_294 = arith.constant 22 : i32
      %parallel_loop3A_295 = vector.broadcast %parallel_loop3A_294 : i32 to vector<16xi32>
      %parallel_loop3A_296 = arith.addi %parallel_loop3A_115, %parallel_loop3A_295 : vector<16xi32>
      %parallel_loop3A_297 = tpu.vector_load_idx %arg9[%parallel_loop3A_117, %parallel_loop3A_296] : memref<256x128xf32, #tpu.memory_space<vmem>>[vector<16xi32>, vector<16xi32>], vector<16xf32>,
      %parallel_loop3A_298 = arith.constant 22 : i32
      %parallel_loop3A_299 = arith.index_cast %parallel_loop3A_298 : i32 to index
      %parallel_loop3A_300 = arith.index_cast %parallel_loop3A_107 : i32 to index
      %parallel_loop3A_301 = tpu.vector_load %arg11[%parallel_loop3A_299, %parallel_loop3A_300] {strides = array<i32>} : memref<32x256xf32, #tpu.memory_space<vmem>>, vector<16xf32>,
      tpu.vector_store %arg11[%parallel_loop3A_299, %parallel_loop3A_300], %parallel_loop3A_297 {strides = array<i32>} : memref<32x256xf32, #tpu.memory_space<vmem>>, vector<16xf32>,
      %parallel_loop3A_302 = arith.constant 23 : i32
      %parallel_loop3A_303 = vector.broadcast %parallel_loop3A_302 : i32 to vector<16xi32>
      %parallel_loop3A_304 = arith.addi %parallel_loop3A_115, %parallel_loop3A_303 : vector<16xi32>
      %parallel_loop3A_305 = tpu.vector_load_idx %arg9[%parallel_loop3A_117, %parallel_loop3A_304] : memref<256x128xf32, #tpu.memory_space<vmem>>[vector<16xi32>, vector<16xi32>], vector<16xf32>,
      %parallel_loop3A_306 = arith.constant 23 : i32
      %parallel_loop3A_307 = arith.index_cast %parallel_loop3A_306 : i32 to index
      %parallel_loop3A_308 = arith.index_cast %parallel_loop3A_107 : i32 to index
      %parallel_loop3A_309 = tpu.vector_load %arg11[%parallel_loop3A_307, %parallel_loop3A_308] {strides = array<i32>} : memref<32x256xf32, #tpu.memory_space<vmem>>, vector<16xf32>,
      tpu.vector_store %arg11[%parallel_loop3A_307, %parallel_loop3A_308], %parallel_loop3A_305 {strides = array<i32>} : memref<32x256xf32, #tpu.memory_space<vmem>>, vector<16xf32>,
      %parallel_loop3A_310 = arith.constant 24 : i32
      %parallel_loop3A_311 = vector.broadcast %parallel_loop3A_310 : i32 to vector<16xi32>
      %parallel_loop3A_312 = arith.addi %parallel_loop3A_115, %parallel_loop3A_311 : vector<16xi32>
      %parallel_loop3A_313 = tpu.vector_load_idx %arg9[%parallel_loop3A_117, %parallel_loop3A_312] : memref<256x128xf32, #tpu.memory_space<vmem>>[vector<16xi32>, vector<16xi32>], vector<16xf32>,
      %parallel_loop3A_314 = arith.constant 24 : i32
      %parallel_loop3A_315 = arith.index_cast %parallel_loop3A_314 : i32 to index
      %parallel_loop3A_316 = arith.index_cast %parallel_loop3A_107 : i32 to index
      %parallel_loop3A_317 = tpu.vector_load %arg11[%parallel_loop3A_315, %parallel_loop3A_316] {strides = array<i32>} : memref<32x256xf32, #tpu.memory_space<vmem>>, vector<16xf32>,
      tpu.vector_store %arg11[%parallel_loop3A_315, %parallel_loop3A_316], %parallel_loop3A_313 {strides = array<i32>} : memref<32x256xf32, #tpu.memory_space<vmem>>, vector<16xf32>,
      %parallel_loop3A_318 = arith.constant 25 : i32
      %parallel_loop3A_319 = vector.broadcast %parallel_loop3A_318 : i32 to vector<16xi32>
      %parallel_loop3A_320 = arith.addi %parallel_loop3A_115, %parallel_loop3A_319 : vector<16xi32>
      %parallel_loop3A_321 = tpu.vector_load_idx %arg9[%parallel_loop3A_117, %parallel_loop3A_320] : memref<256x128xf32, #tpu.memory_space<vmem>>[vector<16xi32>, vector<16xi32>], vector<16xf32>,
      %parallel_loop3A_322 = arith.constant 25 : i32
      %parallel_loop3A_323 = arith.index_cast %parallel_loop3A_322 : i32 to index
      %parallel_loop3A_324 = arith.index_cast %parallel_loop3A_107 : i32 to index
      %parallel_loop3A_325 = tpu.vector_load %arg11[%parallel_loop3A_323, %parallel_loop3A_324] {strides = array<i32>} : memref<32x256xf32, #tpu.memory_space<vmem>>, vector<16xf32>,
      tpu.vector_store %arg11[%parallel_loop3A_323, %parallel_loop3A_324], %parallel_loop3A_321 {strides = array<i32>} : memref<32x256xf32, #tpu.memory_space<vmem>>, vector<16xf32>,
      %parallel_loop3A_326 = arith.constant 26 : i32
      %parallel_loop3A_327 = vector.broadcast %parallel_loop3A_326 : i32 to vector<16xi32>
      %parallel_loop3A_328 = arith.addi %parallel_loop3A_115, %parallel_loop3A_327 : vector<16xi32>
      %parallel_loop3A_329 = tpu.vector_load_idx %arg9[%parallel_loop3A_117, %parallel_loop3A_328] : memref<256x128xf32, #tpu.memory_space<vmem>>[vector<16xi32>, vector<16xi32>], vector<16xf32>,
      %parallel_loop3A_330 = arith.constant 26 : i32
      %parallel_loop3A_331 = arith.index_cast %parallel_loop3A_330 : i32 to index
      %parallel_loop3A_332 = arith.index_cast %parallel_loop3A_107 : i32 to index
      %parallel_loop3A_333 = tpu.vector_load %arg11[%parallel_loop3A_331, %parallel_loop3A_332] {strides = array<i32>} : memref<32x256xf32, #tpu.memory_space<vmem>>, vector<16xf32>,
      tpu.vector_store %arg11[%parallel_loop3A_331, %parallel_loop3A_332], %parallel_loop3A_329 {strides = array<i32>} : memref<32x256xf32, #tpu.memory_space<vmem>>, vector<16xf32>,
      %parallel_loop3A_334 = arith.constant 27 : i32
      %parallel_loop3A_335 = vector.broadcast %parallel_loop3A_334 : i32 to vector<16xi32>
      %parallel_loop3A_336 = arith.addi %parallel_loop3A_115, %parallel_loop3A_335 : vector<16xi32>
      %parallel_loop3A_337 = tpu.vector_load_idx %arg9[%parallel_loop3A_117, %parallel_loop3A_336] : memref<256x128xf32, #tpu.memory_space<vmem>>[vector<16xi32>, vector<16xi32>], vector<16xf32>,
      %parallel_loop3A_338 = arith.constant 27 : i32
      %parallel_loop3A_339 = arith.index_cast %parallel_loop3A_338 : i32 to index
      %parallel_loop3A_340 = arith.index_cast %parallel_loop3A_107 : i32 to index
      %parallel_loop3A_341 = tpu.vector_load %arg11[%parallel_loop3A_339, %parallel_loop3A_340] {strides = array<i32>} : memref<32x256xf32, #tpu.memory_space<vmem>>, vector<16xf32>,
      tpu.vector_store %arg11[%parallel_loop3A_339, %parallel_loop3A_340], %parallel_loop3A_337 {strides = array<i32>} : memref<32x256xf32, #tpu.memory_space<vmem>>, vector<16xf32>,
      %parallel_loop3A_342 = arith.constant 28 : i32
      %parallel_loop3A_343 = vector.broadcast %parallel_loop3A_342 : i32 to vector<16xi32>
      %parallel_loop3A_344 = arith.addi %parallel_loop3A_115, %parallel_loop3A_343 : vector<16xi32>
      %parallel_loop3A_345 = tpu.vector_load_idx %arg9[%parallel_loop3A_117, %parallel_loop3A_344] : memref<256x128xf32, #tpu.memory_space<vmem>>[vector<16xi32>, vector<16xi32>], vector<16xf32>,
      %parallel_loop3A_346 = arith.constant 28 : i32
      %parallel_loop3A_347 = arith.index_cast %parallel_loop3A_346 : i32 to index
      %parallel_loop3A_348 = arith.index_cast %parallel_loop3A_107 : i32 to index
      %parallel_loop3A_349 = tpu.vector_load %arg11[%parallel_loop3A_347, %parallel_loop3A_348] {strides = array<i32>} : memref<32x256xf32, #tpu.memory_space<vmem>>, vector<16xf32>,
      tpu.vector_store %arg11[%parallel_loop3A_347, %parallel_loop3A_348], %parallel_loop3A_345 {strides = array<i32>} : memref<32x256xf32, #tpu.memory_space<vmem>>, vector<16xf32>,
      %parallel_loop3A_350 = arith.constant 29 : i32
      %parallel_loop3A_351 = vector.broadcast %parallel_loop3A_350 : i32 to vector<16xi32>
      %parallel_loop3A_352 = arith.addi %parallel_loop3A_115, %parallel_loop3A_351 : vector<16xi32>
      %parallel_loop3A_353 = tpu.vector_load_idx %arg9[%parallel_loop3A_117, %parallel_loop3A_352] : memref<256x128xf32, #tpu.memory_space<vmem>>[vector<16xi32>, vector<16xi32>], vector<16xf32>,
      %parallel_loop3A_354 = arith.constant 29 : i32
      %parallel_loop3A_355 = arith.index_cast %parallel_loop3A_354 : i32 to index
      %parallel_loop3A_356 = arith.index_cast %parallel_loop3A_107 : i32 to index
      %parallel_loop3A_357 = tpu.vector_load %arg11[%parallel_loop3A_355, %parallel_loop3A_356] {strides = array<i32>} : memref<32x256xf32, #tpu.memory_space<vmem>>, vector<16xf32>,
      tpu.vector_store %arg11[%parallel_loop3A_355, %parallel_loop3A_356], %parallel_loop3A_353 {strides = array<i32>} : memref<32x256xf32, #tpu.memory_space<vmem>>, vector<16xf32>,
      %parallel_loop3A_358 = arith.constant 30 : i32
      %parallel_loop3A_359 = vector.broadcast %parallel_loop3A_358 : i32 to vector<16xi32>
      %parallel_loop3A_360 = arith.addi %parallel_loop3A_115, %parallel_loop3A_359 : vector<16xi32>
      %parallel_loop3A_361 = tpu.vector_load_idx %arg9[%parallel_loop3A_117, %parallel_loop3A_360] : memref<256x128xf32, #tpu.memory_space<vmem>>[vector<16xi32>, vector<16xi32>], vector<16xf32>,
      %parallel_loop3A_362 = arith.constant 30 : i32
      %parallel_loop3A_363 = arith.index_cast %parallel_loop3A_362 : i32 to index
      %parallel_loop3A_364 = arith.index_cast %parallel_loop3A_107 : i32 to index
      %parallel_loop3A_365 = tpu.vector_load %arg11[%parallel_loop3A_363, %parallel_loop3A_364] {strides = array<i32>} : memref<32x256xf32, #tpu.memory_space<vmem>>, vector<16xf32>,
      tpu.vector_store %arg11[%parallel_loop3A_363, %parallel_loop3A_364], %parallel_loop3A_361 {strides = array<i32>} : memref<32x256xf32, #tpu.memory_space<vmem>>, vector<16xf32>,
      %parallel_loop3A_366 = arith.constant 31 : i32
      %parallel_loop3A_367 = vector.broadcast %parallel_loop3A_366 : i32 to vector<16xi32>
      %parallel_loop3A_368 = arith.addi %parallel_loop3A_115, %parallel_loop3A_367 : vector<16xi32>
      %parallel_loop3A_369 = tpu.vector_load_idx %arg9[%parallel_loop3A_117, %parallel_loop3A_368] : memref<256x128xf32, #tpu.memory_space<vmem>>[vector<16xi32>, vector<16xi32>], vector<16xf32>,
      %parallel_loop3A_370 = arith.constant 31 : i32
      %parallel_loop3A_371 = arith.index_cast %parallel_loop3A_370 : i32 to index
      %parallel_loop3A_372 = arith.index_cast %parallel_loop3A_107 : i32 to index
      %parallel_loop3A_373 = tpu.vector_load %arg11[%parallel_loop3A_371, %parallel_loop3A_372] {strides = array<i32>} : memref<32x256xf32, #tpu.memory_space<vmem>>, vector<16xf32>,
      tpu.vector_store %arg11[%parallel_loop3A_371, %parallel_loop3A_372], %parallel_loop3A_369 {strides = array<i32>} : memref<32x256xf32, #tpu.memory_space<vmem>>, vector<16xf32>,
    } {sc.loop_unroll_factor = 1 : i64, sc.parallel_access}
    %add3A_63 = arith.constant 0 : i32
    %add3A_64 = arith.addi %mul3A_2, %add3A_63 : i32
    %dma_start3A_65 = arith.constant 49 : i32
    %dma_start3A_66 = arith.constant 0 : i32
    %dma_start3A_67 = tpu.memref_slice %arg4[%dma_start3A_65, %dma_start3A_66, %add3A_64] : memref<50x32x16384xf32, #tpu.memory_space<hbm>> -> memref<1x32x256xf32, #tpu.memory_space<hbm>>
    %dma_start3A_68 = tpu.memref_squeeze %dma_start3A_67 : memref<1x32x256xf32, #tpu.memory_space<hbm>> -> memref<32x256xf32, #tpu.memory_space<hbm>>
    %dma_start3A_69 = arith.constant 0 : i32
    %dma_start3A_70 = tpu.memref_slice %arg4[%dma_start3A_65, %dma_start3A_69, %add3A_64] : memref<50x32x16384xf32, #tpu.memory_space<hbm>> -> memref<1x32x256xf32, #tpu.memory_space<hbm>>
    %dma_start3A_71 = tpu.memref_squeeze %dma_start3A_70 : memref<1x32x256xf32, #tpu.memory_space<hbm>> -> memref<32x256xf32, #tpu.memory_space<hbm>>
    tpu.enqueue_dma source(%arg11 : memref<32x256xf32, #tpu.memory_space<vmem>>) target(%dma_start3A_71 : memref<32x256xf32, #tpu.memory_space<hbm>>) target_semaphore(%arg17 : memref<!tpu.dma_semaphore, #tpu.memory_space<semaphore_mem>>)
    %dma_wait3A_72 = arith.constant 0 : i32
    %dma_wait3A_73 = arith.constant 0 : i32
    %dma_wait3A_74 = tpu.memref_slice %arg2[%dma_wait3A_72, %dma_wait3A_73] : memref<250000x128xf32, #tpu.memory_space<hbm>> -> memref<250000x128xf32, #tpu.memory_space<hbm>>
    tpu.wait_indirect_dma semaphore(%arg16 : memref<!tpu.dma_semaphore, #tpu.memory_space<semaphore_mem>>) src(%dma_wait3A_74 : memref<250000x128xf32, #tpu.memory_space<hbm>>) dst(%arg10 : memref<256x128xf32, #tpu.memory_space<vmem>>)
    %parallel_loop3A_75 = arith.constant 0 : i32
    %parallel_loop3A_76 = arith.constant 16 : i32
    %parallel_loop3A_77 = arith.constant 1 : i32
    scf.for %parallel_loop3A_105 = %parallel_loop3A_75 to %parallel_loop3A_76 step %parallel_loop3A_77  : i32 {
      %parallel_loop3A_106 = arith.constant 16 : i32
      %parallel_loop3A_107 = arith.muli %parallel_loop3A_105, %parallel_loop3A_106 : i32
      %parallel_loop3A_108 = arith.index_cast %parallel_loop3A_107 : i32 to index
      %parallel_loop3A_109 = tpu.vector_load %arg6[%parallel_loop3A_108] {strides = array<i32>} : memref<256xi32, #tpu.memory_space<vmem>>, vector<16xi32>,
      %parallel_loop3A_110 = arith.constant 3 : i32
      %parallel_loop3A_111 = vector.broadcast %parallel_loop3A_110 : i32 to vector<16xi32>
      %parallel_loop3A_112 = arith.andi %parallel_loop3A_109, %parallel_loop3A_111 : vector<16xi32>
      %parallel_loop3A_113 = arith.constant 5 : i32
      %parallel_loop3A_114 = vector.broadcast %parallel_loop3A_113 : i32 to vector<16xi32>
      %parallel_loop3A_115 = arith.shli %parallel_loop3A_112, %parallel_loop3A_114 : vector<16xi32>
      %parallel_loop3A_116 = vector.broadcast %parallel_loop3A_107 : i32 to vector<16xi32>
      %parallel_loop3A_117 = arith.addi %parallel_loop3A_116, %iota3A : vector<16xi32>
      %parallel_loop3A_118 = arith.constant 0 : i32
      %parallel_loop3A_119 = vector.broadcast %parallel_loop3A_118 : i32 to vector<16xi32>
      %parallel_loop3A_120 = arith.addi %parallel_loop3A_115, %parallel_loop3A_119 : vector<16xi32>
      %parallel_loop3A_121 = tpu.vector_load_idx %arg10[%parallel_loop3A_117, %parallel_loop3A_120] : memref<256x128xf32, #tpu.memory_space<vmem>>[vector<16xi32>, vector<16xi32>], vector<16xf32>,
      %parallel_loop3A_122 = arith.constant 0 : i32
      %parallel_loop3A_123 = arith.index_cast %parallel_loop3A_122 : i32 to index
      %parallel_loop3A_124 = arith.index_cast %parallel_loop3A_107 : i32 to index
      %parallel_loop3A_125 = tpu.vector_load %arg12[%parallel_loop3A_123, %parallel_loop3A_124] {strides = array<i32>} : memref<32x256xf32, #tpu.memory_space<vmem>>, vector<16xf32>,
      tpu.vector_store %arg12[%parallel_loop3A_123, %parallel_loop3A_124], %parallel_loop3A_121 {strides = array<i32>} : memref<32x256xf32, #tpu.memory_space<vmem>>, vector<16xf32>,
      %parallel_loop3A_126 = arith.constant 1 : i32
      %parallel_loop3A_127 = vector.broadcast %parallel_loop3A_126 : i32 to vector<16xi32>
      %parallel_loop3A_128 = arith.addi %parallel_loop3A_115, %parallel_loop3A_127 : vector<16xi32>
      %parallel_loop3A_129 = tpu.vector_load_idx %arg10[%parallel_loop3A_117, %parallel_loop3A_128] : memref<256x128xf32, #tpu.memory_space<vmem>>[vector<16xi32>, vector<16xi32>], vector<16xf32>,
      %parallel_loop3A_130 = arith.constant 1 : i32
      %parallel_loop3A_131 = arith.index_cast %parallel_loop3A_130 : i32 to index
      %parallel_loop3A_132 = arith.index_cast %parallel_loop3A_107 : i32 to index
      %parallel_loop3A_133 = tpu.vector_load %arg12[%parallel_loop3A_131, %parallel_loop3A_132] {strides = array<i32>} : memref<32x256xf32, #tpu.memory_space<vmem>>, vector<16xf32>,
      tpu.vector_store %arg12[%parallel_loop3A_131, %parallel_loop3A_132], %parallel_loop3A_129 {strides = array<i32>} : memref<32x256xf32, #tpu.memory_space<vmem>>, vector<16xf32>,
      %parallel_loop3A_134 = arith.constant 2 : i32
      %parallel_loop3A_135 = vector.broadcast %parallel_loop3A_134 : i32 to vector<16xi32>
      %parallel_loop3A_136 = arith.addi %parallel_loop3A_115, %parallel_loop3A_135 : vector<16xi32>
      %parallel_loop3A_137 = tpu.vector_load_idx %arg10[%parallel_loop3A_117, %parallel_loop3A_136] : memref<256x128xf32, #tpu.memory_space<vmem>>[vector<16xi32>, vector<16xi32>], vector<16xf32>,
      %parallel_loop3A_138 = arith.constant 2 : i32
      %parallel_loop3A_139 = arith.index_cast %parallel_loop3A_138 : i32 to index
      %parallel_loop3A_140 = arith.index_cast %parallel_loop3A_107 : i32 to index
      %parallel_loop3A_141 = tpu.vector_load %arg12[%parallel_loop3A_139, %parallel_loop3A_140] {strides = array<i32>} : memref<32x256xf32, #tpu.memory_space<vmem>>, vector<16xf32>,
      tpu.vector_store %arg12[%parallel_loop3A_139, %parallel_loop3A_140], %parallel_loop3A_137 {strides = array<i32>} : memref<32x256xf32, #tpu.memory_space<vmem>>, vector<16xf32>,
      %parallel_loop3A_142 = arith.constant 3 : i32
      %parallel_loop3A_143 = vector.broadcast %parallel_loop3A_142 : i32 to vector<16xi32>
      %parallel_loop3A_144 = arith.addi %parallel_loop3A_115, %parallel_loop3A_143 : vector<16xi32>
      %parallel_loop3A_145 = tpu.vector_load_idx %arg10[%parallel_loop3A_117, %parallel_loop3A_144] : memref<256x128xf32, #tpu.memory_space<vmem>>[vector<16xi32>, vector<16xi32>], vector<16xf32>,
      %parallel_loop3A_146 = arith.constant 3 : i32
      %parallel_loop3A_147 = arith.index_cast %parallel_loop3A_146 : i32 to index
      %parallel_loop3A_148 = arith.index_cast %parallel_loop3A_107 : i32 to index
      %parallel_loop3A_149 = tpu.vector_load %arg12[%parallel_loop3A_147, %parallel_loop3A_148] {strides = array<i32>} : memref<32x256xf32, #tpu.memory_space<vmem>>, vector<16xf32>,
      tpu.vector_store %arg12[%parallel_loop3A_147, %parallel_loop3A_148], %parallel_loop3A_145 {strides = array<i32>} : memref<32x256xf32, #tpu.memory_space<vmem>>, vector<16xf32>,
      %parallel_loop3A_150 = arith.constant 4 : i32
      %parallel_loop3A_151 = vector.broadcast %parallel_loop3A_150 : i32 to vector<16xi32>
      %parallel_loop3A_152 = arith.addi %parallel_loop3A_115, %parallel_loop3A_151 : vector<16xi32>
      %parallel_loop3A_153 = tpu.vector_load_idx %arg10[%parallel_loop3A_117, %parallel_loop3A_152] : memref<256x128xf32, #tpu.memory_space<vmem>>[vector<16xi32>, vector<16xi32>], vector<16xf32>,
      %parallel_loop3A_154 = arith.constant 4 : i32
      %parallel_loop3A_155 = arith.index_cast %parallel_loop3A_154 : i32 to index
      %parallel_loop3A_156 = arith.index_cast %parallel_loop3A_107 : i32 to index
      %parallel_loop3A_157 = tpu.vector_load %arg12[%parallel_loop3A_155, %parallel_loop3A_156] {strides = array<i32>} : memref<32x256xf32, #tpu.memory_space<vmem>>, vector<16xf32>,
      tpu.vector_store %arg12[%parallel_loop3A_155, %parallel_loop3A_156], %parallel_loop3A_153 {strides = array<i32>} : memref<32x256xf32, #tpu.memory_space<vmem>>, vector<16xf32>,
      %parallel_loop3A_158 = arith.constant 5 : i32
      %parallel_loop3A_159 = vector.broadcast %parallel_loop3A_158 : i32 to vector<16xi32>
      %parallel_loop3A_160 = arith.addi %parallel_loop3A_115, %parallel_loop3A_159 : vector<16xi32>
      %parallel_loop3A_161 = tpu.vector_load_idx %arg10[%parallel_loop3A_117, %parallel_loop3A_160] : memref<256x128xf32, #tpu.memory_space<vmem>>[vector<16xi32>, vector<16xi32>], vector<16xf32>,
      %parallel_loop3A_162 = arith.constant 5 : i32
      %parallel_loop3A_163 = arith.index_cast %parallel_loop3A_162 : i32 to index
      %parallel_loop3A_164 = arith.index_cast %parallel_loop3A_107 : i32 to index
      %parallel_loop3A_165 = tpu.vector_load %arg12[%parallel_loop3A_163, %parallel_loop3A_164] {strides = array<i32>} : memref<32x256xf32, #tpu.memory_space<vmem>>, vector<16xf32>,
      tpu.vector_store %arg12[%parallel_loop3A_163, %parallel_loop3A_164], %parallel_loop3A_161 {strides = array<i32>} : memref<32x256xf32, #tpu.memory_space<vmem>>, vector<16xf32>,
      %parallel_loop3A_166 = arith.constant 6 : i32
      %parallel_loop3A_167 = vector.broadcast %parallel_loop3A_166 : i32 to vector<16xi32>
      %parallel_loop3A_168 = arith.addi %parallel_loop3A_115, %parallel_loop3A_167 : vector<16xi32>
      %parallel_loop3A_169 = tpu.vector_load_idx %arg10[%parallel_loop3A_117, %parallel_loop3A_168] : memref<256x128xf32, #tpu.memory_space<vmem>>[vector<16xi32>, vector<16xi32>], vector<16xf32>,
      %parallel_loop3A_170 = arith.constant 6 : i32
      %parallel_loop3A_171 = arith.index_cast %parallel_loop3A_170 : i32 to index
      %parallel_loop3A_172 = arith.index_cast %parallel_loop3A_107 : i32 to index
      %parallel_loop3A_173 = tpu.vector_load %arg12[%parallel_loop3A_171, %parallel_loop3A_172] {strides = array<i32>} : memref<32x256xf32, #tpu.memory_space<vmem>>, vector<16xf32>,
      tpu.vector_store %arg12[%parallel_loop3A_171, %parallel_loop3A_172], %parallel_loop3A_169 {strides = array<i32>} : memref<32x256xf32, #tpu.memory_space<vmem>>, vector<16xf32>,
      %parallel_loop3A_174 = arith.constant 7 : i32
      %parallel_loop3A_175 = vector.broadcast %parallel_loop3A_174 : i32 to vector<16xi32>
      %parallel_loop3A_176 = arith.addi %parallel_loop3A_115, %parallel_loop3A_175 : vector<16xi32>
      %parallel_loop3A_177 = tpu.vector_load_idx %arg10[%parallel_loop3A_117, %parallel_loop3A_176] : memref<256x128xf32, #tpu.memory_space<vmem>>[vector<16xi32>, vector<16xi32>], vector<16xf32>,
      %parallel_loop3A_178 = arith.constant 7 : i32
      %parallel_loop3A_179 = arith.index_cast %parallel_loop3A_178 : i32 to index
      %parallel_loop3A_180 = arith.index_cast %parallel_loop3A_107 : i32 to index
      %parallel_loop3A_181 = tpu.vector_load %arg12[%parallel_loop3A_179, %parallel_loop3A_180] {strides = array<i32>} : memref<32x256xf32, #tpu.memory_space<vmem>>, vector<16xf32>,
      tpu.vector_store %arg12[%parallel_loop3A_179, %parallel_loop3A_180], %parallel_loop3A_177 {strides = array<i32>} : memref<32x256xf32, #tpu.memory_space<vmem>>, vector<16xf32>,
      %parallel_loop3A_182 = arith.constant 8 : i32
      %parallel_loop3A_183 = vector.broadcast %parallel_loop3A_182 : i32 to vector<16xi32>
      %parallel_loop3A_184 = arith.addi %parallel_loop3A_115, %parallel_loop3A_183 : vector<16xi32>
      %parallel_loop3A_185 = tpu.vector_load_idx %arg10[%parallel_loop3A_117, %parallel_loop3A_184] : memref<256x128xf32, #tpu.memory_space<vmem>>[vector<16xi32>, vector<16xi32>], vector<16xf32>,
      %parallel_loop3A_186 = arith.constant 8 : i32
      %parallel_loop3A_187 = arith.index_cast %parallel_loop3A_186 : i32 to index
      %parallel_loop3A_188 = arith.index_cast %parallel_loop3A_107 : i32 to index
      %parallel_loop3A_189 = tpu.vector_load %arg12[%parallel_loop3A_187, %parallel_loop3A_188] {strides = array<i32>} : memref<32x256xf32, #tpu.memory_space<vmem>>, vector<16xf32>,
      tpu.vector_store %arg12[%parallel_loop3A_187, %parallel_loop3A_188], %parallel_loop3A_185 {strides = array<i32>} : memref<32x256xf32, #tpu.memory_space<vmem>>, vector<16xf32>,
      %parallel_loop3A_190 = arith.constant 9 : i32
      %parallel_loop3A_191 = vector.broadcast %parallel_loop3A_190 : i32 to vector<16xi32>
      %parallel_loop3A_192 = arith.addi %parallel_loop3A_115, %parallel_loop3A_191 : vector<16xi32>
      %parallel_loop3A_193 = tpu.vector_load_idx %arg10[%parallel_loop3A_117, %parallel_loop3A_192] : memref<256x128xf32, #tpu.memory_space<vmem>>[vector<16xi32>, vector<16xi32>], vector<16xf32>,
      %parallel_loop3A_194 = arith.constant 9 : i32
      %parallel_loop3A_195 = arith.index_cast %parallel_loop3A_194 : i32 to index
      %parallel_loop3A_196 = arith.index_cast %parallel_loop3A_107 : i32 to index
      %parallel_loop3A_197 = tpu.vector_load %arg12[%parallel_loop3A_195, %parallel_loop3A_196] {strides = array<i32>} : memref<32x256xf32, #tpu.memory_space<vmem>>, vector<16xf32>,
      tpu.vector_store %arg12[%parallel_loop3A_195, %parallel_loop3A_196], %parallel_loop3A_193 {strides = array<i32>} : memref<32x256xf32, #tpu.memory_space<vmem>>, vector<16xf32>,
      %parallel_loop3A_198 = arith.constant 10 : i32
      %parallel_loop3A_199 = vector.broadcast %parallel_loop3A_198 : i32 to vector<16xi32>
      %parallel_loop3A_200 = arith.addi %parallel_loop3A_115, %parallel_loop3A_199 : vector<16xi32>
      %parallel_loop3A_201 = tpu.vector_load_idx %arg10[%parallel_loop3A_117, %parallel_loop3A_200] : memref<256x128xf32, #tpu.memory_space<vmem>>[vector<16xi32>, vector<16xi32>], vector<16xf32>,
      %parallel_loop3A_202 = arith.constant 10 : i32
      %parallel_loop3A_203 = arith.index_cast %parallel_loop3A_202 : i32 to index
      %parallel_loop3A_204 = arith.index_cast %parallel_loop3A_107 : i32 to index
      %parallel_loop3A_205 = tpu.vector_load %arg12[%parallel_loop3A_203, %parallel_loop3A_204] {strides = array<i32>} : memref<32x256xf32, #tpu.memory_space<vmem>>, vector<16xf32>,
      tpu.vector_store %arg12[%parallel_loop3A_203, %parallel_loop3A_204], %parallel_loop3A_201 {strides = array<i32>} : memref<32x256xf32, #tpu.memory_space<vmem>>, vector<16xf32>,
      %parallel_loop3A_206 = arith.constant 11 : i32
      %parallel_loop3A_207 = vector.broadcast %parallel_loop3A_206 : i32 to vector<16xi32>
      %parallel_loop3A_208 = arith.addi %parallel_loop3A_115, %parallel_loop3A_207 : vector<16xi32>
      %parallel_loop3A_209 = tpu.vector_load_idx %arg10[%parallel_loop3A_117, %parallel_loop3A_208] : memref<256x128xf32, #tpu.memory_space<vmem>>[vector<16xi32>, vector<16xi32>], vector<16xf32>,
      %parallel_loop3A_210 = arith.constant 11 : i32
      %parallel_loop3A_211 = arith.index_cast %parallel_loop3A_210 : i32 to index
      %parallel_loop3A_212 = arith.index_cast %parallel_loop3A_107 : i32 to index
      %parallel_loop3A_213 = tpu.vector_load %arg12[%parallel_loop3A_211, %parallel_loop3A_212] {strides = array<i32>} : memref<32x256xf32, #tpu.memory_space<vmem>>, vector<16xf32>,
      tpu.vector_store %arg12[%parallel_loop3A_211, %parallel_loop3A_212], %parallel_loop3A_209 {strides = array<i32>} : memref<32x256xf32, #tpu.memory_space<vmem>>, vector<16xf32>,
      %parallel_loop3A_214 = arith.constant 12 : i32
      %parallel_loop3A_215 = vector.broadcast %parallel_loop3A_214 : i32 to vector<16xi32>
      %parallel_loop3A_216 = arith.addi %parallel_loop3A_115, %parallel_loop3A_215 : vector<16xi32>
      %parallel_loop3A_217 = tpu.vector_load_idx %arg10[%parallel_loop3A_117, %parallel_loop3A_216] : memref<256x128xf32, #tpu.memory_space<vmem>>[vector<16xi32>, vector<16xi32>], vector<16xf32>,
      %parallel_loop3A_218 = arith.constant 12 : i32
      %parallel_loop3A_219 = arith.index_cast %parallel_loop3A_218 : i32 to index
      %parallel_loop3A_220 = arith.index_cast %parallel_loop3A_107 : i32 to index
      %parallel_loop3A_221 = tpu.vector_load %arg12[%parallel_loop3A_219, %parallel_loop3A_220] {strides = array<i32>} : memref<32x256xf32, #tpu.memory_space<vmem>>, vector<16xf32>,
      tpu.vector_store %arg12[%parallel_loop3A_219, %parallel_loop3A_220], %parallel_loop3A_217 {strides = array<i32>} : memref<32x256xf32, #tpu.memory_space<vmem>>, vector<16xf32>,
      %parallel_loop3A_222 = arith.constant 13 : i32
      %parallel_loop3A_223 = vector.broadcast %parallel_loop3A_222 : i32 to vector<16xi32>
      %parallel_loop3A_224 = arith.addi %parallel_loop3A_115, %parallel_loop3A_223 : vector<16xi32>
      %parallel_loop3A_225 = tpu.vector_load_idx %arg10[%parallel_loop3A_117, %parallel_loop3A_224] : memref<256x128xf32, #tpu.memory_space<vmem>>[vector<16xi32>, vector<16xi32>], vector<16xf32>,
      %parallel_loop3A_226 = arith.constant 13 : i32
      %parallel_loop3A_227 = arith.index_cast %parallel_loop3A_226 : i32 to index
      %parallel_loop3A_228 = arith.index_cast %parallel_loop3A_107 : i32 to index
      %parallel_loop3A_229 = tpu.vector_load %arg12[%parallel_loop3A_227, %parallel_loop3A_228] {strides = array<i32>} : memref<32x256xf32, #tpu.memory_space<vmem>>, vector<16xf32>,
      tpu.vector_store %arg12[%parallel_loop3A_227, %parallel_loop3A_228], %parallel_loop3A_225 {strides = array<i32>} : memref<32x256xf32, #tpu.memory_space<vmem>>, vector<16xf32>,
      %parallel_loop3A_230 = arith.constant 14 : i32
      %parallel_loop3A_231 = vector.broadcast %parallel_loop3A_230 : i32 to vector<16xi32>
      %parallel_loop3A_232 = arith.addi %parallel_loop3A_115, %parallel_loop3A_231 : vector<16xi32>
      %parallel_loop3A_233 = tpu.vector_load_idx %arg10[%parallel_loop3A_117, %parallel_loop3A_232] : memref<256x128xf32, #tpu.memory_space<vmem>>[vector<16xi32>, vector<16xi32>], vector<16xf32>,
      %parallel_loop3A_234 = arith.constant 14 : i32
      %parallel_loop3A_235 = arith.index_cast %parallel_loop3A_234 : i32 to index
      %parallel_loop3A_236 = arith.index_cast %parallel_loop3A_107 : i32 to index
      %parallel_loop3A_237 = tpu.vector_load %arg12[%parallel_loop3A_235, %parallel_loop3A_236] {strides = array<i32>} : memref<32x256xf32, #tpu.memory_space<vmem>>, vector<16xf32>,
      tpu.vector_store %arg12[%parallel_loop3A_235, %parallel_loop3A_236], %parallel_loop3A_233 {strides = array<i32>} : memref<32x256xf32, #tpu.memory_space<vmem>>, vector<16xf32>,
      %parallel_loop3A_238 = arith.constant 15 : i32
      %parallel_loop3A_239 = vector.broadcast %parallel_loop3A_238 : i32 to vector<16xi32>
      %parallel_loop3A_240 = arith.addi %parallel_loop3A_115, %parallel_loop3A_239 : vector<16xi32>
      %parallel_loop3A_241 = tpu.vector_load_idx %arg10[%parallel_loop3A_117, %parallel_loop3A_240] : memref<256x128xf32, #tpu.memory_space<vmem>>[vector<16xi32>, vector<16xi32>], vector<16xf32>,
      %parallel_loop3A_242 = arith.constant 15 : i32
      %parallel_loop3A_243 = arith.index_cast %parallel_loop3A_242 : i32 to index
      %parallel_loop3A_244 = arith.index_cast %parallel_loop3A_107 : i32 to index
      %parallel_loop3A_245 = tpu.vector_load %arg12[%parallel_loop3A_243, %parallel_loop3A_244] {strides = array<i32>} : memref<32x256xf32, #tpu.memory_space<vmem>>, vector<16xf32>,
      tpu.vector_store %arg12[%parallel_loop3A_243, %parallel_loop3A_244], %parallel_loop3A_241 {strides = array<i32>} : memref<32x256xf32, #tpu.memory_space<vmem>>, vector<16xf32>,
      %parallel_loop3A_246 = arith.constant 16 : i32
      %parallel_loop3A_247 = vector.broadcast %parallel_loop3A_246 : i32 to vector<16xi32>
      %parallel_loop3A_248 = arith.addi %parallel_loop3A_115, %parallel_loop3A_247 : vector<16xi32>
      %parallel_loop3A_249 = tpu.vector_load_idx %arg10[%parallel_loop3A_117, %parallel_loop3A_248] : memref<256x128xf32, #tpu.memory_space<vmem>>[vector<16xi32>, vector<16xi32>], vector<16xf32>,
      %parallel_loop3A_250 = arith.constant 16 : i32
      %parallel_loop3A_251 = arith.index_cast %parallel_loop3A_250 : i32 to index
      %parallel_loop3A_252 = arith.index_cast %parallel_loop3A_107 : i32 to index
      %parallel_loop3A_253 = tpu.vector_load %arg12[%parallel_loop3A_251, %parallel_loop3A_252] {strides = array<i32>} : memref<32x256xf32, #tpu.memory_space<vmem>>, vector<16xf32>,
      tpu.vector_store %arg12[%parallel_loop3A_251, %parallel_loop3A_252], %parallel_loop3A_249 {strides = array<i32>} : memref<32x256xf32, #tpu.memory_space<vmem>>, vector<16xf32>,
      %parallel_loop3A_254 = arith.constant 17 : i32
      %parallel_loop3A_255 = vector.broadcast %parallel_loop3A_254 : i32 to vector<16xi32>
      %parallel_loop3A_256 = arith.addi %parallel_loop3A_115, %parallel_loop3A_255 : vector<16xi32>
      %parallel_loop3A_257 = tpu.vector_load_idx %arg10[%parallel_loop3A_117, %parallel_loop3A_256] : memref<256x128xf32, #tpu.memory_space<vmem>>[vector<16xi32>, vector<16xi32>], vector<16xf32>,
      %parallel_loop3A_258 = arith.constant 17 : i32
      %parallel_loop3A_259 = arith.index_cast %parallel_loop3A_258 : i32 to index
      %parallel_loop3A_260 = arith.index_cast %parallel_loop3A_107 : i32 to index
      %parallel_loop3A_261 = tpu.vector_load %arg12[%parallel_loop3A_259, %parallel_loop3A_260] {strides = array<i32>} : memref<32x256xf32, #tpu.memory_space<vmem>>, vector<16xf32>,
      tpu.vector_store %arg12[%parallel_loop3A_259, %parallel_loop3A_260], %parallel_loop3A_257 {strides = array<i32>} : memref<32x256xf32, #tpu.memory_space<vmem>>, vector<16xf32>,
      %parallel_loop3A_262 = arith.constant 18 : i32
      %parallel_loop3A_263 = vector.broadcast %parallel_loop3A_262 : i32 to vector<16xi32>
      %parallel_loop3A_264 = arith.addi %parallel_loop3A_115, %parallel_loop3A_263 : vector<16xi32>
      %parallel_loop3A_265 = tpu.vector_load_idx %arg10[%parallel_loop3A_117, %parallel_loop3A_264] : memref<256x128xf32, #tpu.memory_space<vmem>>[vector<16xi32>, vector<16xi32>], vector<16xf32>,
      %parallel_loop3A_266 = arith.constant 18 : i32
      %parallel_loop3A_267 = arith.index_cast %parallel_loop3A_266 : i32 to index
      %parallel_loop3A_268 = arith.index_cast %parallel_loop3A_107 : i32 to index
      %parallel_loop3A_269 = tpu.vector_load %arg12[%parallel_loop3A_267, %parallel_loop3A_268] {strides = array<i32>} : memref<32x256xf32, #tpu.memory_space<vmem>>, vector<16xf32>,
      tpu.vector_store %arg12[%parallel_loop3A_267, %parallel_loop3A_268], %parallel_loop3A_265 {strides = array<i32>} : memref<32x256xf32, #tpu.memory_space<vmem>>, vector<16xf32>,
      %parallel_loop3A_270 = arith.constant 19 : i32
      %parallel_loop3A_271 = vector.broadcast %parallel_loop3A_270 : i32 to vector<16xi32>
      %parallel_loop3A_272 = arith.addi %parallel_loop3A_115, %parallel_loop3A_271 : vector<16xi32>
      %parallel_loop3A_273 = tpu.vector_load_idx %arg10[%parallel_loop3A_117, %parallel_loop3A_272] : memref<256x128xf32, #tpu.memory_space<vmem>>[vector<16xi32>, vector<16xi32>], vector<16xf32>,
      %parallel_loop3A_274 = arith.constant 19 : i32
      %parallel_loop3A_275 = arith.index_cast %parallel_loop3A_274 : i32 to index
      %parallel_loop3A_276 = arith.index_cast %parallel_loop3A_107 : i32 to index
      %parallel_loop3A_277 = tpu.vector_load %arg12[%parallel_loop3A_275, %parallel_loop3A_276] {strides = array<i32>} : memref<32x256xf32, #tpu.memory_space<vmem>>, vector<16xf32>,
      tpu.vector_store %arg12[%parallel_loop3A_275, %parallel_loop3A_276], %parallel_loop3A_273 {strides = array<i32>} : memref<32x256xf32, #tpu.memory_space<vmem>>, vector<16xf32>,
      %parallel_loop3A_278 = arith.constant 20 : i32
      %parallel_loop3A_279 = vector.broadcast %parallel_loop3A_278 : i32 to vector<16xi32>
      %parallel_loop3A_280 = arith.addi %parallel_loop3A_115, %parallel_loop3A_279 : vector<16xi32>
      %parallel_loop3A_281 = tpu.vector_load_idx %arg10[%parallel_loop3A_117, %parallel_loop3A_280] : memref<256x128xf32, #tpu.memory_space<vmem>>[vector<16xi32>, vector<16xi32>], vector<16xf32>,
      %parallel_loop3A_282 = arith.constant 20 : i32
      %parallel_loop3A_283 = arith.index_cast %parallel_loop3A_282 : i32 to index
      %parallel_loop3A_284 = arith.index_cast %parallel_loop3A_107 : i32 to index
      %parallel_loop3A_285 = tpu.vector_load %arg12[%parallel_loop3A_283, %parallel_loop3A_284] {strides = array<i32>} : memref<32x256xf32, #tpu.memory_space<vmem>>, vector<16xf32>,
      tpu.vector_store %arg12[%parallel_loop3A_283, %parallel_loop3A_284], %parallel_loop3A_281 {strides = array<i32>} : memref<32x256xf32, #tpu.memory_space<vmem>>, vector<16xf32>,
      %parallel_loop3A_286 = arith.constant 21 : i32
      %parallel_loop3A_287 = vector.broadcast %parallel_loop3A_286 : i32 to vector<16xi32>
      %parallel_loop3A_288 = arith.addi %parallel_loop3A_115, %parallel_loop3A_287 : vector<16xi32>
      %parallel_loop3A_289 = tpu.vector_load_idx %arg10[%parallel_loop3A_117, %parallel_loop3A_288] : memref<256x128xf32, #tpu.memory_space<vmem>>[vector<16xi32>, vector<16xi32>], vector<16xf32>,
      %parallel_loop3A_290 = arith.constant 21 : i32
      %parallel_loop3A_291 = arith.index_cast %parallel_loop3A_290 : i32 to index
      %parallel_loop3A_292 = arith.index_cast %parallel_loop3A_107 : i32 to index
      %parallel_loop3A_293 = tpu.vector_load %arg12[%parallel_loop3A_291, %parallel_loop3A_292] {strides = array<i32>} : memref<32x256xf32, #tpu.memory_space<vmem>>, vector<16xf32>,
      tpu.vector_store %arg12[%parallel_loop3A_291, %parallel_loop3A_292], %parallel_loop3A_289 {strides = array<i32>} : memref<32x256xf32, #tpu.memory_space<vmem>>, vector<16xf32>,
      %parallel_loop3A_294 = arith.constant 22 : i32
      %parallel_loop3A_295 = vector.broadcast %parallel_loop3A_294 : i32 to vector<16xi32>
      %parallel_loop3A_296 = arith.addi %parallel_loop3A_115, %parallel_loop3A_295 : vector<16xi32>
      %parallel_loop3A_297 = tpu.vector_load_idx %arg10[%parallel_loop3A_117, %parallel_loop3A_296] : memref<256x128xf32, #tpu.memory_space<vmem>>[vector<16xi32>, vector<16xi32>], vector<16xf32>,
      %parallel_loop3A_298 = arith.constant 22 : i32
      %parallel_loop3A_299 = arith.index_cast %parallel_loop3A_298 : i32 to index
      %parallel_loop3A_300 = arith.index_cast %parallel_loop3A_107 : i32 to index
      %parallel_loop3A_301 = tpu.vector_load %arg12[%parallel_loop3A_299, %parallel_loop3A_300] {strides = array<i32>} : memref<32x256xf32, #tpu.memory_space<vmem>>, vector<16xf32>,
      tpu.vector_store %arg12[%parallel_loop3A_299, %parallel_loop3A_300], %parallel_loop3A_297 {strides = array<i32>} : memref<32x256xf32, #tpu.memory_space<vmem>>, vector<16xf32>,
      %parallel_loop3A_302 = arith.constant 23 : i32
      %parallel_loop3A_303 = vector.broadcast %parallel_loop3A_302 : i32 to vector<16xi32>
      %parallel_loop3A_304 = arith.addi %parallel_loop3A_115, %parallel_loop3A_303 : vector<16xi32>
      %parallel_loop3A_305 = tpu.vector_load_idx %arg10[%parallel_loop3A_117, %parallel_loop3A_304] : memref<256x128xf32, #tpu.memory_space<vmem>>[vector<16xi32>, vector<16xi32>], vector<16xf32>,
      %parallel_loop3A_306 = arith.constant 23 : i32
      %parallel_loop3A_307 = arith.index_cast %parallel_loop3A_306 : i32 to index
      %parallel_loop3A_308 = arith.index_cast %parallel_loop3A_107 : i32 to index
      %parallel_loop3A_309 = tpu.vector_load %arg12[%parallel_loop3A_307, %parallel_loop3A_308] {strides = array<i32>} : memref<32x256xf32, #tpu.memory_space<vmem>>, vector<16xf32>,
      tpu.vector_store %arg12[%parallel_loop3A_307, %parallel_loop3A_308], %parallel_loop3A_305 {strides = array<i32>} : memref<32x256xf32, #tpu.memory_space<vmem>>, vector<16xf32>,
      %parallel_loop3A_310 = arith.constant 24 : i32
      %parallel_loop3A_311 = vector.broadcast %parallel_loop3A_310 : i32 to vector<16xi32>
      %parallel_loop3A_312 = arith.addi %parallel_loop3A_115, %parallel_loop3A_311 : vector<16xi32>
      %parallel_loop3A_313 = tpu.vector_load_idx %arg10[%parallel_loop3A_117, %parallel_loop3A_312] : memref<256x128xf32, #tpu.memory_space<vmem>>[vector<16xi32>, vector<16xi32>], vector<16xf32>,
      %parallel_loop3A_314 = arith.constant 24 : i32
      %parallel_loop3A_315 = arith.index_cast %parallel_loop3A_314 : i32 to index
      %parallel_loop3A_316 = arith.index_cast %parallel_loop3A_107 : i32 to index
      %parallel_loop3A_317 = tpu.vector_load %arg12[%parallel_loop3A_315, %parallel_loop3A_316] {strides = array<i32>} : memref<32x256xf32, #tpu.memory_space<vmem>>, vector<16xf32>,
      tpu.vector_store %arg12[%parallel_loop3A_315, %parallel_loop3A_316], %parallel_loop3A_313 {strides = array<i32>} : memref<32x256xf32, #tpu.memory_space<vmem>>, vector<16xf32>,
      %parallel_loop3A_318 = arith.constant 25 : i32
      %parallel_loop3A_319 = vector.broadcast %parallel_loop3A_318 : i32 to vector<16xi32>
      %parallel_loop3A_320 = arith.addi %parallel_loop3A_115, %parallel_loop3A_319 : vector<16xi32>
      %parallel_loop3A_321 = tpu.vector_load_idx %arg10[%parallel_loop3A_117, %parallel_loop3A_320] : memref<256x128xf32, #tpu.memory_space<vmem>>[vector<16xi32>, vector<16xi32>], vector<16xf32>,
      %parallel_loop3A_322 = arith.constant 25 : i32
      %parallel_loop3A_323 = arith.index_cast %parallel_loop3A_322 : i32 to index
      %parallel_loop3A_324 = arith.index_cast %parallel_loop3A_107 : i32 to index
      %parallel_loop3A_325 = tpu.vector_load %arg12[%parallel_loop3A_323, %parallel_loop3A_324] {strides = array<i32>} : memref<32x256xf32, #tpu.memory_space<vmem>>, vector<16xf32>,
      tpu.vector_store %arg12[%parallel_loop3A_323, %parallel_loop3A_324], %parallel_loop3A_321 {strides = array<i32>} : memref<32x256xf32, #tpu.memory_space<vmem>>, vector<16xf32>,
      %parallel_loop3A_326 = arith.constant 26 : i32
      %parallel_loop3A_327 = vector.broadcast %parallel_loop3A_326 : i32 to vector<16xi32>
      %parallel_loop3A_328 = arith.addi %parallel_loop3A_115, %parallel_loop3A_327 : vector<16xi32>
      %parallel_loop3A_329 = tpu.vector_load_idx %arg10[%parallel_loop3A_117, %parallel_loop3A_328] : memref<256x128xf32, #tpu.memory_space<vmem>>[vector<16xi32>, vector<16xi32>], vector<16xf32>,
      %parallel_loop3A_330 = arith.constant 26 : i32
      %parallel_loop3A_331 = arith.index_cast %parallel_loop3A_330 : i32 to index
      %parallel_loop3A_332 = arith.index_cast %parallel_loop3A_107 : i32 to index
      %parallel_loop3A_333 = tpu.vector_load %arg12[%parallel_loop3A_331, %parallel_loop3A_332] {strides = array<i32>} : memref<32x256xf32, #tpu.memory_space<vmem>>, vector<16xf32>,
      tpu.vector_store %arg12[%parallel_loop3A_331, %parallel_loop3A_332], %parallel_loop3A_329 {strides = array<i32>} : memref<32x256xf32, #tpu.memory_space<vmem>>, vector<16xf32>,
      %parallel_loop3A_334 = arith.constant 27 : i32
      %parallel_loop3A_335 = vector.broadcast %parallel_loop3A_334 : i32 to vector<16xi32>
      %parallel_loop3A_336 = arith.addi %parallel_loop3A_115, %parallel_loop3A_335 : vector<16xi32>
      %parallel_loop3A_337 = tpu.vector_load_idx %arg10[%parallel_loop3A_117, %parallel_loop3A_336] : memref<256x128xf32, #tpu.memory_space<vmem>>[vector<16xi32>, vector<16xi32>], vector<16xf32>,
      %parallel_loop3A_338 = arith.constant 27 : i32
      %parallel_loop3A_339 = arith.index_cast %parallel_loop3A_338 : i32 to index
      %parallel_loop3A_340 = arith.index_cast %parallel_loop3A_107 : i32 to index
      %parallel_loop3A_341 = tpu.vector_load %arg12[%parallel_loop3A_339, %parallel_loop3A_340] {strides = array<i32>} : memref<32x256xf32, #tpu.memory_space<vmem>>, vector<16xf32>,
      tpu.vector_store %arg12[%parallel_loop3A_339, %parallel_loop3A_340], %parallel_loop3A_337 {strides = array<i32>} : memref<32x256xf32, #tpu.memory_space<vmem>>, vector<16xf32>,
      %parallel_loop3A_342 = arith.constant 28 : i32
      %parallel_loop3A_343 = vector.broadcast %parallel_loop3A_342 : i32 to vector<16xi32>
      %parallel_loop3A_344 = arith.addi %parallel_loop3A_115, %parallel_loop3A_343 : vector<16xi32>
      %parallel_loop3A_345 = tpu.vector_load_idx %arg10[%parallel_loop3A_117, %parallel_loop3A_344] : memref<256x128xf32, #tpu.memory_space<vmem>>[vector<16xi32>, vector<16xi32>], vector<16xf32>,
      %parallel_loop3A_346 = arith.constant 28 : i32
      %parallel_loop3A_347 = arith.index_cast %parallel_loop3A_346 : i32 to index
      %parallel_loop3A_348 = arith.index_cast %parallel_loop3A_107 : i32 to index
      %parallel_loop3A_349 = tpu.vector_load %arg12[%parallel_loop3A_347, %parallel_loop3A_348] {strides = array<i32>} : memref<32x256xf32, #tpu.memory_space<vmem>>, vector<16xf32>,
      tpu.vector_store %arg12[%parallel_loop3A_347, %parallel_loop3A_348], %parallel_loop3A_345 {strides = array<i32>} : memref<32x256xf32, #tpu.memory_space<vmem>>, vector<16xf32>,
      %parallel_loop3A_350 = arith.constant 29 : i32
      %parallel_loop3A_351 = vector.broadcast %parallel_loop3A_350 : i32 to vector<16xi32>
      %parallel_loop3A_352 = arith.addi %parallel_loop3A_115, %parallel_loop3A_351 : vector<16xi32>
      %parallel_loop3A_353 = tpu.vector_load_idx %arg10[%parallel_loop3A_117, %parallel_loop3A_352] : memref<256x128xf32, #tpu.memory_space<vmem>>[vector<16xi32>, vector<16xi32>], vector<16xf32>,
      %parallel_loop3A_354 = arith.constant 29 : i32
      %parallel_loop3A_355 = arith.index_cast %parallel_loop3A_354 : i32 to index
      %parallel_loop3A_356 = arith.index_cast %parallel_loop3A_107 : i32 to index
      %parallel_loop3A_357 = tpu.vector_load %arg12[%parallel_loop3A_355, %parallel_loop3A_356] {strides = array<i32>} : memref<32x256xf32, #tpu.memory_space<vmem>>, vector<16xf32>,
      tpu.vector_store %arg12[%parallel_loop3A_355, %parallel_loop3A_356], %parallel_loop3A_353 {strides = array<i32>} : memref<32x256xf32, #tpu.memory_space<vmem>>, vector<16xf32>,
      %parallel_loop3A_358 = arith.constant 30 : i32
      %parallel_loop3A_359 = vector.broadcast %parallel_loop3A_358 : i32 to vector<16xi32>
      %parallel_loop3A_360 = arith.addi %parallel_loop3A_115, %parallel_loop3A_359 : vector<16xi32>
      %parallel_loop3A_361 = tpu.vector_load_idx %arg10[%parallel_loop3A_117, %parallel_loop3A_360] : memref<256x128xf32, #tpu.memory_space<vmem>>[vector<16xi32>, vector<16xi32>], vector<16xf32>,
      %parallel_loop3A_362 = arith.constant 30 : i32
      %parallel_loop3A_363 = arith.index_cast %parallel_loop3A_362 : i32 to index
      %parallel_loop3A_364 = arith.index_cast %parallel_loop3A_107 : i32 to index
      %parallel_loop3A_365 = tpu.vector_load %arg12[%parallel_loop3A_363, %parallel_loop3A_364] {strides = array<i32>} : memref<32x256xf32, #tpu.memory_space<vmem>>, vector<16xf32>,
      tpu.vector_store %arg12[%parallel_loop3A_363, %parallel_loop3A_364], %parallel_loop3A_361 {strides = array<i32>} : memref<32x256xf32, #tpu.memory_space<vmem>>, vector<16xf32>,
      %parallel_loop3A_366 = arith.constant 31 : i32
      %parallel_loop3A_367 = vector.broadcast %parallel_loop3A_366 : i32 to vector<16xi32>
      %parallel_loop3A_368 = arith.addi %parallel_loop3A_115, %parallel_loop3A_367 : vector<16xi32>
      %parallel_loop3A_369 = tpu.vector_load_idx %arg10[%parallel_loop3A_117, %parallel_loop3A_368] : memref<256x128xf32, #tpu.memory_space<vmem>>[vector<16xi32>, vector<16xi32>], vector<16xf32>,
      %parallel_loop3A_370 = arith.constant 31 : i32
      %parallel_loop3A_371 = arith.index_cast %parallel_loop3A_370 : i32 to index
      %parallel_loop3A_372 = arith.index_cast %parallel_loop3A_107 : i32 to index
      %parallel_loop3A_373 = tpu.vector_load %arg12[%parallel_loop3A_371, %parallel_loop3A_372] {strides = array<i32>} : memref<32x256xf32, #tpu.memory_space<vmem>>, vector<16xf32>,
      tpu.vector_store %arg12[%parallel_loop3A_371, %parallel_loop3A_372], %parallel_loop3A_369 {strides = array<i32>} : memref<32x256xf32, #tpu.memory_space<vmem>>, vector<16xf32>,
    } {sc.loop_unroll_factor = 1 : i64, sc.parallel_access}
    %add3A_78 = arith.constant 256 : i32
    %add3A_79 = arith.addi %mul3A_2, %add3A_78 : i32
    %dma_start3A_80 = arith.constant 49 : i32
    %dma_start3A_81 = arith.constant 0 : i32
    %dma_start3A_82 = tpu.memref_slice %arg4[%dma_start3A_80, %dma_start3A_81, %add3A_79] : memref<50x32x16384xf32, #tpu.memory_space<hbm>> -> memref<1x32x256xf32, #tpu.memory_space<hbm>>
    %dma_start3A_83 = tpu.memref_squeeze %dma_start3A_82 : memref<1x32x256xf32, #tpu.memory_space<hbm>> -> memref<32x256xf32, #tpu.memory_space<hbm>>
    %dma_start3A_84 = arith.constant 0 : i32
    %dma_start3A_85 = tpu.memref_slice %arg4[%dma_start3A_80, %dma_start3A_84, %add3A_79] : memref<50x32x16384xf32, #tpu.memory_space<hbm>> -> memref<1x32x256xf32, #tpu.memory_space<hbm>>
    %dma_start3A_86 = tpu.memref_squeeze %dma_start3A_85 : memref<1x32x256xf32, #tpu.memory_space<hbm>> -> memref<32x256xf32, #tpu.memory_space<hbm>>
    tpu.enqueue_dma source(%arg12 : memref<32x256xf32, #tpu.memory_space<vmem>>) target(%dma_start3A_86 : memref<32x256xf32, #tpu.memory_space<hbm>>) target_semaphore(%arg18 : memref<!tpu.dma_semaphore, #tpu.memory_space<semaphore_mem>>)
    %add3A_87 = arith.constant 0 : i32
    %add3A_88 = arith.addi %mul3A_2, %add3A_87 : i32
    %dma_wait3A_89 = arith.constant 49 : i32
    %dma_wait3A_90 = arith.constant 0 : i32
    %dma_wait3A_91 = tpu.memref_slice %arg4[%dma_wait3A_89, %dma_wait3A_90, %add3A_88] : memref<50x32x16384xf32, #tpu.memory_space<hbm>> -> memref<1x32x256xf32, #tpu.memory_space<hbm>>
    %dma_wait3A_92 = tpu.memref_squeeze %dma_wait3A_91 : memref<1x32x256xf32, #tpu.memory_space<hbm>> -> memref<32x256xf32, #tpu.memory_space<hbm>>
    %dma_wait3A_93 = arith.constant 0 : i32
    %dma_wait3A_94 = tpu.memref_slice %arg4[%dma_wait3A_89, %dma_wait3A_93, %add3A_88] : memref<50x32x16384xf32, #tpu.memory_space<hbm>> -> memref<1x32x256xf32, #tpu.memory_space<hbm>>
    %dma_wait3A_95 = tpu.memref_squeeze %dma_wait3A_94 : memref<1x32x256xf32, #tpu.memory_space<hbm>> -> memref<32x256xf32, #tpu.memory_space<hbm>>
    tpu.wait_dma2 semaphore(%arg17 : memref<!tpu.dma_semaphore, #tpu.memory_space<semaphore_mem>>) src(%arg11 : memref<32x256xf32, #tpu.memory_space<vmem>>) dst(%dma_wait3A_95 : memref<32x256xf32, #tpu.memory_space<hbm>>)
    %add3A_96 = arith.constant 256 : i32
    %add3A_97 = arith.addi %mul3A_2, %add3A_96 : i32
    %dma_wait3A_98 = arith.constant 49 : i32
    %dma_wait3A_99 = arith.constant 0 : i32
    %dma_wait3A_100 = tpu.memref_slice %arg4[%dma_wait3A_98, %dma_wait3A_99, %add3A_97] : memref<50x32x16384xf32, #tpu.memory_space<hbm>> -> memref<1x32x256xf32, #tpu.memory_space<hbm>>
    %dma_wait3A_101 = tpu.memref_squeeze %dma_wait3A_100 : memref<1x32x256xf32, #tpu.memory_space<hbm>> -> memref<32x256xf32, #tpu.memory_space<hbm>>
    %dma_wait3A_102 = arith.constant 0 : i32
    %dma_wait3A_103 = tpu.memref_slice %arg4[%dma_wait3A_98, %dma_wait3A_102, %add3A_97] : memref<50x32x16384xf32, #tpu.memory_space<hbm>> -> memref<1x32x256xf32, #tpu.memory_space<hbm>>
    %dma_wait3A_104 = tpu.memref_squeeze %dma_wait3A_103 : memref<1x32x256xf32, #tpu.memory_space<hbm>> -> memref<32x256xf32, #tpu.memory_space<hbm>>
    tpu.wait_dma2 semaphore(%arg18 : memref<!tpu.dma_semaphore, #tpu.memory_space<semaphore_mem>>) src(%arg12 : memref<32x256xf32, #tpu.memory_space<vmem>>) dst(%dma_wait3A_104 : memref<32x256xf32, #tpu.memory_space<hbm>>)
    return
  }
}

</mosaic_0001>

<sc_bundles>
// kernel: kernel.3.cloned.1.call-start
scs
__scs_entry_jumppad:
0x0: {  	(pc) =	sbr.rel $0x88, $3  }
0x1: {  	(tag) =	ssettag $0x0;
	lr =	simm.s32 $0x1  }
0x2: {  	[smem:$0x3F9F] =	sst lr;
	_ =	strace $0xD0000000  }
0x3: {  	_ = 	snop  }
0x4: {  	_ = 	snop  }
0x5: {  	_ = 	snop  }
0x6: {  	_ = 	snop  }
0x7: {  	_ = 	snop  }
__scs_overlays_trampoline_lowered:
0x8: {  	[smem:$0x3FAE] =	sst s0  }
0x9: {  	[smem:$0x3FAF] =	sst s1  }
0xa: {  	[smem:$0x3FB0] =	sst s2  }
0xb: {  	[smem:$0x3FB1] =	sst s3  }
0xc: {  	[smem:$0x3FB2] =	sst s4  }
0xd: {  	[smem:$0x3FB3] =	sst s5  }
0xe: {  	[smem:$0x3FB4] =	sst s6  }
0xf: {  	[smem:$0x3FB5] =	sst s7  }
0x10: {  	[smem:$0x3FB6] =	sst s8  }
0x11: {  	[smem:$0x3FB7] =	sst s9;
	s0 =	simm.s32 @!p0 $0x0  }
0x12: {  	s1 =	sld [smem:$0x3F9D];
	s0 =	simm.s32 @p0 $0x1  }
0x13: {  	[smem:$0x3FB8] =	sst s0;
	s0 =	simm.s32 @!p1 $0x0  }
0x14: {  	s2 =	sld [smem:$0x3F9C];
	s0 =	simm.s32 @p1 $0x1  }
0x15: {  	[smem:$0x3FB9] =	sst s0;
	s0 =	simm.s32 @!p2 $0x0  }
0x16: {  	s3 =	sld [smem:$0x3FDB];
	s0 =	simm.s32 @p2 $0x1  }
0x17: {  	s4 =	simm.s32 $0x1BF5;
	[smem:$0x3FBB] =	sst s0  }
0x18: {  	s0 =	sld [smem:$0x3F9E];
	_ =	swait.ge [sflag:s4], $0x0  }
0x19: {  	s7 =	sld [smem:$0x3F9F]  }
0x1a: {  	s8 =	sadd.s32 $0xFFFFE003, lr  }
0x1b: {  	s9 =	sadd.s32 $0xFFFFFEF7, lr;
	s5 =	simm.s32 $0xFFFFFFFF;
	p2 =	slt.u32 s8, $0xFFFFF086  }
0x1c: {  	p1 =	slt.u32 s9, $0xF7A;
	s5 =	simm.s32 @!p2 $0x0  }
0x1d: {  	s5 =	simm.s32 @p1 $0x1;
	p0 =	seq.s32 s7, s2  }
0x1e: {  	s7 =	smul.u32 @!p0 $0xF7A, s2;
	p2 =	seq.s32 @!p0 s5, $0x0  }
0x1f: {  	s9 =	smul.u32 $0xF7A, s1;
	s8 =	simm.s32 @!p0 $0x1BF5;
	p2 =	por !p2, p0  }
0x20: {  	[sflag:s8] =	ssyncset.s32 @!p0 $0xFFFFF086;
	s6 =	sadd.s32 @!p0 s3, s7;
	s7 =	simm.s32 @!p0 $0x108  }
0x21: {  	s3 =	sadd.s32 s3, s9;
	s6 =	sadd.s32 @!p0 $0x88, s6;
	s7 =	simm.s32 @p2 $0x1082  }
0x22: {  	[simem:s7], [sflag:s8] =	dma.local @!p0 [hbm:s6], $0xF7A  }
0x23: {  	s9 =	sor.u32 $0xD0000000, s2;
	s6 =	simm.s32 $0x108;
	_ =	swait.ge @!p0 [sflag:s8], $0x0  }
0x24: {  	s3 =	sadd.s32 $0x88, s3;
	s6 =	simm.s32 @!p1 $0x1082;
	[sflag:s4] =	ssyncset.s32 $0xFFFFF086  }
0x25: {  	[simem:s6], [sflag:s4] =	dma.local [hbm:s3], $0xF7A  }
0x26: {  	[smem:$0x3F9F] =	sst s1;
	(tag) =	ssettag s2;
	_ =	strace s9  }
0x27: {  	s1 =	sld [smem:$0x3FAF]  }
0x28: {  	s2 =	sld [smem:$0x3FB0]  }
0x29: {  	s4 =	sld [smem:$0x3FB2]  }
0x2a: {  	p0 =	seq.s32 s5, $0x0;
	s5 =	sld [smem:$0x3FB3]  }
0x2b: {  	s6 =	sld [smem:$0x3FB4]  }
0x2c: {  	s7 =	sld [smem:$0x3FB5]  }
0x2d: {  	s3 =	simm.s32 $0x108;
	s8 =	sld [smem:$0x3FB6]  }
0x2e: {  	s3 =	simm.s32 @!p0 $0x1082;
	s9 =	sld [smem:$0x3FB7]  }
0x2f: {  	lr =	sadd.s32 s0, s3;
	s0 =	sld [smem:$0x3FAE]  }
0x30: {  	s3 =	sld [smem:$0x3FB1]  }
0x31: {  	[smem:$0x3FBA] =	sst s10  }
0x32: {  	s10 =	sld [smem:$0x3FB8];
	_ =	sdelay $0x3  }
0x33: {  	p0 =	seq.s32 s10, $0x1;
	s10 =	sld [smem:$0x3FBA];
	_ =	sdelay $0x3  }
0x34: {  	[smem:$0x3FBA] =	sst s10  }
0x35: {  	s10 =	sld [smem:$0x3FB9];
	_ =	sdelay $0x3  }
0x36: {  	p1 =	seq.s32 s10, $0x1;
	s10 =	sld [smem:$0x3FBA];
	_ =	sdelay $0x3  }
0x37: {  	[smem:$0x3FBA] =	sst s10  }
0x38: {  	s10 =	sld [smem:$0x3FBB]  }
0x39: {  	_ = 	snop;
	(pc) =	sbr.ind lr, $3  }
0x3a: {  	_ = 	snop  }
0x3b: {  	_ = 	snop  }
0x3c: {  	p2 =	seq.s32 s10, $0x1;
	s10 =	sld [smem:$0x3FBA]  }
0x3d: {  	_ =	shalt  }
0x3e: {  	_ =	shalt  }
0x3f: {  	_ =	shalt  }
0x40: {  	_ =	shalt  }
0x41: {  	_ =	shalt  }
0x42: {  	_ =	shalt  }
0x43: {  	_ =	shalt  }
0x44: {  	_ =	shalt  }
0x45: {  	_ =	shalt  }
0x46: {  	_ =	shalt  }
0x47: {  	_ =	shalt  }
0x48: {  	_ =	shalt  }
0x49: {  	_ =	shalt  }
0x4a: {  	_ =	shalt  }
0x4b: {  	_ =	shalt  }
0x4c: {  	_ =	shalt  }
0x4d: {  	_ =	shalt  }
0x4e: {  	_ =	shalt  }
0x4f: {  	_ =	shalt  }
0x50: {  	_ =	shalt  }
0x51: {  	_ =	shalt  }
0x52: {  	_ =	shalt  }
0x53: {  	_ =	shalt  }
0x54: {  	_ =	shalt  }
0x55: {  	_ =	shalt  }
0x56: {  	_ =	shalt  }
0x57: {  	_ =	shalt  }
0x58: {  	_ =	shalt  }
0x59: {  	_ =	shalt  }
0x5a: {  	_ =	shalt  }
0x5b: {  	_ =	shalt  }
0x5c: {  	_ =	shalt  }
0x5d: {  	_ =	shalt  }
0x5e: {  	_ =	shalt  }
0x5f: {  	_ =	shalt  }
0x60: {  	_ =	shalt  }
0x61: {  	_ =	shalt  }
0x62: {  	_ =	shalt  }
0x63: {  	_ =	shalt  }
0x64: {  	_ =	shalt  }
0x65: {  	_ =	shalt  }
0x66: {  	_ =	shalt  }
0x67: {  	_ =	shalt  }
0x68: {  	_ =	shalt  }
0x69: {  	_ =	shalt  }
0x6a: {  	_ =	shalt  }
0x6b: {  	_ =	shalt  }
0x6c: {  	_ =	shalt  }
0x6d: {  	_ =	shalt  }
0x6e: {  	_ =	shalt  }
0x6f: {  	_ =	shalt  }
0x70: {  	_ =	shalt  }
0x71: {  	_ =	shalt  }
0x72: {  	_ =	shalt  }
0x73: {  	_ =	shalt  }
0x74: {  	_ =	shalt  }
0x75: {  	_ =	shalt  }
0x76: {  	_ =	shalt  }
0x77: {  	_ =	shalt  }
0x78: {  	_ =	shalt  }
0x79: {  	_ =	shalt  }
0x7a: {  	_ =	shalt  }
0x7b: {  	_ =	shalt  }
0x7c: {  	_ =	shalt  }
0x7d: {  	_ =	shalt  }
0x7e: {  	_ =	shalt  }
0x7f: {  	_ =	shalt  }
0x80: {  	_ =	shalt  }
0x81: {  	_ =	shalt  }
0x82: {  	_ =	shalt  }
0x83: {  	_ =	shalt  }
0x84: {  	_ =	shalt  }
0x85: {  	_ =	shalt  }
0x86: {  	_ =	shalt  }
0x87: {  	_ =	shalt  }
.Lfunc_end0:
.L_simem_size_0:
called_computation_lowered:
.L_overlay_start_0:
0x88: {  	s2 =	sld [smem:$0x3FD9]  }
0x89: {  	s3 =	sld [smem:$0x3FFE];
	_ =	sdelay $0x1  }
0x8a: {  	s1 =	srdreg.scid  }
0x8b: {  	s0 =	sand.u32 $0x1, s1  }
0x8c: {  	s17 =	sshll.u32 s0, $0xA;
	s2 =	sadd.s32 s3, s2  }
0x8d: {  	s2 =	sadd.s32 s2, s17  }
0x8e: {  	[smem:$0x3FC6] =	sst s2  }
0x8f: {  	_ = 	snop  }
0x90: {  	s2 =	sld [smem:$0x3FC9]  }
0x91: {  	s18 =	sld [smem:$0x3FD0];
	(tm) =	ssettm $0x1  }
0x92: {  	s4 =	sld [smem:$0x3FFB];
	_ =	sdelay $0x3  }
0x93: {  	_ =	strace s4  }
0x94: {  	s4 =	sld [smem:$0x3FFC];
	_ =	sdelay $0x3  }
0x95: {  	_ =	strace s4  }
0x96: {  	s4 =	sld [smem:$0x3FFD];
	_ =	sdelay $0x3  }
0x97: {  	_ =	strace s4  }
0x98: {  	_ =	strace $0x8FFFFFFF  }
0x99: {  	s19 =	sld [smem:$0x3FDB];
	_ =	sdelay $0x1  }
0x9a: {  	s5 =	simm.s32 $_scs_section_size  }
0x9b: {  	s6 =	simm.s32 $_size__tile_overlayer_lowered;
	s7 =	simm.s32 $_tile_overlayer_lowered  }
0x9c: {  	s22 =	simm.s32 $0x1BFF;
	s21 =	sshll.u32 s7, $0x1;
	s4 =	sadd.s32 s5, s19  }
0x9d: {  	s8 =	simm.s32 $0x0;
	s20 =	sshll.u32 s6, $0x1;
	s6 =	sadd.s32 s21, s4  }
0x9e: {  	[timem:s8], [sflag:s22] =	dma.local [hbm:s6], s20  }
0x9f: {  	_ =	swait.ge [sflag:s22], s20  }
0xa0: {  	s5 =	ssub.s32 $0x0, s20;
	[sflag:s22] =	ssyncset.done $0x0  }
0xa1: {  	[sflag:s22] =	ssyncadd.s32 s5;
	_ =	sdelay $0x1  }
0xa2: {  	s23 =	simm.s32 $0x1B8B  }
0xa3: {  	_ =	swait.ge [sflag:s23], $0x1  }
0xa4: {  	[sflag:s23] =	ssyncset.done $0x0  }
0xa5: {  	s25 =	simm.s32 $0x1B8E;
	s24 =	sld [smem:$0x3FFE];
	[sflag:s23] =	ssyncadd.s32 $0xFFFFFFFF  }
0xa6: {  	s26 =	simm.s32 $execute0_lowered;
	[smem:$0x3FD2] =	sst s25  }
0xa7: {  	s6 =	sshll.u32 s26, $0x1;
	_ =	strace $0x80000046;
	[dreg:$0x1] =	wrdreg $0xFFFFFFFF  }
0xa8: {  	s28 =	simm.s32 $_size_execute0_lowered;
	s4 =	sadd.s32 s4, s6;
	[dreg:$0x0] =	wrdreg $0x0  }
0xa9: {  	s6 =	sshll.u32 s28, $0x1;
	[dreg:$0x2] =	wrdreg s4  }
0xaa: {  	[dreg:$0x3] =	wrdreg s6  }
0xab: {  	[dreg:$0x4] =	wrdreg $0xC0  }
0xac: {  	_ =	task [dreg:s8], $0x5FFFF  }
0xad: {  	[dreg:$0x1] =	wrdreg $0xFFFFFFFF  }
0xae: {  	[dreg:$0x0] =	wrdreg $0x60  }
0xaf: {  	[dreg:$0x2] =	wrdreg s24  }
0xb0: {  	[dreg:$0x3] =	wrdreg s2  }
0xb1: {  	[dreg:$0x4] =	wrdreg s18  }
0xb2: {  	[dreg:$0x5] =	wrdreg $0x9  }
0xb3: {  	_ =	task.clear_ibuf [dreg:s8], $0x6FFFF;
	_ =	strace $0x90000046  }
0xb4: {  	s29 =	simm.s32 $0x9;
	_ =	strace $0x80000048  }
0xb5: {  	_ =	swait.ge [sflag:s29], $0x1  }
0xb6: {  	[sflag:s29] =	ssyncadd.s32 $0xFFFFFFFF  }
0xb7: {  	_ =	strace $0x90000048  }
0xb8: {  	_ =	sfence  }
0xb9: {  	s30 =	sld [smem:$0x0];
	_ =	sdelay $0x2  }
0xba: {  	s31 =	sshll.u32 s1, $0xD;
	s1 =	sshrl.u32 s1, $0x2  }
0xbb: {  	s3 =	sand.u32 $0x4000, s31;
	s1 =	sadd.s32 s1, s30  }
0xbc: {  	s0 =	sor.u32 s3, s0;
	s1 =	sshll.u32 s1, $0x11  }
0xbd: {  	s0 =	sor.u32 s1, s0  }
0xbe: {  	s0 =	sadd.s32 $0x8F2B, s0  }
0xbf: {  	[sflag:s0] =	ssyncadd.remote.s32 $0x1  }
0xc0: {  	_ =	sfence.sel $0xFFFF  }
0xc1: {  	[dreg:$0x0] =	wrdreg $0xFFFFFFFF;
	(pc) =	sbr.abs _section_cstart, $3  }
0xc2: {  	[dreg:$0x1] =	wrdreg $0xFFFFFFFF  }
0xc3: {  	_ =	task.clear_ibuf [dreg:s8], $0x2FFFF;
	_ =	strace $0x9FFFFFFF  }
0xc4: {  	(tm) =	ssettm $0x7FFFFFFF  }
0xc5: {  	_ =	shalt  }
tec
execute0_lowered:
.L_overlay_start_1:
0x0: {  	(tag) =	ssettag $0x1  }
0x1: {  	s0 =	rddreg [dreg:$0x0]  }
0x2: {  	s8 =	rddreg [dreg:$0x1]  }
0x3: {  	s9 =	rddreg [dreg:$0x2]  }
0x4: {  	s1 =	srdreg.scid;
	s2 =	stileid.u32;
	s4 =	simm.s32 $0x0  }
0x5: {  	s13 =	simm.s32 $0x80;
	s14 =	simm.s32 $0x400;
	s15 =	simm.s32 $0x100  }
0x6: {  	s16 =	simm.s32 $0x1;
	s18 =	simm.s32 $0x2;
	s20 =	simm.s32 $0x8400  }
0x7: {  	s21 =	simm.s32 $0x3;
	s22 =	simm.s32 $0x800;
	s23 =	simm.s32 $0x20000  }
0x8: {  	s1 =	sand.u32 $0x1, s1;
	s2 =	sshll.u32 s2, $0xA;
	[smem:$0x7FF] =	sst s4  }
0x9: {  	s5 =	sadd.s32 $0xF42800, s0;
	s3 =	sshll.u32 s1, $0x9;
	s1 =	ssub.s32 $0x2, s1  }
0xa: {  	_ =	strace $0x80000047;
	s2 =	sor.u32 s3, s2;
	s25 =	sshrl.u32 s1, $0x1  }
0xb: {  	s26 =	sshll.u32 s2, $0x3;
	s7 =	sadd.s32 s8, s2;
	s2 =	sadd.s32 s9, s2  }
0xc: {  	s28 =	ssub.s32 s1, s25;
	s30 =	sadd.s32 $0x310000, s2;
	[dreg:$0x4] =	wrdreg s2  }
0xd: {  	s6 =	sor.u32 $0x800, s26;
	s31 =	sadd.s32 $0x310100, s2;
	[dreg:$0x6] =	wrdreg s30  }
0xe: {  	s0 =	smax.u32 s28, $0x1;
	s29 =	sshrl.u32 s6, $0x3;
	[dreg:$0x7] =	wrdreg s31  }
0xf: {  	v0 =	vlaneseq.u32;
	s25 =	simm.s32 $0x5;
	[dreg:$0x8] =	wrdreg s0;
	s1 =	sadd.s32 s8, s29  }
0x10: {  	v0 =	vmul.u32 $0x80, v0;
	s26 =	simm.s32 $0x4;
	[dreg:$0x5] =	wrdreg s1;
	s1 =	simm.s32 $0x0  }
.LBB2_1:
0x11: {  	[dreg:$0x9] =	wrdreg s1;
	s0 =	simm.s32 $0x0  }
0x12: {  	[tilespmem:s0], [sflag:$0x1] =	stream.strided.gather [hbm4b:s7+s13], $0x100, s14, s13, $0x38;
	[tilespmem:$0x14400] =	vst v63  }
0x13: {  	s30 =	rddreg [dreg:$0x5]  }
0x14: {  	[tilespmem:s15], [sflag:$0x2] =	stream.strided.gather [hbm4b:s30+s13], $0x100, s14, s13, $0x38;
	[tilespmem:$0x14400] =	vst v63  }
0x15: {  	_ =	swait.ge [sflag:s16], $0x100  }
0x16: {  	[sflag:s16] =	ssyncset.done $0x0  }
0x17: {  	[sflag:s16] =	ssyncadd.s32 $0xFFFFFF00  }
0x18: {  	v1 =	vld [tilespmem:$0x0]  }
0x19: {  	v2 =	vld [tilespmem:$0x10]  }
0x1a: {  	v3 =	vld [tilespmem:$0x20]  }
0x1b: {  	v4 =	vld [tilespmem:$0x30]  }
0x1c: {  	v5 =	vld [tilespmem:$0x40]  }
0x1d: {  	v6 =	vld [tilespmem:$0x50];
	v1 =	vshra.s32 v1, $0x2  }
0x1e: {  	[tilespmem:$0x200] =	vst v1;
	v1 =	vshra.s32 v2, $0x2;
	v2 =	vld [tilespmem:$0x60]  }
0x1f: {  	[tilespmem:$0x210] =	vst v1;
	v1 =	vshra.s32 v3, $0x2;
	v3 =	vld [tilespmem:$0x70]  }
0x20: {  	v58 =	vld [tilespmem:$0x80];
	[tilespmem:$0x220] =	vst v1;
	v1 =	vshra.s32 v4, $0x2  }
0x21: {  	v59 =	vld [tilespmem:$0x90];
	[tilespmem:$0x230] =	vst v1;
	v1 =	vshra.s32 v5, $0x2  }
0x22: {  	v60 =	vld [tilespmem:$0xA0];
	[tilespmem:$0x240] =	vst v1;
	v1 =	vshra.s32 v6, $0x2  }
0x23: {  	[tilespmem:$0x250] =	vst v1;
	v1 =	vshra.s32 v2, $0x2;
	v2 =	vld [tilespmem:$0xB0]  }
0x24: {  	[tilespmem:$0x260] =	vst v1;
	v1 =	vshra.s32 v3, $0x2;
	v3 =	vld [tilespmem:$0xC0]  }
0x25: {  	v61 =	vld [tilespmem:$0xD0];
	[tilespmem:$0x270] =	vst v1;
	v1 =	vshra.s32 v58, $0x2  }
0x26: {  	v62 =	vld [tilespmem:$0xE0];
	[tilespmem:$0x280] =	vst v1;
	v1 =	vshra.s32 v59, $0x2  }
0x27: {  	v63 =	vld [tilespmem:$0xF0];
	[tilespmem:$0x290] =	vst v1;
	v1 =	vshra.s32 v60, $0x2  }
0x28: {  	[tilespmem:$0x2A0] =	vst v1;
	v1 =	vshra.s32 v2, $0x2  }
0x29: {  	[tilespmem:$0x2B0] =	vst v1;
	v1 =	vshra.s32 v3, $0x2  }
0x2a: {  	[tilespmem:$0x2C0] =	vst v1;
	v1 =	vshra.s32 v61, $0x2  }
0x2b: {  	[tilespmem:$0x2D0] =	vst v1;
	v1 =	vshra.s32 v62, $0x2  }
0x2c: {  	[tilespmem:$0x2E0] =	vst v1;
	v1 =	vshra.s32 v63, $0x2  }
0x2d: {  	s31 =	simm.s32 $0x200;
	s0 =	simm.s32 $0x0;
	[tilespmem:$0x2F0] =	vst v1  }
0x2e: {  	[tilespmem:s14], [sflag:$0x3] =	stream.indirect.gather [hbm4b:s5+s15], $0x80, s31, s15, $0xb8;
	[tilespmem:$0x14400] =	vst v63  }
.LBB2_2:
0x2f: {  	_ =	swait.ge [sflag:s18], $0x100  }
0x30: {  	[sflag:s18] =	ssyncset.done $0x0  }
0x31: {  	[sflag:s18] =	ssyncadd.s32 $0xFFFFFF00  }
0x32: {  	v1 =	vld [tilespmem:$0x100]  }
0x33: {  	v2 =	vld [tilespmem:$0x110]  }
0x34: {  	v3 =	vld [tilespmem:$0x120]  }
0x35: {  	v4 =	vld [tilespmem:$0x130]  }
0x36: {  	v5 =	vld [tilespmem:$0x140]  }
0x37: {  	v6 =	vld [tilespmem:$0x150];
	v1 =	vshra.s32 v1, $0x2  }
0x38: {  	[tilespmem:$0x300] =	vst v1;
	v1 =	vshra.s32 v2, $0x2;
	v2 =	vld [tilespmem:$0x160]  }
0x39: {  	[tilespmem:$0x310] =	vst v1;
	v1 =	vshra.s32 v3, $0x2;
	v3 =	vld [tilespmem:$0x170]  }
0x3a: {  	[tilespmem:$0x320] =	vst v1;
	v1 =	vshra.s32 v4, $0x2;
	v4 =	vld [tilespmem:$0x180]  }
0x3b: {  	[tilespmem:$0x330] =	vst v1;
	v1 =	vshra.s32 v5, $0x2;
	v5 =	vld [tilespmem:$0x190]  }
0x3c: {  	[tilespmem:$0x340] =	vst v1;
	v1 =	vshra.s32 v6, $0x2;
	v6 =	vld [tilespmem:$0x1A0]  }
0x3d: {  	[tilespmem:$0x350] =	vst v1;
	v1 =	vshra.s32 v2, $0x2;
	v2 =	vld [tilespmem:$0x1B0]  }
0x3e: {  	[tilespmem:$0x360] =	vst v1;
	v1 =	vshra.s32 v3, $0x2;
	v3 =	vld [tilespmem:$0x1C0]  }
0x3f: {  	[tilespmem:$0x370] =	vst v1;
	v1 =	vshra.s32 v4, $0x2;
	v4 =	vld [tilespmem:$0x1D0]  }
0x40: {  	[tilespmem:$0x380] =	vst v1;
	v1 =	vshra.s32 v5, $0x2;
	v5 =	vld [tilespmem:$0x1E0]  }
0x41: {  	[tilespmem:$0x390] =	vst v1;
	v1 =	vshra.s32 v6, $0x2;
	v6 =	vld [tilespmem:$0x1F0]  }
0x42: {  	[tilespmem:$0x3A0] =	vst v1;
	v1 =	vshra.s32 v2, $0x2  }
0x43: {  	[tilespmem:$0x3B0] =	vst v1;
	v1 =	vshra.s32 v3, $0x2  }
0x44: {  	[tilespmem:$0x3C0] =	vst v1;
	v1 =	vshra.s32 v4, $0x2  }
0x45: {  	[tilespmem:$0x3D0] =	vst v1;
	v1 =	vshra.s32 v5, $0x2  }
0x46: {  	p0 =	seq.s32 s0, $0x0;
	[tilespmem:$0x3E0] =	vst v1;
	v1 =	vshra.s32 v6, $0x2  }
0x47: {  	s1 =	simm.s32 @!p0 $0x6;
	[tilespmem:$0x3F0] =	vst v1  }
0x48: {  	_ =	swait.ge @!p0 [sflag:s1], $0x2000  }
0x49: {  	[sflag:s1] =	ssyncset.done @!p0 $0x0  }
0x4a: {  	s19 =	simm.s32 $0x300;
	[sflag:s1] =	ssyncadd.s32 @!p0 $0xFFFFE000  }
0x4b: {  	[tilespmem:s20], [sflag:$0x4] =	stream.indirect.gather [hbm4b:s5+s15], $0x80, s19, s15, $0xb8;
	[tilespmem:$0x14400] =	vst v63  }
0x4c: {  	_ =	swait.ge [sflag:s21], $0x8000  }
0x4d: {  	[sflag:s21] =	ssyncset.done $0x0  }
0x4e: {  	s24 =	simm.s32 $0x0;
	[sflag:s21] =	ssyncadd.s32 $0xFFFF8000  }
0x4f: {  	v1 =	vld [tilespmem:s24+$0x0];
	_ =	sdelay $0x3  }
0x50: {  	v2 =	vmov s24  }
0x51: {  	v2 =	vshll.u32 v2, $0x7;
	v1 =	vshll.u32 v1, $0x5  }
0x52: {  	v2 =	vor.u32 v0, v2;
	v1 =	vand.u32 $0x60, v1  }
0x53: {  	v7 =	vor.u32 v2, v1;
	_ =	sdelay $0x4  }
0x54: {  	v1 =	vld.idx.msk [tilespmem:v7+s14+$0x0], $0xffff  }
0x55: {  	v2 =	vor.u32 $0x1, v7;
	_ =	sdelay $0x1  }
0x56: {  	s2 =	sand.u32 $0x70, s24;
	s3 =	sand.u32 $0x400, s24  }
0x57: {  	s12 =	sor.u32 s2, s3  }
0x58: {  	[tilespmem:s12+$0x10400] =	vst v1  }
0x59: {  	v1 =	vld.idx.msk [tilespmem:v2+s14+$0x0], $0xffff  }
0x5a: {  	v2 =	vor.u32 $0x2, v7;
	_ =	sdelay $0x2  }
0x5b: {  	s2 =	sadd.s32 $0x10400, s12  }
0x5c: {  	[tilespmem:s2+$0x80] =	vst v1  }
0x5d: {  	v1 =	vld.idx.msk [tilespmem:v2+s14+$0x0], $0xffff  }
0x5e: {  	v2 =	vor.u32 $0x3, v7;
	_ =	sdelay $0x1  }
0x5f: {  	s28 =	simm.s32 $0x10  }
0x60: {  	v3 =	vld [tilespmem:s28+$0x0]  }
0x61: {  	[tilespmem:s2+$0x100] =	vst v1  }
0x62: {  	v1 =	vld.idx.msk [tilespmem:v2+s14+$0x0], $0xffff  }
0x63: {  	v2 =	vor.u32 $0x4, v7  }
0x64: {  	v4 =	vmov s28  }
0x65: {  	v4 =	vshll.u32 v4, $0x7;
	v3 =	vshll.u32 v3, $0x5  }
0x66: {  	v4 =	vor.u32 v0, v4;
	v3 =	vand.u32 $0x60, v3  }
0x67: {  	v5 =	vor.u32 v4, v3;
	[tilespmem:s2+$0x180] =	vst v1  }
0x68: {  	v1 =	vld.idx.msk [tilespmem:v2+s14+$0x0], $0xffff  }
0x69: {  	v2 =	vor.u32 $0x5, v7;
	_ =	sdelay $0x2  }
0x6a: {  	v3 =	vld.idx.msk [tilespmem:v5+s14+$0x0], $0xffff  }
0x6b: {  	[tilespmem:s2+$0x200] =	vst v1;
	v1 =	vor.u32 $0x1, v5  }
0x6c: {  	s9 =	simm.s32 $0x80;
	v2 =	vld.idx.msk [tilespmem:v2+s14+$0x0], $0xffff  }
0x6d: {  	s4 =	sand.u32 $0x70, s28;
	s8 =	sand.u32 $0x400, s9;
	v4 =	vor.u32 $0x6, v7  }
0x6e: {  	s4 =	sor.u32 s4, s8  }
0x6f: {  	[tilespmem:s4+$0x10400] =	vst v3  }
0x70: {  	v1 =	vld.idx.msk [tilespmem:v1+s14+$0x0], $0xffff  }
0x71: {  	[tilespmem:s2+$0x280] =	vst v2;
	v2 =	vor.u32 $0x2, v5  }
0x72: {  	v3 =	vld.idx.msk [tilespmem:v4+s14+$0x0], $0xffff  }
0x73: {  	v4 =	vor.u32 $0x7, v7  }
0x74: {  	s8 =	sadd.s32 $0x10400, s4  }
0x75: {  	[tilespmem:s8+$0x80] =	vst v1  }
0x76: {  	v1 =	vld.idx.msk [tilespmem:v2+s14+$0x0], $0xffff  }
0x77: {  	v2 =	vor.u32 $0x3, v5;
	[tilespmem:s2+$0x300] =	vst v3  }
0x78: {  	v3 =	vld.idx.msk [tilespmem:v4+s14+$0x0], $0xffff  }
0x79: {  	s2 =	simm.s32 $0x20;
	v4 =	vor.u32 $0x8, v7  }
0x7a: {  	v6 =	vld [tilespmem:s2+$0x0]  }
0x7b: {  	s1 =	sor.u32 s24, s24;
	[tilespmem:s8+$0x100] =	vst v1  }
0x7c: {  	s1 =	sor.u32 $0x380, s1;
	v1 =	vld.idx.msk [tilespmem:v2+s14+$0x0], $0xffff  }
0x7d: {  	v2 =	vor.u32 $0x4, v5;
	[tilespmem:s1+$0x10400] =	vst v3  }
0x7e: {  	v3 =	vld.idx.msk [tilespmem:v4+s14+$0x0], $0xffff;
	v4 =	vmov s2  }
0x7f: {  	v8 =	vor.u32 $0x9, v7;
	v6 =	vshll.u32 v6, $0x5;
	v4 =	vshll.u32 v4, $0x7  }
0x80: {  	v6 =	vand.u32 $0x60, v6;
	v4 =	vor.u32 v0, v4  }
0x81: {  	[tilespmem:s8+$0x180] =	vst v1;
	v1 =	vor.u32 v4, v6  }
0x82: {  	v2 =	vld.idx.msk [tilespmem:v2+s14+$0x0], $0xffff  }
0x83: {  	[tilespmem:s12+$0x10C00] =	vst v3;
	v3 =	vor.u32 $0x5, v5  }
0x84: {  	v4 =	vld.idx.msk [tilespmem:v8+s14+$0x0], $0xffff  }
0x85: {  	v6 =	vor.u32 $0xA, v7  }
0x86: {  	v8 =	vld.idx.msk [tilespmem:v1+s14+$0x0], $0xffff  }
0x87: {  	[tilespmem:s8+$0x200] =	vst v2;
	v2 =	vor.u32 $0x1, v1  }
0x88: {  	s10 =	simm.s32 $0x100;
	v3 =	vld.idx.msk [tilespmem:v3+s14+$0x0], $0xffff  }
0x89: {  	s11 =	sand.u32 $0x400, s10;
	s19 =	sand.u32 $0x70, s2;
	[tilespmem:s12+$0x10C80] =	vst v4;
	v4 =	vor.u32 $0x6, v5  }
0x8a: {  	s1 =	sor.u32 s19, s11;
	v6 =	vld.idx.msk [tilespmem:v6+s14+$0x0], $0xffff  }
0x8b: {  	[tilespmem:s1+$0x10400] =	vst v8;
	v8 =	vor.u32 $0xB, v7  }
0x8c: {  	v2 =	vld.idx.msk [tilespmem:v2+s14+$0x0], $0xffff  }
0x8d: {  	[tilespmem:s8+$0x280] =	vst v3;
	v3 =	vor.u32 $0x2, v1  }
0x8e: {  	v4 =	vld.idx.msk [tilespmem:v4+s14+$0x0], $0xffff  }
0x8f: {  	[tilespmem:s12+$0x10D00] =	vst v6;
	v6 =	vor.u32 $0x7, v5  }
0x90: {  	s17 =	sadd.s32 $0x10400, s1;
	v8 =	vld.idx.msk [tilespmem:v8+s14+$0x0], $0xffff  }
0x91: {  	[tilespmem:s17+$0x80] =	vst v2;
	v2 =	vor.u32 $0xC, v7  }
0x92: {  	v3 =	vld.idx.msk [tilespmem:v3+s14+$0x0], $0xffff  }
0x93: {  	[tilespmem:s8+$0x300] =	vst v4;
	v4 =	vor.u32 $0x3, v1  }
0x94: {  	v6 =	vld.idx.msk [tilespmem:v6+s14+$0x0], $0xffff  }
0x95: {  	[tilespmem:s12+$0x10D80] =	vst v8;
	v8 =	vor.u32 $0x8, v5  }
0x96: {  	s11 =	simm.s32 $0x30;
	v2 =	vld.idx.msk [tilespmem:v2+s14+$0x0], $0xffff  }
0x97: {  	s3 =	sor.u32 s9, s28;
	v9 =	vld [tilespmem:s11+$0x0];
	[tilespmem:s17+$0x100] =	vst v3;
	v3 =	vor.u32 $0xD, v7  }
0x98: {  	s3 =	sor.u32 $0x380, s3;
	v4 =	vld.idx.msk [tilespmem:v4+s14+$0x0], $0xffff  }
0x99: {  	[tilespmem:s3+$0x10400] =	vst v6;
	v6 =	vor.u32 $0x4, v1  }
0x9a: {  	v8 =	vld.idx.msk [tilespmem:v8+s14+$0x0], $0xffff  }
0x9b: {  	v10 =	vor.u32 $0x9, v5;
	[tilespmem:s12+$0x10E00] =	vst v2;
	v2 =	vmov s11  }
0x9c: {  	v9 =	vshll.u32 v9, $0x5;
	v3 =	vld.idx.msk [tilespmem:v3+s14+$0x0], $0xffff;
	v2 =	vshll.u32 v2, $0x7  }
0x9d: {  	v9 =	vand.u32 $0x60, v9;
	v2 =	vor.u32 v0, v2;
	[tilespmem:s17+$0x180] =	vst v4;
	v4 =	vor.u32 $0xE, v7  }
0x9e: {  	v2 =	vor.u32 v2, v9;
	v6 =	vld.idx.msk [tilespmem:v6+s14+$0x0], $0xffff  }
0x9f: {  	[tilespmem:s4+$0x10C00] =	vst v8;
	v8 =	vor.u32 $0x5, v1  }
0xa0: {  	v9 =	vld.idx.msk [tilespmem:v10+s14+$0x0], $0xffff  }
0xa1: {  	[tilespmem:s12+$0x10E80] =	vst v3;
	v3 =	vor.u32 $0xA, v5  }
0xa2: {  	v4 =	vld.idx.msk [tilespmem:v4+s14+$0x0], $0xffff  }
0xa3: {  	v10 =	vld.idx.msk [tilespmem:v2+s14+$0x0], $0xffff;
	[tilespmem:s17+$0x200] =	vst v6;
	v6 =	vor.u32 $0xF, v7  }
0xa4: {  	v11 =	vor.u32 $0x1, v2;
	v8 =	vld.idx.msk [tilespmem:v8+s14+$0x0], $0xffff  }
0xa5: {  	s19 =	simm.s32 $0x180;
	[tilespmem:s4+$0x10C80] =	vst v9;
	v9 =	vor.u32 $0x6, v1  }
0xa6: {  	s24 =	sand.u32 $0x70, s11;
	s28 =	sand.u32 $0x400, s19;
	v3 =	vld.idx.msk [tilespmem:v3+s14+$0x0], $0xffff  }
0xa7: {  	s9 =	sor.u32 s24, s28;
	[tilespmem:s12+$0x10F00] =	vst v4;
	v4 =	vor.u32 $0xB, v5  }
0xa8: {  	[tilespmem:s9+$0x10400] =	vst v10;
	v6 =	vld.idx.msk [tilespmem:v6+s14+$0x0], $0xffff  }
0xa9: {  	v10 =	vld.idx.msk [tilespmem:v11+s14+$0x0], $0xffff;
	[tilespmem:s17+$0x280] =	vst v8;
	v8 =	vor.u32 $0x10, v7  }
0xaa: {  	v11 =	vor.u32 $0x2, v2;
	v9 =	vld.idx.msk [tilespmem:v9+s14+$0x0], $0xffff  }
0xab: {  	[tilespmem:s4+$0x10D00] =	vst v3;
	v3 =	vor.u32 $0x7, v1  }
0xac: {  	v4 =	vld.idx.msk [tilespmem:v4+s14+$0x0], $0xffff  }
0xad: {  	s24 =	sadd.s32 $0x10400, s9;
	[tilespmem:s12+$0x10F80] =	vst v6;
	v6 =	vor.u32 $0xC, v5  }
0xae: {  	[tilespmem:s24+$0x80] =	vst v10;
	v8 =	vld.idx.msk [tilespmem:v8+s14+$0x0], $0xffff  }
0xaf: {  	v10 =	vld.idx.msk [tilespmem:v11+s14+$0x0], $0xffff;
	[tilespmem:s17+$0x300] =	vst v9;
	v9 =	vor.u32 $0x11, v7  }
0xb0: {  	v11 =	vor.u32 $0x3, v2;
	v3 =	vld.idx.msk [tilespmem:v3+s14+$0x0], $0xffff  }
0xb1: {  	[tilespmem:s4+$0x10D80] =	vst v4;
	v4 =	vor.u32 $0x8, v1  }
0xb2: {  	s3 =	simm.s32 $0x40;
	v6 =	vld.idx.msk [tilespmem:v6+s14+$0x0], $0xffff  }
0xb3: {  	s2 =	sor.u32 s10, s2;
	v12 =	vld [tilespmem:s3+$0x0];
	[tilespmem:s12+$0x11400] =	vst v8;
	v8 =	vor.u32 $0xD, v5  }
0xb4: {  	s2 =	sor.u32 $0x380, s2;
	[tilespmem:s24+$0x100] =	vst v10;
	v9 =	vld.idx.msk [tilespmem:v9+s14+$0x0], $0xffff  }
0xb5: {  	v10 =	vld.idx.msk [tilespmem:v11+s14+$0x0], $0xffff;
	[tilespmem:s2+$0x10400] =	vst v3;
	v3 =	vor.u32 $0x12, v7  }
0xb6: {  	v11 =	vor.u32 $0x4, v2;
	v4 =	vld.idx.msk [tilespmem:v4+s14+$0x0], $0xffff  }
0xb7: {  	v13 =	vor.u32 $0x9, v1;
	[tilespmem:s4+$0x10E00] =	vst v6;
	v6 =	vmov s3  }
0xb8: {  	v12 =	vshll.u32 v12, $0x5;
	v8 =	vld.idx.msk [tilespmem:v8+s14+$0x0], $0xffff;
	v6 =	vshll.u32 v6, $0x7  }
0xb9: {  	[tilespmem:s12+$0x11480] =	vst v9;
	v9 =	vand.u32 $0x60, v12;
	v6 =	vor.u32 v0, v6;
	v12 =	vor.u32 $0xE, v5  }
0xba: {  	[tilespmem:s24+$0x180] =	vst v10;
	v10 =	vld.idx.msk [tilespmem:v3+s14+$0x0], $0xffff;
	v3 =	vor.u32 v6, v9  }
0xbb: {  	v6 =	vld.idx.msk [tilespmem:v11+s14+$0x0], $0xffff;
	[tilespmem:s1+$0x10C00] =	vst v4;
	v4 =	vor.u32 $0x13, v7  }
0xbc: {  	v9 =	vor.u32 $0x5, v2;
	v11 =	vld.idx.msk [tilespmem:v13+s14+$0x0], $0xffff  }
0xbd: {  	[tilespmem:s4+$0x10E80] =	vst v8;
	v8 =	vor.u32 $0xA, v1  }
0xbe: {  	v12 =	vld.idx.msk [tilespmem:v12+s14+$0x0], $0xffff  }
0xbf: {  	v13 =	vld.idx.msk [tilespmem:v3+s14+$0x0], $0xffff;
	[tilespmem:s12+$0x11500] =	vst v10;
	v10 =	vor.u32 $0xF, v5  }
0xc0: {  	[tilespmem:s24+$0x200] =	vst v6;
	v4 =	vld.idx.msk [tilespmem:v4+s14+$0x0], $0xffff;
	v6 =	vor.u32 $0x1, v3  }
0xc1: {  	s17 =	simm.s32 $0x200;
	v9 =	vld.idx.msk [tilespmem:v9+s14+$0x0], $0xffff;
	[tilespmem:s1+$0x10C80] =	vst v11;
	v11 =	vor.u32 $0x14, v7  }
0xc2: {  	s8 =	sand.u32 $0x70, s3;
	v14 =	vor.u32 $0x6, v2;
	s10 =	sand.u32 $0x400, s17;
	v8 =	vld.idx.msk [tilespmem:v8+s14+$0x0], $0xffff  }
0xc3: {  	s10 =	sor.u32 s8, s10;
	[tilespmem:s4+$0x10F00] =	vst v12;
	v12 =	vor.u32 $0xB, v1  }
0xc4: {  	[tilespmem:s10+$0x10400] =	vst v13;
	v10 =	vld.idx.msk [tilespmem:v10+s14+$0x0], $0xffff  }
0xc5: {  	v6 =	vld.idx.msk [tilespmem:v6+s14+$0x0], $0xffff;
	[tilespmem:s12+$0x11580] =	vst v4;
	v4 =	vor.u32 $0x10, v5  }
0xc6: {  	[tilespmem:s24+$0x280] =	vst v9;
	v9 =	vld.idx.msk [tilespmem:v11+s14+$0x0], $0xffff;
	v11 =	vor.u32 $0x2, v3  }
0xc7: {  	v13 =	vld.idx.msk [tilespmem:v14+s14+$0x0], $0xffff;
	[tilespmem:s1+$0x10D00] =	vst v8;
	v8 =	vor.u32 $0x15, v7  }
0xc8: {  	v14 =	vor.u32 $0x7, v2;
	v12 =	vld.idx.msk [tilespmem:v12+s14+$0x0], $0xffff  }
0xc9: {  	s28 =	sadd.s32 $0x10400, s10;
	[tilespmem:s4+$0x10F80] =	vst v10;
	v10 =	vor.u32 $0xC, v1  }
0xca: {  	[tilespmem:s28+$0x80] =	vst v6;
	v4 =	vld.idx.msk [tilespmem:v4+s14+$0x0], $0xffff  }
0xcb: {  	v6 =	vld.idx.msk [tilespmem:v11+s14+$0x0], $0xffff;
	[tilespmem:s12+$0x11600] =	vst v9;
	v9 =	vor.u32 $0x11, v5  }
0xcc: {  	v11 =	vor.u32 $0x3, v3;
	[tilespmem:s24+$0x300] =	vst v13;
	v8 =	vld.idx.msk [tilespmem:v8+s14+$0x0], $0xffff  }
0xcd: {  	v13 =	vld.idx.msk [tilespmem:v14+s14+$0x0], $0xffff;
	[tilespmem:s1+$0x10D80] =	vst v12;
	v12 =	vor.u32 $0x16, v7  }
0xce: {  	s2 =	simm.s32 $0x50;
	v14 =	vor.u32 $0x8, v2;
	v10 =	vld.idx.msk [tilespmem:v10+s14+$0x0], $0xffff  }
0xcf: {  	v15 =	vld [tilespmem:s2+$0x0];
	[tilespmem:s4+$0x11400] =	vst v4;
	v4 =	vor.u32 $0xD, v1  }
0xd0: {  	s24 =	sor.u32 s19, s11;
	[tilespmem:s28+$0x100] =	vst v6;
	v6 =	vld.idx.msk [tilespmem:v9+s14+$0x0], $0xffff  }
0xd1: {  	s8 =	sor.u32 $0x380, s24;
	v9 =	vld.idx.msk [tilespmem:v11+s14+$0x0], $0xffff;
	[tilespmem:s12+$0x11680] =	vst v8;
	v8 =	vor.u32 $0x12, v5  }
0xd2: {  	[tilespmem:s8+$0x10400] =	vst v13;
	v11 =	vld.idx.msk [tilespmem:v12+s14+$0x0], $0xffff;
	v12 =	vor.u32 $0x4, v3  }
0xd3: {  	v13 =	vld.idx.msk [tilespmem:v14+s14+$0x0], $0xffff;
	[tilespmem:s1+$0x10E00] =	vst v10;
	v10 =	vor.u32 $0x17, v7;
	v14 =	vmov s2  }
0xd4: {  	v16 =	vor.u32 $0x9, v2;
	v17 =	vld.idx.msk [tilespmem:v4+s14+$0x0], $0xffff;
	v4 =	vshll.u32 v15, $0x5;
	v14 =	vshll.u32 v14, $0x7  }
0xd5: {  	[tilespmem:s4+$0x11480] =	vst v6;
	v4 =	vand.u32 $0x60, v4;
	v6 =	vor.u32 v0, v14;
	v14 =	vor.u32 $0xE, v1  }
0xd6: {  	[tilespmem:s28+$0x180] =	vst v9;
	v8 =	vld.idx.msk [tilespmem:v8+s14+$0x0], $0xffff;
	v4 =	vor.u32 v6, v4  }
0xd7: {  	v9 =	vor.u32 $0x13, v5;
	v6 =	vld.idx.msk [tilespmem:v12+s14+$0x0], $0xffff;
	[tilespmem:s12+$0x11700] =	vst v11  }
0xd8: {  	v11 =	vor.u32 $0x5, v3;
	[tilespmem:s9+$0x10C00] =	vst v13;
	v10 =	vld.idx.msk [tilespmem:v10+s14+$0x0], $0xffff  }
0xd9: {  	v13 =	vor.u32 $0x18, v7;
	v12 =	vld.idx.msk [tilespmem:v16+s14+$0x0], $0xffff;
	[tilespmem:s1+$0x10E80] =	vst v17  }
0xda: {  	v16 =	vor.u32 $0xA, v2;
	v14 =	vld.idx.msk [tilespmem:v14+s14+$0x0], $0xffff  }
0xdb: {  	v17 =	vld.idx.msk [tilespmem:v4+s14+$0x0], $0xffff;
	[tilespmem:s4+$0x11500] =	vst v8;
	v8 =	vor.u32 $0xF, v1  }
0xdc: {  	[tilespmem:s28+$0x200] =	vst v6;
	v6 =	vld.idx.msk [tilespmem:v9+s14+$0x0], $0xffff;
	v9 =	vor.u32 $0x1, v4  }
0xdd: {  	s19 =	simm.s32 $0x280;
	v11 =	vld.idx.msk [tilespmem:v11+s14+$0x0], $0xffff;
	[tilespmem:s12+$0x11780] =	vst v10;
	v10 =	vor.u32 $0x14, v5  }
0xde: {  	s11 =	sand.u32 $0x70, s2;
	s24 =	sand.u32 $0x400, s19;
	[tilespmem:s9+$0x10C80] =	vst v12;
	v12 =	vld.idx.msk [tilespmem:v13+s14+$0x0], $0xffff;
	v13 =	vor.u32 $0x6, v3  }
0xdf: {  	s11 =	sor.u32 s11, s24;
	v16 =	vld.idx.msk [tilespmem:v16+s14+$0x0], $0xffff;
	[tilespmem:s1+$0x10F00] =	vst v14;
	v14 =	vor.u32 $0x19, v7  }
0xe0: {  	[tilespmem:s11+$0x10400] =	vst v17;
	v17 =	vor.u32 $0xB, v2;
	v8 =	vld.idx.msk [tilespmem:v8+s14+$0x0], $0xffff  }
0xe1: {  	v9 =	vld.idx.msk [tilespmem:v9+s14+$0x0], $0xffff;
	[tilespmem:s4+$0x11580] =	vst v6;
	v6 =	vor.u32 $0x10, v1  }
0xe2: {  	[tilespmem:s28+$0x280] =	vst v11;
	v10 =	vld.idx.msk [tilespmem:v10+s14+$0x0], $0xffff;
	v11 =	vor.u32 $0x2, v4  }
0xe3: {  	v13 =	vld.idx.msk [tilespmem:v13+s14+$0x0], $0xffff;
	[tilespmem:s12+$0x11C00] =	vst v12;
	v12 =	vor.u32 $0x15, v5  }
0xe4: {  	[tilespmem:s9+$0x10D00] =	vst v16;
	v14 =	vld.idx.msk [tilespmem:v14+s14+$0x0], $0xffff;
	v16 =	vor.u32 $0x7, v3  }
0xe5: {  	s24 =	sadd.s32 $0x10400, s11;
	v17 =	vld.idx.msk [tilespmem:v17+s14+$0x0], $0xffff;
	[tilespmem:s1+$0x10F80] =	vst v8;
	v8 =	vor.u32 $0x1A, v7  }
0xe6: {  	[tilespmem:s24+$0x80] =	vst v9;
	v9 =	vor.u32 $0xC, v2;
	v6 =	vld.idx.msk [tilespmem:v6+s14+$0x0], $0xffff  }
0xe7: {  	v11 =	vld.idx.msk [tilespmem:v11+s14+$0x0], $0xffff;
	[tilespmem:s4+$0x11600] =	vst v10  }
0xe8: {  	v10 =	vor.u32 $0x11, v1;
	[tilespmem:s28+$0x300] =	vst v13;
	v12 =	vld.idx.msk [tilespmem:v12+s14+$0x0], $0xffff  }
0xe9: {  	v13 =	vor.u32 $0x3, v4;
	v16 =	vld.idx.msk [tilespmem:v16+s14+$0x0], $0xffff;
	[tilespmem:s12+$0x11C80] =	vst v14  }
0xea: {  	v14 =	vor.u32 $0x16, v5;
	[tilespmem:s9+$0x10D80] =	vst v17;
	v8 =	vld.idx.msk [tilespmem:v8+s14+$0x0], $0xffff  }
0xeb: {  	s31 =	simm.s32 $0x60;
	v17 =	vor.u32 $0x8, v3;
	v9 =	vld.idx.msk [tilespmem:v9+s14+$0x0], $0xffff;
	[tilespmem:s1+$0x11400] =	vst v6  }
0xec: {  	s3 =	sor.u32 s17, s3;
	v15 =	vld [tilespmem:s31+$0x0];
	v6 =	vor.u32 $0x1B, v7;
	[tilespmem:s24+$0x100] =	vst v11  }
0xed: {  	s3 =	sor.u32 $0x380, s3;
	v11 =	vor.u32 $0xD, v2;
	v10 =	vld.idx.msk [tilespmem:v10+s14+$0x0], $0xffff;
	[tilespmem:s4+$0x11680] =	vst v12  }
0xee: {  	v13 =	vld.idx.msk [tilespmem:v13+s14+$0x0], $0xffff;
	v12 =	vor.u32 $0x12, v1;
	[tilespmem:s3+$0x10400] =	vst v16  }
0xef: {  	v14 =	vld.idx.msk [tilespmem:v14+s14+$0x0], $0xffff;
	v16 =	vor.u32 $0x4, v4;
	[tilespmem:s12+$0x11D00] =	vst v8  }
0xf0: {  	v17 =	vld.idx.msk [tilespmem:v17+s14+$0x0], $0xffff;
	[tilespmem:s9+$0x10E00] =	vst v9;
	v9 =	vor.u32 $0x17, v5  }
0xf1: {  	v19 =	vor.u32 $0x9, v3;
	v18 =	vld.idx.msk [tilespmem:v6+s14+$0x0], $0xffff;
	v6 =	vmov s31  }
0xf2: {  	v15 =	vshll.u32 v15, $0x5;
	v11 =	vld.idx.msk [tilespmem:v11+s14+$0x0], $0xffff;
	v6 =	vshll.u32 v6, $0x7;
	[tilespmem:s1+$0x11480] =	vst v10;
	v10 =	vor.u32 $0x1C, v7  }
0xf3: {  	v15 =	vand.u32 $0x60, v15;
	v6 =	vor.u32 v0, v6;
	[tilespmem:s24+$0x180] =	vst v13;
	v13 =	vor.u32 $0xE, v2;
	v12 =	vld.idx.msk [tilespmem:v12+s14+$0x0], $0xffff  }
0xf4: {  	v6 =	vor.u32 v6, v15;
	v15 =	vld.idx.msk [tilespmem:v16+s14+$0x0], $0xffff;
	[tilespmem:s4+$0x11700] =	vst v14  }
0xf5: {  	v14 =	vor.u32 $0x13, v1;
	[tilespmem:s10+$0x10C00] =	vst v17;
	v9 =	vld.idx.msk [tilespmem:v9+s14+$0x0], $0xffff  }
0xf6: {  	v16 =	vor.u32 $0x5, v4;
	v17 =	vld.idx.msk [tilespmem:v19+s14+$0x0], $0xffff;
	[tilespmem:s12+$0x11D80] =	vst v18  }
0xf7: {  	[tilespmem:s9+$0x10E80] =	vst v11;
	v11 =	vor.u32 $0x18, v5;
	v10 =	vld.idx.msk [tilespmem:v10+s14+$0x0], $0xffff  }
0xf8: {  	v18 =	vor.u32 $0xA, v3;
	v13 =	vld.idx.msk [tilespmem:v13+s14+$0x0], $0xffff  }
0xf9: {  	[tilespmem:s1+$0x11500] =	vst v12;
	v12 =	vor.u32 $0x1D, v7;
	v19 =	vld.idx.msk [tilespmem:v6+s14+$0x0], $0xffff  }
0xfa: {  	[tilespmem:s24+$0x200] =	vst v15;
	v15 =	vor.u32 $0xF, v2;
	v14 =	vld.idx.msk [tilespmem:v14+s14+$0x0], $0xffff  }
0xfb: {  	v20 =	vor.u32 $0x1, v6;
	v16 =	vld.idx.msk [tilespmem:v16+s14+$0x0], $0xffff;
	[tilespmem:s4+$0x11780] =	vst v9  }
0xfc: {  	s17 =	simm.s32 $0x300;
	[tilespmem:s10+$0x10C80] =	vst v17;
	v9 =	vor.u32 $0x14, v1;
	v11 =	vld.idx.msk [tilespmem:v11+s14+$0x0], $0xffff  }
0xfd: {  	s8 =	sand.u32 $0x70, s31;
	s28 =	sand.u32 $0x400, s17;
	v17 =	vor.u32 $0x6, v4;
	v18 =	vld.idx.msk [tilespmem:v18+s14+$0x0], $0xffff;
	[tilespmem:s12+$0x11E00] =	vst v10  }
0xfe: {  	s29 =	sor.u32 s8, s28;
	v10 =	vor.u32 $0x19, v5;
	[tilespmem:s9+$0x10F00] =	vst v13;
	v12 =	vld.idx.msk [tilespmem:v12+s14+$0x0], $0xffff  }
0xff: {  	v13 =	vor.u32 $0xB, v3;
	[tilespmem:s29+$0x10400] =	vst v19;
	v15 =	vld.idx.msk [tilespmem:v15+s14+$0x0], $0xffff  }
0x100: {  	[tilespmem:s1+$0x11580] =	vst v14;
	v14 =	vor.u32 $0x1E, v7;
	v19 =	vld.idx.msk [tilespmem:v20+s14+$0x0], $0xffff  }
0x101: {  	[tilespmem:s24+$0x280] =	vst v16;
	v16 =	vor.u32 $0x10, v2;
	v9 =	vld.idx.msk [tilespmem:v9+s14+$0x0], $0xffff  }
0x102: {  	v62 =	vor.u32 $0x2, v6;
	v17 =	vld.idx.msk [tilespmem:v17+s14+$0x0], $0xffff;
	[tilespmem:s4+$0x11C00] =	vst v11  }
0x103: {  	[tilespmem:s10+$0x10D00] =	vst v18;
	v11 =	vor.u32 $0x15, v1;
	v10 =	vld.idx.msk [tilespmem:v10+s14+$0x0], $0xffff  }
0x104: {  	v18 =	vor.u32 $0x7, v4;
	v21 =	vld.idx.msk [tilespmem:v13+s14+$0x0], $0xffff;
	[tilespmem:s12+$0x11E80] =	vst v12  }
0x105: {  	s3 =	sadd.s32 $0x10400, s29;
	v12 =	vor.u32 $0x1A, v5;
	[tilespmem:s9+$0x10F80] =	vst v15;
	v14 =	vld.idx.msk [tilespmem:v14+s14+$0x0], $0xffff  }
0x106: {  	v15 =	vor.u32 $0xC, v3;
	[tilespmem:s3+$0x80] =	vst v19;
	v16 =	vld.idx.msk [tilespmem:v16+s14+$0x0], $0xffff  }
0x107: {  	v19 =	vld.idx.msk [tilespmem:v62+s14+$0x0], $0xffff;
	[tilespmem:s1+$0x11600] =	vst v9  }
0x108: {  	v7 =	vor.u32 $0x1F, v7;
	[tilespmem:s24+$0x300] =	vst v17;
	v63 =	vld.idx.msk [tilespmem:v11+s14+$0x0], $0xffff  }
0x109: {  	v9 =	vor.u32 $0x11, v2;
	v13 =	vld.idx.msk [tilespmem:v18+s14+$0x0], $0xffff;
	[tilespmem:s4+$0x11C80] =	vst v10  }
0x10a: {  	v22 =	vor.u32 $0x3, v6;
	[tilespmem:s10+$0x10D80] =	vst v21;
	v11 =	vld.idx.msk [tilespmem:v12+s14+$0x0], $0xffff  }
0x10b: {  	s30 =	simm.s32 $0x70;
	v12 =	vld.idx.msk [tilespmem:v15+s14+$0x0], $0xffff;
	v15 =	vor.u32 $0x16, v1  }
0x10c: {  	v8 =	vld [tilespmem:s30+$0x0];
	v17 =	vor.u32 $0x8, v4;
	[tilespmem:s12+$0x11F00] =	vst v14  }
0x10d: {  	[tilespmem:s9+$0x11400] =	vst v16;
	v10 =	vld.idx.msk [tilespmem:v7+s14+$0x0], $0xffff;
	v16 =	vor.u32 $0x1B, v5  }
0x10e: {  	s2 =	sor.u32 s19, s2;
	s19 =	simm.s32 $0x80;
	v14 =	vor.u32 $0xD, v3;
	[tilespmem:s3+$0x100] =	vst v19;
	v9 =	vld.idx.msk [tilespmem:v9+s14+$0x0], $0xffff  }
0x10f: {  	s8 =	sor.u32 $0x380, s2;
	s2 =	simm.s32 $0x300;
	s24 =	simm.s32 $0x70;
	v7 =	vld.idx.msk [tilespmem:v22+s14+$0x0], $0xffff;
	[tilespmem:s1+$0x11680] =	vst v63  }
.LBB2_3:
0x110: {  	p0 =	sne.s32 s19, $0xF0;
	[tilespmem:s8+$0x10400] =	vst v13;
	v13 =	vor.u32 $0x12, v2;
	v15 =	vld.idx.msk [tilespmem:v15+s14+$0x0], $0xffff  }
0x111: {  	v18 =	vor.u32 $0x4, v6;
	v17 =	vld.idx.msk [tilespmem:v17+s14+$0x0], $0xffff;
	[tilespmem:s4+$0x11D00] =	vst v11  }
0x112: {  	v11 =	vor.u32 $0x17, v1;
	[tilespmem:s10+$0x10E00] =	vst v12;
	v12 =	vld.idx.msk [tilespmem:v16+s14+$0x0], $0xffff  }
0x113: {  	s24 =	sadd.s32 $0x10, s24;
	v19 =	vor.u32 $0x9, v4;
	v16 =	vmov s30;
	v14 =	vld.idx.msk [tilespmem:v14+s14+$0x0], $0xffff;
	[tilespmem:s12+$0x11F80] =	vst v10;
	s12 =	smov.u32 s4;
	s4 =	smov.u32 s1  }
0x114: {  	v10 =	vshll.u32 v8, $0x5;
	v16 =	vshll.u32 v16, $0x7;
	s1 =	smov.u32 s9;
	v8 =	vld [tilespmem:s24+$0x0];
	[tilespmem:s9+$0x11480] =	vst v9;
	v9 =	vor.u32 $0x1C, v5;
	s9 =	smov.u32 s10;
	s10 =	smov.u32 s11  }
0x115: {  	v10 =	vand.u32 $0x60, v10;
	v16 =	vor.u32 v0, v16;
	s11 =	smov.u32 s29;
	[tilespmem:s3+$0x180] =	vst v7;
	v7 =	vor.u32 $0xE, v3;
	v13 =	vld.idx.msk [tilespmem:v13+s14+$0x0], $0xffff  }
0x116: {  	v10 =	vor.u32 v16, v10;
	v16 =	vld.idx.msk [tilespmem:v18+s14+$0x0], $0xffff;
	[tilespmem:s4+$0x11700] =	vst v15  }
0x117: {  	v15 =	vor.u32 $0x13, v2;
	[tilespmem:s10+$0x10C00] =	vst v17;
	v11 =	vld.idx.msk [tilespmem:v11+s14+$0x0], $0xffff  }
0x118: {  	v17 =	vor.u32 $0x5, v6;
	v18 =	vld.idx.msk [tilespmem:v19+s14+$0x0], $0xffff;
	[tilespmem:s12+$0x11D80] =	vst v12  }
0x119: {  	v12 =	vor.u32 $0x18, v1;
	[tilespmem:s9+$0x10E80] =	vst v14;
	v9 =	vld.idx.msk [tilespmem:v9+s14+$0x0], $0xffff  }
0x11a: {  	v14 =	vor.u32 $0xA, v4;
	v7 =	vld.idx.msk [tilespmem:v7+s14+$0x0], $0xffff  }
0x11b: {  	v19 =	vld.idx.msk [tilespmem:v10+s14+$0x0], $0xffff;
	[tilespmem:s1+$0x11500] =	vst v13;
	v13 =	vor.u32 $0x1D, v5  }
0x11c: {  	[tilespmem:s3+$0x200] =	vst v16;
	v16 =	vor.u32 $0xF, v3;
	v15 =	vld.idx.msk [tilespmem:v15+s14+$0x0], $0xffff  }
0x11d: {  	v20 =	vor.u32 $0x1, v10;
	v17 =	vld.idx.msk [tilespmem:v17+s14+$0x0], $0xffff;
	[tilespmem:s4+$0x11780] =	vst v11  }
0x11e: {  	s17 =	sadd.s32 $0x80, s17;
	v11 =	vor.u32 $0x14, v2;
	[tilespmem:s10+$0x10C80] =	vst v18;
	v12 =	vld.idx.msk [tilespmem:v12+s14+$0x0], $0xffff  }
0x11f: {  	s8 =	sand.u32 $0x70, s30;
	s28 =	sand.u32 $0x400, s17;
	v18 =	vor.u32 $0x6, v6;
	v14 =	vld.idx.msk [tilespmem:v14+s14+$0x0], $0xffff;
	[tilespmem:s12+$0x11E00] =	vst v9  }
0x120: {  	s29 =	sor.u32 s8, s28;
	[tilespmem:s9+$0x10F00] =	vst v7;
	v7 =	vor.u32 $0x19, v1;
	v9 =	vld.idx.msk [tilespmem:v13+s14+$0x0], $0xffff  }
0x121: {  	v13 =	vor.u32 $0xB, v4;
	[tilespmem:s29+$0x10400] =	vst v19;
	v16 =	vld.idx.msk [tilespmem:v16+s14+$0x0], $0xffff  }
0x122: {  	v19 =	vld.idx.msk [tilespmem:v20+s14+$0x0], $0xffff;
	[tilespmem:s1+$0x11580] =	vst v15;
	v15 =	vor.u32 $0x1E, v5  }
0x123: {  	[tilespmem:s3+$0x280] =	vst v17;
	v17 =	vor.u32 $0x10, v3;
	v11 =	vld.idx.msk [tilespmem:v11+s14+$0x0], $0xffff  }
0x124: {  	v20 =	vor.u32 $0x2, v10;
	v18 =	vld.idx.msk [tilespmem:v18+s14+$0x0], $0xffff;
	[tilespmem:s4+$0x11C00] =	vst v12  }
0x125: {  	v12 =	vor.u32 $0x15, v2;
	[tilespmem:s10+$0x10D00] =	vst v14;
	v7 =	vld.idx.msk [tilespmem:v7+s14+$0x0], $0xffff  }
0x126: {  	v14 =	vor.u32 $0x7, v6;
	v21 =	vld.idx.msk [tilespmem:v13+s14+$0x0], $0xffff;
	[tilespmem:s12+$0x11E80] =	vst v9  }
0x127: {  	s8 =	sadd.s32 $0x10400, s29;
	v9 =	vor.u32 $0x1A, v1;
	[tilespmem:s9+$0x10F80] =	vst v16;
	v16 =	vld.idx.msk [tilespmem:v15+s14+$0x0], $0xffff  }
0x128: {  	[tilespmem:s8+$0x80] =	vst v19;
	v19 =	vor.u32 $0xC, v4;
	v22 =	vld.idx.msk [tilespmem:v17+s14+$0x0], $0xffff  }
0x129: {  	v23 =	vor.u32 $0x1F, v5;
	v5 =	vmovc v1;
	v1 =	vmovc v2;
	v2 =	vmov v3;
	v3 =	vmov v4;
	v20 =	vld.idx.msk [tilespmem:v20+s14+$0x0], $0xffff;
	[tilespmem:s1+$0x11600] =	vst v11  }
0x12a: {  	v4 =	vmov v6;
	v6 =	vmov v10;
	[tilespmem:s3+$0x300] =	vst v18;
	v18 =	vor.u32 $0x11, v2;
	v24 =	vld.idx.msk [tilespmem:v12+s14+$0x0], $0xffff;
	s3 =	smov.u32 s8  }
0x12b: {  	v25 =	vor.u32 $0x3, v6;
	v13 =	vld.idx.msk [tilespmem:v14+s14+$0x0], $0xffff;
	[tilespmem:s4+$0x11C80] =	vst v7  }
.Ltmp0:
0x12c: {  	v15 =	vor.u32 $0x16, v1;
	[tilespmem:s10+$0x10D80] =	vst v21;
	v11 =	vld.idx.msk [tilespmem:v9+s14+$0x0], $0xffff;
	(pc) =	sbr.rel @p0 .LBB2_3-.Ltmp0, $4  }
0x12d: {  	v17 =	vor.u32 $0x8, v4;
	v12 =	vld.idx.msk [tilespmem:v19+s14+$0x0], $0xffff;
	[tilespmem:s12+$0x11F00] =	vst v16  }
0x12e: {  	v16 =	vor.u32 $0x1B, v5;
	[tilespmem:s9+$0x11400] =	vst v22;
	v10 =	vld.idx.msk [tilespmem:v23+s14+$0x0], $0xffff  }
0x12f: {  	s8 =	sor.u32 s2, s31;
	s2 =	smov.u32 s17;
	s31 =	smov.u32 s30;
	v14 =	vor.u32 $0xD, v3;
	[tilespmem:s3+$0x100] =	vst v20;
	v9 =	vld.idx.msk [tilespmem:v18+s14+$0x0], $0xffff  }
0x130: {  	s30 =	smov.u32 s19;
	s19 =	sadd.s32 $0x10, s19;
	s8 =	sor.u32 $0x380, s8;
	v7 =	vld.idx.msk [tilespmem:v25+s14+$0x0], $0xffff;
	[tilespmem:s1+$0x11680] =	vst v24  }
0x131: {  	_ =	sdelay $0x2  }
0x132: {  	[tilespmem:s8+$0x10400] =	vst v13;
	v13 =	vor.u32 $0x12, v2  }
0x133: {  	v15 =	vld.idx.msk [tilespmem:v15+s14+$0x0], $0xffff;
	v18 =	vor.u32 $0x4, v6;
	[tilespmem:s4+$0x11D00] =	vst v11  }
0x134: {  	v11 =	vld.idx.msk [tilespmem:v17+s14+$0x0], $0xffff;
	[tilespmem:s10+$0x10E00] =	vst v12;
	v12 =	vor.u32 $0x17, v1  }
0x135: {  	v19 =	vor.u32 $0x9, v4;
	v16 =	vld.idx.msk [tilespmem:v16+s14+$0x0], $0xffff;
	v17 =	vmov s30;
	[tilespmem:s12+$0x11F80] =	vst v10  }
0x136: {  	v8 =	vshll.u32 v8, $0x5;
	v10 =	vld.idx.msk [tilespmem:v14+s14+$0x0], $0xffff;
	v14 =	vshll.u32 v17, $0x7;
	[tilespmem:s9+$0x11480] =	vst v9;
	v9 =	vor.u32 $0x1C, v5  }
0x137: {  	v8 =	vand.u32 $0x60, v8;
	v17 =	vor.u32 $0xE, v3;
	v14 =	vor.u32 v0, v14;
	[tilespmem:s3+$0x180] =	vst v7;
	v13 =	vld.idx.msk [tilespmem:v13+s14+$0x0], $0xffff  }
0x138: {  	v7 =	vor.u32 v14, v8;
	v8 =	vld.idx.msk [tilespmem:v18+s14+$0x0], $0xffff;
	[tilespmem:s1+$0x11700] =	vst v15  }
0x139: {  	[tilespmem:s11+$0x10C00] =	vst v11;
	v11 =	vor.u32 $0x13, v2;
	v12 =	vld.idx.msk [tilespmem:v12+s14+$0x0], $0xffff  }
0x13a: {  	v14 =	vor.u32 $0x5, v6;
	[tilespmem:s4+$0x11D80] =	vst v16;
	v15 =	vld.idx.msk [tilespmem:v19+s14+$0x0], $0xffff  }
0x13b: {  	[tilespmem:s10+$0x10E80] =	vst v10;
	v10 =	vor.u32 $0x18, v1;
	v9 =	vld.idx.msk [tilespmem:v9+s14+$0x0], $0xffff  }
0x13c: {  	v16 =	vor.u32 $0xA, v4;
	v17 =	vld.idx.msk [tilespmem:v17+s14+$0x0], $0xffff  }
0x13d: {  	v18 =	vor.u32 $0x1D, v5;
	[tilespmem:s9+$0x11500] =	vst v13;
	v13 =	vld.idx.msk [tilespmem:v7+s14+$0x0], $0xffff  }
0x13e: {  	[tilespmem:s3+$0x200] =	vst v8;
	v8 =	vor.u32 $0xF, v3;
	v11 =	vld.idx.msk [tilespmem:v11+s14+$0x0], $0xffff  }
0x13f: {  	[tilespmem:s1+$0x11780] =	vst v12;
	v12 =	vor.u32 $0x1, v7;
	v14 =	vld.idx.msk [tilespmem:v14+s14+$0x0], $0xffff  }
0x140: {  	s17 =	sadd.s32 $0x80, s17;
	[tilespmem:s11+$0x10C80] =	vst v15;
	v15 =	vor.u32 $0x14, v2;
	v10 =	vld.idx.msk [tilespmem:v10+s14+$0x0], $0xffff  }
0x141: {  	s19 =	sand.u32 $0x400, s17;
	s12 =	sand.u32 $0x70, s30;
	[tilespmem:s4+$0x11E00] =	vst v9;
	v9 =	vor.u32 $0x6, v6;
	v16 =	vld.idx.msk [tilespmem:v16+s14+$0x0], $0xffff  }
0x142: {  	s12 =	sor.u32 s12, s19;
	[tilespmem:s10+$0x10F00] =	vst v17;
	v17 =	vor.u32 $0x19, v1;
	v18 =	vld.idx.msk [tilespmem:v18+s14+$0x0], $0xffff  }
0x143: {  	[tilespmem:s12+$0x10400] =	vst v13;
	v13 =	vor.u32 $0xB, v4;
	v8 =	vld.idx.msk [tilespmem:v8+s14+$0x0], $0xffff  }
0x144: {  	[tilespmem:s9+$0x11580] =	vst v11;
	v11 =	vld.idx.msk [tilespmem:v12+s14+$0x0], $0xffff;
	v12 =	vor.u32 $0x1E, v5  }
0x145: {  	[tilespmem:s3+$0x280] =	vst v14;
	v14 =	vor.u32 $0x10, v3;
	v15 =	vld.idx.msk [tilespmem:v15+s14+$0x0], $0xffff  }
0x146: {  	[tilespmem:s1+$0x11C00] =	vst v10;
	v10 =	vor.u32 $0x2, v7;
	v9 =	vld.idx.msk [tilespmem:v9+s14+$0x0], $0xffff  }
0x147: {  	[tilespmem:s11+$0x10D00] =	vst v16;
	v16 =	vor.u32 $0x15, v2;
	v17 =	vld.idx.msk [tilespmem:v17+s14+$0x0], $0xffff  }
0x148: {  	[tilespmem:s4+$0x11E80] =	vst v18;
	v18 =	vor.u32 $0x7, v6;
	v13 =	vld.idx.msk [tilespmem:v13+s14+$0x0], $0xffff  }
0x149: {  	s8 =	sadd.s32 $0x10400, s12;
	[tilespmem:s10+$0x10F80] =	vst v8;
	v8 =	vor.u32 $0x1A, v1;
	v12 =	vld.idx.msk [tilespmem:v12+s14+$0x0], $0xffff  }
0x14a: {  	[tilespmem:s8+$0x80] =	vst v11;
	v11 =	vor.u32 $0xC, v4;
	v14 =	vld.idx.msk [tilespmem:v14+s14+$0x0], $0xffff  }
0x14b: {  	v5 =	vor.u32 $0x1F, v5;
	[tilespmem:s9+$0x11600] =	vst v15;
	v10 =	vld.idx.msk [tilespmem:v10+s14+$0x0], $0xffff  }
0x14c: {  	v15 =	vor.u32 $0x11, v3;
	[tilespmem:s3+$0x300] =	vst v9;
	v9 =	vld.idx.msk [tilespmem:v16+s14+$0x0], $0xffff  }
0x14d: {  	[tilespmem:s1+$0x11C80] =	vst v17;
	v16 =	vor.u32 $0x3, v7;
	v17 =	vld.idx.msk [tilespmem:v18+s14+$0x0], $0xffff  }
0x14e: {  	[tilespmem:s11+$0x10D80] =	vst v13;
	v8 =	vld.idx.msk [tilespmem:v8+s14+$0x0], $0xffff  }
0x14f: {  	[tilespmem:s4+$0x11F00] =	vst v12;
	v11 =	vld.idx.msk [tilespmem:v11+s14+$0x0], $0xffff  }
0x150: {  	[tilespmem:s10+$0x11400] =	vst v14;
	v5 =	vld.idx.msk [tilespmem:v5+s14+$0x0], $0xffff  }
0x151: {  	[tilespmem:s8+$0x100] =	vst v10;
	v10 =	vld.idx.msk [tilespmem:v15+s14+$0x0], $0xffff  }
0x152: {  	v12 =	vld.idx.msk [tilespmem:v16+s14+$0x0], $0xffff  }
0x153: {  	v13 =	vor.u32 $0x4, v7;
	_ =	sdelay $0x3  }
0x154: {  	[tilespmem:s8+$0x180] =	vst v12  }
0x155: {  	v12 =	vld.idx.msk [tilespmem:v13+s14+$0x0], $0xffff  }
0x156: {  	v13 =	vor.u32 $0x5, v7;
	_ =	sdelay $0x3  }
0x157: {  	[tilespmem:s8+$0x200] =	vst v12  }
0x158: {  	v12 =	vld.idx.msk [tilespmem:v13+s14+$0x0], $0xffff  }
0x159: {  	v13 =	vor.u32 $0x6, v7;
	_ =	sdelay $0x3  }
0x15a: {  	[tilespmem:s8+$0x280] =	vst v12  }
0x15b: {  	v12 =	vld.idx.msk [tilespmem:v13+s14+$0x0], $0xffff  }
0x15c: {  	v13 =	vor.u32 $0x7, v7;
	_ =	sdelay $0x3  }
0x15d: {  	[tilespmem:s8+$0x300] =	vst v12  }
0x15e: {  	v12 =	vor.u32 $0x8, v6;
	v13 =	vld.idx.msk [tilespmem:v13+s14+$0x0], $0xffff  }
0x15f: {  	v14 =	vor.u32 $0x8, v7  }
0x160: {  	s2 =	sor.u32 s2, s31  }
0x161: {  	s2 =	sor.u32 $0x380, s2;
	s24 =	sor.u32 s17, s30  }
0x162: {  	[tilespmem:s2+$0x10400] =	vst v17;
	s8 =	sor.u32 $0x380, s24  }
0x163: {  	v12 =	vld.idx.msk [tilespmem:v12+s14+$0x0], $0xffff;
	[tilespmem:s8+$0x10400] =	vst v13  }
0x164: {  	v13 =	vor.u32 $0x9, v6;
	v14 =	vld.idx.msk [tilespmem:v14+s14+$0x0], $0xffff  }
0x165: {  	v15 =	vor.u32 $0x9, v7;
	_ =	sdelay $0x2  }
0x166: {  	[tilespmem:s29+$0x10C00] =	vst v12  }
0x167: {  	v12 =	vld.idx.msk [tilespmem:v13+s14+$0x0], $0xffff;
	[tilespmem:s12+$0x10C00] =	vst v14  }
0x168: {  	v13 =	vor.u32 $0xA, v6;
	v14 =	vld.idx.msk [tilespmem:v15+s14+$0x0], $0xffff  }
0x169: {  	v15 =	vor.u32 $0xA, v7;
	_ =	sdelay $0x2  }
0x16a: {  	[tilespmem:s29+$0x10C80] =	vst v12  }
0x16b: {  	v12 =	vld.idx.msk [tilespmem:v13+s14+$0x0], $0xffff;
	[tilespmem:s12+$0x10C80] =	vst v14  }
0x16c: {  	v13 =	vor.u32 $0xB, v6;
	v14 =	vld.idx.msk [tilespmem:v15+s14+$0x0], $0xffff  }
0x16d: {  	v15 =	vor.u32 $0xB, v7;
	_ =	sdelay $0x2  }
0x16e: {  	[tilespmem:s29+$0x10D00] =	vst v12  }
0x16f: {  	v12 =	vld.idx.msk [tilespmem:v13+s14+$0x0], $0xffff;
	[tilespmem:s12+$0x10D00] =	vst v14  }
0x170: {  	v13 =	vor.u32 $0xC, v6;
	v14 =	vld.idx.msk [tilespmem:v15+s14+$0x0], $0xffff  }
0x171: {  	v15 =	vor.u32 $0xC, v7;
	_ =	sdelay $0x2  }
0x172: {  	[tilespmem:s29+$0x10D80] =	vst v12  }
0x173: {  	v12 =	vor.u32 $0xD, v4;
	v13 =	vld.idx.msk [tilespmem:v13+s14+$0x0], $0xffff;
	[tilespmem:s12+$0x10D80] =	vst v14  }
0x174: {  	v14 =	vor.u32 $0xD, v6;
	v15 =	vld.idx.msk [tilespmem:v15+s14+$0x0], $0xffff  }
0x175: {  	v16 =	vor.u32 $0xD, v7;
	_ =	sdelay $0x1  }
0x176: {  	[tilespmem:s11+$0x10E00] =	vst v11  }
0x177: {  	v11 =	vld.idx.msk [tilespmem:v12+s14+$0x0], $0xffff;
	[tilespmem:s29+$0x10E00] =	vst v13  }
0x178: {  	v12 =	vor.u32 $0xE, v4;
	v13 =	vld.idx.msk [tilespmem:v14+s14+$0x0], $0xffff;
	[tilespmem:s12+$0x10E00] =	vst v15  }
0x179: {  	v14 =	vor.u32 $0xE, v6;
	v15 =	vld.idx.msk [tilespmem:v16+s14+$0x0], $0xffff  }
0x17a: {  	v16 =	vor.u32 $0xE, v7;
	_ =	sdelay $0x1  }
0x17b: {  	[tilespmem:s11+$0x10E80] =	vst v11  }
0x17c: {  	v11 =	vld.idx.msk [tilespmem:v12+s14+$0x0], $0xffff;
	[tilespmem:s29+$0x10E80] =	vst v13  }
0x17d: {  	v12 =	vor.u32 $0xF, v4;
	v13 =	vld.idx.msk [tilespmem:v14+s14+$0x0], $0xffff;
	[tilespmem:s12+$0x10E80] =	vst v15  }
0x17e: {  	v14 =	vor.u32 $0xF, v6;
	v15 =	vld.idx.msk [tilespmem:v16+s14+$0x0], $0xffff  }
0x17f: {  	v16 =	vor.u32 $0xF, v7;
	_ =	sdelay $0x1  }
0x180: {  	[tilespmem:s11+$0x10F00] =	vst v11  }
0x181: {  	v11 =	vld.idx.msk [tilespmem:v12+s14+$0x0], $0xffff;
	[tilespmem:s29+$0x10F00] =	vst v13  }
0x182: {  	v12 =	vor.u32 $0x10, v4;
	v13 =	vld.idx.msk [tilespmem:v14+s14+$0x0], $0xffff;
	[tilespmem:s12+$0x10F00] =	vst v15  }
0x183: {  	v14 =	vor.u32 $0x10, v6;
	v15 =	vld.idx.msk [tilespmem:v16+s14+$0x0], $0xffff  }
0x184: {  	v16 =	vor.u32 $0x10, v7;
	_ =	sdelay $0x1  }
0x185: {  	[tilespmem:s11+$0x10F80] =	vst v11  }
0x186: {  	v11 =	vld.idx.msk [tilespmem:v12+s14+$0x0], $0xffff;
	[tilespmem:s29+$0x10F80] =	vst v13  }
0x187: {  	v12 =	vor.u32 $0x11, v4;
	v13 =	vld.idx.msk [tilespmem:v14+s14+$0x0], $0xffff;
	[tilespmem:s12+$0x10F80] =	vst v15  }
0x188: {  	v14 =	vor.u32 $0x11, v6;
	v15 =	vld.idx.msk [tilespmem:v16+s14+$0x0], $0xffff  }
0x189: {  	v16 =	vor.u32 $0x11, v7;
	_ =	sdelay $0x1  }
0x18a: {  	[tilespmem:s11+$0x11400] =	vst v11  }
0x18b: {  	v11 =	vor.u32 $0x12, v3;
	v12 =	vld.idx.msk [tilespmem:v12+s14+$0x0], $0xffff;
	[tilespmem:s29+$0x11400] =	vst v13  }
0x18c: {  	v13 =	vor.u32 $0x12, v4;
	v14 =	vld.idx.msk [tilespmem:v14+s14+$0x0], $0xffff;
	[tilespmem:s12+$0x11400] =	vst v15  }
0x18d: {  	v15 =	vor.u32 $0x12, v6;
	v16 =	vld.idx.msk [tilespmem:v16+s14+$0x0], $0xffff  }
0x18e: {  	v17 =	vor.u32 $0x12, v7  }
0x18f: {  	[tilespmem:s10+$0x11480] =	vst v10  }
0x190: {  	v10 =	vld.idx.msk [tilespmem:v11+s14+$0x0], $0xffff;
	[tilespmem:s11+$0x11480] =	vst v12  }
0x191: {  	v11 =	vor.u32 $0x13, v3;
	v12 =	vld.idx.msk [tilespmem:v13+s14+$0x0], $0xffff;
	[tilespmem:s29+$0x11480] =	vst v14  }
0x192: {  	v13 =	vor.u32 $0x13, v4;
	v14 =	vld.idx.msk [tilespmem:v15+s14+$0x0], $0xffff;
	[tilespmem:s12+$0x11480] =	vst v16  }
0x193: {  	v15 =	vor.u32 $0x13, v6;
	v16 =	vld.idx.msk [tilespmem:v17+s14+$0x0], $0xffff  }
0x194: {  	v17 =	vor.u32 $0x13, v7  }
0x195: {  	[tilespmem:s10+$0x11500] =	vst v10  }
0x196: {  	v10 =	vld.idx.msk [tilespmem:v11+s14+$0x0], $0xffff;
	[tilespmem:s11+$0x11500] =	vst v12  }
0x197: {  	v11 =	vor.u32 $0x14, v3;
	v12 =	vld.idx.msk [tilespmem:v13+s14+$0x0], $0xffff;
	[tilespmem:s29+$0x11500] =	vst v14  }
0x198: {  	v13 =	vor.u32 $0x14, v4;
	v14 =	vld.idx.msk [tilespmem:v15+s14+$0x0], $0xffff;
	[tilespmem:s12+$0x11500] =	vst v16  }
0x199: {  	v15 =	vor.u32 $0x14, v6;
	v16 =	vld.idx.msk [tilespmem:v17+s14+$0x0], $0xffff  }
0x19a: {  	v17 =	vor.u32 $0x14, v7  }
0x19b: {  	[tilespmem:s10+$0x11580] =	vst v10  }
0x19c: {  	v10 =	vld.idx.msk [tilespmem:v11+s14+$0x0], $0xffff;
	[tilespmem:s11+$0x11580] =	vst v12  }
0x19d: {  	v11 =	vor.u32 $0x15, v3;
	v12 =	vld.idx.msk [tilespmem:v13+s14+$0x0], $0xffff;
	[tilespmem:s29+$0x11580] =	vst v14  }
0x19e: {  	v13 =	vor.u32 $0x15, v4;
	v14 =	vld.idx.msk [tilespmem:v15+s14+$0x0], $0xffff;
	[tilespmem:s12+$0x11580] =	vst v16  }
0x19f: {  	v15 =	vor.u32 $0x15, v6;
	v16 =	vld.idx.msk [tilespmem:v17+s14+$0x0], $0xffff  }
0x1a0: {  	v17 =	vor.u32 $0x15, v7  }
0x1a1: {  	[tilespmem:s10+$0x11600] =	vst v10  }
0x1a2: {  	v10 =	vor.u32 $0x16, v2;
	v11 =	vld.idx.msk [tilespmem:v11+s14+$0x0], $0xffff;
	[tilespmem:s11+$0x11600] =	vst v12  }
0x1a3: {  	v12 =	vor.u32 $0x16, v3;
	v13 =	vld.idx.msk [tilespmem:v13+s14+$0x0], $0xffff;
	[tilespmem:s29+$0x11600] =	vst v14  }
0x1a4: {  	v14 =	vor.u32 $0x16, v4;
	v15 =	vld.idx.msk [tilespmem:v15+s14+$0x0], $0xffff;
	[tilespmem:s12+$0x11600] =	vst v16  }
0x1a5: {  	v16 =	vor.u32 $0x16, v6;
	v17 =	vld.idx.msk [tilespmem:v17+s14+$0x0], $0xffff  }
0x1a6: {  	[tilespmem:s9+$0x11680] =	vst v9;
	v9 =	vor.u32 $0x16, v7  }
0x1a7: {  	v10 =	vld.idx.msk [tilespmem:v10+s14+$0x0], $0xffff;
	[tilespmem:s10+$0x11680] =	vst v11  }
0x1a8: {  	v11 =	vor.u32 $0x17, v2;
	v12 =	vld.idx.msk [tilespmem:v12+s14+$0x0], $0xffff;
	[tilespmem:s11+$0x11680] =	vst v13  }
0x1a9: {  	v13 =	vor.u32 $0x17, v3;
	v14 =	vld.idx.msk [tilespmem:v14+s14+$0x0], $0xffff;
	[tilespmem:s29+$0x11680] =	vst v15  }
0x1aa: {  	v15 =	vor.u32 $0x17, v4;
	v16 =	vld.idx.msk [tilespmem:v16+s14+$0x0], $0xffff;
	[tilespmem:s12+$0x11680] =	vst v17  }
0x1ab: {  	v17 =	vor.u32 $0x17, v6;
	v9 =	vld.idx.msk [tilespmem:v9+s14+$0x0], $0xffff  }
0x1ac: {  	[tilespmem:s9+$0x11700] =	vst v10;
	v10 =	vor.u32 $0x17, v7  }
0x1ad: {  	v11 =	vld.idx.msk [tilespmem:v11+s14+$0x0], $0xffff;
	[tilespmem:s10+$0x11700] =	vst v12  }
0x1ae: {  	v12 =	vor.u32 $0x18, v2;
	v13 =	vld.idx.msk [tilespmem:v13+s14+$0x0], $0xffff;
	[tilespmem:s11+$0x11700] =	vst v14  }
0x1af: {  	v14 =	vor.u32 $0x18, v3;
	v15 =	vld.idx.msk [tilespmem:v15+s14+$0x0], $0xffff;
	[tilespmem:s29+$0x11700] =	vst v16  }
0x1b0: {  	v16 =	vor.u32 $0x18, v4;
	v17 =	vld.idx.msk [tilespmem:v17+s14+$0x0], $0xffff;
	[tilespmem:s12+$0x11700] =	vst v9  }
0x1b1: {  	v9 =	vor.u32 $0x18, v6;
	v10 =	vld.idx.msk [tilespmem:v10+s14+$0x0], $0xffff  }
0x1b2: {  	[tilespmem:s9+$0x11780] =	vst v11;
	v11 =	vor.u32 $0x18, v7  }
0x1b3: {  	v12 =	vld.idx.msk [tilespmem:v12+s14+$0x0], $0xffff;
	[tilespmem:s10+$0x11780] =	vst v13  }
0x1b4: {  	v13 =	vor.u32 $0x19, v2;
	v14 =	vld.idx.msk [tilespmem:v14+s14+$0x0], $0xffff;
	[tilespmem:s11+$0x11780] =	vst v15  }
0x1b5: {  	v15 =	vor.u32 $0x19, v3;
	v16 =	vld.idx.msk [tilespmem:v16+s14+$0x0], $0xffff;
	[tilespmem:s29+$0x11780] =	vst v17  }
0x1b6: {  	v17 =	vor.u32 $0x19, v4;
	v9 =	vld.idx.msk [tilespmem:v9+s14+$0x0], $0xffff;
	[tilespmem:s12+$0x11780] =	vst v10  }
0x1b7: {  	v10 =	vor.u32 $0x19, v6;
	v11 =	vld.idx.msk [tilespmem:v11+s14+$0x0], $0xffff  }
0x1b8: {  	[tilespmem:s9+$0x11C00] =	vst v12;
	v12 =	vor.u32 $0x19, v7  }
0x1b9: {  	v13 =	vld.idx.msk [tilespmem:v13+s14+$0x0], $0xffff;
	[tilespmem:s10+$0x11C00] =	vst v14  }
0x1ba: {  	v14 =	vor.u32 $0x1A, v2;
	v15 =	vld.idx.msk [tilespmem:v15+s14+$0x0], $0xffff;
	[tilespmem:s11+$0x11C00] =	vst v16  }
0x1bb: {  	v16 =	vor.u32 $0x1A, v3;
	v17 =	vld.idx.msk [tilespmem:v17+s14+$0x0], $0xffff;
	[tilespmem:s29+$0x11C00] =	vst v9  }
0x1bc: {  	v9 =	vor.u32 $0x1A, v4;
	v10 =	vld.idx.msk [tilespmem:v10+s14+$0x0], $0xffff;
	[tilespmem:s12+$0x11C00] =	vst v11  }
0x1bd: {  	[tilespmem:s1+$0x11D00] =	vst v8;
	v8 =	vor.u32 $0x1A, v6;
	v11 =	vld.idx.msk [tilespmem:v12+s14+$0x0], $0xffff  }
0x1be: {  	[tilespmem:s9+$0x11C80] =	vst v13;
	v12 =	vor.u32 $0x1A, v7  }
0x1bf: {  	v13 =	vor.u32 $0x1B, v1;
	v14 =	vld.idx.msk [tilespmem:v14+s14+$0x0], $0xffff;
	[tilespmem:s10+$0x11C80] =	vst v15  }
0x1c0: {  	v15 =	vor.u32 $0x1B, v2;
	v16 =	vld.idx.msk [tilespmem:v16+s14+$0x0], $0xffff;
	[tilespmem:s11+$0x11C80] =	vst v17  }
0x1c1: {  	v17 =	vor.u32 $0x1B, v3;
	v9 =	vld.idx.msk [tilespmem:v9+s14+$0x0], $0xffff;
	[tilespmem:s29+$0x11C80] =	vst v10  }
0x1c2: {  	v10 =	vor.u32 $0x1B, v4;
	v8 =	vld.idx.msk [tilespmem:v8+s14+$0x0], $0xffff;
	[tilespmem:s12+$0x11C80] =	vst v11  }
0x1c3: {  	[tilespmem:s4+$0x11F80] =	vst v5;
	v5 =	vor.u32 $0x1B, v6;
	v11 =	vld.idx.msk [tilespmem:v12+s14+$0x0], $0xffff  }
0x1c4: {  	[tilespmem:s9+$0x11D00] =	vst v14;
	v12 =	vld.idx.msk [tilespmem:v13+s14+$0x0], $0xffff;
	v13 =	vor.u32 $0x1B, v7  }
0x1c5: {  	v14 =	vor.u32 $0x1C, v1;
	v15 =	vld.idx.msk [tilespmem:v15+s14+$0x0], $0xffff;
	[tilespmem:s10+$0x11D00] =	vst v16  }
0x1c6: {  	v16 =	vor.u32 $0x1C, v2;
	v17 =	vld.idx.msk [tilespmem:v17+s14+$0x0], $0xffff;
	[tilespmem:s11+$0x11D00] =	vst v9  }
0x1c7: {  	v9 =	vor.u32 $0x1C, v3;
	v10 =	vld.idx.msk [tilespmem:v10+s14+$0x0], $0xffff;
	[tilespmem:s29+$0x11D00] =	vst v8  }
0x1c8: {  	v8 =	vor.u32 $0x1C, v4;
	v5 =	vld.idx.msk [tilespmem:v5+s14+$0x0], $0xffff;
	[tilespmem:s12+$0x11D00] =	vst v11  }
0x1c9: {  	[tilespmem:s1+$0x11D80] =	vst v12;
	v11 =	vor.u32 $0x1C, v6;
	v12 =	vld.idx.msk [tilespmem:v13+s14+$0x0], $0xffff  }
0x1ca: {  	[tilespmem:s9+$0x11D80] =	vst v15;
	v13 =	vld.idx.msk [tilespmem:v14+s14+$0x0], $0xffff;
	v14 =	vor.u32 $0x1C, v7  }
0x1cb: {  	v15 =	vor.u32 $0x1D, v1;
	v16 =	vld.idx.msk [tilespmem:v16+s14+$0x0], $0xffff;
	[tilespmem:s10+$0x11D80] =	vst v17  }
0x1cc: {  	v17 =	vor.u32 $0x1D, v2;
	v9 =	vld.idx.msk [tilespmem:v9+s14+$0x0], $0xffff;
	[tilespmem:s11+$0x11D80] =	vst v10  }
0x1cd: {  	v10 =	vor.u32 $0x1D, v3;
	v8 =	vld.idx.msk [tilespmem:v8+s14+$0x0], $0xffff;
	[tilespmem:s29+$0x11D80] =	vst v5  }
0x1ce: {  	v5 =	vor.u32 $0x1D, v4;
	v11 =	vld.idx.msk [tilespmem:v11+s14+$0x0], $0xffff;
	[tilespmem:s12+$0x11D80] =	vst v12  }
0x1cf: {  	[tilespmem:s1+$0x11E00] =	vst v13;
	v12 =	vor.u32 $0x1D, v6;
	v13 =	vld.idx.msk [tilespmem:v14+s14+$0x0], $0xffff  }
0x1d0: {  	[tilespmem:s9+$0x11E00] =	vst v16;
	v14 =	vld.idx.msk [tilespmem:v15+s14+$0x0], $0xffff;
	v15 =	vor.u32 $0x1D, v7  }
0x1d1: {  	v16 =	vor.u32 $0x1E, v1;
	v17 =	vld.idx.msk [tilespmem:v17+s14+$0x0], $0xffff;
	[tilespmem:s10+$0x11E00] =	vst v9  }
0x1d2: {  	v9 =	vor.u32 $0x1E, v2;
	v10 =	vld.idx.msk [tilespmem:v10+s14+$0x0], $0xffff;
	[tilespmem:s11+$0x11E00] =	vst v8  }
0x1d3: {  	v8 =	vor.u32 $0x1E, v3;
	v5 =	vld.idx.msk [tilespmem:v5+s14+$0x0], $0xffff;
	[tilespmem:s29+$0x11E00] =	vst v11  }
0x1d4: {  	v11 =	vor.u32 $0x1E, v4;
	v12 =	vld.idx.msk [tilespmem:v12+s14+$0x0], $0xffff;
	[tilespmem:s12+$0x11E00] =	vst v13  }
0x1d5: {  	[tilespmem:s1+$0x11E80] =	vst v14;
	v13 =	vor.u32 $0x1E, v6;
	v14 =	vld.idx.msk [tilespmem:v15+s14+$0x0], $0xffff  }
0x1d6: {  	[tilespmem:s9+$0x11E80] =	vst v17;
	v15 =	vld.idx.msk [tilespmem:v16+s14+$0x0], $0xffff;
	v16 =	vor.u32 $0x1E, v7  }
0x1d7: {  	v1 =	vor.u32 $0x1F, v1;
	v9 =	vld.idx.msk [tilespmem:v9+s14+$0x0], $0xffff;
	[tilespmem:s10+$0x11E80] =	vst v10  }
0x1d8: {  	v2 =	vor.u32 $0x1F, v2;
	v8 =	vld.idx.msk [tilespmem:v8+s14+$0x0], $0xffff;
	[tilespmem:s11+$0x11E80] =	vst v5  }
0x1d9: {  	v3 =	vor.u32 $0x1F, v3;
	v5 =	vld.idx.msk [tilespmem:v11+s14+$0x0], $0xffff;
	[tilespmem:s29+$0x11E80] =	vst v12  }
0x1da: {  	v4 =	vor.u32 $0x1F, v4;
	v10 =	vld.idx.msk [tilespmem:v13+s14+$0x0], $0xffff;
	[tilespmem:s12+$0x11E80] =	vst v14  }
0x1db: {  	v6 =	vor.u32 $0x1F, v6;
	[tilespmem:s1+$0x11F00] =	vst v15;
	v11 =	vld.idx.msk [tilespmem:v16+s14+$0x0], $0xffff  }
0x1dc: {  	v7 =	vor.u32 $0x1F, v7;
	[tilespmem:s9+$0x11F00] =	vst v9;
	v1 =	vld.idx.msk [tilespmem:v1+s14+$0x0], $0xffff  }
0x1dd: {  	v2 =	vld.idx.msk [tilespmem:v2+s14+$0x0], $0xffff;
	[tilespmem:s10+$0x11F00] =	vst v8  }
0x1de: {  	v3 =	vld.idx.msk [tilespmem:v3+s14+$0x0], $0xffff;
	[tilespmem:s11+$0x11F00] =	vst v5  }
0x1df: {  	v4 =	vld.idx.msk [tilespmem:v4+s14+$0x0], $0xffff;
	[tilespmem:s29+$0x11F00] =	vst v10  }
0x1e0: {  	v5 =	vld.idx.msk [tilespmem:v6+s14+$0x0], $0xffff;
	[tilespmem:s12+$0x11F00] =	vst v11  }
0x1e1: {  	[tilespmem:s1+$0x11F80] =	vst v1;
	v1 =	vld.idx.msk [tilespmem:v7+s14+$0x0], $0xffff  }
0x1e2: {  	[tilespmem:s9+$0x11F80] =	vst v2  }
0x1e3: {  	[tilespmem:s10+$0x11F80] =	vst v3  }
0x1e4: {  	[tilespmem:s11+$0x11F80] =	vst v4  }
0x1e5: {  	[tilespmem:s29+$0x11F80] =	vst v5  }
0x1e6: {  	s31 =	sadd.s32 $0x1, s0;
	[tilespmem:s12+$0x11F80] =	vst v1  }
0x1e7: {  	s17 =	sshll.u32 s31, $0x4;
	s10 =	sshll.u32 s0, $0x10;
	s2 =	rddreg [dreg:$0x4]  }
0x1e8: {  	s11 =	simm.s32 $0x10400;
	s12 =	sshll.u32 s31, $0xB;
	s1 =	sadd.s32 s10, s2  }
0x1e9: {  	[hbm4b:s1+s22] =	stream.strided.scatter [tilespmem:s11], [sflag:$0x5], $0x2000, s23, s22, $0x38;
	[tilespmem:$0x14400] =	vst v63  }
0x1ea: {  	s2 =	sand.u32 $0x70, s17;
	s1 =	sand.u32 $0x3C000, s12  }
0x1eb: {  	s1 =	sor.u32 s2, s1  }
0x1ec: {  	s2 =	sadd.s32 s1, s7;
	s1 =	simm.s32 $0x0  }
0x1ed: {  	[tilespmem:s1], [sflag:$0x1] =	stream.strided.gather [hbm4b:s2+s13], $0x100, s14, s13, $0x38;
	[tilespmem:$0x14400] =	vst v63  }
0x1ee: {  	_ =	swait.ge [sflag:s16], $0x100  }
0x1ef: {  	[sflag:s16] =	ssyncset.done $0x0  }
0x1f0: {  	[sflag:s16] =	ssyncadd.s32 $0xFFFFFF00  }
0x1f1: {  	v1 =	vld [tilespmem:$0x0]  }
0x1f2: {  	v2 =	vld [tilespmem:$0x10]  }
0x1f3: {  	v3 =	vld [tilespmem:$0x20]  }
0x1f4: {  	v4 =	vld [tilespmem:$0x30]  }
0x1f5: {  	v5 =	vld [tilespmem:$0x40]  }
0x1f6: {  	v6 =	vld [tilespmem:$0x50];
	v1 =	vshra.s32 v1, $0x2  }
0x1f7: {  	[tilespmem:$0x200] =	vst v1;
	v1 =	vshra.s32 v2, $0x2;
	v2 =	vld [tilespmem:$0x60]  }
0x1f8: {  	[tilespmem:$0x210] =	vst v1;
	v1 =	vshra.s32 v3, $0x2;
	v3 =	vld [tilespmem:$0x70]  }
0x1f9: {  	[tilespmem:$0x220] =	vst v1;
	v1 =	vshra.s32 v4, $0x2;
	v4 =	vld [tilespmem:$0x80]  }
0x1fa: {  	[tilespmem:$0x230] =	vst v1;
	v1 =	vshra.s32 v5, $0x2;
	v5 =	vld [tilespmem:$0x90]  }
0x1fb: {  	[tilespmem:$0x240] =	vst v1;
	v1 =	vshra.s32 v6, $0x2;
	v6 =	vld [tilespmem:$0xA0]  }
0x1fc: {  	[tilespmem:$0x250] =	vst v1;
	v1 =	vshra.s32 v2, $0x2;
	v2 =	vld [tilespmem:$0xB0]  }
0x1fd: {  	[tilespmem:$0x260] =	vst v1;
	v1 =	vshra.s32 v3, $0x2;
	v3 =	vld [tilespmem:$0xC0]  }
0x1fe: {  	[tilespmem:$0x270] =	vst v1;
	v1 =	vshra.s32 v4, $0x2;
	v4 =	vld [tilespmem:$0xD0]  }
0x1ff: {  	[tilespmem:$0x280] =	vst v1;
	v1 =	vshra.s32 v5, $0x2;
	v5 =	vld [tilespmem:$0xE0]  }
0x200: {  	[tilespmem:$0x290] =	vst v1;
	v1 =	vshra.s32 v6, $0x2;
	v6 =	vld [tilespmem:$0xF0]  }
0x201: {  	[tilespmem:$0x2A0] =	vst v1;
	v1 =	vshra.s32 v2, $0x2  }
0x202: {  	[tilespmem:$0x2B0] =	vst v1;
	v1 =	vshra.s32 v3, $0x2  }
0x203: {  	[tilespmem:$0x2C0] =	vst v1;
	v1 =	vshra.s32 v4, $0x2  }
0x204: {  	[tilespmem:$0x2D0] =	vst v1;
	v1 =	vshra.s32 v5, $0x2  }
0x205: {  	[tilespmem:$0x2E0] =	vst v1;
	v1 =	vshra.s32 v6, $0x2  }
0x206: {  	[tilespmem:$0x2F0] =	vst v1  }
0x207: {  	_ =	swait.ge [sflag:s25], $0x2000  }
0x208: {  	[sflag:s25] =	ssyncset.done $0x0  }
0x209: {  	s19 =	simm.s32 $0x100;
	s24 =	simm.s32 $0x200;
	[sflag:s25] =	ssyncadd.s32 $0xFFFFE000  }
0x20a: {  	[tilespmem:s14], [sflag:$0x3] =	stream.indirect.gather [hbm4b:s5+s19], $0x80, s24, s19, $0xb8;
	[tilespmem:$0x14400] =	vst v63  }
0x20b: {  	_ =	swait.ge [sflag:s26], $0x8000  }
0x20c: {  	[sflag:s26] =	ssyncset.done $0x0  }
0x20d: {  	[sflag:s26] =	ssyncadd.s32 $0xFFFF8000  }
0x20e: {  	v1 =	vld [tilespmem:s19+$0x0];
	_ =	sdelay $0x3  }
0x20f: {  	v2 =	vmov s1  }
0x210: {  	v2 =	vshll.u32 v2, $0x7;
	v1 =	vshll.u32 v1, $0x5  }
0x211: {  	v2 =	vor.u32 v0, v2;
	v1 =	vand.u32 $0x60, v1  }
0x212: {  	v7 =	vor.u32 v2, v1;
	_ =	sdelay $0x4  }
0x213: {  	v1 =	vld.idx.msk [tilespmem:v7+s20+$0x0], $0xffff  }
0x214: {  	v2 =	vor.u32 $0x1, v7;
	_ =	sdelay $0x1  }
0x215: {  	s4 =	sand.u32 $0x70, s1;
	s8 =	sand.u32 $0x400, s1  }
0x216: {  	s11 =	sor.u32 s4, s8  }
0x217: {  	[tilespmem:s11+$0x12400] =	vst v1  }
0x218: {  	v1 =	vld.idx.msk [tilespmem:v2+s20+$0x0], $0xffff  }
0x219: {  	v2 =	vor.u32 $0x2, v7;
	_ =	sdelay $0x2  }
0x21a: {  	s2 =	sadd.s32 $0x12400, s11  }
0x21b: {  	[tilespmem:s2+$0x80] =	vst v1  }
0x21c: {  	v1 =	vld.idx.msk [tilespmem:v2+s20+$0x0], $0xffff  }
0x21d: {  	v2 =	vor.u32 $0x3, v7;
	_ =	sdelay $0x1  }
0x21e: {  	s9 =	simm.s32 $0x110  }
0x21f: {  	v3 =	vld [tilespmem:s9+$0x0]  }
0x220: {  	[tilespmem:s2+$0x100] =	vst v1  }
0x221: {  	v1 =	vld.idx.msk [tilespmem:v2+s20+$0x0], $0xffff  }
0x222: {  	s3 =	simm.s32 $0x10;
	v4 =	vor.u32 $0x4, v7  }
0x223: {  	v2 =	vmov s3  }
0x224: {  	v3 =	vshll.u32 v3, $0x5;
	v2 =	vshll.u32 v2, $0x7  }
0x225: {  	v3 =	vand.u32 $0x60, v3;
	v2 =	vor.u32 v0, v2  }
0x226: {  	v2 =	vor.u32 v2, v3;
	[tilespmem:s2+$0x180] =	vst v1  }
0x227: {  	v1 =	vld.idx.msk [tilespmem:v4+s20+$0x0], $0xffff  }
0x228: {  	v3 =	vor.u32 $0x5, v7;
	_ =	sdelay $0x2  }
0x229: {  	v4 =	vld.idx.msk [tilespmem:v2+s20+$0x0], $0xffff  }
0x22a: {  	[tilespmem:s2+$0x200] =	vst v1;
	v1 =	vor.u32 $0x1, v2  }
0x22b: {  	s9 =	simm.s32 $0x80;
	v3 =	vld.idx.msk [tilespmem:v3+s20+$0x0], $0xffff  }
0x22c: {  	s10 =	sand.u32 $0x70, s3;
	s12 =	sand.u32 $0x400, s9;
	v5 =	vor.u32 $0x6, v7  }
0x22d: {  	s4 =	sor.u32 s10, s12  }
0x22e: {  	[tilespmem:s4+$0x12400] =	vst v4  }
0x22f: {  	v1 =	vld.idx.msk [tilespmem:v1+s20+$0x0], $0xffff  }
0x230: {  	[tilespmem:s2+$0x280] =	vst v3;
	v3 =	vor.u32 $0x2, v2  }
0x231: {  	v4 =	vld.idx.msk [tilespmem:v5+s20+$0x0], $0xffff  }
0x232: {  	v5 =	vor.u32 $0x7, v7  }
0x233: {  	s8 =	sadd.s32 $0x12400, s4  }
0x234: {  	[tilespmem:s8+$0x80] =	vst v1  }
0x235: {  	v1 =	vld.idx.msk [tilespmem:v3+s20+$0x0], $0xffff  }
0x236: {  	v3 =	vor.u32 $0x3, v2;
	[tilespmem:s2+$0x300] =	vst v4  }
0x237: {  	v4 =	vld.idx.msk [tilespmem:v5+s20+$0x0], $0xffff  }
0x238: {  	s17 =	simm.s32 $0x120;
	v5 =	vor.u32 $0x8, v7  }
0x239: {  	v6 =	vld [tilespmem:s17+$0x0]  }
0x23a: {  	s1 =	sor.u32 s1, s1;
	[tilespmem:s8+$0x100] =	vst v1  }
0x23b: {  	s1 =	sor.u32 $0x380, s1;
	v1 =	vld.idx.msk [tilespmem:v3+s20+$0x0], $0xffff  }
0x23c: {  	s2 =	simm.s32 $0x20;
	v3 =	vor.u32 $0x4, v2;
	[tilespmem:s1+$0x12400] =	vst v4  }
0x23d: {  	v4 =	vld.idx.msk [tilespmem:v5+s20+$0x0], $0xffff;
	v5 =	vmov s2  }
0x23e: {  	v6 =	vshll.u32 v6, $0x5;
	v8 =	vor.u32 $0x9, v7;
	v5 =	vshll.u32 v5, $0x7  }
0x23f: {  	v6 =	vand.u32 $0x60, v6;
	v5 =	vor.u32 v0, v5  }
0x240: {  	[tilespmem:s8+$0x180] =	vst v1;
	v1 =	vor.u32 v5, v6  }
0x241: {  	v3 =	vld.idx.msk [tilespmem:v3+s20+$0x0], $0xffff  }
0x242: {  	[tilespmem:s11+$0x12C00] =	vst v4;
	v4 =	vor.u32 $0x5, v2  }
0x243: {  	v5 =	vld.idx.msk [tilespmem:v8+s20+$0x0], $0xffff  }
0x244: {  	v6 =	vor.u32 $0xA, v7  }
0x245: {  	v8 =	vld.idx.msk [tilespmem:v1+s20+$0x0], $0xffff  }
0x246: {  	[tilespmem:s8+$0x200] =	vst v3;
	v3 =	vor.u32 $0x1, v1  }
0x247: {  	s10 =	simm.s32 $0x100;
	v4 =	vld.idx.msk [tilespmem:v4+s20+$0x0], $0xffff  }
0x248: {  	s24 =	sand.u32 $0x400, s10;
	s19 =	sand.u32 $0x70, s2;
	[tilespmem:s11+$0x12C80] =	vst v5;
	v5 =	vor.u32 $0x6, v2  }
0x249: {  	s1 =	sor.u32 s19, s24;
	v6 =	vld.idx.msk [tilespmem:v6+s20+$0x0], $0xffff  }
0x24a: {  	[tilespmem:s1+$0x12400] =	vst v8;
	v8 =	vor.u32 $0xB, v7  }
0x24b: {  	v3 =	vld.idx.msk [tilespmem:v3+s20+$0x0], $0xffff  }
0x24c: {  	[tilespmem:s8+$0x280] =	vst v4;
	v4 =	vor.u32 $0x2, v1  }
0x24d: {  	v5 =	vld.idx.msk [tilespmem:v5+s20+$0x0], $0xffff  }
0x24e: {  	[tilespmem:s11+$0x12D00] =	vst v6;
	v6 =	vor.u32 $0x7, v2  }
0x24f: {  	s17 =	sadd.s32 $0x12400, s1;
	v8 =	vld.idx.msk [tilespmem:v8+s20+$0x0], $0xffff  }
0x250: {  	[tilespmem:s17+$0x80] =	vst v3;
	v3 =	vor.u32 $0xC, v7  }
0x251: {  	v4 =	vld.idx.msk [tilespmem:v4+s20+$0x0], $0xffff  }
0x252: {  	[tilespmem:s8+$0x300] =	vst v5;
	v5 =	vor.u32 $0x3, v1  }
0x253: {  	v6 =	vld.idx.msk [tilespmem:v6+s20+$0x0], $0xffff  }
0x254: {  	[tilespmem:s11+$0x12D80] =	vst v8;
	v8 =	vor.u32 $0x8, v2  }
0x255: {  	s12 =	simm.s32 $0x130;
	v3 =	vld.idx.msk [tilespmem:v3+s20+$0x0], $0xffff  }
0x256: {  	v9 =	vld [tilespmem:s12+$0x0];
	s3 =	sor.u32 s9, s3;
	[tilespmem:s17+$0x100] =	vst v4;
	v4 =	vor.u32 $0xD, v7  }
0x257: {  	s3 =	sor.u32 $0x380, s3;
	v5 =	vld.idx.msk [tilespmem:v5+s20+$0x0], $0xffff  }
0x258: {  	[tilespmem:s3+$0x12400] =	vst v6;
	v6 =	vor.u32 $0x4, v1  }
0x259: {  	s3 =	simm.s32 $0x30;
	v8 =	vld.idx.msk [tilespmem:v8+s20+$0x0], $0xffff  }
0x25a: {  	v10 =	vor.u32 $0x9, v2;
	[tilespmem:s11+$0x12E00] =	vst v3;
	v3 =	vmov s3  }
0x25b: {  	v9 =	vshll.u32 v9, $0x5;
	v4 =	vld.idx.msk [tilespmem:v4+s20+$0x0], $0xffff;
	v3 =	vshll.u32 v3, $0x7  }
0x25c: {  	v9 =	vand.u32 $0x60, v9;
	v3 =	vor.u32 v0, v3;
	[tilespmem:s17+$0x180] =	vst v5;
	v5 =	vor.u32 $0xE, v7  }
0x25d: {  	v3 =	vor.u32 v3, v9;
	v6 =	vld.idx.msk [tilespmem:v6+s20+$0x0], $0xffff  }
0x25e: {  	[tilespmem:s4+$0x12C00] =	vst v8;
	v8 =	vor.u32 $0x5, v1  }
0x25f: {  	v9 =	vld.idx.msk [tilespmem:v10+s20+$0x0], $0xffff  }
0x260: {  	[tilespmem:s11+$0x12E80] =	vst v4;
	v4 =	vor.u32 $0xA, v2  }
0x261: {  	v5 =	vld.idx.msk [tilespmem:v5+s20+$0x0], $0xffff  }
0x262: {  	v10 =	vld.idx.msk [tilespmem:v3+s20+$0x0], $0xffff;
	[tilespmem:s17+$0x200] =	vst v6;
	v6 =	vor.u32 $0xF, v7  }
0x263: {  	v11 =	vor.u32 $0x1, v3;
	v8 =	vld.idx.msk [tilespmem:v8+s20+$0x0], $0xffff  }
0x264: {  	s12 =	simm.s32 $0x180;
	[tilespmem:s4+$0x12C80] =	vst v9;
	v9 =	vor.u32 $0x6, v1  }
0x265: {  	s24 =	sand.u32 $0x400, s12;
	s19 =	sand.u32 $0x70, s3;
	v4 =	vld.idx.msk [tilespmem:v4+s20+$0x0], $0xffff  }
0x266: {  	s9 =	sor.u32 s19, s24;
	[tilespmem:s11+$0x12F00] =	vst v5;
	v5 =	vor.u32 $0xB, v2  }
0x267: {  	[tilespmem:s9+$0x12400] =	vst v10;
	v6 =	vld.idx.msk [tilespmem:v6+s20+$0x0], $0xffff  }
0x268: {  	v10 =	vld.idx.msk [tilespmem:v11+s20+$0x0], $0xffff;
	[tilespmem:s17+$0x280] =	vst v8;
	v8 =	vor.u32 $0x10, v7  }
0x269: {  	v11 =	vor.u32 $0x2, v3;
	v9 =	vld.idx.msk [tilespmem:v9+s20+$0x0], $0xffff  }
0x26a: {  	[tilespmem:s4+$0x12D00] =	vst v4;
	v4 =	vor.u32 $0x7, v1  }
0x26b: {  	v5 =	vld.idx.msk [tilespmem:v5+s20+$0x0], $0xffff  }
0x26c: {  	s24 =	sadd.s32 $0x12400, s9;
	[tilespmem:s11+$0x12F80] =	vst v6;
	v6 =	vor.u32 $0xC, v2  }
0x26d: {  	[tilespmem:s24+$0x80] =	vst v10;
	v8 =	vld.idx.msk [tilespmem:v8+s20+$0x0], $0xffff  }
0x26e: {  	v10 =	vld.idx.msk [tilespmem:v11+s20+$0x0], $0xffff;
	[tilespmem:s17+$0x300] =	vst v9;
	v9 =	vor.u32 $0x11, v7  }
0x26f: {  	v11 =	vor.u32 $0x3, v3;
	v4 =	vld.idx.msk [tilespmem:v4+s20+$0x0], $0xffff  }
0x270: {  	[tilespmem:s4+$0x12D80] =	vst v5;
	v5 =	vor.u32 $0x8, v1  }
0x271: {  	s19 =	simm.s32 $0x140;
	v6 =	vld.idx.msk [tilespmem:v6+s20+$0x0], $0xffff  }
0x272: {  	s2 =	sor.u32 s10, s2;
	v12 =	vld [tilespmem:s19+$0x0];
	[tilespmem:s11+$0x13400] =	vst v8;
	v8 =	vor.u32 $0xD, v2  }
0x273: {  	s2 =	sor.u32 $0x380, s2;
	[tilespmem:s24+$0x100] =	vst v10;
	v9 =	vld.idx.msk [tilespmem:v9+s20+$0x0], $0xffff  }
0x274: {  	v10 =	vld.idx.msk [tilespmem:v11+s20+$0x0], $0xffff;
	[tilespmem:s2+$0x12400] =	vst v4;
	v4 =	vor.u32 $0x12, v7  }
0x275: {  	s2 =	simm.s32 $0x40;
	v11 =	vor.u32 $0x4, v3;
	v5 =	vld.idx.msk [tilespmem:v5+s20+$0x0], $0xffff  }
0x276: {  	v13 =	vor.u32 $0x9, v1;
	[tilespmem:s4+$0x12E00] =	vst v6;
	v6 =	vmov s2  }
0x277: {  	v12 =	vshll.u32 v12, $0x5;
	v8 =	vld.idx.msk [tilespmem:v8+s20+$0x0], $0xffff;
	v6 =	vshll.u32 v6, $0x7  }
0x278: {  	[tilespmem:s11+$0x13480] =	vst v9;
	v9 =	vand.u32 $0x60, v12;
	v6 =	vor.u32 v0, v6;
	v12 =	vor.u32 $0xE, v2  }
0x279: {  	[tilespmem:s24+$0x180] =	vst v10;
	v10 =	vld.idx.msk [tilespmem:v4+s20+$0x0], $0xffff;
	v4 =	vor.u32 v6, v9  }
0x27a: {  	v6 =	vld.idx.msk [tilespmem:v11+s20+$0x0], $0xffff;
	[tilespmem:s1+$0x12C00] =	vst v5;
	v5 =	vor.u32 $0x13, v7  }
0x27b: {  	v9 =	vor.u32 $0x5, v3;
	v11 =	vld.idx.msk [tilespmem:v13+s20+$0x0], $0xffff  }
0x27c: {  	[tilespmem:s4+$0x12E80] =	vst v8;
	v8 =	vor.u32 $0xA, v1  }
0x27d: {  	v12 =	vld.idx.msk [tilespmem:v12+s20+$0x0], $0xffff  }
0x27e: {  	v13 =	vld.idx.msk [tilespmem:v4+s20+$0x0], $0xffff;
	[tilespmem:s11+$0x13500] =	vst v10;
	v10 =	vor.u32 $0xF, v2  }
0x27f: {  	[tilespmem:s24+$0x200] =	vst v6;
	v5 =	vld.idx.msk [tilespmem:v5+s20+$0x0], $0xffff;
	v6 =	vor.u32 $0x1, v4  }
0x280: {  	s17 =	simm.s32 $0x200;
	v9 =	vld.idx.msk [tilespmem:v9+s20+$0x0], $0xffff;
	[tilespmem:s1+$0x12C80] =	vst v11;
	v11 =	vor.u32 $0x14, v7  }
0x281: {  	v14 =	vor.u32 $0x6, v3;
	s19 =	sand.u32 $0x400, s17;
	s10 =	sand.u32 $0x70, s2;
	v8 =	vld.idx.msk [tilespmem:v8+s20+$0x0], $0xffff  }
0x282: {  	s10 =	sor.u32 s10, s19;
	[tilespmem:s4+$0x12F00] =	vst v12;
	v12 =	vor.u32 $0xB, v1  }
0x283: {  	[tilespmem:s10+$0x12400] =	vst v13;
	v10 =	vld.idx.msk [tilespmem:v10+s20+$0x0], $0xffff  }
0x284: {  	v6 =	vld.idx.msk [tilespmem:v6+s20+$0x0], $0xffff;
	[tilespmem:s11+$0x13580] =	vst v5;
	v5 =	vor.u32 $0x10, v2  }
0x285: {  	[tilespmem:s24+$0x280] =	vst v9;
	v9 =	vld.idx.msk [tilespmem:v11+s20+$0x0], $0xffff;
	v11 =	vor.u32 $0x2, v4  }
0x286: {  	v13 =	vld.idx.msk [tilespmem:v14+s20+$0x0], $0xffff;
	[tilespmem:s1+$0x12D00] =	vst v8;
	v8 =	vor.u32 $0x15, v7  }
0x287: {  	v14 =	vor.u32 $0x7, v3;
	v12 =	vld.idx.msk [tilespmem:v12+s20+$0x0], $0xffff  }
0x288: {  	s19 =	sadd.s32 $0x12400, s10;
	[tilespmem:s4+$0x12F80] =	vst v10;
	v10 =	vor.u32 $0xC, v1  }
0x289: {  	[tilespmem:s19+$0x80] =	vst v6;
	v5 =	vld.idx.msk [tilespmem:v5+s20+$0x0], $0xffff  }
0x28a: {  	v6 =	vld.idx.msk [tilespmem:v11+s20+$0x0], $0xffff;
	[tilespmem:s11+$0x13600] =	vst v9;
	v9 =	vor.u32 $0x11, v2  }
0x28b: {  	v11 =	vor.u32 $0x3, v4;
	[tilespmem:s24+$0x300] =	vst v13;
	v8 =	vld.idx.msk [tilespmem:v8+s20+$0x0], $0xffff  }
0x28c: {  	v13 =	vld.idx.msk [tilespmem:v14+s20+$0x0], $0xffff;
	[tilespmem:s1+$0x12D80] =	vst v12;
	v12 =	vor.u32 $0x16, v7  }
0x28d: {  	s24 =	simm.s32 $0x150;
	v14 =	vor.u32 $0x8, v3;
	v10 =	vld.idx.msk [tilespmem:v10+s20+$0x0], $0xffff  }
0x28e: {  	v15 =	vld [tilespmem:s24+$0x0];
	[tilespmem:s4+$0x13400] =	vst v5;
	v5 =	vor.u32 $0xD, v1  }
0x28f: {  	s3 =	sor.u32 s12, s3;
	[tilespmem:s19+$0x100] =	vst v6;
	v6 =	vld.idx.msk [tilespmem:v9+s20+$0x0], $0xffff  }
0x290: {  	s3 =	sor.u32 $0x380, s3;
	v9 =	vld.idx.msk [tilespmem:v11+s20+$0x0], $0xffff;
	[tilespmem:s11+$0x13680] =	vst v8;
	v8 =	vor.u32 $0x12, v2  }
0x291: {  	s28 =	simm.s32 $0x50;
	[tilespmem:s3+$0x12400] =	vst v13;
	v11 =	vld.idx.msk [tilespmem:v12+s20+$0x0], $0xffff;
	v12 =	vor.u32 $0x4, v4  }
0x292: {  	v13 =	vld.idx.msk [tilespmem:v14+s20+$0x0], $0xffff;
	[tilespmem:s1+$0x12E00] =	vst v10;
	v10 =	vor.u32 $0x17, v7;
	v14 =	vmov s28  }
0x293: {  	s8 =	simm.s32 $0x160;
	v16 =	vor.u32 $0x9, v3;
	v17 =	vld.idx.msk [tilespmem:v5+s20+$0x0], $0xffff;
	v5 =	vshll.u32 v15, $0x5;
	v14 =	vshll.u32 v14, $0x7  }
0x294: {  	v15 =	vld [tilespmem:s8+$0x0];
	[tilespmem:s4+$0x13480] =	vst v6;
	v5 =	vand.u32 $0x60, v5;
	v6 =	vor.u32 v0, v14;
	v14 =	vor.u32 $0xE, v1  }
0x295: {  	[tilespmem:s19+$0x180] =	vst v9;
	v8 =	vld.idx.msk [tilespmem:v8+s20+$0x0], $0xffff;
	v5 =	vor.u32 v6, v5  }
0x296: {  	v9 =	vor.u32 $0x13, v2;
	v6 =	vld.idx.msk [tilespmem:v12+s20+$0x0], $0xffff;
	[tilespmem:s11+$0x13700] =	vst v11  }
0x297: {  	v11 =	vor.u32 $0x5, v4;
	[tilespmem:s9+$0x12C00] =	vst v13;
	v10 =	vld.idx.msk [tilespmem:v10+s20+$0x0], $0xffff  }
0x298: {  	v13 =	vor.u32 $0x18, v7;
	v12 =	vld.idx.msk [tilespmem:v16+s20+$0x0], $0xffff;
	[tilespmem:s1+$0x12E80] =	vst v17  }
0x299: {  	v16 =	vor.u32 $0xA, v3;
	v14 =	vld.idx.msk [tilespmem:v14+s20+$0x0], $0xffff  }
0x29a: {  	v17 =	vld.idx.msk [tilespmem:v5+s20+$0x0], $0xffff;
	[tilespmem:s4+$0x13500] =	vst v8;
	v8 =	vor.u32 $0xF, v1  }
0x29b: {  	[tilespmem:s19+$0x200] =	vst v6;
	v6 =	vld.idx.msk [tilespmem:v9+s20+$0x0], $0xffff;
	v9 =	vor.u32 $0x1, v5  }
0x29c: {  	s30 =	simm.s32 $0x280;
	v11 =	vld.idx.msk [tilespmem:v11+s20+$0x0], $0xffff;
	[tilespmem:s11+$0x13780] =	vst v10;
	v10 =	vor.u32 $0x14, v2  }
0x29d: {  	s12 =	sand.u32 $0x70, s28;
	s24 =	sand.u32 $0x400, s30;
	[tilespmem:s9+$0x12C80] =	vst v12;
	v12 =	vld.idx.msk [tilespmem:v13+s20+$0x0], $0xffff;
	v13 =	vor.u32 $0x6, v4  }
0x29e: {  	s12 =	sor.u32 s12, s24;
	v16 =	vld.idx.msk [tilespmem:v16+s20+$0x0], $0xffff;
	[tilespmem:s1+$0x12F00] =	vst v14;
	v14 =	vor.u32 $0x19, v7  }
0x29f: {  	[tilespmem:s12+$0x12400] =	vst v17;
	v17 =	vor.u32 $0xB, v3;
	v8 =	vld.idx.msk [tilespmem:v8+s20+$0x0], $0xffff  }
0x2a0: {  	v9 =	vld.idx.msk [tilespmem:v9+s20+$0x0], $0xffff;
	[tilespmem:s4+$0x13580] =	vst v6;
	v6 =	vor.u32 $0x10, v1  }
0x2a1: {  	[tilespmem:s19+$0x280] =	vst v11;
	v10 =	vld.idx.msk [tilespmem:v10+s20+$0x0], $0xffff;
	v11 =	vor.u32 $0x2, v5  }
0x2a2: {  	v13 =	vld.idx.msk [tilespmem:v13+s20+$0x0], $0xffff;
	[tilespmem:s11+$0x13C00] =	vst v12;
	v12 =	vor.u32 $0x15, v2  }
0x2a3: {  	[tilespmem:s9+$0x12D00] =	vst v16;
	v14 =	vld.idx.msk [tilespmem:v14+s20+$0x0], $0xffff;
	v16 =	vor.u32 $0x7, v4  }
0x2a4: {  	s24 =	sadd.s32 $0x12400, s12;
	v17 =	vld.idx.msk [tilespmem:v17+s20+$0x0], $0xffff;
	[tilespmem:s1+$0x12F80] =	vst v8;
	v8 =	vor.u32 $0x1A, v7  }
0x2a5: {  	[tilespmem:s24+$0x80] =	vst v9;
	v9 =	vor.u32 $0xC, v3;
	v6 =	vld.idx.msk [tilespmem:v6+s20+$0x0], $0xffff  }
0x2a6: {  	v11 =	vld.idx.msk [tilespmem:v11+s20+$0x0], $0xffff;
	[tilespmem:s4+$0x13600] =	vst v10;
	v10 =	vor.u32 $0x11, v1  }
0x2a7: {  	[tilespmem:s19+$0x300] =	vst v13;
	v12 =	vld.idx.msk [tilespmem:v12+s20+$0x0], $0xffff;
	v13 =	vor.u32 $0x3, v5  }
0x2a8: {  	v16 =	vld.idx.msk [tilespmem:v16+s20+$0x0], $0xffff;
	[tilespmem:s11+$0x13C80] =	vst v14;
	v14 =	vor.u32 $0x16, v2  }
0x2a9: {  	[tilespmem:s9+$0x12D80] =	vst v17;
	v8 =	vld.idx.msk [tilespmem:v8+s20+$0x0], $0xffff;
	v17 =	vor.u32 $0x8, v4  }
0x2aa: {  	v9 =	vld.idx.msk [tilespmem:v9+s20+$0x0], $0xffff;
	[tilespmem:s1+$0x13400] =	vst v6  }
0x2ab: {  	s2 =	sor.u32 s17, s2;
	v6 =	vor.u32 $0x1B, v7;
	[tilespmem:s24+$0x100] =	vst v11;
	v10 =	vld.idx.msk [tilespmem:v10+s20+$0x0], $0xffff  }
0x2ac: {  	s2 =	sor.u32 $0x380, s2;
	v11 =	vor.u32 $0xD, v3;
	v13 =	vld.idx.msk [tilespmem:v13+s20+$0x0], $0xffff;
	[tilespmem:s4+$0x13680] =	vst v12  }
0x2ad: {  	v12 =	vor.u32 $0x12, v1;
	[tilespmem:s2+$0x12400] =	vst v16;
	v14 =	vld.idx.msk [tilespmem:v14+s20+$0x0], $0xffff  }
0x2ae: {  	v16 =	vor.u32 $0x4, v5;
	s2 =	simm.s32 $0x170;
	v17 =	vld.idx.msk [tilespmem:v17+s20+$0x0], $0xffff;
	[tilespmem:s11+$0x13D00] =	vst v8  }
0x2af: {  	s3 =	simm.s32 $0x60;
	v8 =	vld [tilespmem:s2+$0x0];
	[tilespmem:s9+$0x12E00] =	vst v9;
	v9 =	vor.u32 $0x17, v2  }
0x2b0: {  	v19 =	vor.u32 $0x9, v4;
	v18 =	vld.idx.msk [tilespmem:v6+s20+$0x0], $0xffff;
	v6 =	vmov s3  }
0x2b1: {  	v15 =	vshll.u32 v15, $0x5;
	v11 =	vld.idx.msk [tilespmem:v11+s20+$0x0], $0xffff;
	v6 =	vshll.u32 v6, $0x7;
	[tilespmem:s1+$0x13480] =	vst v10;
	v10 =	vor.u32 $0x1C, v7  }
0x2b2: {  	v15 =	vand.u32 $0x60, v15;
	v6 =	vor.u32 v0, v6;
	[tilespmem:s24+$0x180] =	vst v13;
	v13 =	vor.u32 $0xE, v3;
	v12 =	vld.idx.msk [tilespmem:v12+s20+$0x0], $0xffff  }
0x2b3: {  	v6 =	vor.u32 v6, v15;
	v15 =	vld.idx.msk [tilespmem:v16+s20+$0x0], $0xffff;
	[tilespmem:s4+$0x13700] =	vst v14  }
0x2b4: {  	v14 =	vor.u32 $0x13, v1;
	[tilespmem:s10+$0x12C00] =	vst v17;
	v9 =	vld.idx.msk [tilespmem:v9+s20+$0x0], $0xffff  }
0x2b5: {  	v16 =	vor.u32 $0x5, v5;
	v17 =	vld.idx.msk [tilespmem:v19+s20+$0x0], $0xffff;
	[tilespmem:s11+$0x13D80] =	vst v18  }
0x2b6: {  	[tilespmem:s9+$0x12E80] =	vst v11;
	v11 =	vor.u32 $0x18, v2;
	v10 =	vld.idx.msk [tilespmem:v10+s20+$0x0], $0xffff  }
0x2b7: {  	v18 =	vor.u32 $0xA, v4;
	v13 =	vld.idx.msk [tilespmem:v13+s20+$0x0], $0xffff  }
0x2b8: {  	[tilespmem:s1+$0x13500] =	vst v12;
	v12 =	vor.u32 $0x1D, v7;
	v19 =	vld.idx.msk [tilespmem:v6+s20+$0x0], $0xffff  }
0x2b9: {  	[tilespmem:s24+$0x200] =	vst v15;
	v15 =	vor.u32 $0xF, v3;
	v14 =	vld.idx.msk [tilespmem:v14+s20+$0x0], $0xffff  }
0x2ba: {  	v20 =	vor.u32 $0x1, v6;
	v16 =	vld.idx.msk [tilespmem:v16+s20+$0x0], $0xffff;
	[tilespmem:s4+$0x13780] =	vst v9  }
0x2bb: {  	s17 =	simm.s32 $0x300;
	[tilespmem:s10+$0x12C80] =	vst v17;
	v9 =	vor.u32 $0x14, v1;
	v11 =	vld.idx.msk [tilespmem:v11+s20+$0x0], $0xffff  }
0x2bc: {  	s8 =	sand.u32 $0x70, s3;
	s19 =	sand.u32 $0x400, s17;
	v17 =	vor.u32 $0x6, v5;
	v18 =	vld.idx.msk [tilespmem:v18+s20+$0x0], $0xffff;
	[tilespmem:s11+$0x13E00] =	vst v10  }
0x2bd: {  	s29 =	sor.u32 s8, s19;
	v10 =	vor.u32 $0x19, v2;
	[tilespmem:s9+$0x12F00] =	vst v13;
	v12 =	vld.idx.msk [tilespmem:v12+s20+$0x0], $0xffff  }
0x2be: {  	v13 =	vor.u32 $0xB, v4;
	[tilespmem:s29+$0x12400] =	vst v19;
	v15 =	vld.idx.msk [tilespmem:v15+s20+$0x0], $0xffff  }
0x2bf: {  	[tilespmem:s1+$0x13580] =	vst v14;
	v14 =	vor.u32 $0x1E, v7;
	v19 =	vld.idx.msk [tilespmem:v20+s20+$0x0], $0xffff  }
0x2c0: {  	[tilespmem:s24+$0x280] =	vst v16;
	v16 =	vor.u32 $0x10, v3;
	v9 =	vld.idx.msk [tilespmem:v9+s20+$0x0], $0xffff  }
0x2c1: {  	v20 =	vor.u32 $0x2, v6;
	v17 =	vld.idx.msk [tilespmem:v17+s20+$0x0], $0xffff;
	[tilespmem:s4+$0x13C00] =	vst v11  }
0x2c2: {  	[tilespmem:s10+$0x12D00] =	vst v18;
	v11 =	vor.u32 $0x15, v1;
	v10 =	vld.idx.msk [tilespmem:v10+s20+$0x0], $0xffff  }
0x2c3: {  	v18 =	vor.u32 $0x7, v5;
	v13 =	vld.idx.msk [tilespmem:v13+s20+$0x0], $0xffff;
	[tilespmem:s11+$0x13E80] =	vst v12  }
0x2c4: {  	s19 =	sadd.s32 $0x12400, s29;
	v12 =	vor.u32 $0x1A, v2;
	[tilespmem:s9+$0x12F80] =	vst v15;
	v15 =	vld.idx.msk [tilespmem:v14+s20+$0x0], $0xffff  }
0x2c5: {  	v14 =	vor.u32 $0xC, v4;
	[tilespmem:s19+$0x80] =	vst v19;
	v19 =	vld.idx.msk [tilespmem:v16+s20+$0x0], $0xffff  }
0x2c6: {  	v7 =	vor.u32 $0x1F, v7;
	v20 =	vld.idx.msk [tilespmem:v20+s20+$0x0], $0xffff;
	[tilespmem:s1+$0x13600] =	vst v9  }
0x2c7: {  	[tilespmem:s24+$0x300] =	vst v17;
	v9 =	vor.u32 $0x11, v3;
	v21 =	vld.idx.msk [tilespmem:v11+s20+$0x0], $0xffff  }
0x2c8: {  	v22 =	vor.u32 $0x3, v6;
	v16 =	vld.idx.msk [tilespmem:v18+s20+$0x0], $0xffff;
	[tilespmem:s4+$0x13C80] =	vst v10  }
0x2c9: {  	[tilespmem:s10+$0x12D80] =	vst v13;
	v13 =	vor.u32 $0x16, v1;
	v12 =	vld.idx.msk [tilespmem:v12+s20+$0x0], $0xffff  }
0x2ca: {  	v17 =	vor.u32 $0x8, v5;
	v14 =	vld.idx.msk [tilespmem:v14+s20+$0x0], $0xffff;
	[tilespmem:s11+$0x13F00] =	vst v15  }
0x2cb: {  	v10 =	vor.u32 $0x1B, v2;
	[tilespmem:s9+$0x13400] =	vst v19;
	v11 =	vld.idx.msk [tilespmem:v7+s20+$0x0], $0xffff  }
0x2cc: {  	s8 =	sor.u32 s30, s28;
	s30 =	simm.s32 $0x80;
	v15 =	vor.u32 $0xD, v4;
	[tilespmem:s19+$0x100] =	vst v20;
	v9 =	vld.idx.msk [tilespmem:v9+s20+$0x0], $0xffff  }
0x2cd: {  	s28 =	simm.s32 $0x300;
	s8 =	sor.u32 $0x380, s8;
	s24 =	simm.s32 $0x70;
	v18 =	vld.idx.msk [tilespmem:v22+s20+$0x0], $0xffff;
	[tilespmem:s1+$0x13680] =	vst v21  }
.LBB2_5:
0x2ce: {  	p0 =	sne.s32 s30, $0xF0;
	[tilespmem:s8+$0x12400] =	vst v16;
	v7 =	vor.u32 $0x12, v3;
	v13 =	vld.idx.msk [tilespmem:v13+s20+$0x0], $0xffff  }
0x2cf: {  	v16 =	vor.u32 $0x4, v6;
	v17 =	vld.idx.msk [tilespmem:v17+s20+$0x0], $0xffff;
	[tilespmem:s4+$0x13D00] =	vst v12  }
0x2d0: {  	v12 =	vor.u32 $0x17, v1;
	[tilespmem:s10+$0x12E00] =	vst v14;
	v10 =	vld.idx.msk [tilespmem:v10+s20+$0x0], $0xffff  }
0x2d1: {  	s2 =	sadd.s32 $0x10, s2;
	v19 =	vor.u32 $0x9, v5;
	v14 =	vmov s24;
	v15 =	vld.idx.msk [tilespmem:v15+s20+$0x0], $0xffff;
	[tilespmem:s11+$0x13F80] =	vst v11;
	s11 =	smov.u32 s4;
	s4 =	smov.u32 s1  }
0x2d2: {  	v11 =	vshll.u32 v8, $0x5;
	v14 =	vshll.u32 v14, $0x7;
	s1 =	smov.u32 s9;
	v8 =	vld [tilespmem:s2+$0x0];
	[tilespmem:s9+$0x13480] =	vst v9;
	v9 =	vor.u32 $0x1C, v2;
	s9 =	smov.u32 s10;
	s10 =	smov.u32 s12  }
0x2d3: {  	v11 =	vand.u32 $0x60, v11;
	v14 =	vor.u32 v0, v14;
	s12 =	smov.u32 s29;
	[tilespmem:s19+$0x180] =	vst v18;
	v18 =	vor.u32 $0xE, v4;
	v7 =	vld.idx.msk [tilespmem:v7+s20+$0x0], $0xffff  }
0x2d4: {  	v11 =	vor.u32 v14, v11;
	v14 =	vld.idx.msk [tilespmem:v16+s20+$0x0], $0xffff;
	[tilespmem:s4+$0x13700] =	vst v13  }
0x2d5: {  	v13 =	vor.u32 $0x13, v3;
	[tilespmem:s10+$0x12C00] =	vst v17;
	v12 =	vld.idx.msk [tilespmem:v12+s20+$0x0], $0xffff  }
0x2d6: {  	v16 =	vor.u32 $0x5, v6;
	v17 =	vld.idx.msk [tilespmem:v19+s20+$0x0], $0xffff;
	[tilespmem:s11+$0x13D80] =	vst v10  }
0x2d7: {  	v10 =	vor.u32 $0x18, v1;
	[tilespmem:s9+$0x12E80] =	vst v15;
	v9 =	vld.idx.msk [tilespmem:v9+s20+$0x0], $0xffff  }
0x2d8: {  	v15 =	vor.u32 $0xA, v5;
	v18 =	vld.idx.msk [tilespmem:v18+s20+$0x0], $0xffff  }
0x2d9: {  	v19 =	vld.idx.msk [tilespmem:v11+s20+$0x0], $0xffff;
	[tilespmem:s1+$0x13500] =	vst v7;
	v7 =	vor.u32 $0x1D, v2  }
0x2da: {  	[tilespmem:s19+$0x200] =	vst v14;
	v14 =	vor.u32 $0xF, v4;
	v13 =	vld.idx.msk [tilespmem:v13+s20+$0x0], $0xffff  }
0x2db: {  	v20 =	vor.u32 $0x1, v11;
	v16 =	vld.idx.msk [tilespmem:v16+s20+$0x0], $0xffff;
	[tilespmem:s4+$0x13780] =	vst v12  }
0x2dc: {  	s17 =	sadd.s32 $0x80, s17;
	v12 =	vor.u32 $0x14, v3;
	[tilespmem:s10+$0x12C80] =	vst v17;
	v10 =	vld.idx.msk [tilespmem:v10+s20+$0x0], $0xffff  }
0x2dd: {  	s8 =	sand.u32 $0x70, s24;
	s29 =	sand.u32 $0x400, s17;
	v17 =	vor.u32 $0x6, v6;
	v15 =	vld.idx.msk [tilespmem:v15+s20+$0x0], $0xffff;
	[tilespmem:s11+$0x13E00] =	vst v9  }
0x2de: {  	s29 =	sor.u32 s8, s29;
	v9 =	vor.u32 $0x19, v1;
	[tilespmem:s9+$0x12F00] =	vst v18;
	v7 =	vld.idx.msk [tilespmem:v7+s20+$0x0], $0xffff  }
0x2df: {  	v18 =	vor.u32 $0xB, v5;
	[tilespmem:s29+$0x12400] =	vst v19;
	v14 =	vld.idx.msk [tilespmem:v14+s20+$0x0], $0xffff  }
0x2e0: {  	v19 =	vld.idx.msk [tilespmem:v20+s20+$0x0], $0xffff;
	[tilespmem:s1+$0x13580] =	vst v13;
	v13 =	vor.u32 $0x1E, v2  }
0x2e1: {  	[tilespmem:s19+$0x280] =	vst v16;
	v16 =	vor.u32 $0x10, v4;
	v12 =	vld.idx.msk [tilespmem:v12+s20+$0x0], $0xffff  }
0x2e2: {  	v20 =	vor.u32 $0x2, v11;
	v17 =	vld.idx.msk [tilespmem:v17+s20+$0x0], $0xffff;
	[tilespmem:s4+$0x13C00] =	vst v10  }
0x2e3: {  	v10 =	vor.u32 $0x15, v3;
	[tilespmem:s10+$0x12D00] =	vst v15;
	v9 =	vld.idx.msk [tilespmem:v9+s20+$0x0], $0xffff  }
0x2e4: {  	v15 =	vor.u32 $0x7, v6;
	v18 =	vld.idx.msk [tilespmem:v18+s20+$0x0], $0xffff;
	[tilespmem:s11+$0x13E80] =	vst v7  }
0x2e5: {  	s8 =	sadd.s32 $0x12400, s29;
	v7 =	vor.u32 $0x1A, v1;
	[tilespmem:s9+$0x12F80] =	vst v14;
	v21 =	vld.idx.msk [tilespmem:v13+s20+$0x0], $0xffff  }
0x2e6: {  	v14 =	vor.u32 $0xC, v5;
	[tilespmem:s8+$0x80] =	vst v19;
	v19 =	vld.idx.msk [tilespmem:v16+s20+$0x0], $0xffff  }
0x2e7: {  	v22 =	vor.u32 $0x1F, v2;
	v2 =	vmovc v1;
	v1 =	vmovc v3;
	v3 =	vmov v4;
	v4 =	vmov v5;
	v20 =	vld.idx.msk [tilespmem:v20+s20+$0x0], $0xffff;
	[tilespmem:s1+$0x13600] =	vst v12  }
0x2e8: {  	v23 =	vor.u32 $0x11, v3;
	v5 =	vmov v6;
	v6 =	vmov v11;
	[tilespmem:s19+$0x300] =	vst v17;
	v24 =	vld.idx.msk [tilespmem:v10+s20+$0x0], $0xffff;
	s19 =	smov.u32 s8  }
0x2e9: {  	v25 =	vor.u32 $0x3, v6;
	v16 =	vld.idx.msk [tilespmem:v15+s20+$0x0], $0xffff;
	[tilespmem:s4+$0x13C80] =	vst v9  }
.Ltmp1:
0x2ea: {  	v13 =	vor.u32 $0x16, v1;
	[tilespmem:s10+$0x12D80] =	vst v18;
	v12 =	vld.idx.msk [tilespmem:v7+s20+$0x0], $0xffff;
	(pc) =	sbr.rel @p0 .LBB2_5-.Ltmp1, $4  }
0x2eb: {  	v17 =	vor.u32 $0x8, v5;
	v14 =	vld.idx.msk [tilespmem:v14+s20+$0x0], $0xffff;
	[tilespmem:s11+$0x13F00] =	vst v21  }
0x2ec: {  	v10 =	vor.u32 $0x1B, v2;
	[tilespmem:s9+$0x13400] =	vst v19;
	v11 =	vld.idx.msk [tilespmem:v22+s20+$0x0], $0xffff  }
0x2ed: {  	s8 =	sor.u32 s28, s3;
	s28 =	smov.u32 s17;
	s3 =	smov.u32 s24;
	v15 =	vor.u32 $0xD, v4;
	[tilespmem:s19+$0x100] =	vst v20;
	v9 =	vld.idx.msk [tilespmem:v23+s20+$0x0], $0xffff  }
0x2ee: {  	s24 =	smov.u32 s30;
	s30 =	sadd.s32 $0x10, s30;
	s8 =	sor.u32 $0x380, s8;
	v18 =	vld.idx.msk [tilespmem:v25+s20+$0x0], $0xffff;
	[tilespmem:s1+$0x13680] =	vst v24  }
0x2ef: {  	v7 =	vmov s24  }
0x2f0: {  	v8 =	vshll.u32 v8, $0x5;
	v7 =	vshll.u32 v7, $0x7  }
0x2f1: {  	v8 =	vand.u32 $0x60, v8;
	v7 =	vor.u32 v0, v7  }
0x2f2: {  	v7 =	vor.u32 v7, v8;
	_ =	sdelay $0x4  }
0x2f3: {  	v8 =	vld.idx.msk [tilespmem:v7+s20+$0x0], $0xffff  }
0x2f4: {  	v19 =	vor.u32 $0x1, v7  }
0x2f5: {  	s2 =	sadd.s32 $0x80, s17  }
0x2f6: {  	s17 =	sand.u32 $0x70, s24;
	s30 =	sand.u32 $0x400, s2  }
0x2f7: {  	s30 =	sor.u32 s17, s30  }
0x2f8: {  	[tilespmem:s30+$0x12400] =	vst v8  }
0x2f9: {  	v8 =	vld.idx.msk [tilespmem:v19+s20+$0x0], $0xffff  }
0x2fa: {  	v50 =	vor.u32 $0x2, v7;
	_ =	sdelay $0x2  }
0x2fb: {  	s17 =	sadd.s32 $0x12400, s30  }
0x2fc: {  	[tilespmem:s17+$0x80] =	vst v8  }
0x2fd: {  	v8 =	vld.idx.msk [tilespmem:v50+s20+$0x0], $0xffff  }
0x2fe: {  	v51 =	vor.u32 $0x3, v7;
	_ =	sdelay $0x3  }
0x2ff: {  	[tilespmem:s17+$0x100] =	vst v8  }
0x300: {  	v52 =	vor.u32 $0x4, v6;
	v19 =	vld.idx.msk [tilespmem:v51+s20+$0x0], $0xffff  }
0x301: {  	v20 =	vor.u32 $0x4, v7;
	_ =	sdelay $0x2  }
0x302: {  	[tilespmem:s19+$0x180] =	vst v18  }
0x303: {  	v8 =	vld.idx.msk [tilespmem:v52+s20+$0x0], $0xffff;
	[tilespmem:s17+$0x180] =	vst v19  }
0x304: {  	v53 =	vor.u32 $0x5, v6;
	v19 =	vld.idx.msk [tilespmem:v20+s20+$0x0], $0xffff  }
0x305: {  	v54 =	vor.u32 $0x5, v7;
	_ =	sdelay $0x2  }
0x306: {  	[tilespmem:s19+$0x200] =	vst v8  }
0x307: {  	v8 =	vld.idx.msk [tilespmem:v53+s20+$0x0], $0xffff;
	[tilespmem:s17+$0x200] =	vst v19  }
0x308: {  	v55 =	vor.u32 $0x6, v6;
	v19 =	vld.idx.msk [tilespmem:v54+s20+$0x0], $0xffff  }
0x309: {  	v56 =	vor.u32 $0x6, v7;
	_ =	sdelay $0x2  }
0x30a: {  	[tilespmem:s19+$0x280] =	vst v8  }
0x30b: {  	v8 =	vld.idx.msk [tilespmem:v55+s20+$0x0], $0xffff;
	[tilespmem:s17+$0x280] =	vst v19  }
0x30c: {  	v57 =	vor.u32 $0x7, v6;
	v19 =	vld.idx.msk [tilespmem:v56+s20+$0x0], $0xffff  }
0x30d: {  	v58 =	vor.u32 $0x7, v7;
	_ =	sdelay $0x2  }
0x30e: {  	[tilespmem:s19+$0x300] =	vst v8  }
0x30f: {  	v8 =	vld.idx.msk [tilespmem:v57+s20+$0x0], $0xffff;
	[tilespmem:s17+$0x300] =	vst v19  }
0x310: {  	v59 =	vor.u32 $0x8, v6;
	v19 =	vld.idx.msk [tilespmem:v58+s20+$0x0], $0xffff  }
0x311: {  	v60 =	vor.u32 $0x8, v7  }
0x312: {  	s3 =	sor.u32 s28, s3  }
0x313: {  	[tilespmem:s8+$0x12400] =	vst v16;
	s3 =	sor.u32 $0x380, s3;
	s2 =	sor.u32 s2, s24  }
0x314: {  	v16 =	vld.idx.msk [tilespmem:v17+s20+$0x0], $0xffff;
	s2 =	sor.u32 $0x380, s2;
	[tilespmem:s3+$0x12400] =	vst v8  }
0x315: {  	v61 =	vor.u32 $0x9, v5;
	v62 =	vld.idx.msk [tilespmem:v59+s20+$0x0], $0xffff;
	[tilespmem:s2+$0x12400] =	vst v19  }
0x316: {  	v63 =	vor.u32 $0x9, v6;
	v19 =	vld.idx.msk [tilespmem:v60+s20+$0x0], $0xffff  }
0x317: {  	v24 =	vor.u32 $0x9, v7;
	_ =	sdelay $0x1  }
0x318: {  	[tilespmem:s12+$0x12C00] =	vst v16  }
0x319: {  	v8 =	vld.idx.msk [tilespmem:v61+s20+$0x0], $0xffff;
	[tilespmem:s29+$0x12C00] =	vst v62  }
0x31a: {  	v25 =	vor.u32 $0xA, v5;
	v17 =	vld.idx.msk [tilespmem:v63+s20+$0x0], $0xffff;
	[tilespmem:s30+$0x12C00] =	vst v19  }
0x31b: {  	v26 =	vor.u32 $0xA, v6;
	v19 =	vld.idx.msk [tilespmem:v24+s20+$0x0], $0xffff  }
0x31c: {  	v27 =	vor.u32 $0xA, v7;
	_ =	sdelay $0x1  }
0x31d: {  	[tilespmem:s12+$0x12C80] =	vst v8  }
0x31e: {  	v8 =	vld.idx.msk [tilespmem:v25+s20+$0x0], $0xffff;
	[tilespmem:s29+$0x12C80] =	vst v17  }
0x31f: {  	v28 =	vor.u32 $0xB, v5;
	v17 =	vld.idx.msk [tilespmem:v26+s20+$0x0], $0xffff;
	[tilespmem:s30+$0x12C80] =	vst v19  }
0x320: {  	v29 =	vor.u32 $0xB, v6;
	v19 =	vld.idx.msk [tilespmem:v27+s20+$0x0], $0xffff  }
0x321: {  	v30 =	vor.u32 $0xB, v7;
	_ =	sdelay $0x1  }
0x322: {  	[tilespmem:s12+$0x12D00] =	vst v8  }
0x323: {  	v8 =	vld.idx.msk [tilespmem:v28+s20+$0x0], $0xffff;
	[tilespmem:s29+$0x12D00] =	vst v17  }
0x324: {  	v31 =	vor.u32 $0xC, v5;
	v17 =	vld.idx.msk [tilespmem:v29+s20+$0x0], $0xffff;
	[tilespmem:s30+$0x12D00] =	vst v19  }
0x325: {  	v32 =	vor.u32 $0xC, v6;
	v19 =	vld.idx.msk [tilespmem:v30+s20+$0x0], $0xffff  }
0x326: {  	v33 =	vor.u32 $0xC, v7;
	_ =	sdelay $0x1  }
0x327: {  	[tilespmem:s12+$0x12D80] =	vst v8  }
0x328: {  	v8 =	vld.idx.msk [tilespmem:v31+s20+$0x0], $0xffff;
	[tilespmem:s29+$0x12D80] =	vst v17  }
0x329: {  	v34 =	vor.u32 $0xD, v5;
	v17 =	vld.idx.msk [tilespmem:v32+s20+$0x0], $0xffff;
	[tilespmem:s30+$0x12D80] =	vst v19  }
0x32a: {  	v35 =	vor.u32 $0xD, v6;
	v19 =	vld.idx.msk [tilespmem:v33+s20+$0x0], $0xffff  }
0x32b: {  	v36 =	vor.u32 $0xD, v7  }
0x32c: {  	[tilespmem:s10+$0x12E00] =	vst v14  }
0x32d: {  	v14 =	vld.idx.msk [tilespmem:v15+s20+$0x0], $0xffff;
	[tilespmem:s12+$0x12E00] =	vst v8  }
0x32e: {  	v37 =	vor.u32 $0xE, v4;
	v38 =	vld.idx.msk [tilespmem:v34+s20+$0x0], $0xffff;
	[tilespmem:s29+$0x12E00] =	vst v17  }
0x32f: {  	v39 =	vor.u32 $0xE, v5;
	v17 =	vld.idx.msk [tilespmem:v35+s20+$0x0], $0xffff;
	[tilespmem:s30+$0x12E00] =	vst v19  }
0x330: {  	v40 =	vor.u32 $0xE, v6;
	v19 =	vld.idx.msk [tilespmem:v36+s20+$0x0], $0xffff  }
0x331: {  	v41 =	vor.u32 $0xE, v7  }
0x332: {  	[tilespmem:s10+$0x12E80] =	vst v14  }
0x333: {  	v8 =	vld.idx.msk [tilespmem:v37+s20+$0x0], $0xffff;
	[tilespmem:s12+$0x12E80] =	vst v38  }
0x334: {  	v42 =	vor.u32 $0xF, v4;
	v15 =	vld.idx.msk [tilespmem:v39+s20+$0x0], $0xffff;
	[tilespmem:s29+$0x12E80] =	vst v17  }
0x335: {  	v43 =	vor.u32 $0xF, v5;
	v17 =	vld.idx.msk [tilespmem:v40+s20+$0x0], $0xffff;
	[tilespmem:s30+$0x12E80] =	vst v19  }
0x336: {  	v44 =	vor.u32 $0xF, v6;
	v19 =	vld.idx.msk [tilespmem:v41+s20+$0x0], $0xffff  }
0x337: {  	v45 =	vor.u32 $0xF, v7  }
0x338: {  	[tilespmem:s10+$0x12F00] =	vst v8  }
0x339: {  	v8 =	vld.idx.msk [tilespmem:v42+s20+$0x0], $0xffff;
	[tilespmem:s12+$0x12F00] =	vst v15  }
0x33a: {  	v46 =	vor.u32 $0x10, v4;
	v15 =	vld.idx.msk [tilespmem:v43+s20+$0x0], $0xffff;
	[tilespmem:s29+$0x12F00] =	vst v17  }
0x33b: {  	v47 =	vor.u32 $0x10, v5;
	v17 =	vld.idx.msk [tilespmem:v44+s20+$0x0], $0xffff;
	[tilespmem:s30+$0x12F00] =	vst v19  }
0x33c: {  	v48 =	vor.u32 $0x10, v6;
	v19 =	vld.idx.msk [tilespmem:v45+s20+$0x0], $0xffff  }
0x33d: {  	v49 =	vor.u32 $0x10, v7  }
0x33e: {  	[tilespmem:s10+$0x12F80] =	vst v8  }
0x33f: {  	v8 =	vld.idx.msk [tilespmem:v46+s20+$0x0], $0xffff;
	[tilespmem:s12+$0x12F80] =	vst v15  }
0x340: {  	v50 =	vor.u32 $0x11, v4;
	v15 =	vld.idx.msk [tilespmem:v47+s20+$0x0], $0xffff;
	[tilespmem:s29+$0x12F80] =	vst v17  }
0x341: {  	v51 =	vor.u32 $0x11, v5;
	v17 =	vld.idx.msk [tilespmem:v48+s20+$0x0], $0xffff;
	[tilespmem:s30+$0x12F80] =	vst v19  }
0x342: {  	[tilespmem:s4+$0x13D00] =	vst v12;
	v52 =	vor.u32 $0x11, v6;
	v53 =	vld.idx.msk [tilespmem:v49+s20+$0x0], $0xffff  }
0x343: {  	[tilespmem:s11+$0x13F80] =	vst v11;
	v54 =	vor.u32 $0x11, v7  }
0x344: {  	v13 =	vld.idx.msk [tilespmem:v13+s20+$0x0], $0xffff;
	[tilespmem:s10+$0x13400] =	vst v8  }
0x345: {  	v55 =	vor.u32 $0x12, v3;
	v14 =	vld.idx.msk [tilespmem:v50+s20+$0x0], $0xffff;
	[tilespmem:s12+$0x13400] =	vst v15  }
0x346: {  	v56 =	vor.u32 $0x12, v4;
	v16 =	vld.idx.msk [tilespmem:v51+s20+$0x0], $0xffff;
	[tilespmem:s29+$0x13400] =	vst v17  }
0x347: {  	v57 =	vor.u32 $0x12, v5;
	v12 =	vld.idx.msk [tilespmem:v52+s20+$0x0], $0xffff;
	[tilespmem:s30+$0x13400] =	vst v53  }
0x348: {  	[tilespmem:s9+$0x13480] =	vst v9;
	v58 =	vor.u32 $0x12, v6;
	v11 =	vld.idx.msk [tilespmem:v54+s20+$0x0], $0xffff  }
0x349: {  	v10 =	vld.idx.msk [tilespmem:v10+s20+$0x0], $0xffff;
	[tilespmem:s1+$0x13700] =	vst v13;
	v59 =	vor.u32 $0x12, v7  }
0x34a: {  	v60 =	vor.u32 $0x17, v1;
	v8 =	vld.idx.msk [tilespmem:v55+s20+$0x0], $0xffff;
	[tilespmem:s10+$0x13480] =	vst v14  }
0x34b: {  	v61 =	vor.u32 $0x13, v3;
	v15 =	vld.idx.msk [tilespmem:v56+s20+$0x0], $0xffff;
	[tilespmem:s12+$0x13480] =	vst v16  }
0x34c: {  	v62 =	vor.u32 $0x13, v4;
	v17 =	vld.idx.msk [tilespmem:v57+s20+$0x0], $0xffff;
	[tilespmem:s29+$0x13480] =	vst v12  }
0x34d: {  	v63 =	vor.u32 $0x13, v5;
	v9 =	vld.idx.msk [tilespmem:v58+s20+$0x0], $0xffff;
	[tilespmem:s30+$0x13480] =	vst v11  }
0x34e: {  	v21 =	vor.u32 $0x13, v6;
	[tilespmem:s4+$0x13D80] =	vst v10;
	v11 =	vld.idx.msk [tilespmem:v59+s20+$0x0], $0xffff  }
0x34f: {  	v23 =	vor.u32 $0x13, v7;
	v22 =	vld.idx.msk [tilespmem:v60+s20+$0x0], $0xffff;
	[tilespmem:s9+$0x13500] =	vst v8  }
0x350: {  	v24 =	vor.u32 $0x1C, v2;
	v14 =	vld.idx.msk [tilespmem:v61+s20+$0x0], $0xffff;
	[tilespmem:s10+$0x13500] =	vst v15  }
0x351: {  	v25 =	vor.u32 $0x14, v3;
	v16 =	vld.idx.msk [tilespmem:v62+s20+$0x0], $0xffff;
	[tilespmem:s12+$0x13500] =	vst v17  }
0x352: {  	v26 =	vor.u32 $0x14, v4;
	v12 =	vld.idx.msk [tilespmem:v63+s20+$0x0], $0xffff;
	[tilespmem:s29+$0x13500] =	vst v9  }
0x353: {  	v27 =	vor.u32 $0x14, v5;
	v10 =	vld.idx.msk [tilespmem:v21+s20+$0x0], $0xffff;
	[tilespmem:s30+$0x13500] =	vst v11  }
0x354: {  	v28 =	vor.u32 $0x14, v6;
	[tilespmem:s1+$0x13780] =	vst v22;
	v8 =	vld.idx.msk [tilespmem:v23+s20+$0x0], $0xffff  }
0x355: {  	v29 =	vld.idx.msk [tilespmem:v24+s20+$0x0], $0xffff;
	v30 =	vor.u32 $0x14, v7;
	[tilespmem:s9+$0x13580] =	vst v14  }
0x356: {  	v31 =	vor.u32 $0x18, v1;
	v15 =	vld.idx.msk [tilespmem:v25+s20+$0x0], $0xffff;
	[tilespmem:s10+$0x13580] =	vst v16  }
0x357: {  	v32 =	vor.u32 $0x15, v3;
	v17 =	vld.idx.msk [tilespmem:v26+s20+$0x0], $0xffff;
	[tilespmem:s12+$0x13580] =	vst v12  }
0x358: {  	v33 =	vor.u32 $0x15, v4;
	v9 =	vld.idx.msk [tilespmem:v27+s20+$0x0], $0xffff;
	[tilespmem:s29+$0x13580] =	vst v10  }
0x359: {  	v34 =	vor.u32 $0x15, v5;
	v11 =	vld.idx.msk [tilespmem:v28+s20+$0x0], $0xffff;
	[tilespmem:s30+$0x13580] =	vst v8  }
0x35a: {  	[tilespmem:s4+$0x13E00] =	vst v29;
	v35 =	vor.u32 $0x15, v6;
	v36 =	vld.idx.msk [tilespmem:v30+s20+$0x0], $0xffff  }
0x35b: {  	v37 =	vld.idx.msk [tilespmem:v31+s20+$0x0], $0xffff;
	v38 =	vor.u32 $0x15, v7;
	[tilespmem:s9+$0x13600] =	vst v15  }
0x35c: {  	v39 =	vor.u32 $0x1D, v2;
	v16 =	vld.idx.msk [tilespmem:v32+s20+$0x0], $0xffff;
	[tilespmem:s10+$0x13600] =	vst v17  }
0x35d: {  	v40 =	vor.u32 $0x16, v3;
	v12 =	vld.idx.msk [tilespmem:v33+s20+$0x0], $0xffff;
	[tilespmem:s12+$0x13600] =	vst v9  }
0x35e: {  	v41 =	vor.u32 $0x16, v4;
	v10 =	vld.idx.msk [tilespmem:v34+s20+$0x0], $0xffff;
	[tilespmem:s29+$0x13600] =	vst v11  }
0x35f: {  	v42 =	vor.u32 $0x16, v5;
	v8 =	vld.idx.msk [tilespmem:v35+s20+$0x0], $0xffff;
	[tilespmem:s30+$0x13600] =	vst v36  }
0x360: {  	[tilespmem:s1+$0x13C00] =	vst v37;
	v43 =	vor.u32 $0x16, v6;
	v44 =	vld.idx.msk [tilespmem:v38+s20+$0x0], $0xffff  }
0x361: {  	v46 =	vor.u32 $0x16, v7;
	v45 =	vld.idx.msk [tilespmem:v39+s20+$0x0], $0xffff;
	[tilespmem:s9+$0x13680] =	vst v16  }
0x362: {  	v55 =	vor.u32 $0x1E, v2;
	v17 =	vld.idx.msk [tilespmem:v40+s20+$0x0], $0xffff;
	[tilespmem:s10+$0x13680] =	vst v12  }
0x363: {  	v48 =	vor.u32 $0x17, v3;
	v9 =	vld.idx.msk [tilespmem:v41+s20+$0x0], $0xffff;
	[tilespmem:s12+$0x13680] =	vst v10  }
0x364: {  	v49 =	vor.u32 $0x17, v4;
	v11 =	vld.idx.msk [tilespmem:v42+s20+$0x0], $0xffff;
	[tilespmem:s29+$0x13680] =	vst v8  }
0x365: {  	v50 =	vor.u32 $0x17, v5;
	v13 =	vld.idx.msk [tilespmem:v43+s20+$0x0], $0xffff;
	[tilespmem:s30+$0x13680] =	vst v44  }
0x366: {  	v51 =	vor.u32 $0x17, v6;
	[tilespmem:s4+$0x13E80] =	vst v45;
	v52 =	vld.idx.msk [tilespmem:v46+s20+$0x0], $0xffff  }
0x367: {  	v61 =	vld.idx.msk [tilespmem:v55+s20+$0x0], $0xffff;
	v54 =	vor.u32 $0x17, v7;
	[tilespmem:s9+$0x13700] =	vst v17  }
0x368: {  	v47 =	vor.u32 $0x19, v1;
	v12 =	vld.idx.msk [tilespmem:v48+s20+$0x0], $0xffff;
	[tilespmem:s10+$0x13700] =	vst v9  }
0x369: {  	v56 =	vor.u32 $0x18, v3;
	v10 =	vld.idx.msk [tilespmem:v49+s20+$0x0], $0xffff;
	[tilespmem:s12+$0x13700] =	vst v11  }
0x36a: {  	v57 =	vor.u32 $0x18, v4;
	v8 =	vld.idx.msk [tilespmem:v50+s20+$0x0], $0xffff;
	[tilespmem:s29+$0x13700] =	vst v13  }
0x36b: {  	v58 =	vor.u32 $0x18, v5;
	v14 =	vld.idx.msk [tilespmem:v51+s20+$0x0], $0xffff;
	[tilespmem:s30+$0x13700] =	vst v52  }
0x36c: {  	[tilespmem:s4+$0x13F00] =	vst v61;
	v59 =	vor.u32 $0x18, v6;
	v60 =	vld.idx.msk [tilespmem:v54+s20+$0x0], $0xffff  }
0x36d: {  	v62 =	vor.u32 $0x18, v7;
	v53 =	vld.idx.msk [tilespmem:v47+s20+$0x0], $0xffff;
	[tilespmem:s9+$0x13780] =	vst v12  }
0x36e: {  	v2 =	vor.u32 $0x1F, v2;
	v9 =	vld.idx.msk [tilespmem:v56+s20+$0x0], $0xffff;
	[tilespmem:s10+$0x13780] =	vst v10  }
0x36f: {  	v21 =	vor.u32 $0x19, v3;
	v11 =	vld.idx.msk [tilespmem:v57+s20+$0x0], $0xffff;
	[tilespmem:s12+$0x13780] =	vst v8  }
0x370: {  	v22 =	vor.u32 $0x19, v4;
	v13 =	vld.idx.msk [tilespmem:v58+s20+$0x0], $0xffff;
	[tilespmem:s29+$0x13780] =	vst v14  }
0x371: {  	v23 =	vor.u32 $0x19, v5;
	v15 =	vld.idx.msk [tilespmem:v59+s20+$0x0], $0xffff;
	[tilespmem:s30+$0x13780] =	vst v60  }
0x372: {  	v24 =	vor.u32 $0x19, v6;
	[tilespmem:s1+$0x13C80] =	vst v53;
	v12 =	vld.idx.msk [tilespmem:v62+s20+$0x0], $0xffff  }
0x373: {  	v26 =	vor.u32 $0x19, v7;
	v2 =	vld.idx.msk [tilespmem:v2+s20+$0x0], $0xffff;
	[tilespmem:s9+$0x13C00] =	vst v9  }
0x374: {  	v63 =	vor.u32 $0x1A, v1;
	v10 =	vld.idx.msk [tilespmem:v21+s20+$0x0], $0xffff;
	[tilespmem:s10+$0x13C00] =	vst v11  }
0x375: {  	v27 =	vor.u32 $0x1A, v3;
	v8 =	vld.idx.msk [tilespmem:v22+s20+$0x0], $0xffff;
	[tilespmem:s12+$0x13C00] =	vst v13  }
0x376: {  	v28 =	vor.u32 $0x1A, v4;
	v14 =	vld.idx.msk [tilespmem:v23+s20+$0x0], $0xffff;
	[tilespmem:s29+$0x13C00] =	vst v15  }
0x377: {  	v29 =	vor.u32 $0x1A, v5;
	v16 =	vld.idx.msk [tilespmem:v24+s20+$0x0], $0xffff;
	[tilespmem:s30+$0x13C00] =	vst v12  }
0x378: {  	[tilespmem:s4+$0x13F80] =	vst v2;
	v30 =	vor.u32 $0x1A, v6;
	v9 =	vld.idx.msk [tilespmem:v26+s20+$0x0], $0xffff  }
0x379: {  	v31 =	vor.u32 $0x1A, v7;
	v25 =	vld.idx.msk [tilespmem:v63+s20+$0x0], $0xffff;
	[tilespmem:s9+$0x13C80] =	vst v10  }
0x37a: {  	v32 =	vor.u32 $0x1B, v1;
	v11 =	vld.idx.msk [tilespmem:v27+s20+$0x0], $0xffff;
	[tilespmem:s10+$0x13C80] =	vst v8  }
0x37b: {  	v33 =	vor.u32 $0x1B, v3;
	v13 =	vld.idx.msk [tilespmem:v28+s20+$0x0], $0xffff;
	[tilespmem:s12+$0x13C80] =	vst v14  }
0x37c: {  	v34 =	vor.u32 $0x1B, v4;
	v15 =	vld.idx.msk [tilespmem:v29+s20+$0x0], $0xffff;
	[tilespmem:s29+$0x13C80] =	vst v16  }
0x37d: {  	v35 =	vor.u32 $0x1B, v5;
	v12 =	vld.idx.msk [tilespmem:v30+s20+$0x0], $0xffff;
	[tilespmem:s30+$0x13C80] =	vst v9  }
0x37e: {  	v2 =	vor.u32 $0x1B, v6;
	[tilespmem:s1+$0x13D00] =	vst v25;
	v9 =	vld.idx.msk [tilespmem:v31+s20+$0x0], $0xffff  }
0x37f: {  	v37 =	vor.u32 $0x1B, v7;
	v36 =	vld.idx.msk [tilespmem:v32+s20+$0x0], $0xffff;
	[tilespmem:s9+$0x13D00] =	vst v11  }
0x380: {  	v38 =	vor.u32 $0x1C, v1;
	v8 =	vld.idx.msk [tilespmem:v33+s20+$0x0], $0xffff;
	[tilespmem:s10+$0x13D00] =	vst v13  }
0x381: {  	v39 =	vor.u32 $0x1C, v3;
	v14 =	vld.idx.msk [tilespmem:v34+s20+$0x0], $0xffff;
	[tilespmem:s12+$0x13D00] =	vst v15  }
0x382: {  	v40 =	vor.u32 $0x1C, v4;
	v16 =	vld.idx.msk [tilespmem:v35+s20+$0x0], $0xffff;
	[tilespmem:s29+$0x13D00] =	vst v12  }
0x383: {  	v41 =	vor.u32 $0x1C, v5;
	v2 =	vld.idx.msk [tilespmem:v2+s20+$0x0], $0xffff;
	[tilespmem:s30+$0x13D00] =	vst v9  }
0x384: {  	v42 =	vor.u32 $0x1C, v6;
	[tilespmem:s1+$0x13D80] =	vst v36;
	v43 =	vld.idx.msk [tilespmem:v37+s20+$0x0], $0xffff  }
0x385: {  	v45 =	vor.u32 $0x1C, v7;
	v44 =	vld.idx.msk [tilespmem:v38+s20+$0x0], $0xffff;
	[tilespmem:s9+$0x13D80] =	vst v8  }
0x386: {  	v46 =	vor.u32 $0x1D, v1;
	v13 =	vld.idx.msk [tilespmem:v39+s20+$0x0], $0xffff;
	[tilespmem:s10+$0x13D80] =	vst v14  }
0x387: {  	v47 =	vor.u32 $0x1D, v3;
	v15 =	vld.idx.msk [tilespmem:v40+s20+$0x0], $0xffff;
	[tilespmem:s12+$0x13D80] =	vst v16  }
0x388: {  	v48 =	vor.u32 $0x1D, v4;
	v12 =	vld.idx.msk [tilespmem:v41+s20+$0x0], $0xffff;
	[tilespmem:s29+$0x13D80] =	vst v2  }
0x389: {  	v2 =	vor.u32 $0x1D, v5;
	v9 =	vld.idx.msk [tilespmem:v42+s20+$0x0], $0xffff;
	[tilespmem:s30+$0x13D80] =	vst v43  }
0x38a: {  	v49 =	vor.u32 $0x1D, v6;
	[tilespmem:s1+$0x13E00] =	vst v44;
	v8 =	vld.idx.msk [tilespmem:v45+s20+$0x0], $0xffff  }
0x38b: {  	v50 =	vor.u32 $0x1D, v7;
	v11 =	vld.idx.msk [tilespmem:v46+s20+$0x0], $0xffff;
	[tilespmem:s9+$0x13E00] =	vst v13  }
0x38c: {  	v51 =	vor.u32 $0x1E, v1;
	v14 =	vld.idx.msk [tilespmem:v47+s20+$0x0], $0xffff;
	[tilespmem:s10+$0x13E00] =	vst v15  }
0x38d: {  	v52 =	vor.u32 $0x1E, v3;
	v16 =	vld.idx.msk [tilespmem:v48+s20+$0x0], $0xffff;
	[tilespmem:s12+$0x13E00] =	vst v12  }
0x38e: {  	v53 =	vor.u32 $0x1E, v4;
	v2 =	vld.idx.msk [tilespmem:v2+s20+$0x0], $0xffff;
	[tilespmem:s29+$0x13E00] =	vst v9  }
0x38f: {  	v54 =	vor.u32 $0x1E, v5;
	v10 =	vld.idx.msk [tilespmem:v49+s20+$0x0], $0xffff;
	[tilespmem:s30+$0x13E00] =	vst v8  }
0x390: {  	v55 =	vor.u32 $0x1E, v6;
	[tilespmem:s1+$0x13E80] =	vst v11;
	v56 =	vld.idx.msk [tilespmem:v50+s20+$0x0], $0xffff  }
0x391: {  	v58 =	vor.u32 $0x1E, v7;
	v57 =	vld.idx.msk [tilespmem:v51+s20+$0x0], $0xffff;
	[tilespmem:s9+$0x13E80] =	vst v14  }
0x392: {  	v1 =	vor.u32 $0x1F, v1;
	v15 =	vld.idx.msk [tilespmem:v52+s20+$0x0], $0xffff;
	[tilespmem:s10+$0x13E80] =	vst v16  }
0x393: {  	v3 =	vor.u32 $0x1F, v3;
	v12 =	vld.idx.msk [tilespmem:v53+s20+$0x0], $0xffff;
	[tilespmem:s12+$0x13E80] =	vst v2  }
0x394: {  	v2 =	vor.u32 $0x1F, v4;
	v59 =	vld.idx.msk [tilespmem:v54+s20+$0x0], $0xffff;
	[tilespmem:s29+$0x13E80] =	vst v10  }
0x395: {  	v60 =	vor.u32 $0x1F, v5;
	v8 =	vld.idx.msk [tilespmem:v55+s20+$0x0], $0xffff;
	[tilespmem:s30+$0x13E80] =	vst v56  }
0x396: {  	v61 =	vor.u32 $0x1F, v6;
	[tilespmem:s1+$0x13F00] =	vst v57;
	v62 =	vld.idx.msk [tilespmem:v58+s20+$0x0], $0xffff  }
0x397: {  	v7 =	vor.u32 $0x1F, v7;
	v1 =	vld.idx.msk [tilespmem:v1+s20+$0x0], $0xffff;
	[tilespmem:s9+$0x13F00] =	vst v15  }
0x398: {  	v3 =	vld.idx.msk [tilespmem:v3+s20+$0x0], $0xffff;
	[tilespmem:s10+$0x13F00] =	vst v12  }
0x399: {  	v2 =	vld.idx.msk [tilespmem:v2+s20+$0x0], $0xffff;
	[tilespmem:s12+$0x13F00] =	vst v59  }
0x39a: {  	v4 =	vld.idx.msk [tilespmem:v60+s20+$0x0], $0xffff;
	[tilespmem:s29+$0x13F00] =	vst v8  }
0x39b: {  	v63 =	vld.idx.msk [tilespmem:v61+s20+$0x0], $0xffff;
	[tilespmem:s30+$0x13F00] =	vst v62  }
0x39c: {  	[tilespmem:s1+$0x13F80] =	vst v1;
	v1 =	vld.idx.msk [tilespmem:v7+s20+$0x0], $0xffff  }
0x39d: {  	s0 =	sshll.u32 s0, $0x13;
	[tilespmem:s9+$0x13F80] =	vst v3  }
0x39e: {  	s28 =	simm.s32 $0x12400;
	s0 =	sor.u32 s6, s0;
	[tilespmem:s10+$0x13F80] =	vst v2  }
0x39f: {  	s24 =	rddreg [dreg:$0x2];
	s19 =	sshll.u32 s31, $0x7;
	s17 =	sshll.u32 s31, $0xE;
	[tilespmem:s12+$0x13F80] =	vst v4  }
0x3a0: {  	s0 =	sshrl.u32 s0, $0x3;
	s2 =	sand.u32 $0x380, s19;
	s1 =	sand.u32 $0x1E0000, s17;
	[tilespmem:s29+$0x13F80] =	vst v63  }
0x3a1: {  	p0 =	sne.s32 s31, $0x31;
	s0 =	sadd.s32 s24, s0;
	s29 =	sor.u32 s1, s2;
	[tilespmem:s30+$0x13F80] =	vst v1  }
0x3a2: {  	[hbm4b:s0+s22] =	stream.strided.scatter [tilespmem:s28], [sflag:$0x6], $0x2000, s23, s22, $0x38;
	[tilespmem:$0x14400] =	vst v63  }
.Ltmp2:
0x3a3: {  	s0 =	sor.u32 s6, s29;
	(pc) =	sbr.rel @p0 .LBB2_2-.Ltmp2, $4  }
0x3a4: {  	s30 =	rddreg [dreg:$0x1];
	s0 =	sshrl.u32 s0, $0x3  }
0x3a5: {  	s0 =	sadd.s32 s30, s0  }
0x3a6: {  	[tilespmem:s15], [sflag:$0x2] =	stream.strided.gather [hbm4b:s0+s13], $0x100, s14, s13, $0x38;
	[tilespmem:$0x14400] =	vst v63  }
0x3a7: {  	s0 =	smov.u32 s31  }
0x3a8: {  	_ =	swait.ge [sflag:s18], $0x100  }
0x3a9: {  	[sflag:s18] =	ssyncset.done $0x0  }
0x3aa: {  	[sflag:s18] =	ssyncadd.s32 $0xFFFFFF00  }
0x3ab: {  	v1 =	vld [tilespmem:$0x100]  }
0x3ac: {  	v2 =	vld [tilespmem:$0x110]  }
0x3ad: {  	v3 =	vld [tilespmem:$0x120]  }
0x3ae: {  	v4 =	vld [tilespmem:$0x130]  }
0x3af: {  	v5 =	vld [tilespmem:$0x140]  }
0x3b0: {  	v6 =	vld [tilespmem:$0x150];
	v1 =	vshra.s32 v1, $0x2  }
0x3b1: {  	[tilespmem:$0x300] =	vst v1;
	v1 =	vshra.s32 v2, $0x2;
	v2 =	vld [tilespmem:$0x160]  }
0x3b2: {  	[tilespmem:$0x310] =	vst v1;
	v1 =	vshra.s32 v3, $0x2;
	v3 =	vld [tilespmem:$0x170]  }
0x3b3: {  	[tilespmem:$0x320] =	vst v1;
	v1 =	vshra.s32 v4, $0x2;
	v4 =	vld [tilespmem:$0x180]  }
0x3b4: {  	[tilespmem:$0x330] =	vst v1;
	v1 =	vshra.s32 v5, $0x2;
	v5 =	vld [tilespmem:$0x190]  }
0x3b5: {  	[tilespmem:$0x340] =	vst v1;
	v1 =	vshra.s32 v6, $0x2;
	v6 =	vld [tilespmem:$0x1A0]  }
0x3b6: {  	[tilespmem:$0x350] =	vst v1;
	v1 =	vshra.s32 v2, $0x2;
	v2 =	vld [tilespmem:$0x1B0]  }
0x3b7: {  	[tilespmem:$0x360] =	vst v1;
	v1 =	vshra.s32 v3, $0x2;
	v3 =	vld [tilespmem:$0x1C0]  }
0x3b8: {  	[tilespmem:$0x370] =	vst v1;
	v1 =	vshra.s32 v4, $0x2;
	v4 =	vld [tilespmem:$0x1D0]  }
0x3b9: {  	[tilespmem:$0x380] =	vst v1;
	v1 =	vshra.s32 v5, $0x2;
	v5 =	vld [tilespmem:$0x1E0]  }
0x3ba: {  	[tilespmem:$0x390] =	vst v1;
	v1 =	vshra.s32 v6, $0x2;
	v6 =	vld [tilespmem:$0x1F0]  }
0x3bb: {  	[tilespmem:$0x3A0] =	vst v1;
	v1 =	vshra.s32 v2, $0x2  }
0x3bc: {  	[tilespmem:$0x3B0] =	vst v1;
	v1 =	vshra.s32 v3, $0x2  }
0x3bd: {  	[tilespmem:$0x3C0] =	vst v1;
	v1 =	vshra.s32 v4, $0x2  }
0x3be: {  	[tilespmem:$0x3D0] =	vst v1;
	v1 =	vshra.s32 v5, $0x2  }
0x3bf: {  	[tilespmem:$0x3E0] =	vst v1;
	v1 =	vshra.s32 v6, $0x2  }
0x3c0: {  	s31 =	simm.s32 $0x6;
	[tilespmem:$0x3F0] =	vst v1  }
0x3c1: {  	_ =	swait.ge [sflag:s31], $0x2000  }
0x3c2: {  	[sflag:s31] =	ssyncset.done $0x0  }
0x3c3: {  	s0 =	simm.s32 $0x300;
	[sflag:s31] =	ssyncadd.s32 $0xFFFFE000  }
0x3c4: {  	[tilespmem:s20], [sflag:$0x4] =	stream.indirect.gather [hbm4b:s5+s15], $0x80, s0, s15, $0xb8;
	[tilespmem:$0x14400] =	vst v63  }
0x3c5: {  	_ =	swait.ge [sflag:s21], $0x8000  }
0x3c6: {  	[sflag:s21] =	ssyncset.done $0x0  }
0x3c7: {  	s12 =	simm.s32 $0x0;
	[sflag:s21] =	ssyncadd.s32 $0xFFFF8000  }
0x3c8: {  	v1 =	vld [tilespmem:s12+$0x0];
	_ =	sdelay $0x3  }
0x3c9: {  	v2 =	vmov s12  }
0x3ca: {  	v2 =	vshll.u32 v2, $0x7;
	v1 =	vshll.u32 v1, $0x5  }
0x3cb: {  	v2 =	vor.u32 v0, v2;
	v1 =	vand.u32 $0x60, v1  }
0x3cc: {  	v7 =	vor.u32 v2, v1;
	_ =	sdelay $0x4  }
0x3cd: {  	v1 =	vld.idx.msk [tilespmem:v7+s14+$0x0], $0xffff  }
0x3ce: {  	v2 =	vor.u32 $0x1, v7;
	_ =	sdelay $0x1  }
0x3cf: {  	s1 =	sand.u32 $0x70, s12;
	s2 =	sand.u32 $0x400, s12  }
0x3d0: {  	s11 =	sor.u32 s1, s2  }
0x3d1: {  	[tilespmem:s11+$0x10400] =	vst v1  }
0x3d2: {  	v1 =	vld.idx.msk [tilespmem:v2+s14+$0x0], $0xffff  }
0x3d3: {  	v2 =	vor.u32 $0x2, v7;
	_ =	sdelay $0x2  }
0x3d4: {  	s3 =	sadd.s32 $0x10400, s11  }
0x3d5: {  	[tilespmem:s3+$0x80] =	vst v1  }
0x3d6: {  	v1 =	vld.idx.msk [tilespmem:v2+s14+$0x0], $0xffff  }
0x3d7: {  	v2 =	vor.u32 $0x3, v7;
	_ =	sdelay $0x1  }
0x3d8: {  	s17 =	simm.s32 $0x10  }
0x3d9: {  	v3 =	vld [tilespmem:s17+$0x0]  }
0x3da: {  	[tilespmem:s3+$0x100] =	vst v1  }
0x3db: {  	v1 =	vld.idx.msk [tilespmem:v2+s14+$0x0], $0xffff  }
0x3dc: {  	v4 =	vor.u32 $0x4, v7  }
0x3dd: {  	v2 =	vmov s17  }
0x3de: {  	v3 =	vshll.u32 v3, $0x5;
	v2 =	vshll.u32 v2, $0x7  }
0x3df: {  	v3 =	vand.u32 $0x60, v3;
	v2 =	vor.u32 v0, v2  }
0x3e0: {  	v2 =	vor.u32 v2, v3;
	[tilespmem:s3+$0x180] =	vst v1  }
0x3e1: {  	v1 =	vld.idx.msk [tilespmem:v4+s14+$0x0], $0xffff  }
0x3e2: {  	v3 =	vor.u32 $0x5, v7;
	_ =	sdelay $0x2  }
0x3e3: {  	v4 =	vld.idx.msk [tilespmem:v2+s14+$0x0], $0xffff  }
0x3e4: {  	[tilespmem:s3+$0x200] =	vst v1;
	v1 =	vor.u32 $0x1, v2  }
0x3e5: {  	s4 =	simm.s32 $0x80;
	v3 =	vld.idx.msk [tilespmem:v3+s14+$0x0], $0xffff  }
0x3e6: {  	s19 =	sand.u32 $0x70, s17;
	s8 =	sand.u32 $0x400, s4;
	v5 =	vor.u32 $0x6, v7  }
0x3e7: {  	s1 =	sor.u32 s19, s8  }
0x3e8: {  	[tilespmem:s1+$0x10400] =	vst v4  }
0x3e9: {  	v1 =	vld.idx.msk [tilespmem:v1+s14+$0x0], $0xffff  }
0x3ea: {  	[tilespmem:s3+$0x280] =	vst v3;
	v3 =	vor.u32 $0x2, v2  }
0x3eb: {  	v4 =	vld.idx.msk [tilespmem:v5+s14+$0x0], $0xffff  }
0x3ec: {  	v5 =	vor.u32 $0x7, v7  }
0x3ed: {  	s8 =	sadd.s32 $0x10400, s1  }
0x3ee: {  	[tilespmem:s8+$0x80] =	vst v1  }
0x3ef: {  	v1 =	vld.idx.msk [tilespmem:v3+s14+$0x0], $0xffff  }
0x3f0: {  	v3 =	vor.u32 $0x3, v2;
	[tilespmem:s3+$0x300] =	vst v4  }
0x3f1: {  	v4 =	vld.idx.msk [tilespmem:v5+s14+$0x0], $0xffff  }
0x3f2: {  	s9 =	simm.s32 $0x20;
	v5 =	vor.u32 $0x8, v7  }
0x3f3: {  	v6 =	vld [tilespmem:s9+$0x0]  }
0x3f4: {  	s0 =	sor.u32 s12, s12;
	[tilespmem:s8+$0x100] =	vst v1  }
0x3f5: {  	s0 =	sor.u32 $0x380, s0;
	v1 =	vld.idx.msk [tilespmem:v3+s14+$0x0], $0xffff  }
0x3f6: {  	v3 =	vor.u32 $0x4, v2;
	[tilespmem:s0+$0x10400] =	vst v4  }
0x3f7: {  	v4 =	vld.idx.msk [tilespmem:v5+s14+$0x0], $0xffff;
	v5 =	vmov s9  }
0x3f8: {  	v6 =	vshll.u32 v6, $0x5;
	v8 =	vor.u32 $0x9, v7;
	v5 =	vshll.u32 v5, $0x7  }
0x3f9: {  	v6 =	vand.u32 $0x60, v6;
	v5 =	vor.u32 v0, v5  }
0x3fa: {  	[tilespmem:s8+$0x180] =	vst v1;
	v1 =	vor.u32 v5, v6  }
0x3fb: {  	v3 =	vld.idx.msk [tilespmem:v3+s14+$0x0], $0xffff  }
0x3fc: {  	[tilespmem:s11+$0x10C00] =	vst v4;
	v4 =	vor.u32 $0x5, v2  }
0x3fd: {  	v5 =	vld.idx.msk [tilespmem:v8+s14+$0x0], $0xffff  }
0x3fe: {  	v6 =	vor.u32 $0xA, v7  }
0x3ff: {  	v8 =	vld.idx.msk [tilespmem:v1+s14+$0x0], $0xffff  }
0x400: {  	[tilespmem:s8+$0x200] =	vst v3;
	v3 =	vor.u32 $0x1, v1  }
0x401: {  	s12 =	simm.s32 $0x100;
	v4 =	vld.idx.msk [tilespmem:v4+s14+$0x0], $0xffff  }
0x402: {  	s24 =	sand.u32 $0x70, s9;
	s28 =	sand.u32 $0x400, s12;
	[tilespmem:s11+$0x10C80] =	vst v5;
	v5 =	vor.u32 $0x6, v2  }
0x403: {  	s0 =	sor.u32 s24, s28;
	v6 =	vld.idx.msk [tilespmem:v6+s14+$0x0], $0xffff  }
0x404: {  	[tilespmem:s0+$0x10400] =	vst v8;
	v8 =	vor.u32 $0xB, v7  }
0x405: {  	v3 =	vld.idx.msk [tilespmem:v3+s14+$0x0], $0xffff  }
0x406: {  	[tilespmem:s8+$0x280] =	vst v4;
	v4 =	vor.u32 $0x2, v1  }
0x407: {  	v5 =	vld.idx.msk [tilespmem:v5+s14+$0x0], $0xffff  }
0x408: {  	[tilespmem:s11+$0x10D00] =	vst v6;
	v6 =	vor.u32 $0x7, v2  }
0x409: {  	s19 =	sadd.s32 $0x10400, s0;
	v8 =	vld.idx.msk [tilespmem:v8+s14+$0x0], $0xffff  }
0x40a: {  	[tilespmem:s19+$0x80] =	vst v3;
	v3 =	vor.u32 $0xC, v7  }
0x40b: {  	v4 =	vld.idx.msk [tilespmem:v4+s14+$0x0], $0xffff  }
0x40c: {  	[tilespmem:s8+$0x300] =	vst v5;
	v5 =	vor.u32 $0x3, v1  }
0x40d: {  	v6 =	vld.idx.msk [tilespmem:v6+s14+$0x0], $0xffff  }
0x40e: {  	[tilespmem:s11+$0x10D80] =	vst v8;
	v8 =	vor.u32 $0x8, v2  }
0x40f: {  	s3 =	simm.s32 $0x30;
	v3 =	vld.idx.msk [tilespmem:v3+s14+$0x0], $0xffff  }
0x410: {  	s2 =	sor.u32 s4, s17;
	v9 =	vld [tilespmem:s3+$0x0];
	[tilespmem:s19+$0x100] =	vst v4;
	v4 =	vor.u32 $0xD, v7  }
0x411: {  	s2 =	sor.u32 $0x380, s2;
	v5 =	vld.idx.msk [tilespmem:v5+s14+$0x0], $0xffff  }
0x412: {  	[tilespmem:s2+$0x10400] =	vst v6;
	v6 =	vor.u32 $0x4, v1  }
0x413: {  	v8 =	vld.idx.msk [tilespmem:v8+s14+$0x0], $0xffff  }
0x414: {  	v10 =	vor.u32 $0x9, v2;
	[tilespmem:s11+$0x10E00] =	vst v3;
	v3 =	vmov s3  }
0x415: {  	v9 =	vshll.u32 v9, $0x5;
	v4 =	vld.idx.msk [tilespmem:v4+s14+$0x0], $0xffff;
	v3 =	vshll.u32 v3, $0x7  }
0x416: {  	v9 =	vand.u32 $0x60, v9;
	v3 =	vor.u32 v0, v3;
	[tilespmem:s19+$0x180] =	vst v5;
	v5 =	vor.u32 $0xE, v7  }
0x417: {  	v3 =	vor.u32 v3, v9;
	v6 =	vld.idx.msk [tilespmem:v6+s14+$0x0], $0xffff  }
0x418: {  	[tilespmem:s1+$0x10C00] =	vst v8;
	v8 =	vor.u32 $0x5, v1  }
0x419: {  	v9 =	vld.idx.msk [tilespmem:v10+s14+$0x0], $0xffff  }
0x41a: {  	[tilespmem:s11+$0x10E80] =	vst v4;
	v4 =	vor.u32 $0xA, v2  }
0x41b: {  	v5 =	vld.idx.msk [tilespmem:v5+s14+$0x0], $0xffff  }
0x41c: {  	v10 =	vld.idx.msk [tilespmem:v3+s14+$0x0], $0xffff;
	[tilespmem:s19+$0x200] =	vst v6;
	v6 =	vor.u32 $0xF, v7  }
0x41d: {  	v11 =	vor.u32 $0x1, v3;
	v8 =	vld.idx.msk [tilespmem:v8+s14+$0x0], $0xffff  }
0x41e: {  	s10 =	simm.s32 $0x180;
	[tilespmem:s1+$0x10C80] =	vst v9;
	v9 =	vor.u32 $0x6, v1  }
0x41f: {  	s17 =	sand.u32 $0x400, s10;
	s8 =	sand.u32 $0x70, s3;
	v4 =	vld.idx.msk [tilespmem:v4+s14+$0x0], $0xffff  }
0x420: {  	s4 =	sor.u32 s8, s17;
	[tilespmem:s11+$0x10F00] =	vst v5;
	v5 =	vor.u32 $0xB, v2  }
0x421: {  	[tilespmem:s4+$0x10400] =	vst v10;
	v6 =	vld.idx.msk [tilespmem:v6+s14+$0x0], $0xffff  }
0x422: {  	v10 =	vld.idx.msk [tilespmem:v11+s14+$0x0], $0xffff;
	[tilespmem:s19+$0x280] =	vst v8;
	v8 =	vor.u32 $0x10, v7  }
0x423: {  	v11 =	vor.u32 $0x2, v3;
	v9 =	vld.idx.msk [tilespmem:v9+s14+$0x0], $0xffff  }
0x424: {  	[tilespmem:s1+$0x10D00] =	vst v4;
	v4 =	vor.u32 $0x7, v1  }
0x425: {  	v5 =	vld.idx.msk [tilespmem:v5+s14+$0x0], $0xffff  }
0x426: {  	s17 =	sadd.s32 $0x10400, s4;
	[tilespmem:s11+$0x10F80] =	vst v6;
	v6 =	vor.u32 $0xC, v2  }
0x427: {  	[tilespmem:s17+$0x80] =	vst v10;
	v8 =	vld.idx.msk [tilespmem:v8+s14+$0x0], $0xffff  }
0x428: {  	v10 =	vld.idx.msk [tilespmem:v11+s14+$0x0], $0xffff;
	[tilespmem:s19+$0x300] =	vst v9;
	v9 =	vor.u32 $0x11, v7  }
0x429: {  	v11 =	vor.u32 $0x3, v3;
	v4 =	vld.idx.msk [tilespmem:v4+s14+$0x0], $0xffff  }
0x42a: {  	[tilespmem:s1+$0x10D80] =	vst v5;
	v5 =	vor.u32 $0x8, v1  }
0x42b: {  	s2 =	simm.s32 $0x40;
	v6 =	vld.idx.msk [tilespmem:v6+s14+$0x0], $0xffff  }
0x42c: {  	v12 =	vld [tilespmem:s2+$0x0];
	s19 =	sor.u32 s12, s9;
	[tilespmem:s11+$0x11400] =	vst v8;
	v8 =	vor.u32 $0xD, v2  }
0x42d: {  	s8 =	sor.u32 $0x380, s19;
	[tilespmem:s17+$0x100] =	vst v10;
	v9 =	vld.idx.msk [tilespmem:v9+s14+$0x0], $0xffff  }
0x42e: {  	v10 =	vld.idx.msk [tilespmem:v11+s14+$0x0], $0xffff;
	[tilespmem:s8+$0x10400] =	vst v4;
	v4 =	vor.u32 $0x12, v7  }
0x42f: {  	v11 =	vor.u32 $0x4, v3;
	v5 =	vld.idx.msk [tilespmem:v5+s14+$0x0], $0xffff  }
0x430: {  	v13 =	vor.u32 $0x9, v1;
	[tilespmem:s1+$0x10E00] =	vst v6;
	v6 =	vmov s2  }
0x431: {  	v12 =	vshll.u32 v12, $0x5;
	v8 =	vld.idx.msk [tilespmem:v8+s14+$0x0], $0xffff;
	v6 =	vshll.u32 v6, $0x7  }
0x432: {  	[tilespmem:s11+$0x11480] =	vst v9;
	v9 =	vand.u32 $0x60, v12;
	v6 =	vor.u32 v0, v6;
	v12 =	vor.u32 $0xE, v2  }
0x433: {  	[tilespmem:s17+$0x180] =	vst v10;
	v10 =	vld.idx.msk [tilespmem:v4+s14+$0x0], $0xffff;
	v4 =	vor.u32 v6, v9  }
0x434: {  	v6 =	vld.idx.msk [tilespmem:v11+s14+$0x0], $0xffff;
	[tilespmem:s0+$0x10C00] =	vst v5;
	v5 =	vor.u32 $0x13, v7  }
0x435: {  	v9 =	vor.u32 $0x5, v3;
	v11 =	vld.idx.msk [tilespmem:v13+s14+$0x0], $0xffff  }
0x436: {  	[tilespmem:s1+$0x10E80] =	vst v8;
	v8 =	vor.u32 $0xA, v1  }
0x437: {  	v12 =	vld.idx.msk [tilespmem:v12+s14+$0x0], $0xffff  }
0x438: {  	v13 =	vld.idx.msk [tilespmem:v4+s14+$0x0], $0xffff;
	[tilespmem:s11+$0x11500] =	vst v10;
	v10 =	vor.u32 $0xF, v2  }
0x439: {  	[tilespmem:s17+$0x200] =	vst v6;
	v5 =	vld.idx.msk [tilespmem:v5+s14+$0x0], $0xffff;
	v6 =	vor.u32 $0x1, v4  }
0x43a: {  	s12 =	simm.s32 $0x200;
	v9 =	vld.idx.msk [tilespmem:v9+s14+$0x0], $0xffff;
	[tilespmem:s0+$0x10C80] =	vst v11;
	v11 =	vor.u32 $0x14, v7  }
0x43b: {  	s24 =	sand.u32 $0x70, s2;
	v14 =	vor.u32 $0x6, v3;
	s28 =	sand.u32 $0x400, s12;
	v8 =	vld.idx.msk [tilespmem:v8+s14+$0x0], $0xffff  }
0x43c: {  	s9 =	sor.u32 s24, s28;
	[tilespmem:s1+$0x10F00] =	vst v12;
	v12 =	vor.u32 $0xB, v1  }
0x43d: {  	[tilespmem:s9+$0x10400] =	vst v13;
	v10 =	vld.idx.msk [tilespmem:v10+s14+$0x0], $0xffff  }
0x43e: {  	v6 =	vld.idx.msk [tilespmem:v6+s14+$0x0], $0xffff;
	[tilespmem:s11+$0x11580] =	vst v5;
	v5 =	vor.u32 $0x10, v2  }
0x43f: {  	[tilespmem:s17+$0x280] =	vst v9;
	v9 =	vld.idx.msk [tilespmem:v11+s14+$0x0], $0xffff;
	v11 =	vor.u32 $0x2, v4  }
0x440: {  	v13 =	vld.idx.msk [tilespmem:v14+s14+$0x0], $0xffff;
	[tilespmem:s0+$0x10D00] =	vst v8;
	v8 =	vor.u32 $0x15, v7  }
0x441: {  	v14 =	vor.u32 $0x7, v3;
	v12 =	vld.idx.msk [tilespmem:v12+s14+$0x0], $0xffff  }
0x442: {  	s28 =	sadd.s32 $0x10400, s9;
	[tilespmem:s1+$0x10F80] =	vst v10;
	v10 =	vor.u32 $0xC, v1  }
0x443: {  	[tilespmem:s28+$0x80] =	vst v6;
	v5 =	vld.idx.msk [tilespmem:v5+s14+$0x0], $0xffff  }
0x444: {  	v6 =	vld.idx.msk [tilespmem:v11+s14+$0x0], $0xffff;
	[tilespmem:s11+$0x11600] =	vst v9;
	v9 =	vor.u32 $0x11, v2  }
0x445: {  	v11 =	vor.u32 $0x3, v4;
	[tilespmem:s17+$0x300] =	vst v13;
	v8 =	vld.idx.msk [tilespmem:v8+s14+$0x0], $0xffff  }
0x446: {  	v13 =	vld.idx.msk [tilespmem:v14+s14+$0x0], $0xffff;
	[tilespmem:s0+$0x10D80] =	vst v12;
	v12 =	vor.u32 $0x16, v7  }
0x447: {  	s17 =	simm.s32 $0x50;
	v14 =	vor.u32 $0x8, v3;
	v10 =	vld.idx.msk [tilespmem:v10+s14+$0x0], $0xffff  }
0x448: {  	v15 =	vld [tilespmem:s17+$0x0];
	[tilespmem:s1+$0x11400] =	vst v5;
	v5 =	vor.u32 $0xD, v1  }
0x449: {  	s3 =	sor.u32 s10, s3;
	[tilespmem:s28+$0x100] =	vst v6;
	v6 =	vld.idx.msk [tilespmem:v9+s14+$0x0], $0xffff  }
0x44a: {  	s3 =	sor.u32 $0x380, s3;
	v9 =	vld.idx.msk [tilespmem:v11+s14+$0x0], $0xffff;
	[tilespmem:s11+$0x11680] =	vst v8;
	v8 =	vor.u32 $0x12, v2  }
0x44b: {  	[tilespmem:s3+$0x10400] =	vst v13;
	v11 =	vld.idx.msk [tilespmem:v12+s14+$0x0], $0xffff;
	v12 =	vor.u32 $0x4, v4  }
0x44c: {  	v13 =	vld.idx.msk [tilespmem:v14+s14+$0x0], $0xffff;
	[tilespmem:s0+$0x10E00] =	vst v10;
	v10 =	vor.u32 $0x17, v7;
	v14 =	vmov s17  }
0x44d: {  	s29 =	simm.s32 $0x60;
	v16 =	vor.u32 $0x9, v3;
	v17 =	vld.idx.msk [tilespmem:v5+s14+$0x0], $0xffff;
	v5 =	vshll.u32 v15, $0x5;
	v14 =	vshll.u32 v14, $0x7  }
0x44e: {  	v15 =	vld [tilespmem:s29+$0x0];
	[tilespmem:s1+$0x11480] =	vst v6;
	v5 =	vand.u32 $0x60, v5;
	v6 =	vor.u32 v0, v14;
	v14 =	vor.u32 $0xE, v1  }
0x44f: {  	[tilespmem:s28+$0x180] =	vst v9;
	v8 =	vld.idx.msk [tilespmem:v8+s14+$0x0], $0xffff;
	v5 =	vor.u32 v6, v5  }
0x450: {  	v9 =	vor.u32 $0x13, v2;
	v6 =	vld.idx.msk [tilespmem:v12+s14+$0x0], $0xffff;
	[tilespmem:s11+$0x11700] =	vst v11  }
0x451: {  	v11 =	vor.u32 $0x5, v4;
	[tilespmem:s4+$0x10C00] =	vst v13;
	v10 =	vld.idx.msk [tilespmem:v10+s14+$0x0], $0xffff  }
0x452: {  	v13 =	vor.u32 $0x18, v7;
	v12 =	vld.idx.msk [tilespmem:v16+s14+$0x0], $0xffff;
	[tilespmem:s0+$0x10E80] =	vst v17  }
0x453: {  	v16 =	vor.u32 $0xA, v3;
	v14 =	vld.idx.msk [tilespmem:v14+s14+$0x0], $0xffff  }
0x454: {  	v17 =	vld.idx.msk [tilespmem:v5+s14+$0x0], $0xffff;
	[tilespmem:s1+$0x11500] =	vst v8;
	v8 =	vor.u32 $0xF, v1  }
0x455: {  	[tilespmem:s28+$0x200] =	vst v6;
	v6 =	vld.idx.msk [tilespmem:v9+s14+$0x0], $0xffff;
	v9 =	vor.u32 $0x1, v5  }
0x456: {  	s19 =	simm.s32 $0x280;
	v11 =	vld.idx.msk [tilespmem:v11+s14+$0x0], $0xffff;
	[tilespmem:s11+$0x11780] =	vst v10;
	v10 =	vor.u32 $0x14, v2  }
0x457: {  	s24 =	sand.u32 $0x400, s19;
	s10 =	sand.u32 $0x70, s17;
	[tilespmem:s4+$0x10C80] =	vst v12;
	v12 =	vld.idx.msk [tilespmem:v13+s14+$0x0], $0xffff;
	v13 =	vor.u32 $0x6, v4  }
0x458: {  	s10 =	sor.u32 s10, s24;
	v16 =	vld.idx.msk [tilespmem:v16+s14+$0x0], $0xffff;
	[tilespmem:s0+$0x10F00] =	vst v14;
	v14 =	vor.u32 $0x19, v7  }
0x459: {  	[tilespmem:s10+$0x10400] =	vst v17;
	v17 =	vor.u32 $0xB, v3;
	v8 =	vld.idx.msk [tilespmem:v8+s14+$0x0], $0xffff  }
0x45a: {  	v9 =	vld.idx.msk [tilespmem:v9+s14+$0x0], $0xffff;
	[tilespmem:s1+$0x11580] =	vst v6;
	v6 =	vor.u32 $0x10, v1  }
0x45b: {  	[tilespmem:s28+$0x280] =	vst v11;
	v10 =	vld.idx.msk [tilespmem:v10+s14+$0x0], $0xffff;
	v11 =	vor.u32 $0x2, v5  }
0x45c: {  	v13 =	vld.idx.msk [tilespmem:v13+s14+$0x0], $0xffff;
	[tilespmem:s11+$0x11C00] =	vst v12;
	v12 =	vor.u32 $0x15, v2  }
0x45d: {  	[tilespmem:s4+$0x10D00] =	vst v16;
	v14 =	vld.idx.msk [tilespmem:v14+s14+$0x0], $0xffff;
	v16 =	vor.u32 $0x7, v4  }
0x45e: {  	s24 =	sadd.s32 $0x10400, s10;
	v17 =	vld.idx.msk [tilespmem:v17+s14+$0x0], $0xffff;
	[tilespmem:s0+$0x10F80] =	vst v8;
	v8 =	vor.u32 $0x1A, v7  }
0x45f: {  	[tilespmem:s24+$0x80] =	vst v9;
	v9 =	vor.u32 $0xC, v3;
	v6 =	vld.idx.msk [tilespmem:v6+s14+$0x0], $0xffff  }
0x460: {  	v11 =	vld.idx.msk [tilespmem:v11+s14+$0x0], $0xffff;
	[tilespmem:s1+$0x11600] =	vst v10;
	v10 =	vor.u32 $0x11, v1  }
0x461: {  	[tilespmem:s28+$0x300] =	vst v13;
	v12 =	vld.idx.msk [tilespmem:v12+s14+$0x0], $0xffff;
	v13 =	vor.u32 $0x3, v5  }
0x462: {  	v16 =	vld.idx.msk [tilespmem:v16+s14+$0x0], $0xffff;
	[tilespmem:s11+$0x11C80] =	vst v14;
	v14 =	vor.u32 $0x16, v2  }
0x463: {  	[tilespmem:s4+$0x10D80] =	vst v17;
	v8 =	vld.idx.msk [tilespmem:v8+s14+$0x0], $0xffff;
	v17 =	vor.u32 $0x8, v4  }
0x464: {  	v9 =	vld.idx.msk [tilespmem:v9+s14+$0x0], $0xffff;
	[tilespmem:s0+$0x11400] =	vst v6  }
0x465: {  	s2 =	sor.u32 s12, s2;
	v6 =	vor.u32 $0x1B, v7;
	[tilespmem:s24+$0x100] =	vst v11;
	v10 =	vld.idx.msk [tilespmem:v10+s14+$0x0], $0xffff  }
0x466: {  	s2 =	sor.u32 $0x380, s2;
	v11 =	vor.u32 $0xD, v3;
	v13 =	vld.idx.msk [tilespmem:v13+s14+$0x0], $0xffff;
	[tilespmem:s1+$0x11680] =	vst v12  }
0x467: {  	v12 =	vor.u32 $0x12, v1;
	[tilespmem:s2+$0x10400] =	vst v16;
	v14 =	vld.idx.msk [tilespmem:v14+s14+$0x0], $0xffff  }
0x468: {  	s30 =	simm.s32 $0x70;
	v16 =	vor.u32 $0x4, v5;
	v17 =	vld.idx.msk [tilespmem:v17+s14+$0x0], $0xffff;
	[tilespmem:s11+$0x11D00] =	vst v8  }
0x469: {  	v8 =	vld [tilespmem:s30+$0x0];
	[tilespmem:s4+$0x10E00] =	vst v9;
	v9 =	vor.u32 $0x17, v2  }
0x46a: {  	v19 =	vor.u32 $0x9, v4;
	v18 =	vld.idx.msk [tilespmem:v6+s14+$0x0], $0xffff;
	v6 =	vmov s29  }
0x46b: {  	v15 =	vshll.u32 v15, $0x5;
	v11 =	vld.idx.msk [tilespmem:v11+s14+$0x0], $0xffff;
	v6 =	vshll.u32 v6, $0x7;
	[tilespmem:s0+$0x11480] =	vst v10;
	v10 =	vor.u32 $0x1C, v7  }
0x46c: {  	v15 =	vand.u32 $0x60, v15;
	v6 =	vor.u32 v0, v6;
	[tilespmem:s24+$0x180] =	vst v13;
	v13 =	vor.u32 $0xE, v3;
	v12 =	vld.idx.msk [tilespmem:v12+s14+$0x0], $0xffff  }
0x46d: {  	v6 =	vor.u32 v6, v15;
	v15 =	vld.idx.msk [tilespmem:v16+s14+$0x0], $0xffff;
	[tilespmem:s1+$0x11700] =	vst v14  }
0x46e: {  	v14 =	vor.u32 $0x13, v1;
	[tilespmem:s9+$0x10C00] =	vst v17;
	v9 =	vld.idx.msk [tilespmem:v9+s14+$0x0], $0xffff  }
0x46f: {  	v16 =	vor.u32 $0x5, v5;
	v17 =	vld.idx.msk [tilespmem:v19+s14+$0x0], $0xffff;
	[tilespmem:s11+$0x11D80] =	vst v18  }
0x470: {  	[tilespmem:s4+$0x10E80] =	vst v11;
	v11 =	vor.u32 $0x18, v2;
	v10 =	vld.idx.msk [tilespmem:v10+s14+$0x0], $0xffff  }
0x471: {  	v18 =	vor.u32 $0xA, v4;
	v13 =	vld.idx.msk [tilespmem:v13+s14+$0x0], $0xffff;
	[tilespmem:s0+$0x11500] =	vst v12  }
0x472: {  	v12 =	vor.u32 $0x1D, v7;
	v19 =	vld.idx.msk [tilespmem:v6+s14+$0x0], $0xffff;
	[tilespmem:s24+$0x200] =	vst v15  }
0x473: {  	v15 =	vor.u32 $0xF, v3;
	v14 =	vld.idx.msk [tilespmem:v14+s14+$0x0], $0xffff;
	[tilespmem:s1+$0x11780] =	vst v9  }
0x474: {  	s2 =	simm.s32 $0x300;
	v20 =	vor.u32 $0x1, v6;
	v16 =	vld.idx.msk [tilespmem:v16+s14+$0x0], $0xffff;
	[tilespmem:s9+$0x10C80] =	vst v17  }
0x475: {  	s8 =	sand.u32 $0x70, s29;
	s12 =	sand.u32 $0x400, s2;
	v9 =	vor.u32 $0x14, v1;
	v11 =	vld.idx.msk [tilespmem:v11+s14+$0x0], $0xffff;
	[tilespmem:s11+$0x11E00] =	vst v10  }
0x476: {  	s12 =	sor.u32 s8, s12;
	v17 =	vor.u32 $0x6, v5;
	v18 =	vld.idx.msk [tilespmem:v18+s14+$0x0], $0xffff;
	[tilespmem:s4+$0x10F00] =	vst v13  }
0x477: {  	v10 =	vor.u32 $0x19, v2;
	v12 =	vld.idx.msk [tilespmem:v12+s14+$0x0], $0xffff;
	[tilespmem:s12+$0x10400] =	vst v19  }
0x478: {  	v13 =	vor.u32 $0xB, v4;
	v15 =	vld.idx.msk [tilespmem:v15+s14+$0x0], $0xffff;
	[tilespmem:s0+$0x11580] =	vst v14  }
0x479: {  	v19 =	vld.idx.msk [tilespmem:v20+s14+$0x0], $0xffff;
	[tilespmem:s24+$0x280] =	vst v16;
	v16 =	vor.u32 $0x10, v3  }
0x47a: {  	v14 =	vor.u32 $0x1E, v7;
	v9 =	vld.idx.msk [tilespmem:v9+s14+$0x0], $0xffff;
	[tilespmem:s1+$0x11C00] =	vst v11  }
0x47b: {  	v62 =	vor.u32 $0x2, v6;
	v17 =	vld.idx.msk [tilespmem:v17+s14+$0x0], $0xffff;
	[tilespmem:s9+$0x10D00] =	vst v18  }
0x47c: {  	v11 =	vor.u32 $0x15, v1;
	v10 =	vld.idx.msk [tilespmem:v10+s14+$0x0], $0xffff;
	[tilespmem:s11+$0x11E80] =	vst v12  }
0x47d: {  	s3 =	sadd.s32 $0x10400, s12;
	v18 =	vor.u32 $0x7, v5;
	v21 =	vld.idx.msk [tilespmem:v13+s14+$0x0], $0xffff;
	[tilespmem:s4+$0x10F80] =	vst v15  }
0x47e: {  	v12 =	vor.u32 $0x1A, v2;
	[tilespmem:s3+$0x80] =	vst v19;
	v16 =	vld.idx.msk [tilespmem:v16+s14+$0x0], $0xffff  }
0x47f: {  	v14 =	vld.idx.msk [tilespmem:v14+s14+$0x0], $0xffff;
	v15 =	vor.u32 $0xC, v4;
	[tilespmem:s0+$0x11600] =	vst v9  }
0x480: {  	v7 =	vor.u32 $0x1F, v7;
	v19 =	vld.idx.msk [tilespmem:v62+s14+$0x0], $0xffff;
	[tilespmem:s24+$0x300] =	vst v17  }
0x481: {  	v9 =	vor.u32 $0x11, v3;
	v63 =	vld.idx.msk [tilespmem:v11+s14+$0x0], $0xffff;
	[tilespmem:s1+$0x11C80] =	vst v10  }
0x482: {  	v22 =	vor.u32 $0x3, v6;
	v13 =	vld.idx.msk [tilespmem:v18+s14+$0x0], $0xffff;
	[tilespmem:s9+$0x10D80] =	vst v21  }
0x483: {  	v12 =	vld.idx.msk [tilespmem:v12+s14+$0x0], $0xffff;
	[tilespmem:s4+$0x11400] =	vst v16;
	v16 =	vor.u32 $0x16, v1  }
0x484: {  	v17 =	vor.u32 $0x8, v5;
	v11 =	vld.idx.msk [tilespmem:v15+s14+$0x0], $0xffff;
	[tilespmem:s11+$0x11F00] =	vst v14  }
0x485: {  	v15 =	vor.u32 $0x1B, v2;
	v7 =	vld.idx.msk [tilespmem:v7+s14+$0x0], $0xffff  }
0x486: {  	s28 =	sor.u32 s19, s17;
	s19 =	simm.s32 $0x80;
	v14 =	vor.u32 $0xD, v4;
	[tilespmem:s3+$0x100] =	vst v19;
	v10 =	vld.idx.msk [tilespmem:v9+s14+$0x0], $0xffff  }
0x487: {  	s17 =	simm.s32 $0x300;
	s8 =	sor.u32 $0x380, s28;
	s24 =	simm.s32 $0x70;
	v9 =	vld.idx.msk [tilespmem:v22+s14+$0x0], $0xffff;
	[tilespmem:s0+$0x11680] =	vst v63  }
.LBB2_8:
0x488: {  	p0 =	sne.s32 s19, $0xF0;
	[tilespmem:s8+$0x10400] =	vst v13;
	v13 =	vor.u32 $0x12, v3;
	v16 =	vld.idx.msk [tilespmem:v16+s14+$0x0], $0xffff  }
0x489: {  	v18 =	vor.u32 $0x4, v6;
	v17 =	vld.idx.msk [tilespmem:v17+s14+$0x0], $0xffff;
	[tilespmem:s1+$0x11D00] =	vst v12  }
0x48a: {  	[tilespmem:s9+$0x10E00] =	vst v11;
	v11 =	vor.u32 $0x17, v1;
	v12 =	vld.idx.msk [tilespmem:v15+s14+$0x0], $0xffff  }
0x48b: {  	s24 =	sadd.s32 $0x10, s24;
	v19 =	vor.u32 $0x9, v5;
	v15 =	vmov s30;
	v14 =	vld.idx.msk [tilespmem:v14+s14+$0x0], $0xffff;
	[tilespmem:s11+$0x11F80] =	vst v7;
	s11 =	smov.u32 s1;
	s1 =	smov.u32 s0  }
0x48c: {  	v7 =	vshll.u32 v8, $0x5;
	v15 =	vshll.u32 v15, $0x7;
	s0 =	smov.u32 s4;
	v8 =	vld [tilespmem:s24+$0x0];
	[tilespmem:s4+$0x11480] =	vst v10;
	v10 =	vor.u32 $0x1C, v2;
	s4 =	smov.u32 s9;
	s9 =	smov.u32 s10  }
0x48d: {  	v7 =	vand.u32 $0x60, v7;
	v15 =	vor.u32 v0, v15;
	s10 =	smov.u32 s12;
	[tilespmem:s3+$0x180] =	vst v9;
	v9 =	vor.u32 $0xE, v4;
	v13 =	vld.idx.msk [tilespmem:v13+s14+$0x0], $0xffff  }
0x48e: {  	v7 =	vor.u32 v15, v7;
	v15 =	vld.idx.msk [tilespmem:v18+s14+$0x0], $0xffff;
	[tilespmem:s1+$0x11700] =	vst v16  }
0x48f: {  	v16 =	vor.u32 $0x13, v3;
	[tilespmem:s9+$0x10C00] =	vst v17;
	v11 =	vld.idx.msk [tilespmem:v11+s14+$0x0], $0xffff  }
0x490: {  	v17 =	vor.u32 $0x5, v6;
	v18 =	vld.idx.msk [tilespmem:v19+s14+$0x0], $0xffff;
	[tilespmem:s11+$0x11D80] =	vst v12  }
0x491: {  	v12 =	vor.u32 $0x18, v1;
	[tilespmem:s4+$0x10E80] =	vst v14;
	v10 =	vld.idx.msk [tilespmem:v10+s14+$0x0], $0xffff  }
0x492: {  	v14 =	vor.u32 $0xA, v5;
	v9 =	vld.idx.msk [tilespmem:v9+s14+$0x0], $0xffff  }
0x493: {  	v19 =	vld.idx.msk [tilespmem:v7+s14+$0x0], $0xffff;
	[tilespmem:s0+$0x11500] =	vst v13;
	v13 =	vor.u32 $0x1D, v2  }
0x494: {  	[tilespmem:s3+$0x200] =	vst v15;
	v15 =	vor.u32 $0xF, v4;
	v16 =	vld.idx.msk [tilespmem:v16+s14+$0x0], $0xffff  }
0x495: {  	v20 =	vor.u32 $0x1, v7;
	v17 =	vld.idx.msk [tilespmem:v17+s14+$0x0], $0xffff;
	[tilespmem:s1+$0x11780] =	vst v11  }
0x496: {  	s2 =	sadd.s32 $0x80, s2;
	v11 =	vor.u32 $0x14, v3;
	[tilespmem:s9+$0x10C80] =	vst v18;
	v12 =	vld.idx.msk [tilespmem:v12+s14+$0x0], $0xffff  }
0x497: {  	s8 =	sand.u32 $0x70, s30;
	s12 =	sand.u32 $0x400, s2;
	v18 =	vor.u32 $0x6, v6;
	v14 =	vld.idx.msk [tilespmem:v14+s14+$0x0], $0xffff;
	[tilespmem:s11+$0x11E00] =	vst v10  }
0x498: {  	s12 =	sor.u32 s8, s12;
	[tilespmem:s4+$0x10F00] =	vst v9;
	v9 =	vor.u32 $0x19, v1;
	v10 =	vld.idx.msk [tilespmem:v13+s14+$0x0], $0xffff  }
0x499: {  	v13 =	vor.u32 $0xB, v5;
	[tilespmem:s12+$0x10400] =	vst v19;
	v15 =	vld.idx.msk [tilespmem:v15+s14+$0x0], $0xffff  }
0x49a: {  	v19 =	vld.idx.msk [tilespmem:v20+s14+$0x0], $0xffff;
	[tilespmem:s0+$0x11580] =	vst v16;
	v16 =	vor.u32 $0x1E, v2  }
0x49b: {  	[tilespmem:s3+$0x280] =	vst v17;
	v17 =	vor.u32 $0x10, v4;
	v11 =	vld.idx.msk [tilespmem:v11+s14+$0x0], $0xffff  }
0x49c: {  	v20 =	vor.u32 $0x2, v7;
	v18 =	vld.idx.msk [tilespmem:v18+s14+$0x0], $0xffff;
	[tilespmem:s1+$0x11C00] =	vst v12  }
0x49d: {  	v12 =	vor.u32 $0x15, v3;
	[tilespmem:s9+$0x10D00] =	vst v14;
	v9 =	vld.idx.msk [tilespmem:v9+s14+$0x0], $0xffff  }
0x49e: {  	v14 =	vor.u32 $0x7, v6;
	v21 =	vld.idx.msk [tilespmem:v13+s14+$0x0], $0xffff;
	[tilespmem:s11+$0x11E80] =	vst v10  }
0x49f: {  	s8 =	sadd.s32 $0x10400, s12;
	v10 =	vor.u32 $0x1A, v1;
	[tilespmem:s4+$0x10F80] =	vst v15;
	v15 =	vld.idx.msk [tilespmem:v16+s14+$0x0], $0xffff  }
0x4a0: {  	[tilespmem:s8+$0x80] =	vst v19;
	v19 =	vor.u32 $0xC, v5;
	v22 =	vld.idx.msk [tilespmem:v17+s14+$0x0], $0xffff  }
0x4a1: {  	v23 =	vor.u32 $0x1F, v2;
	v2 =	vmovc v1;
	v1 =	vmovc v3;
	v3 =	vmov v4;
	v4 =	vmov v5;
	v20 =	vld.idx.msk [tilespmem:v20+s14+$0x0], $0xffff;
	[tilespmem:s0+$0x11600] =	vst v11  }
0x4a2: {  	v5 =	vmov v6;
	v6 =	vmov v7;
	[tilespmem:s3+$0x300] =	vst v18;
	v18 =	vor.u32 $0x11, v3;
	v24 =	vld.idx.msk [tilespmem:v12+s14+$0x0], $0xffff;
	s3 =	smov.u32 s8  }
0x4a3: {  	v25 =	vor.u32 $0x3, v6;
	v13 =	vld.idx.msk [tilespmem:v14+s14+$0x0], $0xffff;
	[tilespmem:s1+$0x11C80] =	vst v9  }
.Ltmp3:
0x4a4: {  	v16 =	vor.u32 $0x16, v1;
	[tilespmem:s9+$0x10D80] =	vst v21;
	v12 =	vld.idx.msk [tilespmem:v10+s14+$0x0], $0xffff;
	(pc) =	sbr.rel @p0 .LBB2_8-.Ltmp3, $4  }
0x4a5: {  	v17 =	vor.u32 $0x8, v5;
	v11 =	vld.idx.msk [tilespmem:v19+s14+$0x0], $0xffff;
	[tilespmem:s11+$0x11F00] =	vst v15  }
0x4a6: {  	v15 =	vor.u32 $0x1B, v2;
	[tilespmem:s4+$0x11400] =	vst v22;
	v7 =	vld.idx.msk [tilespmem:v23+s14+$0x0], $0xffff  }
0x4a7: {  	s8 =	sor.u32 s17, s29;
	s17 =	smov.u32 s2;
	s29 =	smov.u32 s30;
	v14 =	vor.u32 $0xD, v4;
	[tilespmem:s3+$0x100] =	vst v20;
	v10 =	vld.idx.msk [tilespmem:v18+s14+$0x0], $0xffff  }
0x4a8: {  	s30 =	smov.u32 s19;
	s19 =	sadd.s32 $0x10, s19;
	s8 =	sor.u32 $0x380, s8;
	v9 =	vld.idx.msk [tilespmem:v25+s14+$0x0], $0xffff;
	[tilespmem:s0+$0x11680] =	vst v24  }
0x4a9: {  	_ =	sdelay $0x2  }
0x4aa: {  	[tilespmem:s8+$0x10400] =	vst v13;
	v13 =	vor.u32 $0x12, v3;
	v18 =	vmov s30  }
0x4ab: {  	v16 =	vld.idx.msk [tilespmem:v16+s14+$0x0], $0xffff;
	v19 =	vor.u32 $0x4, v6;
	[tilespmem:s1+$0x11D00] =	vst v12;
	v8 =	vshll.u32 v8, $0x5;
	v12 =	vshll.u32 v18, $0x7  }
0x4ac: {  	v17 =	vld.idx.msk [tilespmem:v17+s14+$0x0], $0xffff;
	[tilespmem:s9+$0x10E00] =	vst v11;
	v11 =	vor.u32 $0x17, v1;
	v8 =	vand.u32 $0x60, v8;
	v12 =	vor.u32 v0, v12  }
0x4ad: {  	v15 =	vld.idx.msk [tilespmem:v15+s14+$0x0], $0xffff;
	[tilespmem:s11+$0x11F80] =	vst v7;
	v7 =	vor.u32 v12, v8  }
0x4ae: {  	v12 =	vld.idx.msk [tilespmem:v14+s14+$0x0], $0xffff;
	[tilespmem:s4+$0x11480] =	vst v10  }
0x4af: {  	v8 =	vor.u32 $0x9, v5;
	[tilespmem:s3+$0x180] =	vst v9;
	v13 =	vld.idx.msk [tilespmem:v13+s14+$0x0], $0xffff  }
0x4b0: {  	v10 =	vor.u32 $0x1C, v2;
	v18 =	vld.idx.msk [tilespmem:v19+s14+$0x0], $0xffff;
	[tilespmem:s0+$0x11700] =	vst v16  }
0x4b1: {  	v14 =	vor.u32 $0xE, v4;
	v9 =	vld.idx.msk [tilespmem:v11+s14+$0x0], $0xffff  }
0x4b2: {  	v16 =	vor.u32 $0x13, v3;
	[tilespmem:s10+$0x10C00] =	vst v17;
	v11 =	vld.idx.msk [tilespmem:v7+s14+$0x0], $0xffff  }
0x4b3: {  	[tilespmem:s9+$0x10E80] =	vst v12;
	v12 =	vor.u32 $0x1, v7  }
0x4b4: {  	s2 =	sadd.s32 $0x80, s2;
	[tilespmem:s1+$0x11D80] =	vst v15;
	v15 =	vld.idx.msk [tilespmem:v8+s14+$0x0], $0xffff  }
0x4b5: {  	s19 =	sand.u32 $0x70, s30;
	s24 =	sand.u32 $0x400, s2;
	v8 =	vld.idx.msk [tilespmem:v10+s14+$0x0], $0xffff;
	[tilespmem:s4+$0x11500] =	vst v13  }
0x4b6: {  	s11 =	sor.u32 s19, s24;
	v13 =	vld.idx.msk [tilespmem:v14+s14+$0x0], $0xffff;
	[tilespmem:s3+$0x200] =	vst v18  }
0x4b7: {  	v10 =	vld.idx.msk [tilespmem:v16+s14+$0x0], $0xffff;
	[tilespmem:s11+$0x10400] =	vst v11  }
0x4b8: {  	v11 =	vld.idx.msk [tilespmem:v12+s14+$0x0], $0xffff  }
0x4b9: {  	v12 =	vor.u32 $0x2, v7;
	_ =	sdelay $0x2  }
0x4ba: {  	s8 =	sadd.s32 $0x10400, s11  }
0x4bb: {  	[tilespmem:s8+$0x80] =	vst v11  }
0x4bc: {  	v11 =	vld.idx.msk [tilespmem:v12+s14+$0x0], $0xffff  }
0x4bd: {  	v12 =	vor.u32 $0x3, v7;
	_ =	sdelay $0x3  }
0x4be: {  	[tilespmem:s8+$0x100] =	vst v11  }
0x4bf: {  	v11 =	vld.idx.msk [tilespmem:v12+s14+$0x0], $0xffff  }
0x4c0: {  	v12 =	vor.u32 $0x4, v7;
	_ =	sdelay $0x3  }
0x4c1: {  	[tilespmem:s8+$0x180] =	vst v11  }
0x4c2: {  	v11 =	vor.u32 $0x5, v6;
	v12 =	vld.idx.msk [tilespmem:v12+s14+$0x0], $0xffff  }
0x4c3: {  	v14 =	vor.u32 $0x5, v7;
	_ =	sdelay $0x3  }
0x4c4: {  	v11 =	vld.idx.msk [tilespmem:v11+s14+$0x0], $0xffff;
	[tilespmem:s8+$0x200] =	vst v12  }
0x4c5: {  	v12 =	vor.u32 $0x6, v6;
	v14 =	vld.idx.msk [tilespmem:v14+s14+$0x0], $0xffff  }
0x4c6: {  	v16 =	vor.u32 $0x6, v7;
	_ =	sdelay $0x2  }
0x4c7: {  	[tilespmem:s3+$0x280] =	vst v11  }
0x4c8: {  	v11 =	vld.idx.msk [tilespmem:v12+s14+$0x0], $0xffff;
	[tilespmem:s8+$0x280] =	vst v14  }
0x4c9: {  	v12 =	vor.u32 $0x7, v6;
	v14 =	vld.idx.msk [tilespmem:v16+s14+$0x0], $0xffff  }
0x4ca: {  	v16 =	vor.u32 $0x7, v7;
	_ =	sdelay $0x2  }
0x4cb: {  	[tilespmem:s3+$0x300] =	vst v11  }
0x4cc: {  	v11 =	vld.idx.msk [tilespmem:v12+s14+$0x0], $0xffff;
	[tilespmem:s8+$0x300] =	vst v14  }
0x4cd: {  	v12 =	vor.u32 $0x8, v6;
	v14 =	vld.idx.msk [tilespmem:v16+s14+$0x0], $0xffff  }
0x4ce: {  	v16 =	vor.u32 $0x8, v7  }
0x4cf: {  	s17 =	sor.u32 s17, s29  }
0x4d0: {  	s2 =	sor.u32 s2, s30;
	s3 =	sor.u32 $0x380, s17  }
0x4d1: {  	s2 =	sor.u32 $0x380, s2;
	[tilespmem:s3+$0x10400] =	vst v11  }
0x4d2: {  	v11 =	vld.idx.msk [tilespmem:v12+s14+$0x0], $0xffff;
	[tilespmem:s2+$0x10400] =	vst v14  }
0x4d3: {  	v12 =	vor.u32 $0x9, v6;
	v14 =	vld.idx.msk [tilespmem:v16+s14+$0x0], $0xffff  }
0x4d4: {  	v16 =	vor.u32 $0x9, v7;
	_ =	sdelay $0x2  }
0x4d5: {  	[tilespmem:s12+$0x10C00] =	vst v11  }
0x4d6: {  	v11 =	vor.u32 $0xA, v5;
	v12 =	vld.idx.msk [tilespmem:v12+s14+$0x0], $0xffff;
	[tilespmem:s11+$0x10C00] =	vst v14  }
0x4d7: {  	v14 =	vor.u32 $0xA, v6;
	v16 =	vld.idx.msk [tilespmem:v16+s14+$0x0], $0xffff  }
0x4d8: {  	v17 =	vor.u32 $0xA, v7;
	_ =	sdelay $0x1  }
0x4d9: {  	[tilespmem:s10+$0x10C80] =	vst v15  }
0x4da: {  	v11 =	vld.idx.msk [tilespmem:v11+s14+$0x0], $0xffff;
	[tilespmem:s12+$0x10C80] =	vst v12  }
0x4db: {  	v12 =	vor.u32 $0xB, v5;
	v14 =	vld.idx.msk [tilespmem:v14+s14+$0x0], $0xffff;
	[tilespmem:s11+$0x10C80] =	vst v16  }
0x4dc: {  	v15 =	vor.u32 $0xB, v6;
	v16 =	vld.idx.msk [tilespmem:v17+s14+$0x0], $0xffff  }
0x4dd: {  	v17 =	vor.u32 $0xB, v7;
	_ =	sdelay $0x1  }
0x4de: {  	[tilespmem:s10+$0x10D00] =	vst v11  }
0x4df: {  	v11 =	vld.idx.msk [tilespmem:v12+s14+$0x0], $0xffff;
	[tilespmem:s12+$0x10D00] =	vst v14  }
0x4e0: {  	v12 =	vor.u32 $0xC, v5;
	v14 =	vld.idx.msk [tilespmem:v15+s14+$0x0], $0xffff;
	[tilespmem:s11+$0x10D00] =	vst v16  }
0x4e1: {  	v15 =	vor.u32 $0xC, v6;
	v16 =	vld.idx.msk [tilespmem:v17+s14+$0x0], $0xffff  }
0x4e2: {  	v17 =	vor.u32 $0xC, v7;
	_ =	sdelay $0x1  }
0x4e3: {  	[tilespmem:s10+$0x10D80] =	vst v11  }
0x4e4: {  	v11 =	vld.idx.msk [tilespmem:v12+s14+$0x0], $0xffff;
	[tilespmem:s12+$0x10D80] =	vst v14  }
0x4e5: {  	v12 =	vor.u32 $0xD, v5;
	v14 =	vld.idx.msk [tilespmem:v15+s14+$0x0], $0xffff;
	[tilespmem:s11+$0x10D80] =	vst v16  }
0x4e6: {  	v15 =	vor.u32 $0xD, v6;
	v16 =	vld.idx.msk [tilespmem:v17+s14+$0x0], $0xffff  }
0x4e7: {  	v17 =	vor.u32 $0xD, v7;
	_ =	sdelay $0x1  }
0x4e8: {  	[tilespmem:s10+$0x10E00] =	vst v11  }
0x4e9: {  	v11 =	vld.idx.msk [tilespmem:v12+s14+$0x0], $0xffff;
	[tilespmem:s12+$0x10E00] =	vst v14  }
0x4ea: {  	v12 =	vor.u32 $0xE, v5;
	v14 =	vld.idx.msk [tilespmem:v15+s14+$0x0], $0xffff;
	[tilespmem:s11+$0x10E00] =	vst v16  }
0x4eb: {  	v15 =	vor.u32 $0xE, v6;
	v16 =	vld.idx.msk [tilespmem:v17+s14+$0x0], $0xffff  }
0x4ec: {  	v17 =	vor.u32 $0xE, v7;
	_ =	sdelay $0x1  }
0x4ed: {  	[tilespmem:s10+$0x10E80] =	vst v11  }
0x4ee: {  	v11 =	vor.u32 $0xF, v4;
	v12 =	vld.idx.msk [tilespmem:v12+s14+$0x0], $0xffff;
	[tilespmem:s12+$0x10E80] =	vst v14  }
0x4ef: {  	v14 =	vor.u32 $0xF, v5;
	v15 =	vld.idx.msk [tilespmem:v15+s14+$0x0], $0xffff;
	[tilespmem:s11+$0x10E80] =	vst v16  }
0x4f0: {  	v16 =	vor.u32 $0xF, v6;
	v17 =	vld.idx.msk [tilespmem:v17+s14+$0x0], $0xffff  }
0x4f1: {  	v18 =	vor.u32 $0xF, v7  }
0x4f2: {  	[tilespmem:s9+$0x10F00] =	vst v13  }
0x4f3: {  	v11 =	vld.idx.msk [tilespmem:v11+s14+$0x0], $0xffff;
	[tilespmem:s10+$0x10F00] =	vst v12  }
0x4f4: {  	v12 =	vor.u32 $0x10, v4;
	v13 =	vld.idx.msk [tilespmem:v14+s14+$0x0], $0xffff;
	[tilespmem:s12+$0x10F00] =	vst v15  }
0x4f5: {  	v14 =	vor.u32 $0x10, v5;
	v15 =	vld.idx.msk [tilespmem:v16+s14+$0x0], $0xffff;
	[tilespmem:s11+$0x10F00] =	vst v17  }
0x4f6: {  	v16 =	vor.u32 $0x10, v6;
	v17 =	vld.idx.msk [tilespmem:v18+s14+$0x0], $0xffff  }
0x4f7: {  	v18 =	vor.u32 $0x10, v7  }
0x4f8: {  	[tilespmem:s9+$0x10F80] =	vst v11  }
0x4f9: {  	v11 =	vld.idx.msk [tilespmem:v12+s14+$0x0], $0xffff;
	[tilespmem:s10+$0x10F80] =	vst v13  }
0x4fa: {  	v12 =	vor.u32 $0x11, v4;
	v13 =	vld.idx.msk [tilespmem:v14+s14+$0x0], $0xffff;
	[tilespmem:s12+$0x10F80] =	vst v15  }
0x4fb: {  	v14 =	vor.u32 $0x11, v5;
	v15 =	vld.idx.msk [tilespmem:v16+s14+$0x0], $0xffff;
	[tilespmem:s11+$0x10F80] =	vst v17  }
0x4fc: {  	v16 =	vor.u32 $0x11, v6;
	v17 =	vld.idx.msk [tilespmem:v18+s14+$0x0], $0xffff  }
0x4fd: {  	v18 =	vor.u32 $0x11, v7  }
0x4fe: {  	[tilespmem:s9+$0x11400] =	vst v11  }
0x4ff: {  	v11 =	vld.idx.msk [tilespmem:v12+s14+$0x0], $0xffff;
	[tilespmem:s10+$0x11400] =	vst v13  }
0x500: {  	v12 =	vor.u32 $0x12, v4;
	v13 =	vld.idx.msk [tilespmem:v14+s14+$0x0], $0xffff;
	[tilespmem:s12+$0x11400] =	vst v15  }
0x501: {  	v14 =	vor.u32 $0x12, v5;
	v15 =	vld.idx.msk [tilespmem:v16+s14+$0x0], $0xffff;
	[tilespmem:s11+$0x11400] =	vst v17  }
0x502: {  	v16 =	vor.u32 $0x12, v6;
	v17 =	vld.idx.msk [tilespmem:v18+s14+$0x0], $0xffff  }
0x503: {  	v18 =	vor.u32 $0x12, v7  }
0x504: {  	[tilespmem:s9+$0x11480] =	vst v11  }
0x505: {  	v11 =	vld.idx.msk [tilespmem:v12+s14+$0x0], $0xffff;
	[tilespmem:s10+$0x11480] =	vst v13  }
0x506: {  	v12 =	vor.u32 $0x13, v4;
	v13 =	vld.idx.msk [tilespmem:v14+s14+$0x0], $0xffff;
	[tilespmem:s12+$0x11480] =	vst v15  }
0x507: {  	v14 =	vor.u32 $0x13, v5;
	v15 =	vld.idx.msk [tilespmem:v16+s14+$0x0], $0xffff;
	[tilespmem:s11+$0x11480] =	vst v17  }
0x508: {  	v16 =	vor.u32 $0x13, v6;
	v17 =	vld.idx.msk [tilespmem:v18+s14+$0x0], $0xffff  }
0x509: {  	[tilespmem:s0+$0x11780] =	vst v9;
	v18 =	vor.u32 $0x13, v7  }
0x50a: {  	[tilespmem:s9+$0x11500] =	vst v11;
	v11 =	vor.u32 $0x14, v3  }
0x50b: {  	v12 =	vld.idx.msk [tilespmem:v12+s14+$0x0], $0xffff;
	[tilespmem:s10+$0x11500] =	vst v13  }
0x50c: {  	v13 =	vor.u32 $0x14, v4;
	v14 =	vld.idx.msk [tilespmem:v14+s14+$0x0], $0xffff;
	[tilespmem:s12+$0x11500] =	vst v15  }
0x50d: {  	v15 =	vor.u32 $0x14, v5;
	v16 =	vld.idx.msk [tilespmem:v16+s14+$0x0], $0xffff;
	[tilespmem:s11+$0x11500] =	vst v17  }
0x50e: {  	v9 =	vor.u32 $0x14, v6;
	[tilespmem:s4+$0x11580] =	vst v10;
	v17 =	vld.idx.msk [tilespmem:v18+s14+$0x0], $0xffff  }
0x50f: {  	[tilespmem:s1+$0x11E00] =	vst v8;
	v10 =	vor.u32 $0x14, v7;
	v11 =	vld.idx.msk [tilespmem:v11+s14+$0x0], $0xffff  }
0x510: {  	[tilespmem:s9+$0x11580] =	vst v12;
	v12 =	vor.u32 $0x15, v3  }
0x511: {  	v18 =	vor.u32 $0x18, v1;
	v13 =	vld.idx.msk [tilespmem:v13+s14+$0x0], $0xffff;
	[tilespmem:s10+$0x11580] =	vst v14  }
0x512: {  	v14 =	vor.u32 $0x15, v4;
	v15 =	vld.idx.msk [tilespmem:v15+s14+$0x0], $0xffff;
	[tilespmem:s12+$0x11580] =	vst v16  }
0x513: {  	v16 =	vor.u32 $0x15, v5;
	v9 =	vld.idx.msk [tilespmem:v9+s14+$0x0], $0xffff;
	[tilespmem:s11+$0x11580] =	vst v17  }
0x514: {  	v8 =	vor.u32 $0x15, v6;
	[tilespmem:s4+$0x11600] =	vst v11;
	v10 =	vld.idx.msk [tilespmem:v10+s14+$0x0], $0xffff  }
0x515: {  	v11 =	vor.u32 $0x15, v7;
	v12 =	vld.idx.msk [tilespmem:v12+s14+$0x0], $0xffff  }
0x516: {  	v17 =	vld.idx.msk [tilespmem:v18+s14+$0x0], $0xffff;
	v18 =	vor.u32 $0x1D, v2;
	[tilespmem:s9+$0x11600] =	vst v13  }
0x517: {  	v13 =	vor.u32 $0x16, v3;
	v14 =	vld.idx.msk [tilespmem:v14+s14+$0x0], $0xffff;
	[tilespmem:s10+$0x11600] =	vst v15  }
0x518: {  	v15 =	vor.u32 $0x16, v4;
	v16 =	vld.idx.msk [tilespmem:v16+s14+$0x0], $0xffff;
	[tilespmem:s12+$0x11600] =	vst v9  }
0x519: {  	v9 =	vor.u32 $0x16, v5;
	v8 =	vld.idx.msk [tilespmem:v8+s14+$0x0], $0xffff;
	[tilespmem:s11+$0x11600] =	vst v10  }
0x51a: {  	[tilespmem:s4+$0x11680] =	vst v12;
	v10 =	vor.u32 $0x16, v6;
	v11 =	vld.idx.msk [tilespmem:v11+s14+$0x0], $0xffff  }
0x51b: {  	v12 =	vor.u32 $0x16, v7;
	[tilespmem:s0+$0x11C00] =	vst v17;
	v17 =	vld.idx.msk [tilespmem:v18+s14+$0x0], $0xffff  }
0x51c: {  	v18 =	vor.u32 $0x19, v1;
	v13 =	vld.idx.msk [tilespmem:v13+s14+$0x0], $0xffff;
	[tilespmem:s9+$0x11680] =	vst v14  }
0x51d: {  	v14 =	vor.u32 $0x17, v3;
	v15 =	vld.idx.msk [tilespmem:v15+s14+$0x0], $0xffff;
	[tilespmem:s10+$0x11680] =	vst v16  }
0x51e: {  	v16 =	vor.u32 $0x17, v4;
	v9 =	vld.idx.msk [tilespmem:v9+s14+$0x0], $0xffff;
	[tilespmem:s12+$0x11680] =	vst v8  }
0x51f: {  	v8 =	vor.u32 $0x17, v5;
	v10 =	vld.idx.msk [tilespmem:v10+s14+$0x0], $0xffff;
	[tilespmem:s11+$0x11680] =	vst v11  }
0x520: {  	[tilespmem:s1+$0x11E80] =	vst v17;
	v11 =	vor.u32 $0x17, v6;
	v12 =	vld.idx.msk [tilespmem:v12+s14+$0x0], $0xffff  }
0x521: {  	v17 =	vld.idx.msk [tilespmem:v18+s14+$0x0], $0xffff;
	[tilespmem:s4+$0x11700] =	vst v13;
	v13 =	vor.u32 $0x17, v7  }
0x522: {  	v18 =	vor.u32 $0x1E, v2;
	v14 =	vld.idx.msk [tilespmem:v14+s14+$0x0], $0xffff;
	[tilespmem:s9+$0x11700] =	vst v15  }
0x523: {  	v15 =	vor.u32 $0x18, v3;
	v16 =	vld.idx.msk [tilespmem:v16+s14+$0x0], $0xffff;
	[tilespmem:s10+$0x11700] =	vst v9  }
0x524: {  	v9 =	vor.u32 $0x18, v4;
	v8 =	vld.idx.msk [tilespmem:v8+s14+$0x0], $0xffff;
	[tilespmem:s12+$0x11700] =	vst v10  }
0x525: {  	v10 =	vor.u32 $0x18, v5;
	v11 =	vld.idx.msk [tilespmem:v11+s14+$0x0], $0xffff;
	[tilespmem:s11+$0x11700] =	vst v12  }
0x526: {  	[tilespmem:s0+$0x11C80] =	vst v17;
	v12 =	vor.u32 $0x18, v6;
	v13 =	vld.idx.msk [tilespmem:v13+s14+$0x0], $0xffff  }
0x527: {  	v17 =	vld.idx.msk [tilespmem:v18+s14+$0x0], $0xffff;
	[tilespmem:s4+$0x11780] =	vst v14;
	v14 =	vor.u32 $0x18, v7  }
0x528: {  	v18 =	vor.u32 $0x1A, v1;
	v15 =	vld.idx.msk [tilespmem:v15+s14+$0x0], $0xffff;
	[tilespmem:s9+$0x11780] =	vst v16  }
0x529: {  	v16 =	vor.u32 $0x19, v3;
	v9 =	vld.idx.msk [tilespmem:v9+s14+$0x0], $0xffff;
	[tilespmem:s10+$0x11780] =	vst v8  }
0x52a: {  	v8 =	vor.u32 $0x19, v4;
	v10 =	vld.idx.msk [tilespmem:v10+s14+$0x0], $0xffff;
	[tilespmem:s12+$0x11780] =	vst v11  }
0x52b: {  	v11 =	vor.u32 $0x19, v5;
	v12 =	vld.idx.msk [tilespmem:v12+s14+$0x0], $0xffff;
	[tilespmem:s11+$0x11780] =	vst v13  }
0x52c: {  	[tilespmem:s1+$0x11F00] =	vst v17;
	v13 =	vor.u32 $0x19, v6;
	v14 =	vld.idx.msk [tilespmem:v14+s14+$0x0], $0xffff  }
0x52d: {  	v17 =	vld.idx.msk [tilespmem:v18+s14+$0x0], $0xffff;
	[tilespmem:s4+$0x11C00] =	vst v15;
	v15 =	vor.u32 $0x19, v7  }
0x52e: {  	v2 =	vor.u32 $0x1F, v2;
	v16 =	vld.idx.msk [tilespmem:v16+s14+$0x0], $0xffff;
	[tilespmem:s9+$0x11C00] =	vst v9  }
0x52f: {  	v9 =	vor.u32 $0x1A, v3;
	v8 =	vld.idx.msk [tilespmem:v8+s14+$0x0], $0xffff;
	[tilespmem:s10+$0x11C00] =	vst v10  }
0x530: {  	v10 =	vor.u32 $0x1A, v4;
	v11 =	vld.idx.msk [tilespmem:v11+s14+$0x0], $0xffff;
	[tilespmem:s12+$0x11C00] =	vst v12  }
0x531: {  	v12 =	vor.u32 $0x1A, v5;
	v13 =	vld.idx.msk [tilespmem:v13+s14+$0x0], $0xffff;
	[tilespmem:s11+$0x11C00] =	vst v14  }
0x532: {  	[tilespmem:s0+$0x11D00] =	vst v17;
	v14 =	vor.u32 $0x1A, v6;
	v15 =	vld.idx.msk [tilespmem:v15+s14+$0x0], $0xffff  }
0x533: {  	v2 =	vld.idx.msk [tilespmem:v2+s14+$0x0], $0xffff;
	[tilespmem:s4+$0x11C80] =	vst v16;
	v16 =	vor.u32 $0x1A, v7  }
0x534: {  	v17 =	vor.u32 $0x1B, v1;
	v9 =	vld.idx.msk [tilespmem:v9+s14+$0x0], $0xffff;
	[tilespmem:s9+$0x11C80] =	vst v8  }
0x535: {  	v8 =	vor.u32 $0x1B, v3;
	v10 =	vld.idx.msk [tilespmem:v10+s14+$0x0], $0xffff;
	[tilespmem:s10+$0x11C80] =	vst v11  }
0x536: {  	v11 =	vor.u32 $0x1B, v4;
	v12 =	vld.idx.msk [tilespmem:v12+s14+$0x0], $0xffff;
	[tilespmem:s12+$0x11C80] =	vst v13  }
0x537: {  	v13 =	vor.u32 $0x1B, v5;
	v14 =	vld.idx.msk [tilespmem:v14+s14+$0x0], $0xffff;
	[tilespmem:s11+$0x11C80] =	vst v15  }
0x538: {  	[tilespmem:s1+$0x11F80] =	vst v2;
	v2 =	vor.u32 $0x1B, v6;
	v15 =	vld.idx.msk [tilespmem:v16+s14+$0x0], $0xffff  }
0x539: {  	[tilespmem:s4+$0x11D00] =	vst v9;
	v9 =	vor.u32 $0x1B, v7;
	v16 =	vld.idx.msk [tilespmem:v17+s14+$0x0], $0xffff  }
0x53a: {  	v8 =	vld.idx.msk [tilespmem:v8+s14+$0x0], $0xffff;
	[tilespmem:s9+$0x11D00] =	vst v10;
	v17 =	vor.u32 $0x1C, v1  }
0x53b: {  	v10 =	vor.u32 $0x1C, v3;
	v11 =	vld.idx.msk [tilespmem:v11+s14+$0x0], $0xffff;
	[tilespmem:s10+$0x11D00] =	vst v12  }
0x53c: {  	v12 =	vor.u32 $0x1C, v4;
	v13 =	vld.idx.msk [tilespmem:v13+s14+$0x0], $0xffff;
	[tilespmem:s12+$0x11D00] =	vst v14  }
0x53d: {  	v14 =	vor.u32 $0x1C, v5;
	v2 =	vld.idx.msk [tilespmem:v2+s14+$0x0], $0xffff;
	[tilespmem:s11+$0x11D00] =	vst v15  }
0x53e: {  	[tilespmem:s0+$0x11D80] =	vst v16;
	v15 =	vor.u32 $0x1C, v6;
	v9 =	vld.idx.msk [tilespmem:v9+s14+$0x0], $0xffff  }
0x53f: {  	[tilespmem:s4+$0x11D80] =	vst v8;
	v8 =	vor.u32 $0x1C, v7;
	v16 =	vld.idx.msk [tilespmem:v17+s14+$0x0], $0xffff  }
0x540: {  	v10 =	vld.idx.msk [tilespmem:v10+s14+$0x0], $0xffff;
	[tilespmem:s9+$0x11D80] =	vst v11;
	v17 =	vor.u32 $0x1D, v1  }
0x541: {  	v11 =	vor.u32 $0x1D, v3;
	v12 =	vld.idx.msk [tilespmem:v12+s14+$0x0], $0xffff;
	[tilespmem:s10+$0x11D80] =	vst v13  }
0x542: {  	v13 =	vor.u32 $0x1D, v4;
	v14 =	vld.idx.msk [tilespmem:v14+s14+$0x0], $0xffff;
	[tilespmem:s12+$0x11D80] =	vst v2  }
0x543: {  	v2 =	vor.u32 $0x1D, v5;
	v15 =	vld.idx.msk [tilespmem:v15+s14+$0x0], $0xffff;
	[tilespmem:s11+$0x11D80] =	vst v9  }
0x544: {  	[tilespmem:s0+$0x11E00] =	vst v16;
	v9 =	vor.u32 $0x1D, v6;
	v8 =	vld.idx.msk [tilespmem:v8+s14+$0x0], $0xffff  }
0x545: {  	[tilespmem:s4+$0x11E00] =	vst v10;
	v10 =	vor.u32 $0x1D, v7;
	v16 =	vld.idx.msk [tilespmem:v17+s14+$0x0], $0xffff  }
0x546: {  	v11 =	vld.idx.msk [tilespmem:v11+s14+$0x0], $0xffff;
	[tilespmem:s9+$0x11E00] =	vst v12;
	v17 =	vor.u32 $0x1E, v1  }
0x547: {  	v12 =	vor.u32 $0x1E, v3;
	v13 =	vld.idx.msk [tilespmem:v13+s14+$0x0], $0xffff;
	[tilespmem:s10+$0x11E00] =	vst v14  }
0x548: {  	v14 =	vor.u32 $0x1E, v4;
	v2 =	vld.idx.msk [tilespmem:v2+s14+$0x0], $0xffff;
	[tilespmem:s12+$0x11E00] =	vst v15  }
0x549: {  	v15 =	vor.u32 $0x1E, v5;
	v9 =	vld.idx.msk [tilespmem:v9+s14+$0x0], $0xffff;
	[tilespmem:s11+$0x11E00] =	vst v8  }
0x54a: {  	[tilespmem:s0+$0x11E80] =	vst v16;
	v8 =	vor.u32 $0x1E, v6;
	v10 =	vld.idx.msk [tilespmem:v10+s14+$0x0], $0xffff  }
0x54b: {  	[tilespmem:s4+$0x11E80] =	vst v11;
	v11 =	vor.u32 $0x1E, v7;
	v16 =	vld.idx.msk [tilespmem:v17+s14+$0x0], $0xffff  }
0x54c: {  	v1 =	vor.u32 $0x1F, v1;
	v12 =	vld.idx.msk [tilespmem:v12+s14+$0x0], $0xffff;
	[tilespmem:s9+$0x11E80] =	vst v13  }
0x54d: {  	v3 =	vor.u32 $0x1F, v3;
	v13 =	vld.idx.msk [tilespmem:v14+s14+$0x0], $0xffff;
	[tilespmem:s10+$0x11E80] =	vst v2  }
0x54e: {  	v2 =	vor.u32 $0x1F, v4;
	v4 =	vld.idx.msk [tilespmem:v15+s14+$0x0], $0xffff;
	[tilespmem:s12+$0x11E80] =	vst v9  }
0x54f: {  	v5 =	vor.u32 $0x1F, v5;
	v8 =	vld.idx.msk [tilespmem:v8+s14+$0x0], $0xffff;
	[tilespmem:s11+$0x11E80] =	vst v10  }
0x550: {  	v6 =	vor.u32 $0x1F, v6;
	[tilespmem:s0+$0x11F00] =	vst v16;
	v9 =	vld.idx.msk [tilespmem:v11+s14+$0x0], $0xffff  }
0x551: {  	v7 =	vor.u32 $0x1F, v7;
	[tilespmem:s4+$0x11F00] =	vst v12;
	v1 =	vld.idx.msk [tilespmem:v1+s14+$0x0], $0xffff  }
0x552: {  	v3 =	vld.idx.msk [tilespmem:v3+s14+$0x0], $0xffff;
	[tilespmem:s9+$0x11F00] =	vst v13  }
0x553: {  	v2 =	vld.idx.msk [tilespmem:v2+s14+$0x0], $0xffff;
	[tilespmem:s10+$0x11F00] =	vst v4  }
0x554: {  	v4 =	vld.idx.msk [tilespmem:v5+s14+$0x0], $0xffff;
	[tilespmem:s12+$0x11F00] =	vst v8  }
0x555: {  	v5 =	vld.idx.msk [tilespmem:v6+s14+$0x0], $0xffff;
	[tilespmem:s11+$0x11F00] =	vst v9  }
0x556: {  	[tilespmem:s0+$0x11F80] =	vst v1;
	v1 =	vld.idx.msk [tilespmem:v7+s14+$0x0], $0xffff  }
0x557: {  	[tilespmem:s4+$0x11F80] =	vst v3  }
0x558: {  	[tilespmem:s9+$0x11F80] =	vst v2  }
0x559: {  	[tilespmem:s10+$0x11F80] =	vst v4  }
0x55a: {  	[tilespmem:s12+$0x11F80] =	vst v5  }
0x55b: {  	[tilespmem:s11+$0x11F80] =	vst v1  }
0x55c: {  	s19 =	simm.s32 $0x10400;
	s0 =	rddreg [dreg:$0x6]  }
0x55d: {  	[hbm4b:s0+s22] =	stream.strided.scatter [tilespmem:s19], [sflag:$0x5], $0x2000, s23, s22, $0x38;
	[tilespmem:$0x14400] =	vst v63  }
0x55e: {  	_ =	swait.ge [sflag:s26], $0x8000  }
0x55f: {  	[sflag:s26] =	ssyncset.done $0x0  }
0x560: {  	s24 =	simm.s32 $0x100;
	[sflag:s26] =	ssyncadd.s32 $0xFFFF8000  }
0x561: {  	v1 =	vld [tilespmem:s24+$0x0];
	_ =	sdelay $0x2  }
0x562: {  	s30 =	simm.s32 $0x0  }
0x563: {  	v2 =	vmov s30  }
0x564: {  	v2 =	vshll.u32 v2, $0x7;
	v1 =	vshll.u32 v1, $0x5  }
0x565: {  	v2 =	vor.u32 v0, v2;
	v1 =	vand.u32 $0x60, v1  }
0x566: {  	v7 =	vor.u32 v2, v1;
	_ =	sdelay $0x4  }
0x567: {  	v1 =	vld.idx.msk [tilespmem:v7+s20+$0x0], $0xffff  }
0x568: {  	v2 =	vor.u32 $0x1, v7;
	_ =	sdelay $0x1  }
0x569: {  	s8 =	sand.u32 $0x400, s30;
	s4 =	sand.u32 $0x70, s30  }
0x56a: {  	s10 =	sor.u32 s4, s8  }
0x56b: {  	[tilespmem:s10+$0x12400] =	vst v1  }
0x56c: {  	v1 =	vld.idx.msk [tilespmem:v2+s20+$0x0], $0xffff  }
0x56d: {  	v2 =	vor.u32 $0x2, v7;
	_ =	sdelay $0x2  }
0x56e: {  	s2 =	sadd.s32 $0x12400, s10  }
0x56f: {  	[tilespmem:s2+$0x80] =	vst v1  }
0x570: {  	v1 =	vld.idx.msk [tilespmem:v2+s20+$0x0], $0xffff  }
0x571: {  	v2 =	vor.u32 $0x3, v7;
	_ =	sdelay $0x1  }
0x572: {  	s9 =	simm.s32 $0x110  }
0x573: {  	v3 =	vld [tilespmem:s9+$0x0]  }
0x574: {  	[tilespmem:s2+$0x100] =	vst v1  }
0x575: {  	v1 =	vld.idx.msk [tilespmem:v2+s20+$0x0], $0xffff  }
0x576: {  	s3 =	simm.s32 $0x10;
	v4 =	vor.u32 $0x4, v7  }
0x577: {  	v2 =	vmov s3  }
0x578: {  	v3 =	vshll.u32 v3, $0x5;
	v2 =	vshll.u32 v2, $0x7  }
0x579: {  	v3 =	vand.u32 $0x60, v3;
	v2 =	vor.u32 v0, v2  }
0x57a: {  	v2 =	vor.u32 v2, v3;
	[tilespmem:s2+$0x180] =	vst v1  }
0x57b: {  	v1 =	vld.idx.msk [tilespmem:v4+s20+$0x0], $0xffff  }
0x57c: {  	v3 =	vor.u32 $0x5, v7;
	_ =	sdelay $0x2  }
0x57d: {  	v4 =	vld.idx.msk [tilespmem:v2+s20+$0x0], $0xffff  }
0x57e: {  	[tilespmem:s2+$0x200] =	vst v1;
	v1 =	vor.u32 $0x1, v2  }
0x57f: {  	s4 =	simm.s32 $0x80;
	v3 =	vld.idx.msk [tilespmem:v3+s20+$0x0], $0xffff  }
0x580: {  	s12 =	sand.u32 $0x400, s4;
	s11 =	sand.u32 $0x70, s3;
	v5 =	vor.u32 $0x6, v7  }
0x581: {  	s1 =	sor.u32 s11, s12  }
0x582: {  	[tilespmem:s1+$0x12400] =	vst v4  }
0x583: {  	v1 =	vld.idx.msk [tilespmem:v1+s20+$0x0], $0xffff  }
0x584: {  	[tilespmem:s2+$0x280] =	vst v3;
	v3 =	vor.u32 $0x2, v2  }
0x585: {  	v4 =	vld.idx.msk [tilespmem:v5+s20+$0x0], $0xffff  }
0x586: {  	v5 =	vor.u32 $0x7, v7  }
0x587: {  	s8 =	sadd.s32 $0x12400, s1  }
0x588: {  	[tilespmem:s8+$0x80] =	vst v1  }
0x589: {  	v1 =	vld.idx.msk [tilespmem:v3+s20+$0x0], $0xffff  }
0x58a: {  	v3 =	vor.u32 $0x3, v2;
	[tilespmem:s2+$0x300] =	vst v4  }
0x58b: {  	v4 =	vld.idx.msk [tilespmem:v5+s20+$0x0], $0xffff  }
0x58c: {  	s17 =	simm.s32 $0x120;
	v5 =	vor.u32 $0x8, v7  }
0x58d: {  	v6 =	vld [tilespmem:s17+$0x0]  }
0x58e: {  	s0 =	sor.u32 s30, s30;
	[tilespmem:s8+$0x100] =	vst v1  }
0x58f: {  	s0 =	sor.u32 $0x380, s0;
	v1 =	vld.idx.msk [tilespmem:v3+s20+$0x0], $0xffff  }
0x590: {  	s2 =	simm.s32 $0x20;
	v3 =	vor.u32 $0x4, v2;
	[tilespmem:s0+$0x12400] =	vst v4  }
0x591: {  	v4 =	vld.idx.msk [tilespmem:v5+s20+$0x0], $0xffff;
	v5 =	vmov s2  }
0x592: {  	v6 =	vshll.u32 v6, $0x5;
	v8 =	vor.u32 $0x9, v7;
	v5 =	vshll.u32 v5, $0x7  }
0x593: {  	v6 =	vand.u32 $0x60, v6;
	v5 =	vor.u32 v0, v5  }
0x594: {  	[tilespmem:s8+$0x180] =	vst v1;
	v1 =	vor.u32 v5, v6  }
0x595: {  	v3 =	vld.idx.msk [tilespmem:v3+s20+$0x0], $0xffff  }
0x596: {  	[tilespmem:s10+$0x12C00] =	vst v4;
	v4 =	vor.u32 $0x5, v2  }
0x597: {  	v5 =	vld.idx.msk [tilespmem:v8+s20+$0x0], $0xffff  }
0x598: {  	v6 =	vor.u32 $0xA, v7  }
0x599: {  	v8 =	vld.idx.msk [tilespmem:v1+s20+$0x0], $0xffff  }
0x59a: {  	[tilespmem:s8+$0x200] =	vst v3;
	v3 =	vor.u32 $0x1, v1  }
0x59b: {  	s9 =	simm.s32 $0x100;
	v4 =	vld.idx.msk [tilespmem:v4+s20+$0x0], $0xffff  }
0x59c: {  	s24 =	sand.u32 $0x400, s9;
	s19 =	sand.u32 $0x70, s2;
	[tilespmem:s10+$0x12C80] =	vst v5;
	v5 =	vor.u32 $0x6, v2  }
0x59d: {  	s0 =	sor.u32 s19, s24;
	v6 =	vld.idx.msk [tilespmem:v6+s20+$0x0], $0xffff  }
0x59e: {  	[tilespmem:s0+$0x12400] =	vst v8;
	v8 =	vor.u32 $0xB, v7  }
0x59f: {  	v3 =	vld.idx.msk [tilespmem:v3+s20+$0x0], $0xffff  }
0x5a0: {  	[tilespmem:s8+$0x280] =	vst v4;
	v4 =	vor.u32 $0x2, v1  }
0x5a1: {  	v5 =	vld.idx.msk [tilespmem:v5+s20+$0x0], $0xffff  }
0x5a2: {  	[tilespmem:s10+$0x12D00] =	vst v6;
	v6 =	vor.u32 $0x7, v2  }
0x5a3: {  	s30 =	sadd.s32 $0x12400, s0;
	v8 =	vld.idx.msk [tilespmem:v8+s20+$0x0], $0xffff  }
0x5a4: {  	[tilespmem:s30+$0x80] =	vst v3;
	v3 =	vor.u32 $0xC, v7  }
0x5a5: {  	v4 =	vld.idx.msk [tilespmem:v4+s20+$0x0], $0xffff  }
0x5a6: {  	[tilespmem:s8+$0x300] =	vst v5;
	v5 =	vor.u32 $0x3, v1  }
0x5a7: {  	v6 =	vld.idx.msk [tilespmem:v6+s20+$0x0], $0xffff  }
0x5a8: {  	[tilespmem:s10+$0x12D80] =	vst v8;
	v8 =	vor.u32 $0x8, v2  }
0x5a9: {  	s17 =	simm.s32 $0x130;
	v3 =	vld.idx.msk [tilespmem:v3+s20+$0x0], $0xffff  }
0x5aa: {  	v9 =	vld [tilespmem:s17+$0x0];
	s3 =	sor.u32 s4, s3;
	[tilespmem:s30+$0x100] =	vst v4;
	v4 =	vor.u32 $0xD, v7  }
0x5ab: {  	s3 =	sor.u32 $0x380, s3;
	v5 =	vld.idx.msk [tilespmem:v5+s20+$0x0], $0xffff  }
0x5ac: {  	[tilespmem:s3+$0x12400] =	vst v6;
	v6 =	vor.u32 $0x4, v1  }
0x5ad: {  	s3 =	simm.s32 $0x30;
	v8 =	vld.idx.msk [tilespmem:v8+s20+$0x0], $0xffff  }
0x5ae: {  	v10 =	vor.u32 $0x9, v2;
	[tilespmem:s10+$0x12E00] =	vst v3;
	v3 =	vmov s3  }
0x5af: {  	v9 =	vshll.u32 v9, $0x5;
	v4 =	vld.idx.msk [tilespmem:v4+s20+$0x0], $0xffff;
	v3 =	vshll.u32 v3, $0x7  }
0x5b0: {  	v9 =	vand.u32 $0x60, v9;
	v3 =	vor.u32 v0, v3;
	[tilespmem:s30+$0x180] =	vst v5;
	v5 =	vor.u32 $0xE, v7  }
0x5b1: {  	v3 =	vor.u32 v3, v9;
	v6 =	vld.idx.msk [tilespmem:v6+s20+$0x0], $0xffff  }
0x5b2: {  	[tilespmem:s1+$0x12C00] =	vst v8;
	v8 =	vor.u32 $0x5, v1  }
0x5b3: {  	v9 =	vld.idx.msk [tilespmem:v10+s20+$0x0], $0xffff  }
0x5b4: {  	[tilespmem:s10+$0x12E80] =	vst v4;
	v4 =	vor.u32 $0xA, v2  }
0x5b5: {  	v5 =	vld.idx.msk [tilespmem:v5+s20+$0x0], $0xffff  }
0x5b6: {  	v10 =	vld.idx.msk [tilespmem:v3+s20+$0x0], $0xffff;
	[tilespmem:s30+$0x200] =	vst v6;
	v6 =	vor.u32 $0xF, v7  }
0x5b7: {  	v11 =	vor.u32 $0x1, v3;
	v8 =	vld.idx.msk [tilespmem:v8+s20+$0x0], $0xffff  }
0x5b8: {  	s11 =	simm.s32 $0x180;
	[tilespmem:s1+$0x12C80] =	vst v9;
	v9 =	vor.u32 $0x6, v1  }
0x5b9: {  	s24 =	sand.u32 $0x400, s11;
	s19 =	sand.u32 $0x70, s3;
	v4 =	vld.idx.msk [tilespmem:v4+s20+$0x0], $0xffff  }
0x5ba: {  	s4 =	sor.u32 s19, s24;
	[tilespmem:s10+$0x12F00] =	vst v5;
	v5 =	vor.u32 $0xB, v2  }
0x5bb: {  	[tilespmem:s4+$0x12400] =	vst v10;
	v6 =	vld.idx.msk [tilespmem:v6+s20+$0x0], $0xffff  }
0x5bc: {  	v10 =	vld.idx.msk [tilespmem:v11+s20+$0x0], $0xffff;
	[tilespmem:s30+$0x280] =	vst v8;
	v8 =	vor.u32 $0x10, v7  }
0x5bd: {  	v11 =	vor.u32 $0x2, v3;
	v9 =	vld.idx.msk [tilespmem:v9+s20+$0x0], $0xffff  }
0x5be: {  	[tilespmem:s1+$0x12D00] =	vst v4;
	v4 =	vor.u32 $0x7, v1  }
0x5bf: {  	v5 =	vld.idx.msk [tilespmem:v5+s20+$0x0], $0xffff  }
0x5c0: {  	s19 =	sadd.s32 $0x12400, s4;
	[tilespmem:s10+$0x12F80] =	vst v6;
	v6 =	vor.u32 $0xC, v2  }
0x5c1: {  	[tilespmem:s19+$0x80] =	vst v10;
	v8 =	vld.idx.msk [tilespmem:v8+s20+$0x0], $0xffff  }
0x5c2: {  	v10 =	vld.idx.msk [tilespmem:v11+s20+$0x0], $0xffff;
	[tilespmem:s30+$0x300] =	vst v9;
	v9 =	vor.u32 $0x11, v7  }
0x5c3: {  	v11 =	vor.u32 $0x3, v3;
	v4 =	vld.idx.msk [tilespmem:v4+s20+$0x0], $0xffff  }
0x5c4: {  	[tilespmem:s1+$0x12D80] =	vst v5;
	v5 =	vor.u32 $0x8, v1  }
0x5c5: {  	s30 =	simm.s32 $0x140;
	v6 =	vld.idx.msk [tilespmem:v6+s20+$0x0], $0xffff  }
0x5c6: {  	s2 =	sor.u32 s9, s2;
	v12 =	vld [tilespmem:s30+$0x0];
	[tilespmem:s10+$0x13400] =	vst v8;
	v8 =	vor.u32 $0xD, v2  }
0x5c7: {  	s2 =	sor.u32 $0x380, s2;
	[tilespmem:s19+$0x100] =	vst v10;
	v9 =	vld.idx.msk [tilespmem:v9+s20+$0x0], $0xffff  }
0x5c8: {  	v10 =	vld.idx.msk [tilespmem:v11+s20+$0x0], $0xffff;
	[tilespmem:s2+$0x12400] =	vst v4;
	v4 =	vor.u32 $0x12, v7  }
0x5c9: {  	s2 =	simm.s32 $0x40;
	v11 =	vor.u32 $0x4, v3;
	v5 =	vld.idx.msk [tilespmem:v5+s20+$0x0], $0xffff  }
0x5ca: {  	v13 =	vor.u32 $0x9, v1;
	[tilespmem:s1+$0x12E00] =	vst v6;
	v6 =	vmov s2  }
0x5cb: {  	v12 =	vshll.u32 v12, $0x5;
	v8 =	vld.idx.msk [tilespmem:v8+s20+$0x0], $0xffff;
	v6 =	vshll.u32 v6, $0x7  }
0x5cc: {  	[tilespmem:s10+$0x13480] =	vst v9;
	v9 =	vand.u32 $0x60, v12;
	v6 =	vor.u32 v0, v6;
	v12 =	vor.u32 $0xE, v2  }
0x5cd: {  	[tilespmem:s19+$0x180] =	vst v10;
	v10 =	vld.idx.msk [tilespmem:v4+s20+$0x0], $0xffff;
	v4 =	vor.u32 v6, v9  }
0x5ce: {  	v6 =	vld.idx.msk [tilespmem:v11+s20+$0x0], $0xffff;
	[tilespmem:s0+$0x12C00] =	vst v5;
	v5 =	vor.u32 $0x13, v7  }
0x5cf: {  	v9 =	vor.u32 $0x5, v3;
	v11 =	vld.idx.msk [tilespmem:v13+s20+$0x0], $0xffff  }
0x5d0: {  	[tilespmem:s1+$0x12E80] =	vst v8;
	v8 =	vor.u32 $0xA, v1  }
0x5d1: {  	v12 =	vld.idx.msk [tilespmem:v12+s20+$0x0], $0xffff  }
0x5d2: {  	v13 =	vld.idx.msk [tilespmem:v4+s20+$0x0], $0xffff;
	[tilespmem:s10+$0x13500] =	vst v10;
	v10 =	vor.u32 $0xF, v2  }
0x5d3: {  	[tilespmem:s19+$0x200] =	vst v6;
	v5 =	vld.idx.msk [tilespmem:v5+s20+$0x0], $0xffff;
	v6 =	vor.u32 $0x1, v4  }
0x5d4: {  	s12 =	simm.s32 $0x200;
	v9 =	vld.idx.msk [tilespmem:v9+s20+$0x0], $0xffff;
	[tilespmem:s0+$0x12C80] =	vst v11;
	v11 =	vor.u32 $0x14, v7  }
0x5d5: {  	s17 =	sand.u32 $0x400, s12;
	v14 =	vor.u32 $0x6, v3;
	s9 =	sand.u32 $0x70, s2;
	v8 =	vld.idx.msk [tilespmem:v8+s20+$0x0], $0xffff  }
0x5d6: {  	s9 =	sor.u32 s9, s17;
	[tilespmem:s1+$0x12F00] =	vst v12;
	v12 =	vor.u32 $0xB, v1  }
0x5d7: {  	[tilespmem:s9+$0x12400] =	vst v13;
	v10 =	vld.idx.msk [tilespmem:v10+s20+$0x0], $0xffff  }
0x5d8: {  	v6 =	vld.idx.msk [tilespmem:v6+s20+$0x0], $0xffff;
	[tilespmem:s10+$0x13580] =	vst v5;
	v5 =	vor.u32 $0x10, v2  }
0x5d9: {  	[tilespmem:s19+$0x280] =	vst v9;
	v9 =	vld.idx.msk [tilespmem:v11+s20+$0x0], $0xffff;
	v11 =	vor.u32 $0x2, v4  }
0x5da: {  	v13 =	vld.idx.msk [tilespmem:v14+s20+$0x0], $0xffff;
	[tilespmem:s0+$0x12D00] =	vst v8;
	v8 =	vor.u32 $0x15, v7  }
0x5db: {  	v14 =	vor.u32 $0x7, v3;
	v12 =	vld.idx.msk [tilespmem:v12+s20+$0x0], $0xffff  }
0x5dc: {  	s17 =	sadd.s32 $0x12400, s9;
	[tilespmem:s1+$0x12F80] =	vst v10;
	v10 =	vor.u32 $0xC, v1  }
0x5dd: {  	[tilespmem:s17+$0x80] =	vst v6;
	v5 =	vld.idx.msk [tilespmem:v5+s20+$0x0], $0xffff  }
0x5de: {  	v6 =	vld.idx.msk [tilespmem:v11+s20+$0x0], $0xffff;
	[tilespmem:s10+$0x13600] =	vst v9;
	v9 =	vor.u32 $0x11, v2  }
0x5df: {  	v11 =	vor.u32 $0x3, v4;
	[tilespmem:s19+$0x300] =	vst v13;
	v8 =	vld.idx.msk [tilespmem:v8+s20+$0x0], $0xffff  }
0x5e0: {  	v13 =	vld.idx.msk [tilespmem:v14+s20+$0x0], $0xffff;
	[tilespmem:s0+$0x12D80] =	vst v12;
	v12 =	vor.u32 $0x16, v7  }
0x5e1: {  	s24 =	simm.s32 $0x150;
	v14 =	vor.u32 $0x8, v3;
	v10 =	vld.idx.msk [tilespmem:v10+s20+$0x0], $0xffff  }
0x5e2: {  	v15 =	vld [tilespmem:s24+$0x0];
	[tilespmem:s1+$0x13400] =	vst v5;
	v5 =	vor.u32 $0xD, v1  }
0x5e3: {  	s3 =	sor.u32 s11, s3;
	[tilespmem:s17+$0x100] =	vst v6;
	v6 =	vld.idx.msk [tilespmem:v9+s20+$0x0], $0xffff  }
0x5e4: {  	s3 =	sor.u32 $0x380, s3;
	v9 =	vld.idx.msk [tilespmem:v11+s20+$0x0], $0xffff;
	[tilespmem:s10+$0x13680] =	vst v8;
	v8 =	vor.u32 $0x12, v2  }
0x5e5: {  	s28 =	simm.s32 $0x50;
	[tilespmem:s3+$0x12400] =	vst v13;
	v11 =	vld.idx.msk [tilespmem:v12+s20+$0x0], $0xffff;
	v12 =	vor.u32 $0x4, v4  }
0x5e6: {  	v13 =	vld.idx.msk [tilespmem:v14+s20+$0x0], $0xffff;
	[tilespmem:s0+$0x12E00] =	vst v10;
	v10 =	vor.u32 $0x17, v7;
	v14 =	vmov s28  }
0x5e7: {  	v16 =	vor.u32 $0x9, v3;
	s30 =	simm.s32 $0x160;
	v17 =	vld.idx.msk [tilespmem:v5+s20+$0x0], $0xffff;
	v5 =	vshll.u32 v15, $0x5;
	v14 =	vshll.u32 v14, $0x7  }
0x5e8: {  	v15 =	vld [tilespmem:s30+$0x0];
	[tilespmem:s1+$0x13480] =	vst v6;
	v5 =	vand.u32 $0x60, v5;
	v6 =	vor.u32 v0, v14;
	v14 =	vor.u32 $0xE, v1  }
0x5e9: {  	[tilespmem:s17+$0x180] =	vst v9;
	v8 =	vld.idx.msk [tilespmem:v8+s20+$0x0], $0xffff;
	v5 =	vor.u32 v6, v5  }
0x5ea: {  	v9 =	vor.u32 $0x13, v2;
	v6 =	vld.idx.msk [tilespmem:v12+s20+$0x0], $0xffff;
	[tilespmem:s10+$0x13700] =	vst v11  }
0x5eb: {  	v11 =	vor.u32 $0x5, v4;
	[tilespmem:s4+$0x12C00] =	vst v13;
	v10 =	vld.idx.msk [tilespmem:v10+s20+$0x0], $0xffff  }
0x5ec: {  	v13 =	vor.u32 $0x18, v7;
	v12 =	vld.idx.msk [tilespmem:v16+s20+$0x0], $0xffff;
	[tilespmem:s0+$0x12E80] =	vst v17  }
0x5ed: {  	v16 =	vor.u32 $0xA, v3;
	v14 =	vld.idx.msk [tilespmem:v14+s20+$0x0], $0xffff  }
0x5ee: {  	v17 =	vld.idx.msk [tilespmem:v5+s20+$0x0], $0xffff;
	[tilespmem:s1+$0x13500] =	vst v8;
	v8 =	vor.u32 $0xF, v1  }
0x5ef: {  	[tilespmem:s17+$0x200] =	vst v6;
	v6 =	vld.idx.msk [tilespmem:v9+s20+$0x0], $0xffff;
	v9 =	vor.u32 $0x1, v5  }
0x5f0: {  	s29 =	simm.s32 $0x280;
	v11 =	vld.idx.msk [tilespmem:v11+s20+$0x0], $0xffff;
	[tilespmem:s10+$0x13780] =	vst v10;
	v10 =	vor.u32 $0x14, v2  }
0x5f1: {  	s8 =	sand.u32 $0x70, s28;
	s11 =	sand.u32 $0x400, s29;
	[tilespmem:s4+$0x12C80] =	vst v12;
	v12 =	vld.idx.msk [tilespmem:v13+s20+$0x0], $0xffff;
	v13 =	vor.u32 $0x6, v4  }
0x5f2: {  	s11 =	sor.u32 s8, s11;
	v16 =	vld.idx.msk [tilespmem:v16+s20+$0x0], $0xffff;
	[tilespmem:s0+$0x12F00] =	vst v14;
	v14 =	vor.u32 $0x19, v7  }
0x5f3: {  	[tilespmem:s11+$0x12400] =	vst v17;
	v17 =	vor.u32 $0xB, v3;
	v8 =	vld.idx.msk [tilespmem:v8+s20+$0x0], $0xffff  }
0x5f4: {  	v9 =	vld.idx.msk [tilespmem:v9+s20+$0x0], $0xffff;
	[tilespmem:s1+$0x13580] =	vst v6;
	v6 =	vor.u32 $0x10, v1  }
0x5f5: {  	[tilespmem:s17+$0x280] =	vst v11;
	v10 =	vld.idx.msk [tilespmem:v10+s20+$0x0], $0xffff;
	v11 =	vor.u32 $0x2, v5  }
0x5f6: {  	v13 =	vld.idx.msk [tilespmem:v13+s20+$0x0], $0xffff;
	[tilespmem:s10+$0x13C00] =	vst v12;
	v12 =	vor.u32 $0x15, v2  }
0x5f7: {  	[tilespmem:s4+$0x12D00] =	vst v16;
	v14 =	vld.idx.msk [tilespmem:v14+s20+$0x0], $0xffff;
	v16 =	vor.u32 $0x7, v4  }
0x5f8: {  	s24 =	sadd.s32 $0x12400, s11;
	v17 =	vld.idx.msk [tilespmem:v17+s20+$0x0], $0xffff;
	[tilespmem:s0+$0x12F80] =	vst v8;
	v8 =	vor.u32 $0x1A, v7  }
0x5f9: {  	[tilespmem:s24+$0x80] =	vst v9;
	v9 =	vor.u32 $0xC, v3;
	v6 =	vld.idx.msk [tilespmem:v6+s20+$0x0], $0xffff  }
0x5fa: {  	v11 =	vld.idx.msk [tilespmem:v11+s20+$0x0], $0xffff;
	[tilespmem:s1+$0x13600] =	vst v10;
	v10 =	vor.u32 $0x11, v1  }
0x5fb: {  	[tilespmem:s17+$0x300] =	vst v13;
	v12 =	vld.idx.msk [tilespmem:v12+s20+$0x0], $0xffff;
	v13 =	vor.u32 $0x3, v5  }
0x5fc: {  	v16 =	vld.idx.msk [tilespmem:v16+s20+$0x0], $0xffff;
	[tilespmem:s10+$0x13C80] =	vst v14;
	v14 =	vor.u32 $0x16, v2  }
0x5fd: {  	[tilespmem:s4+$0x12D80] =	vst v17;
	v8 =	vld.idx.msk [tilespmem:v8+s20+$0x0], $0xffff;
	v17 =	vor.u32 $0x8, v4  }
0x5fe: {  	v9 =	vld.idx.msk [tilespmem:v9+s20+$0x0], $0xffff;
	[tilespmem:s0+$0x13400] =	vst v6  }
0x5ff: {  	s2 =	sor.u32 s12, s2;
	v6 =	vor.u32 $0x1B, v7;
	[tilespmem:s24+$0x100] =	vst v11;
	v10 =	vld.idx.msk [tilespmem:v10+s20+$0x0], $0xffff  }
0x600: {  	s2 =	sor.u32 $0x380, s2;
	v11 =	vor.u32 $0xD, v3;
	v13 =	vld.idx.msk [tilespmem:v13+s20+$0x0], $0xffff;
	[tilespmem:s1+$0x13680] =	vst v12  }
0x601: {  	v12 =	vor.u32 $0x12, v1;
	[tilespmem:s2+$0x12400] =	vst v16;
	v14 =	vld.idx.msk [tilespmem:v14+s20+$0x0], $0xffff  }
0x602: {  	v16 =	vor.u32 $0x4, v5;
	s2 =	simm.s32 $0x170;
	v17 =	vld.idx.msk [tilespmem:v17+s20+$0x0], $0xffff;
	[tilespmem:s10+$0x13D00] =	vst v8  }
0x603: {  	s3 =	simm.s32 $0x60;
	v8 =	vld [tilespmem:s2+$0x0];
	[tilespmem:s4+$0x12E00] =	vst v9;
	v9 =	vor.u32 $0x17, v2  }
0x604: {  	v19 =	vor.u32 $0x9, v4;
	v18 =	vld.idx.msk [tilespmem:v6+s20+$0x0], $0xffff;
	v6 =	vmov s3  }
0x605: {  	v15 =	vshll.u32 v15, $0x5;
	v11 =	vld.idx.msk [tilespmem:v11+s20+$0x0], $0xffff;
	v6 =	vshll.u32 v6, $0x7;
	[tilespmem:s0+$0x13480] =	vst v10;
	v10 =	vor.u32 $0x1C, v7  }
0x606: {  	v15 =	vand.u32 $0x60, v15;
	v6 =	vor.u32 v0, v6;
	[tilespmem:s24+$0x180] =	vst v13;
	v13 =	vor.u32 $0xE, v3;
	v12 =	vld.idx.msk [tilespmem:v12+s20+$0x0], $0xffff  }
0x607: {  	v6 =	vor.u32 v6, v15;
	v15 =	vld.idx.msk [tilespmem:v16+s20+$0x0], $0xffff;
	[tilespmem:s1+$0x13700] =	vst v14  }
0x608: {  	v14 =	vor.u32 $0x13, v1;
	[tilespmem:s9+$0x12C00] =	vst v17;
	v9 =	vld.idx.msk [tilespmem:v9+s20+$0x0], $0xffff  }
0x609: {  	v16 =	vor.u32 $0x5, v5;
	v17 =	vld.idx.msk [tilespmem:v19+s20+$0x0], $0xffff;
	[tilespmem:s10+$0x13D80] =	vst v18  }
0x60a: {  	[tilespmem:s4+$0x12E80] =	vst v11;
	v11 =	vor.u32 $0x18, v2;
	v10 =	vld.idx.msk [tilespmem:v10+s20+$0x0], $0xffff  }
0x60b: {  	v18 =	vor.u32 $0xA, v4;
	v13 =	vld.idx.msk [tilespmem:v13+s20+$0x0], $0xffff  }
0x60c: {  	[tilespmem:s0+$0x13500] =	vst v12;
	v12 =	vor.u32 $0x1D, v7;
	v19 =	vld.idx.msk [tilespmem:v6+s20+$0x0], $0xffff  }
0x60d: {  	[tilespmem:s24+$0x200] =	vst v15;
	v15 =	vor.u32 $0xF, v3;
	v14 =	vld.idx.msk [tilespmem:v14+s20+$0x0], $0xffff  }
0x60e: {  	v20 =	vor.u32 $0x1, v6;
	v16 =	vld.idx.msk [tilespmem:v16+s20+$0x0], $0xffff;
	[tilespmem:s1+$0x13780] =	vst v9  }
0x60f: {  	s17 =	simm.s32 $0x300;
	[tilespmem:s9+$0x12C80] =	vst v17;
	v9 =	vor.u32 $0x14, v1;
	v11 =	vld.idx.msk [tilespmem:v11+s20+$0x0], $0xffff  }
0x610: {  	s12 =	sand.u32 $0x70, s3;
	s19 =	sand.u32 $0x400, s17;
	v17 =	vor.u32 $0x6, v5;
	v18 =	vld.idx.msk [tilespmem:v18+s20+$0x0], $0xffff;
	[tilespmem:s10+$0x13E00] =	vst v10  }
0x611: {  	s12 =	sor.u32 s12, s19;
	v10 =	vor.u32 $0x19, v2;
	[tilespmem:s4+$0x12F00] =	vst v13;
	v12 =	vld.idx.msk [tilespmem:v12+s20+$0x0], $0xffff  }
0x612: {  	v13 =	vor.u32 $0xB, v4;
	[tilespmem:s12+$0x12400] =	vst v19;
	v15 =	vld.idx.msk [tilespmem:v15+s20+$0x0], $0xffff  }
0x613: {  	[tilespmem:s0+$0x13580] =	vst v14;
	v14 =	vor.u32 $0x1E, v7;
	v19 =	vld.idx.msk [tilespmem:v20+s20+$0x0], $0xffff  }
0x614: {  	[tilespmem:s24+$0x280] =	vst v16;
	v16 =	vor.u32 $0x10, v3;
	v9 =	vld.idx.msk [tilespmem:v9+s20+$0x0], $0xffff  }
0x615: {  	v20 =	vor.u32 $0x2, v6;
	v17 =	vld.idx.msk [tilespmem:v17+s20+$0x0], $0xffff;
	[tilespmem:s1+$0x13C00] =	vst v11  }
0x616: {  	[tilespmem:s9+$0x12D00] =	vst v18;
	v11 =	vor.u32 $0x15, v1;
	v10 =	vld.idx.msk [tilespmem:v10+s20+$0x0], $0xffff  }
0x617: {  	v18 =	vor.u32 $0x7, v5;
	v13 =	vld.idx.msk [tilespmem:v13+s20+$0x0], $0xffff;
	[tilespmem:s10+$0x13E80] =	vst v12  }
0x618: {  	s19 =	sadd.s32 $0x12400, s12;
	v12 =	vor.u32 $0x1A, v2;
	[tilespmem:s4+$0x12F80] =	vst v15;
	v15 =	vld.idx.msk [tilespmem:v14+s20+$0x0], $0xffff  }
0x619: {  	v14 =	vor.u32 $0xC, v4;
	[tilespmem:s19+$0x80] =	vst v19;
	v19 =	vld.idx.msk [tilespmem:v16+s20+$0x0], $0xffff  }
0x61a: {  	v7 =	vor.u32 $0x1F, v7;
	v20 =	vld.idx.msk [tilespmem:v20+s20+$0x0], $0xffff;
	[tilespmem:s0+$0x13600] =	vst v9  }
0x61b: {  	[tilespmem:s24+$0x300] =	vst v17;
	v9 =	vor.u32 $0x11, v3;
	v21 =	vld.idx.msk [tilespmem:v11+s20+$0x0], $0xffff  }
0x61c: {  	v22 =	vor.u32 $0x3, v6;
	v16 =	vld.idx.msk [tilespmem:v18+s20+$0x0], $0xffff;
	[tilespmem:s1+$0x13C80] =	vst v10  }
0x61d: {  	[tilespmem:s9+$0x12D80] =	vst v13;
	v13 =	vor.u32 $0x16, v1;
	v12 =	vld.idx.msk [tilespmem:v12+s20+$0x0], $0xffff  }
0x61e: {  	v17 =	vor.u32 $0x8, v5;
	v14 =	vld.idx.msk [tilespmem:v14+s20+$0x0], $0xffff;
	[tilespmem:s10+$0x13F00] =	vst v15  }
0x61f: {  	v10 =	vor.u32 $0x1B, v2;
	[tilespmem:s4+$0x13400] =	vst v19;
	v11 =	vld.idx.msk [tilespmem:v7+s20+$0x0], $0xffff  }
0x620: {  	s30 =	sor.u32 s29, s28;
	s29 =	simm.s32 $0x80;
	v15 =	vor.u32 $0xD, v4;
	[tilespmem:s19+$0x100] =	vst v20;
	v9 =	vld.idx.msk [tilespmem:v9+s20+$0x0], $0xffff  }
0x621: {  	s28 =	simm.s32 $0x300;
	s8 =	sor.u32 $0x380, s30;
	s24 =	simm.s32 $0x70;
	v18 =	vld.idx.msk [tilespmem:v22+s20+$0x0], $0xffff;
	[tilespmem:s0+$0x13680] =	vst v21  }
.LBB2_10:
0x622: {  	p0 =	sne.s32 s29, $0xF0;
	[tilespmem:s8+$0x12400] =	vst v16;
	v7 =	vor.u32 $0x12, v3;
	v13 =	vld.idx.msk [tilespmem:v13+s20+$0x0], $0xffff  }
0x623: {  	v16 =	vor.u32 $0x4, v6;
	v17 =	vld.idx.msk [tilespmem:v17+s20+$0x0], $0xffff;
	[tilespmem:s1+$0x13D00] =	vst v12  }
0x624: {  	v12 =	vor.u32 $0x17, v1;
	[tilespmem:s9+$0x12E00] =	vst v14;
	v10 =	vld.idx.msk [tilespmem:v10+s20+$0x0], $0xffff  }
0x625: {  	s2 =	sadd.s32 $0x10, s2;
	v19 =	vor.u32 $0x9, v5;
	v14 =	vmov s24;
	v15 =	vld.idx.msk [tilespmem:v15+s20+$0x0], $0xffff;
	[tilespmem:s10+$0x13F80] =	vst v11;
	s10 =	smov.u32 s1;
	s1 =	smov.u32 s0  }
0x626: {  	v11 =	vshll.u32 v8, $0x5;
	v14 =	vshll.u32 v14, $0x7;
	s0 =	smov.u32 s4;
	v8 =	vld [tilespmem:s2+$0x0];
	[tilespmem:s4+$0x13480] =	vst v9;
	v9 =	vor.u32 $0x1C, v2;
	s4 =	smov.u32 s9;
	s9 =	smov.u32 s11  }
0x627: {  	v11 =	vand.u32 $0x60, v11;
	v14 =	vor.u32 v0, v14;
	s11 =	smov.u32 s12;
	[tilespmem:s19+$0x180] =	vst v18;
	v18 =	vor.u32 $0xE, v4;
	v7 =	vld.idx.msk [tilespmem:v7+s20+$0x0], $0xffff  }
0x628: {  	v11 =	vor.u32 v14, v11;
	v14 =	vld.idx.msk [tilespmem:v16+s20+$0x0], $0xffff;
	[tilespmem:s1+$0x13700] =	vst v13  }
0x629: {  	v13 =	vor.u32 $0x13, v3;
	[tilespmem:s9+$0x12C00] =	vst v17;
	v12 =	vld.idx.msk [tilespmem:v12+s20+$0x0], $0xffff  }
0x62a: {  	v16 =	vor.u32 $0x5, v6;
	v17 =	vld.idx.msk [tilespmem:v19+s20+$0x0], $0xffff;
	[tilespmem:s10+$0x13D80] =	vst v10  }
0x62b: {  	v10 =	vor.u32 $0x18, v1;
	[tilespmem:s4+$0x12E80] =	vst v15;
	v9 =	vld.idx.msk [tilespmem:v9+s20+$0x0], $0xffff  }
0x62c: {  	v15 =	vor.u32 $0xA, v5;
	v18 =	vld.idx.msk [tilespmem:v18+s20+$0x0], $0xffff  }
0x62d: {  	v19 =	vld.idx.msk [tilespmem:v11+s20+$0x0], $0xffff;
	[tilespmem:s0+$0x13500] =	vst v7;
	v7 =	vor.u32 $0x1D, v2  }
0x62e: {  	[tilespmem:s19+$0x200] =	vst v14;
	v14 =	vor.u32 $0xF, v4;
	v13 =	vld.idx.msk [tilespmem:v13+s20+$0x0], $0xffff  }
0x62f: {  	v20 =	vor.u32 $0x1, v11;
	v16 =	vld.idx.msk [tilespmem:v16+s20+$0x0], $0xffff;
	[tilespmem:s1+$0x13780] =	vst v12  }
0x630: {  	s17 =	sadd.s32 $0x80, s17;
	v12 =	vor.u32 $0x14, v3;
	[tilespmem:s9+$0x12C80] =	vst v17;
	v10 =	vld.idx.msk [tilespmem:v10+s20+$0x0], $0xffff  }
0x631: {  	s8 =	sand.u32 $0x70, s24;
	s12 =	sand.u32 $0x400, s17;
	v17 =	vor.u32 $0x6, v6;
	v15 =	vld.idx.msk [tilespmem:v15+s20+$0x0], $0xffff;
	[tilespmem:s10+$0x13E00] =	vst v9  }
0x632: {  	s12 =	sor.u32 s8, s12;
	v9 =	vor.u32 $0x19, v1;
	[tilespmem:s4+$0x12F00] =	vst v18;
	v7 =	vld.idx.msk [tilespmem:v7+s20+$0x0], $0xffff  }
0x633: {  	v18 =	vor.u32 $0xB, v5;
	[tilespmem:s12+$0x12400] =	vst v19;
	v14 =	vld.idx.msk [tilespmem:v14+s20+$0x0], $0xffff  }
0x634: {  	v19 =	vld.idx.msk [tilespmem:v20+s20+$0x0], $0xffff;
	[tilespmem:s0+$0x13580] =	vst v13;
	v13 =	vor.u32 $0x1E, v2  }
0x635: {  	[tilespmem:s19+$0x280] =	vst v16;
	v16 =	vor.u32 $0x10, v4;
	v12 =	vld.idx.msk [tilespmem:v12+s20+$0x0], $0xffff  }
0x636: {  	v20 =	vor.u32 $0x2, v11;
	v17 =	vld.idx.msk [tilespmem:v17+s20+$0x0], $0xffff;
	[tilespmem:s1+$0x13C00] =	vst v10  }
0x637: {  	v10 =	vor.u32 $0x15, v3;
	[tilespmem:s9+$0x12D00] =	vst v15;
	v9 =	vld.idx.msk [tilespmem:v9+s20+$0x0], $0xffff  }
0x638: {  	v15 =	vor.u32 $0x7, v6;
	v18 =	vld.idx.msk [tilespmem:v18+s20+$0x0], $0xffff;
	[tilespmem:s10+$0x13E80] =	vst v7  }
0x639: {  	s8 =	sadd.s32 $0x12400, s12;
	v7 =	vor.u32 $0x1A, v1;
	[tilespmem:s4+$0x12F80] =	vst v14;
	v21 =	vld.idx.msk [tilespmem:v13+s20+$0x0], $0xffff  }
0x63a: {  	v14 =	vor.u32 $0xC, v5;
	[tilespmem:s8+$0x80] =	vst v19;
	v19 =	vld.idx.msk [tilespmem:v16+s20+$0x0], $0xffff  }
0x63b: {  	v22 =	vor.u32 $0x1F, v2;
	v2 =	vmovc v1;
	v1 =	vmovc v3;
	v3 =	vmov v4;
	v4 =	vmov v5;
	v20 =	vld.idx.msk [tilespmem:v20+s20+$0x0], $0xffff;
	[tilespmem:s0+$0x13600] =	vst v12  }
0x63c: {  	v23 =	vor.u32 $0x11, v3;
	v5 =	vmov v6;
	v6 =	vmov v11;
	[tilespmem:s19+$0x300] =	vst v17;
	v24 =	vld.idx.msk [tilespmem:v10+s20+$0x0], $0xffff;
	s19 =	smov.u32 s8  }
0x63d: {  	v25 =	vor.u32 $0x3, v6;
	v16 =	vld.idx.msk [tilespmem:v15+s20+$0x0], $0xffff;
	[tilespmem:s1+$0x13C80] =	vst v9  }
.Ltmp4:
0x63e: {  	v13 =	vor.u32 $0x16, v1;
	[tilespmem:s9+$0x12D80] =	vst v18;
	v12 =	vld.idx.msk [tilespmem:v7+s20+$0x0], $0xffff;
	(pc) =	sbr.rel @p0 .LBB2_10-.Ltmp4, $4  }
0x63f: {  	v17 =	vor.u32 $0x8, v5;
	v14 =	vld.idx.msk [tilespmem:v14+s20+$0x0], $0xffff;
	[tilespmem:s10+$0x13F00] =	vst v21  }
0x640: {  	v10 =	vor.u32 $0x1B, v2;
	[tilespmem:s4+$0x13400] =	vst v19;
	v11 =	vld.idx.msk [tilespmem:v22+s20+$0x0], $0xffff  }
0x641: {  	s8 =	sor.u32 s28, s3;
	s28 =	smov.u32 s17;
	s3 =	smov.u32 s24;
	v15 =	vor.u32 $0xD, v4;
	[tilespmem:s19+$0x100] =	vst v20;
	v9 =	vld.idx.msk [tilespmem:v23+s20+$0x0], $0xffff  }
0x642: {  	s24 =	smov.u32 s29;
	s29 =	sadd.s32 $0x10, s29;
	s8 =	sor.u32 $0x380, s8;
	v18 =	vld.idx.msk [tilespmem:v25+s20+$0x0], $0xffff;
	[tilespmem:s0+$0x13680] =	vst v24  }
0x643: {  	v7 =	vmov s24  }
0x644: {  	v8 =	vshll.u32 v8, $0x5;
	v7 =	vshll.u32 v7, $0x7  }
0x645: {  	v8 =	vand.u32 $0x60, v8;
	v7 =	vor.u32 v0, v7  }
0x646: {  	v7 =	vor.u32 v7, v8;
	_ =	sdelay $0x4  }
0x647: {  	v8 =	vld.idx.msk [tilespmem:v7+s20+$0x0], $0xffff  }
0x648: {  	v19 =	vor.u32 $0x1, v7  }
0x649: {  	s2 =	sadd.s32 $0x80, s17  }
0x64a: {  	s30 =	sand.u32 $0x70, s24;
	s29 =	sand.u32 $0x400, s2  }
0x64b: {  	s29 =	sor.u32 s30, s29  }
0x64c: {  	[tilespmem:s29+$0x12400] =	vst v8  }
0x64d: {  	v8 =	vld.idx.msk [tilespmem:v19+s20+$0x0], $0xffff  }
0x64e: {  	v50 =	vor.u32 $0x2, v7;
	_ =	sdelay $0x2  }
0x64f: {  	s17 =	sadd.s32 $0x12400, s29  }
0x650: {  	[tilespmem:s17+$0x80] =	vst v8  }
0x651: {  	v8 =	vld.idx.msk [tilespmem:v50+s20+$0x0], $0xffff  }
0x652: {  	v51 =	vor.u32 $0x3, v7;
	_ =	sdelay $0x3  }
0x653: {  	[tilespmem:s17+$0x100] =	vst v8  }
0x654: {  	v52 =	vor.u32 $0x4, v6;
	v19 =	vld.idx.msk [tilespmem:v51+s20+$0x0], $0xffff  }
0x655: {  	v20 =	vor.u32 $0x4, v7;
	_ =	sdelay $0x2  }
0x656: {  	[tilespmem:s19+$0x180] =	vst v18  }
0x657: {  	v8 =	vld.idx.msk [tilespmem:v52+s20+$0x0], $0xffff;
	[tilespmem:s17+$0x180] =	vst v19  }
0x658: {  	v53 =	vor.u32 $0x5, v6;
	v19 =	vld.idx.msk [tilespmem:v20+s20+$0x0], $0xffff  }
0x659: {  	v54 =	vor.u32 $0x5, v7;
	_ =	sdelay $0x2  }
0x65a: {  	[tilespmem:s19+$0x200] =	vst v8  }
0x65b: {  	v8 =	vld.idx.msk [tilespmem:v53+s20+$0x0], $0xffff;
	[tilespmem:s17+$0x200] =	vst v19  }
0x65c: {  	v55 =	vor.u32 $0x6, v6;
	v19 =	vld.idx.msk [tilespmem:v54+s20+$0x0], $0xffff  }
0x65d: {  	v56 =	vor.u32 $0x6, v7;
	_ =	sdelay $0x2  }
0x65e: {  	[tilespmem:s19+$0x280] =	vst v8  }
0x65f: {  	v8 =	vld.idx.msk [tilespmem:v55+s20+$0x0], $0xffff;
	[tilespmem:s17+$0x280] =	vst v19  }
0x660: {  	v57 =	vor.u32 $0x7, v6;
	v19 =	vld.idx.msk [tilespmem:v56+s20+$0x0], $0xffff  }
0x661: {  	v58 =	vor.u32 $0x7, v7;
	_ =	sdelay $0x2  }
0x662: {  	[tilespmem:s19+$0x300] =	vst v8  }
0x663: {  	v8 =	vld.idx.msk [tilespmem:v57+s20+$0x0], $0xffff;
	[tilespmem:s17+$0x300] =	vst v19  }
0x664: {  	v59 =	vor.u32 $0x8, v6;
	v19 =	vld.idx.msk [tilespmem:v58+s20+$0x0], $0xffff  }
0x665: {  	v60 =	vor.u32 $0x8, v7  }
0x666: {  	s3 =	sor.u32 s28, s3  }
0x667: {  	[tilespmem:s8+$0x12400] =	vst v16;
	s3 =	sor.u32 $0x380, s3;
	s2 =	sor.u32 s2, s24  }
0x668: {  	v16 =	vld.idx.msk [tilespmem:v17+s20+$0x0], $0xffff;
	s2 =	sor.u32 $0x380, s2;
	[tilespmem:s3+$0x12400] =	vst v8  }
0x669: {  	v61 =	vor.u32 $0x9, v5;
	v62 =	vld.idx.msk [tilespmem:v59+s20+$0x0], $0xffff;
	[tilespmem:s2+$0x12400] =	vst v19  }
0x66a: {  	v63 =	vor.u32 $0x9, v6;
	v19 =	vld.idx.msk [tilespmem:v60+s20+$0x0], $0xffff  }
0x66b: {  	v24 =	vor.u32 $0x9, v7;
	_ =	sdelay $0x1  }
0x66c: {  	[tilespmem:s11+$0x12C00] =	vst v16  }
0x66d: {  	v8 =	vld.idx.msk [tilespmem:v61+s20+$0x0], $0xffff;
	[tilespmem:s12+$0x12C00] =	vst v62  }
0x66e: {  	v25 =	vor.u32 $0xA, v5;
	v17 =	vld.idx.msk [tilespmem:v63+s20+$0x0], $0xffff;
	[tilespmem:s29+$0x12C00] =	vst v19  }
0x66f: {  	v26 =	vor.u32 $0xA, v6;
	v19 =	vld.idx.msk [tilespmem:v24+s20+$0x0], $0xffff  }
0x670: {  	v27 =	vor.u32 $0xA, v7;
	_ =	sdelay $0x1  }
0x671: {  	[tilespmem:s11+$0x12C80] =	vst v8  }
0x672: {  	v8 =	vld.idx.msk [tilespmem:v25+s20+$0x0], $0xffff;
	[tilespmem:s12+$0x12C80] =	vst v17  }
0x673: {  	v28 =	vor.u32 $0xB, v5;
	v17 =	vld.idx.msk [tilespmem:v26+s20+$0x0], $0xffff;
	[tilespmem:s29+$0x12C80] =	vst v19  }
0x674: {  	v29 =	vor.u32 $0xB, v6;
	v19 =	vld.idx.msk [tilespmem:v27+s20+$0x0], $0xffff  }
0x675: {  	v30 =	vor.u32 $0xB, v7;
	_ =	sdelay $0x1  }
0x676: {  	[tilespmem:s11+$0x12D00] =	vst v8  }
0x677: {  	v8 =	vld.idx.msk [tilespmem:v28+s20+$0x0], $0xffff;
	[tilespmem:s12+$0x12D00] =	vst v17  }
0x678: {  	v31 =	vor.u32 $0xC, v5;
	v17 =	vld.idx.msk [tilespmem:v29+s20+$0x0], $0xffff;
	[tilespmem:s29+$0x12D00] =	vst v19  }
0x679: {  	v32 =	vor.u32 $0xC, v6;
	v19 =	vld.idx.msk [tilespmem:v30+s20+$0x0], $0xffff  }
0x67a: {  	v33 =	vor.u32 $0xC, v7;
	_ =	sdelay $0x1  }
0x67b: {  	[tilespmem:s11+$0x12D80] =	vst v8  }
0x67c: {  	v8 =	vld.idx.msk [tilespmem:v31+s20+$0x0], $0xffff;
	[tilespmem:s12+$0x12D80] =	vst v17  }
0x67d: {  	v34 =	vor.u32 $0xD, v5;
	v17 =	vld.idx.msk [tilespmem:v32+s20+$0x0], $0xffff;
	[tilespmem:s29+$0x12D80] =	vst v19  }
0x67e: {  	v35 =	vor.u32 $0xD, v6;
	v19 =	vld.idx.msk [tilespmem:v33+s20+$0x0], $0xffff  }
0x67f: {  	v36 =	vor.u32 $0xD, v7  }
0x680: {  	[tilespmem:s9+$0x12E00] =	vst v14  }
0x681: {  	v14 =	vld.idx.msk [tilespmem:v15+s20+$0x0], $0xffff;
	[tilespmem:s11+$0x12E00] =	vst v8  }
0x682: {  	v37 =	vor.u32 $0xE, v4;
	v38 =	vld.idx.msk [tilespmem:v34+s20+$0x0], $0xffff;
	[tilespmem:s12+$0x12E00] =	vst v17  }
0x683: {  	v39 =	vor.u32 $0xE, v5;
	v17 =	vld.idx.msk [tilespmem:v35+s20+$0x0], $0xffff;
	[tilespmem:s29+$0x12E00] =	vst v19  }
0x684: {  	v40 =	vor.u32 $0xE, v6;
	v19 =	vld.idx.msk [tilespmem:v36+s20+$0x0], $0xffff  }
0x685: {  	v41 =	vor.u32 $0xE, v7  }
0x686: {  	[tilespmem:s9+$0x12E80] =	vst v14  }
0x687: {  	v8 =	vld.idx.msk [tilespmem:v37+s20+$0x0], $0xffff;
	[tilespmem:s11+$0x12E80] =	vst v38  }
0x688: {  	v42 =	vor.u32 $0xF, v4;
	v15 =	vld.idx.msk [tilespmem:v39+s20+$0x0], $0xffff;
	[tilespmem:s12+$0x12E80] =	vst v17  }
0x689: {  	v43 =	vor.u32 $0xF, v5;
	v17 =	vld.idx.msk [tilespmem:v40+s20+$0x0], $0xffff;
	[tilespmem:s29+$0x12E80] =	vst v19  }
0x68a: {  	v44 =	vor.u32 $0xF, v6;
	v19 =	vld.idx.msk [tilespmem:v41+s20+$0x0], $0xffff  }
0x68b: {  	v45 =	vor.u32 $0xF, v7  }
0x68c: {  	[tilespmem:s9+$0x12F00] =	vst v8  }
0x68d: {  	v8 =	vld.idx.msk [tilespmem:v42+s20+$0x0], $0xffff;
	[tilespmem:s11+$0x12F00] =	vst v15  }
0x68e: {  	v46 =	vor.u32 $0x10, v4;
	v15 =	vld.idx.msk [tilespmem:v43+s20+$0x0], $0xffff;
	[tilespmem:s12+$0x12F00] =	vst v17  }
0x68f: {  	v47 =	vor.u32 $0x10, v5;
	v17 =	vld.idx.msk [tilespmem:v44+s20+$0x0], $0xffff;
	[tilespmem:s29+$0x12F00] =	vst v19  }
0x690: {  	v48 =	vor.u32 $0x10, v6;
	v19 =	vld.idx.msk [tilespmem:v45+s20+$0x0], $0xffff  }
0x691: {  	v49 =	vor.u32 $0x10, v7  }
0x692: {  	[tilespmem:s9+$0x12F80] =	vst v8  }
0x693: {  	v8 =	vld.idx.msk [tilespmem:v46+s20+$0x0], $0xffff;
	[tilespmem:s11+$0x12F80] =	vst v15  }
0x694: {  	v50 =	vor.u32 $0x11, v4;
	v15 =	vld.idx.msk [tilespmem:v47+s20+$0x0], $0xffff;
	[tilespmem:s12+$0x12F80] =	vst v17  }
0x695: {  	v51 =	vor.u32 $0x11, v5;
	v17 =	vld.idx.msk [tilespmem:v48+s20+$0x0], $0xffff;
	[tilespmem:s29+$0x12F80] =	vst v19  }
0x696: {  	[tilespmem:s1+$0x13D00] =	vst v12;
	v52 =	vor.u32 $0x11, v6;
	v53 =	vld.idx.msk [tilespmem:v49+s20+$0x0], $0xffff  }
0x697: {  	[tilespmem:s10+$0x13F80] =	vst v11;
	v54 =	vor.u32 $0x11, v7  }
0x698: {  	v13 =	vld.idx.msk [tilespmem:v13+s20+$0x0], $0xffff;
	[tilespmem:s9+$0x13400] =	vst v8  }
0x699: {  	v55 =	vor.u32 $0x12, v3;
	v14 =	vld.idx.msk [tilespmem:v50+s20+$0x0], $0xffff;
	[tilespmem:s11+$0x13400] =	vst v15  }
0x69a: {  	v56 =	vor.u32 $0x12, v4;
	v16 =	vld.idx.msk [tilespmem:v51+s20+$0x0], $0xffff;
	[tilespmem:s12+$0x13400] =	vst v17  }
0x69b: {  	v57 =	vor.u32 $0x12, v5;
	v12 =	vld.idx.msk [tilespmem:v52+s20+$0x0], $0xffff;
	[tilespmem:s29+$0x13400] =	vst v53  }
0x69c: {  	[tilespmem:s4+$0x13480] =	vst v9;
	v58 =	vor.u32 $0x12, v6;
	v11 =	vld.idx.msk [tilespmem:v54+s20+$0x0], $0xffff  }
0x69d: {  	v10 =	vld.idx.msk [tilespmem:v10+s20+$0x0], $0xffff;
	[tilespmem:s0+$0x13700] =	vst v13;
	v59 =	vor.u32 $0x12, v7  }
0x69e: {  	v60 =	vor.u32 $0x17, v1;
	v8 =	vld.idx.msk [tilespmem:v55+s20+$0x0], $0xffff;
	[tilespmem:s9+$0x13480] =	vst v14  }
0x69f: {  	v61 =	vor.u32 $0x13, v3;
	v15 =	vld.idx.msk [tilespmem:v56+s20+$0x0], $0xffff;
	[tilespmem:s11+$0x13480] =	vst v16  }
0x6a0: {  	v62 =	vor.u32 $0x13, v4;
	v17 =	vld.idx.msk [tilespmem:v57+s20+$0x0], $0xffff;
	[tilespmem:s12+$0x13480] =	vst v12  }
0x6a1: {  	v63 =	vor.u32 $0x13, v5;
	v9 =	vld.idx.msk [tilespmem:v58+s20+$0x0], $0xffff;
	[tilespmem:s29+$0x13480] =	vst v11  }
0x6a2: {  	v21 =	vor.u32 $0x13, v6;
	[tilespmem:s1+$0x13D80] =	vst v10;
	v11 =	vld.idx.msk [tilespmem:v59+s20+$0x0], $0xffff  }
0x6a3: {  	v23 =	vor.u32 $0x13, v7;
	v22 =	vld.idx.msk [tilespmem:v60+s20+$0x0], $0xffff;
	[tilespmem:s4+$0x13500] =	vst v8  }
0x6a4: {  	v24 =	vor.u32 $0x1C, v2;
	v14 =	vld.idx.msk [tilespmem:v61+s20+$0x0], $0xffff;
	[tilespmem:s9+$0x13500] =	vst v15  }
0x6a5: {  	v25 =	vor.u32 $0x14, v3;
	v16 =	vld.idx.msk [tilespmem:v62+s20+$0x0], $0xffff;
	[tilespmem:s11+$0x13500] =	vst v17  }
0x6a6: {  	v26 =	vor.u32 $0x14, v4;
	v12 =	vld.idx.msk [tilespmem:v63+s20+$0x0], $0xffff;
	[tilespmem:s12+$0x13500] =	vst v9  }
0x6a7: {  	v27 =	vor.u32 $0x14, v5;
	v10 =	vld.idx.msk [tilespmem:v21+s20+$0x0], $0xffff;
	[tilespmem:s29+$0x13500] =	vst v11  }
0x6a8: {  	v28 =	vor.u32 $0x14, v6;
	[tilespmem:s0+$0x13780] =	vst v22;
	v8 =	vld.idx.msk [tilespmem:v23+s20+$0x0], $0xffff  }
0x6a9: {  	v29 =	vld.idx.msk [tilespmem:v24+s20+$0x0], $0xffff;
	v30 =	vor.u32 $0x14, v7;
	[tilespmem:s4+$0x13580] =	vst v14  }
0x6aa: {  	v31 =	vor.u32 $0x18, v1;
	v15 =	vld.idx.msk [tilespmem:v25+s20+$0x0], $0xffff;
	[tilespmem:s9+$0x13580] =	vst v16  }
0x6ab: {  	v32 =	vor.u32 $0x15, v3;
	v17 =	vld.idx.msk [tilespmem:v26+s20+$0x0], $0xffff;
	[tilespmem:s11+$0x13580] =	vst v12  }
0x6ac: {  	v33 =	vor.u32 $0x15, v4;
	v9 =	vld.idx.msk [tilespmem:v27+s20+$0x0], $0xffff;
	[tilespmem:s12+$0x13580] =	vst v10  }
0x6ad: {  	v34 =	vor.u32 $0x15, v5;
	v11 =	vld.idx.msk [tilespmem:v28+s20+$0x0], $0xffff;
	[tilespmem:s29+$0x13580] =	vst v8  }
0x6ae: {  	[tilespmem:s1+$0x13E00] =	vst v29;
	v35 =	vor.u32 $0x15, v6;
	v36 =	vld.idx.msk [tilespmem:v30+s20+$0x0], $0xffff  }
0x6af: {  	v37 =	vld.idx.msk [tilespmem:v31+s20+$0x0], $0xffff;
	v38 =	vor.u32 $0x15, v7;
	[tilespmem:s4+$0x13600] =	vst v15  }
0x6b0: {  	v39 =	vor.u32 $0x1D, v2;
	v16 =	vld.idx.msk [tilespmem:v32+s20+$0x0], $0xffff;
	[tilespmem:s9+$0x13600] =	vst v17  }
0x6b1: {  	v40 =	vor.u32 $0x16, v3;
	v12 =	vld.idx.msk [tilespmem:v33+s20+$0x0], $0xffff;
	[tilespmem:s11+$0x13600] =	vst v9  }
0x6b2: {  	v41 =	vor.u32 $0x16, v4;
	v10 =	vld.idx.msk [tilespmem:v34+s20+$0x0], $0xffff;
	[tilespmem:s12+$0x13600] =	vst v11  }
0x6b3: {  	v42 =	vor.u32 $0x16, v5;
	v8 =	vld.idx.msk [tilespmem:v35+s20+$0x0], $0xffff;
	[tilespmem:s29+$0x13600] =	vst v36  }
0x6b4: {  	[tilespmem:s0+$0x13C00] =	vst v37;
	v43 =	vor.u32 $0x16, v6;
	v44 =	vld.idx.msk [tilespmem:v38+s20+$0x0], $0xffff  }
0x6b5: {  	v46 =	vor.u32 $0x16, v7;
	v45 =	vld.idx.msk [tilespmem:v39+s20+$0x0], $0xffff;
	[tilespmem:s4+$0x13680] =	vst v16  }
0x6b6: {  	v55 =	vor.u32 $0x1E, v2;
	v17 =	vld.idx.msk [tilespmem:v40+s20+$0x0], $0xffff;
	[tilespmem:s9+$0x13680] =	vst v12  }
0x6b7: {  	v48 =	vor.u32 $0x17, v3;
	v9 =	vld.idx.msk [tilespmem:v41+s20+$0x0], $0xffff;
	[tilespmem:s11+$0x13680] =	vst v10  }
0x6b8: {  	v49 =	vor.u32 $0x17, v4;
	v11 =	vld.idx.msk [tilespmem:v42+s20+$0x0], $0xffff;
	[tilespmem:s12+$0x13680] =	vst v8  }
0x6b9: {  	v50 =	vor.u32 $0x17, v5;
	v13 =	vld.idx.msk [tilespmem:v43+s20+$0x0], $0xffff;
	[tilespmem:s29+$0x13680] =	vst v44  }
0x6ba: {  	v51 =	vor.u32 $0x17, v6;
	[tilespmem:s1+$0x13E80] =	vst v45;
	v52 =	vld.idx.msk [tilespmem:v46+s20+$0x0], $0xffff  }
0x6bb: {  	v61 =	vld.idx.msk [tilespmem:v55+s20+$0x0], $0xffff;
	v54 =	vor.u32 $0x17, v7;
	[tilespmem:s4+$0x13700] =	vst v17  }
0x6bc: {  	v47 =	vor.u32 $0x19, v1;
	v12 =	vld.idx.msk [tilespmem:v48+s20+$0x0], $0xffff;
	[tilespmem:s9+$0x13700] =	vst v9  }
0x6bd: {  	v56 =	vor.u32 $0x18, v3;
	v10 =	vld.idx.msk [tilespmem:v49+s20+$0x0], $0xffff;
	[tilespmem:s11+$0x13700] =	vst v11  }
0x6be: {  	v57 =	vor.u32 $0x18, v4;
	v8 =	vld.idx.msk [tilespmem:v50+s20+$0x0], $0xffff;
	[tilespmem:s12+$0x13700] =	vst v13  }
0x6bf: {  	v58 =	vor.u32 $0x18, v5;
	v14 =	vld.idx.msk [tilespmem:v51+s20+$0x0], $0xffff;
	[tilespmem:s29+$0x13700] =	vst v52  }
0x6c0: {  	[tilespmem:s1+$0x13F00] =	vst v61;
	v59 =	vor.u32 $0x18, v6;
	v60 =	vld.idx.msk [tilespmem:v54+s20+$0x0], $0xffff  }
0x6c1: {  	v62 =	vor.u32 $0x18, v7;
	v53 =	vld.idx.msk [tilespmem:v47+s20+$0x0], $0xffff;
	[tilespmem:s4+$0x13780] =	vst v12  }
0x6c2: {  	v2 =	vor.u32 $0x1F, v2;
	v9 =	vld.idx.msk [tilespmem:v56+s20+$0x0], $0xffff;
	[tilespmem:s9+$0x13780] =	vst v10  }
0x6c3: {  	v21 =	vor.u32 $0x19, v3;
	v11 =	vld.idx.msk [tilespmem:v57+s20+$0x0], $0xffff;
	[tilespmem:s11+$0x13780] =	vst v8  }
0x6c4: {  	v22 =	vor.u32 $0x19, v4;
	v13 =	vld.idx.msk [tilespmem:v58+s20+$0x0], $0xffff;
	[tilespmem:s12+$0x13780] =	vst v14  }
0x6c5: {  	v23 =	vor.u32 $0x19, v5;
	v15 =	vld.idx.msk [tilespmem:v59+s20+$0x0], $0xffff;
	[tilespmem:s29+$0x13780] =	vst v60  }
0x6c6: {  	v24 =	vor.u32 $0x19, v6;
	[tilespmem:s0+$0x13C80] =	vst v53;
	v12 =	vld.idx.msk [tilespmem:v62+s20+$0x0], $0xffff  }
0x6c7: {  	v26 =	vor.u32 $0x19, v7;
	v2 =	vld.idx.msk [tilespmem:v2+s20+$0x0], $0xffff;
	[tilespmem:s4+$0x13C00] =	vst v9  }
0x6c8: {  	v63 =	vor.u32 $0x1A, v1;
	v10 =	vld.idx.msk [tilespmem:v21+s20+$0x0], $0xffff;
	[tilespmem:s9+$0x13C00] =	vst v11  }
0x6c9: {  	v27 =	vor.u32 $0x1A, v3;
	v8 =	vld.idx.msk [tilespmem:v22+s20+$0x0], $0xffff;
	[tilespmem:s11+$0x13C00] =	vst v13  }
0x6ca: {  	v28 =	vor.u32 $0x1A, v4;
	v14 =	vld.idx.msk [tilespmem:v23+s20+$0x0], $0xffff;
	[tilespmem:s12+$0x13C00] =	vst v15  }
0x6cb: {  	v29 =	vor.u32 $0x1A, v5;
	v16 =	vld.idx.msk [tilespmem:v24+s20+$0x0], $0xffff;
	[tilespmem:s29+$0x13C00] =	vst v12  }
0x6cc: {  	[tilespmem:s1+$0x13F80] =	vst v2;
	v30 =	vor.u32 $0x1A, v6;
	v9 =	vld.idx.msk [tilespmem:v26+s20+$0x0], $0xffff  }
0x6cd: {  	v31 =	vor.u32 $0x1A, v7;
	v25 =	vld.idx.msk [tilespmem:v63+s20+$0x0], $0xffff;
	[tilespmem:s4+$0x13C80] =	vst v10  }
0x6ce: {  	v32 =	vor.u32 $0x1B, v1;
	v11 =	vld.idx.msk [tilespmem:v27+s20+$0x0], $0xffff;
	[tilespmem:s9+$0x13C80] =	vst v8  }
0x6cf: {  	v33 =	vor.u32 $0x1B, v3;
	v13 =	vld.idx.msk [tilespmem:v28+s20+$0x0], $0xffff;
	[tilespmem:s11+$0x13C80] =	vst v14  }
0x6d0: {  	v34 =	vor.u32 $0x1B, v4;
	v15 =	vld.idx.msk [tilespmem:v29+s20+$0x0], $0xffff;
	[tilespmem:s12+$0x13C80] =	vst v16  }
0x6d1: {  	v35 =	vor.u32 $0x1B, v5;
	v12 =	vld.idx.msk [tilespmem:v30+s20+$0x0], $0xffff;
	[tilespmem:s29+$0x13C80] =	vst v9  }
0x6d2: {  	v2 =	vor.u32 $0x1B, v6;
	[tilespmem:s0+$0x13D00] =	vst v25;
	v9 =	vld.idx.msk [tilespmem:v31+s20+$0x0], $0xffff  }
0x6d3: {  	v37 =	vor.u32 $0x1B, v7;
	v36 =	vld.idx.msk [tilespmem:v32+s20+$0x0], $0xffff;
	[tilespmem:s4+$0x13D00] =	vst v11  }
0x6d4: {  	v38 =	vor.u32 $0x1C, v1;
	v8 =	vld.idx.msk [tilespmem:v33+s20+$0x0], $0xffff;
	[tilespmem:s9+$0x13D00] =	vst v13  }
0x6d5: {  	v39 =	vor.u32 $0x1C, v3;
	v14 =	vld.idx.msk [tilespmem:v34+s20+$0x0], $0xffff;
	[tilespmem:s11+$0x13D00] =	vst v15  }
0x6d6: {  	v40 =	vor.u32 $0x1C, v4;
	v16 =	vld.idx.msk [tilespmem:v35+s20+$0x0], $0xffff;
	[tilespmem:s12+$0x13D00] =	vst v12  }
0x6d7: {  	v41 =	vor.u32 $0x1C, v5;
	v2 =	vld.idx.msk [tilespmem:v2+s20+$0x0], $0xffff;
	[tilespmem:s29+$0x13D00] =	vst v9  }
0x6d8: {  	v42 =	vor.u32 $0x1C, v6;
	[tilespmem:s0+$0x13D80] =	vst v36;
	v43 =	vld.idx.msk [tilespmem:v37+s20+$0x0], $0xffff  }
0x6d9: {  	v45 =	vor.u32 $0x1C, v7;
	v44 =	vld.idx.msk [tilespmem:v38+s20+$0x0], $0xffff;
	[tilespmem:s4+$0x13D80] =	vst v8  }
0x6da: {  	v46 =	vor.u32 $0x1D, v1;
	v13 =	vld.idx.msk [tilespmem:v39+s20+$0x0], $0xffff;
	[tilespmem:s9+$0x13D80] =	vst v14  }
0x6db: {  	v47 =	vor.u32 $0x1D, v3;
	v15 =	vld.idx.msk [tilespmem:v40+s20+$0x0], $0xffff;
	[tilespmem:s11+$0x13D80] =	vst v16  }
0x6dc: {  	v48 =	vor.u32 $0x1D, v4;
	v12 =	vld.idx.msk [tilespmem:v41+s20+$0x0], $0xffff;
	[tilespmem:s12+$0x13D80] =	vst v2  }
0x6dd: {  	v2 =	vor.u32 $0x1D, v5;
	v9 =	vld.idx.msk [tilespmem:v42+s20+$0x0], $0xffff;
	[tilespmem:s29+$0x13D80] =	vst v43  }
0x6de: {  	v49 =	vor.u32 $0x1D, v6;
	[tilespmem:s0+$0x13E00] =	vst v44;
	v8 =	vld.idx.msk [tilespmem:v45+s20+$0x0], $0xffff  }
0x6df: {  	v50 =	vor.u32 $0x1D, v7;
	v11 =	vld.idx.msk [tilespmem:v46+s20+$0x0], $0xffff;
	[tilespmem:s4+$0x13E00] =	vst v13  }
0x6e0: {  	v51 =	vor.u32 $0x1E, v1;
	v14 =	vld.idx.msk [tilespmem:v47+s20+$0x0], $0xffff;
	[tilespmem:s9+$0x13E00] =	vst v15  }
0x6e1: {  	v52 =	vor.u32 $0x1E, v3;
	v16 =	vld.idx.msk [tilespmem:v48+s20+$0x0], $0xffff;
	[tilespmem:s11+$0x13E00] =	vst v12  }
0x6e2: {  	v53 =	vor.u32 $0x1E, v4;
	v2 =	vld.idx.msk [tilespmem:v2+s20+$0x0], $0xffff;
	[tilespmem:s12+$0x13E00] =	vst v9  }
0x6e3: {  	v54 =	vor.u32 $0x1E, v5;
	v10 =	vld.idx.msk [tilespmem:v49+s20+$0x0], $0xffff;
	[tilespmem:s29+$0x13E00] =	vst v8  }
0x6e4: {  	v55 =	vor.u32 $0x1E, v6;
	[tilespmem:s0+$0x13E80] =	vst v11;
	v56 =	vld.idx.msk [tilespmem:v50+s20+$0x0], $0xffff  }
0x6e5: {  	v58 =	vor.u32 $0x1E, v7;
	v57 =	vld.idx.msk [tilespmem:v51+s20+$0x0], $0xffff;
	[tilespmem:s4+$0x13E80] =	vst v14  }
0x6e6: {  	v1 =	vor.u32 $0x1F, v1;
	v15 =	vld.idx.msk [tilespmem:v52+s20+$0x0], $0xffff;
	[tilespmem:s9+$0x13E80] =	vst v16  }
0x6e7: {  	v3 =	vor.u32 $0x1F, v3;
	v12 =	vld.idx.msk [tilespmem:v53+s20+$0x0], $0xffff;
	[tilespmem:s11+$0x13E80] =	vst v2  }
0x6e8: {  	v2 =	vor.u32 $0x1F, v4;
	v59 =	vld.idx.msk [tilespmem:v54+s20+$0x0], $0xffff;
	[tilespmem:s12+$0x13E80] =	vst v10  }
0x6e9: {  	v60 =	vor.u32 $0x1F, v5;
	v8 =	vld.idx.msk [tilespmem:v55+s20+$0x0], $0xffff;
	[tilespmem:s29+$0x13E80] =	vst v56  }
0x6ea: {  	v61 =	vor.u32 $0x1F, v6;
	[tilespmem:s0+$0x13F00] =	vst v57;
	v62 =	vld.idx.msk [tilespmem:v58+s20+$0x0], $0xffff  }
0x6eb: {  	v7 =	vor.u32 $0x1F, v7;
	v1 =	vld.idx.msk [tilespmem:v1+s20+$0x0], $0xffff;
	[tilespmem:s4+$0x13F00] =	vst v15  }
0x6ec: {  	v3 =	vld.idx.msk [tilespmem:v3+s20+$0x0], $0xffff;
	[tilespmem:s9+$0x13F00] =	vst v12  }
0x6ed: {  	v2 =	vld.idx.msk [tilespmem:v2+s20+$0x0], $0xffff;
	[tilespmem:s11+$0x13F00] =	vst v59  }
0x6ee: {  	v4 =	vld.idx.msk [tilespmem:v60+s20+$0x0], $0xffff;
	[tilespmem:s12+$0x13F00] =	vst v8  }
0x6ef: {  	v63 =	vld.idx.msk [tilespmem:v61+s20+$0x0], $0xffff;
	[tilespmem:s29+$0x13F00] =	vst v62  }
0x6f0: {  	[tilespmem:s0+$0x13F80] =	vst v1;
	v1 =	vld.idx.msk [tilespmem:v7+s20+$0x0], $0xffff  }
0x6f1: {  	[tilespmem:s4+$0x13F80] =	vst v3  }
0x6f2: {  	[tilespmem:s9+$0x13F80] =	vst v2  }
0x6f3: {  	[tilespmem:s11+$0x13F80] =	vst v4  }
0x6f4: {  	[tilespmem:s12+$0x13F80] =	vst v63  }
0x6f5: {  	[tilespmem:s29+$0x13F80] =	vst v1  }
0x6f6: {  	s28 =	simm.s32 $0x12400;
	s0 =	rddreg [dreg:$0x7]  }
0x6f7: {  	[hbm4b:s0+s22] =	stream.strided.scatter [tilespmem:s28], [sflag:$0x6], $0x2000, s23, s22, $0x38;
	[tilespmem:$0x14400] =	vst v63  }
0x6f8: {  	_ =	swait.ge [sflag:s25], $0x2000  }
0x6f9: {  	[sflag:s25] =	ssyncset.done $0x0  }
0x6fa: {  	[sflag:s25] =	ssyncadd.s32 $0xFFFFE000  }
0x6fb: {  	_ =	swait.ge [sflag:s31], $0x2000  }
0x6fc: {  	s29 =	rddreg [dreg:$0x9]  }
0x6fd: {  	s30 =	rddreg [dreg:$0x8];
	s1 =	sadd.s32 $0x1, s29  }
0x6fe: {  	p0 =	sne.s32 s1, s30  }
.Ltmp5:
0x6ff: {  	_ = 	snop;
	(pc) =	sbr.rel @p0 .LBB2_1-.Ltmp5, $3  }
0x700: {  	_ =	sdelay $0x1  }
0x701: {  	[sflag:s31] =	ssyncset.done $0x0  }
0x702: {  	[sflag:s31] =	ssyncadd.s32 $0xFFFFE000  }
0x703: {  	_ =	sfence.sel $0x180000  }
0x704: {  	[bflag:$0x0] =	sbarrier.arrive $0xFFFF  }
0x705: {  	_ =	strace $0x90000047  }
0x706: {  	s0 =	stileid.u32;
	[bflag:$0x2] =	sbarrier.arrive $0xFFFF  }
0x707: {  	p0 =	sne.s32 s0, $0x0;
	s0 =	rddreg [dreg:$0x3]  }
0x708: {  	s0 =	sadd.s32 @!p0 $0x100000, s0  }
0x709: {  	[sflag:s0] =	ssyncadd.tile.s32 @!p0 $0x1;
	_ =	shalt  }
.Lfunc_end2:
_tile_overlayer_lowered:
.L_overlay_start_2:
0x70a: {  	(tag) =	ssettag $0x2  }
0x70b: {  	s0 =	rddreg [dreg:$0x0];
	s2 =	stileid.u32  }
0x70c: {  	s1 =	rddreg [dreg:$0x1];
	p0 =	sne.s32 s2, $0x0  }
0x70d: {  	s3 =	rddreg [dreg:$0x2];
	[bflag:$0x3] =	sbarrier.arrive $0xFFFF;
	s2 =	simm.s32 @!p0 $0x1C07  }
0x70e: {  	[timem:s3], [sflag:s2] =	dma.local @!p0 [hbm:s0], s1  }
0x70f: {  	s0 =	simm.s32 @!p0 $0x7  }
0x710: {  	_ =	swait.ge @!p0 [sflag:s0], s1  }
0x711: {  	s1 =	ssub.s32 @!p0 $0x0, s1;
	[sflag:s0] =	ssyncset.done @!p0 $0x0  }
0x712: {  	[sflag:s0] =	ssyncadd.s32 @!p0 s1  }
0x713: {  	[bflag:$0x3] =	sbarrier.arrive $0xFFFF  }
0x714: {  	_ =	shalt  }

</sc_bundles>
